<compile_context>
chip_gen: v7x
topology: tpu7x:2x2x1
jax: 0.10.2.dev20260603
libtpu: 0.0.44.dev20260713+nightly
codegen_flags: <defaults>
</compile_context>

<pallas_src>
import functools

import numpy as np

import jax
import jax.numpy as jnp
from jax import lax
from jax.experimental import pallas as pl
from jax.experimental.pallas import tpu as pltpu
from jax.experimental.pallas import tpu_sc as plsc

N = 10000
E = 320000
NPAD = 10240
NC = 2
NS = 16
NW = NC * NS
CHUNK = 128
EPT = 10240
E_PAD = EPT * NW
NB = 8
NCH = EPT // CHUNK
NPH = NCH // NB
ROWS_PER_TILE = NPAD // NS
GRID = 5


def _sc_mesh():
    return plsc.VectorSubcoreMesh(core_axis_name="c", subcore_axis_name="s")


_SC_PARAMS = pltpu.CompilerParams(use_tc_tiling_on_sc=False)

def _widen_sel(f_in):
    sel = np.zeros((128, 256), np.float32)
    k = 128 // f_in
    for i in range(k):
        sel[f_in * i, 2 * f_in * i:2 * f_in * (i + 1)] = 1.0
    return jnp.asarray(sel)


def _deg_kernel(dstb, ones_hbm, zeros_hbm):
    @functools.partial(
        pl.kernel,
        out_type=jax.ShapeDtypeStruct((NC, NPAD, 16), jnp.float32),
        mesh=_sc_mesh(),
        scratch_types=[
            pltpu.VMEM((CHUNK, 16), jnp.float32),
            pltpu.VMEM((NCH, CHUNK), jnp.int32),
            pltpu.VMEM_SHARED((NPAD, 16), jnp.float32),
            tuple(pltpu.SemaphoreType.DMA for _ in range(NB)),
        ],
        compiler_params=_SC_PARAMS,
    )
    def k(dst_hbm, ones_h, zeros_h, out_hbm, ones_v, didx, acc, sems):
        c = lax.axis_index("c")
        s = lax.axis_index("s")
        wid = c * NS + s
        pltpu.sync_copy(ones_h, ones_v)
        pltpu.sync_copy(dst_hbm.at[wid], didx)
        pltpu.sync_copy(zeros_h, acc.at[pl.ds(s * ROWS_PER_TILE, ROWS_PER_TILE)])
        plsc.subcore_barrier()

        for b in range(NB):
            pltpu.async_copy(ones_v, acc.at[didx.at[b]], sems[b], add=True)

        def phase(it, _):
            base = it * NB
            for b in range(NB):
                pltpu.make_async_copy(ones_v, acc.at[didx.at[0]],
                                      sems[b]).wait()
                pltpu.async_copy(ones_v, acc.at[didx.at[base + b]],
                                 sems[b], add=True)
            return 0

        lax.fori_loop(1, NPH, phase, 0)
        for b in range(NB):
            pltpu.make_async_copy(ones_v, acc.at[didx.at[0]], sems[b]).wait()
        plsc.subcore_barrier()
        pltpu.sync_copy(acc.at[pl.ds(s * ROWS_PER_TILE, ROWS_PER_TILE)],
                        out_hbm.at[c, pl.ds(s * ROWS_PER_TILE, ROWS_PER_TILE)])

    return k(dstb, ones_hbm, zeros_hbm)


def _agg_kernel(F, hs, srcb, dstb, zeros_hbm):
    @functools.partial(
        pl.kernel,
        out_type=jax.ShapeDtypeStruct((NC, NPAD, F), jnp.float32),
        mesh=_sc_mesh(),
        scratch_types=[
            pltpu.VMEM((NCH, CHUNK), jnp.int32),
            pltpu.VMEM((NCH, CHUNK), jnp.int32),
            pltpu.VMEM((NB, CHUNK, F), jnp.float32),
            pltpu.VMEM_SHARED((NPAD, F), jnp.float32),
            tuple(pltpu.SemaphoreType.DMA for _ in range(NB)),
            tuple(pltpu.SemaphoreType.DMA for _ in range(NB)),
        ],
        compiler_params=_SC_PARAMS,
    )
    def k(hs_hbm, src_hbm, dst_hbm, zeros_h, out_hbm,
          sidx, didx, rows, acc, gsems, ssems):
        c = lax.axis_index("c")
        s = lax.axis_index("s")
        wid = c * NS + s
        pltpu.sync_copy(src_hbm.at[wid], sidx)
        pltpu.sync_copy(dst_hbm.at[wid], didx)
        pltpu.sync_copy(zeros_h, acc.at[pl.ds(s * ROWS_PER_TILE, ROWS_PER_TILE)])
        plsc.subcore_barrier()

        for b in range(NB):
            pltpu.async_copy(hs_hbm.at[sidx.at[b]], rows.at[b], gsems[b])

        def phase(it, prefetch):
            base = it * NB

            def run(b, nxt):
                pltpu.make_async_copy(hs_hbm.at[sidx.at[b]], rows.at[b],
                                      gsems[b]).wait()
                pltpu.async_copy(rows.at[b], acc.at[didx.at[base + b]],
                                 ssems[b], add=True)
                if nxt is not None:
                    pltpu.make_async_copy(rows.at[b], acc.at[didx.at[0]],
                                          ssems[b]).wait()
                    pltpu.async_copy(hs_hbm.at[sidx.at[nxt + b]], rows.at[b],
                                     gsems[b])

            for b in range(NB):
                run(b, prefetch(it) if callable(prefetch) else prefetch)

        def steady(it, _):
            phase(it, lambda i: (i + 1) * NB)
            return 0

        lax.fori_loop(0, NPH - 1, steady, 0)
        phase(NPH - 1, None)
        for b in range(NB):
            pltpu.make_async_copy(rows.at[b], acc.at[didx.at[0]],
                                  ssems[b]).wait()
        plsc.subcore_barrier()
        pltpu.sync_copy(acc.at[pl.ds(s * ROWS_PER_TILE, ROWS_PER_TILE)],
                        out_hbm.at[c, pl.ds(s * ROWS_PER_TILE, ROWS_PER_TILE)])

    return k(hs, srcb, dstb, zeros_hbm)


def _tc_mm1(x3, W1):
    nr = N // 8

    def body(x_ref, w_ref, out_ref):
        parts = [
            jnp.dot(x_ref[:, k, :], w_ref[...],
                    preferred_element_type=jnp.float32)
            for k in range(8)
        ]
        out_ref[...] = jnp.concatenate(parts, axis=1)

    return pl.pallas_call(
        body,
        out_shape=jax.ShapeDtypeStruct((nr, 128), jnp.float32),
    )(x3, W1)


def _tc_scale1(h1p, degPp):
    nr = N // 8

    def body(h_ref, d_ref, hs_ref, dinv_ref):
        deg = d_ref[0, :nr] + d_ref[1, :nr] + 1.0
        dinv = lax.rsqrt(deg)
        dinv_ref[...] = dinv
        hs_ref[...] = h_ref[...] * dinv

    return pl.pallas_call(
        body,
        out_shape=[
            jax.ShapeDtypeStruct((nr, 128), jnp.float32),
            jax.ShapeDtypeStruct((nr, 128), jnp.float32),
        ],
    )(h1p, degPp)


def _tc_mid(F, aggP, hs, dinv, bt, Wbd, sel):
    nr = N * F // 128
    npadr = NPAD * F // 128

    def body(a_ref, hs_ref, dinv_ref, b_ref, w_ref, s_ref, hsn_ref, dn_ref):
        dinv = dinv_ref[...]
        z = a_ref[0, :nr] + a_ref[1, :nr] + hs_ref[...]
        h = jax.nn.relu(dinv * z + b_ref[...])
        dn = jnp.dot(dinv, s_ref[...],
                     preferred_element_type=jnp.float32,
                     precision=lax.Precision.HIGHEST)
        dn_ref[...] = dn
        hsn_ref[...] = jnp.dot(h, w_ref[...],
                               preferred_element_type=jnp.float32) * dn

    hsn, dinvn = pl.pallas_call(
        body,
        out_shape=[
            jax.ShapeDtypeStruct((nr, 256), jnp.float32),
            jax.ShapeDtypeStruct((nr, 256), jnp.float32),
        ],
    )(aggP.reshape(NC, npadr, 128), hs, dinv, bt, Wbd, sel)
    return hsn.reshape(nr * 2, 128), dinvn.reshape(nr * 2, 128)


def _tc_final(aggP, hs, dinv, b3t, M1bd, mb1t, M2bd, mb2t, M3bd, mb3t):
    nr = N * 64 // 128
    blk = nr // GRID
    npadr = NPAD * 64 // 128

    def body(a_ref, hs_ref, dinv_ref, b3_ref, m1_ref, mb1_ref, m2_ref,
             mb2_ref, m3_ref, mb3_ref, out_ref):
        z = a_ref[0] + a_ref[1] + hs_ref[...]
        h = jax.nn.relu(dinv_ref[...] * z + b3_ref[...])
        h = jax.nn.relu(jnp.dot(h, m1_ref[...],
                                preferred_element_type=jnp.float32)
                        + mb1_ref[...])
        h = jax.nn.relu(jnp.dot(h, m2_ref[...],
                                preferred_element_type=jnp.float32)
                        + mb2_ref[...])
        out_ref[...] = (jnp.dot(h, m3_ref[...],
                                preferred_element_type=jnp.float32)
                        + mb3_ref[...])

    return pl.pallas_call(
        body,
        grid=(GRID,),
        in_specs=[
            pl.BlockSpec((2, blk, 128), lambda i: (0, i, 0)),
            pl.BlockSpec((blk, 128), lambda i: (i, 0)),
            pl.BlockSpec((blk, 128), lambda i: (i, 0)),
            pl.BlockSpec((1, 128), lambda i: (0, 0)),
            pl.BlockSpec((128, 64), lambda i: (0, 0)),
            pl.BlockSpec((1, 64), lambda i: (0, 0)),
            pl.BlockSpec((64, 32), lambda i: (0, 0)),
            pl.BlockSpec((1, 32), lambda i: (0, 0)),
            pl.BlockSpec((32, 2), lambda i: (0, 0)),
            pl.BlockSpec((1, 2), lambda i: (0, 0)),
        ],
        out_specs=pl.BlockSpec((blk, 2), lambda i: (i, 0)),
        out_shape=jax.ShapeDtypeStruct((nr, 2), jnp.float32),
    )(aggP.reshape(NC, npadr, 128), hs, dinv, b3t, M1bd, mb1t, M2bd,
      mb2t, M3bd, mb3t)


def kernel(x, edge_index, W1, b1, W2, b2, W3, b3, M1, mb1, M2, mb2, M3, mb3):
    src = edge_index[0]
    dst = edge_index[1]
    src_pad = jnp.concatenate(
        [src, jnp.arange(E_PAD - E, dtype=jnp.int32) * 13 % N])
    dst_pad = jnp.concatenate(
        [dst, N + jnp.arange(E_PAD - E, dtype=jnp.int32) % (NPAD - N)])
    srcb = src_pad.reshape(NW, NCH, CHUNK)
    dstb = dst_pad.reshape(NW, NCH, CHUNK)

    ones16 = jnp.ones((CHUNK, 16), jnp.float32)
    z16 = jnp.zeros((ROWS_PER_TILE, 16), jnp.float32)
    z32 = jnp.zeros((ROWS_PER_TILE, 32), jnp.float32)
    z64 = jnp.zeros((ROWS_PER_TILE, 64), jnp.float32)

    eye8 = jnp.asarray(np.eye(8, dtype=np.float32))
    eye4 = jnp.asarray(np.eye(4, dtype=np.float32))
    eye2 = jnp.asarray(np.eye(2, dtype=np.float32))

    h1p = _tc_mm1(x.reshape(N // 8, 8, 128), W1)
    degP = _deg_kernel(dstb, ones16, z16)
    hs1, dinv16 = _tc_scale1(h1p, degP.reshape(NC, NPAD // 8, 128))

    agg1 = _agg_kernel(16, hs1.reshape(N, 16), srcb, dstb, z16)
    hs2, dinv32 = _tc_mid(
        16, agg1, hs1, dinv16, jnp.tile(b1, 8).reshape(1, 128),
        jnp.kron(eye8, W2), _widen_sel(16))

    agg2 = _agg_kernel(32, hs2.reshape(N, 32), srcb, dstb, z32)
    hs3, dinv64 = _tc_mid(
        32, agg2, hs2, dinv32, jnp.tile(b2, 4).reshape(1, 128),
        jnp.kron(eye4, W3), _widen_sel(32))

    agg3 = _agg_kernel(64, hs3.reshape(N, 64), srcb, dstb, z64)
    out = _tc_final(
        agg3, hs3, dinv64, jnp.tile(b3, 2).reshape(1, 128),
        jnp.kron(eye2, M1), jnp.tile(mb1, 2).reshape(1, 64),
        jnp.kron(eye2, M2), jnp.tile(mb2, 2).reshape(1, 32),
        jnp.kron(eye2, M3), jnp.tile(mb3, 2).reshape(1, 2))
    return out.reshape(N, 1)

# --- scband reference (transcript-rebuilt; emitter-appended) ---
"""Pipeline reference for scband-net-3642132267061 (READ-ONLY COPY).

The authoritative reference and input builder live on the scoring server;
editing this copy changes nothing except your own understanding.
"""

import jax, jax.numpy as jnp
import numpy as np

N = 10000
E = 320000
D = 128


def _glorot(key, shape):
    fan_in, fan_out = shape[0], shape[1]
    scale = (2.0 / (fan_in + fan_out)) ** 0.5
    return jax.random.normal(key, shape, dtype=jnp.float32) * scale


def setup_inputs(seed: int = 0) -> dict:
    key = jax.random.key(seed)
    ks = jax.random.split(key, 16)
    inp = {}
    inp['x'] = jax.random.normal(ks[0], (N, D), dtype=jnp.float32)
    inp['edge_index'] = jax.random.randint(ks[1], (2, E), 0, N, dtype=jnp.int32)
    # GCNConv weights: conv1 (128->16), conv2 (16->32), conv3 (32->64)
    inp['W1'] = _glorot(ks[2], (D, 16))
    inp['b1'] = jnp.zeros((16,), dtype=jnp.float32)
    inp['W2'] = _glorot(ks[3], (16, 32))
    inp['b2'] = jnp.zeros((32,), dtype=jnp.float32)
    inp['W3'] = _glorot(ks[4], (32, 64))
    inp['b3'] = jnp.zeros((64,), dtype=jnp.float32)
    # MLP: Linear(64,32) -> ReLU -> Linear(32,16) -> ReLU -> Linear(16,1)
    inp['M1'] = _glorot(ks[5], (64, 32))
    inp['mb1'] = jnp.zeros((32,), dtype=jnp.float32)
    inp['M2'] = _glorot(ks[6], (32, 16))
    inp['mb2'] = jnp.zeros((16,), dtype=jnp.float32)
    inp['M3'] = _glorot(ks[7], (16, 1))
    inp['mb3'] = jnp.zeros((1,), dtype=jnp.float32)
    return inp


def gcn_conv(x, edge_index, W, b):
    # PyG GCNConv: add self-loops, symmetric normalization, x @ W, scatter-add, + bias
    n = x.shape[0]
    src = edge_index[0]
    dst = edge_index[1]
    loop = jnp.arange(n, dtype=src.dtype)
    src = jnp.concatenate([src, loop])
    dst = jnp.concatenate([dst, loop])
    deg = jnp.zeros((n,), dtype=x.dtype).at[dst].add(1.0)
    dinv = jnp.where(deg > 0, deg ** -0.5, 0.0)
    h = x @ W
    norm = dinv[src] * dinv[dst]
    msg = h[src] * norm[:, None]
    out = jnp.zeros((n, h.shape[1]), dtype=h.dtype).at[dst].add(msg)
    return out + b


def reference(x, edge_index, W1, b1, W2, b2, W3, b3, M1, mb1, M2, mb2, M3, mb3):
    h = jax.nn.relu(gcn_conv(x, edge_index, W1, b1))
    h = jax.nn.relu(gcn_conv(h, edge_index, W2, b2))
    h = jax.nn.relu(gcn_conv(h, edge_index, W3, b3))
    h = jax.nn.relu(h @ M1 + mb1)
    h = jax.nn.relu(h @ M2 + mb2)
    h = h @ M3 + mb3
    return h

if __name__ == "__main__":
    import jax
    _d = setup_inputs()
    print(jax.jit(kernel)(*tuple(_d.values())))

</pallas_src>

<mosaic_0001>
#map = affine_map<(d0, d1) -> (0, 0)>
#map1 = affine_map<(d0, d1) -> (0, 0, 0)>
module attributes {stable_mosaic.version = 14 : i64} {
  func.func @k(%arg0: i32, %arg1: i32, %arg2: memref<10000x16xf32, #tpu.memory_space<hbm>>, %arg3: memref<32x80x128xi32, #tpu.memory_space<hbm>>, %arg4: memref<32x80x128xi32, #tpu.memory_space<hbm>>, %arg5: memref<640x16xf32, #tpu.memory_space<hbm>>, %arg6: memref<2x10240x16xf32, #tpu.memory_space<hbm>>, %arg7: memref<80x128xi32, #tpu.memory_space<vmem>>, %arg8: memref<80x128xi32, #tpu.memory_space<vmem>>, %arg9: memref<8x128x16xf32, #tpu.memory_space<vmem>>, %arg10: memref<10240x16xf32, #tpu.memory_space<vmem_shared>>, %arg11: memref<!tpu.dma_semaphore, #tpu.memory_space<semaphore_mem>>, %arg12: memref<!tpu.dma_semaphore, #tpu.memory_space<semaphore_mem>>, %arg13: memref<!tpu.dma_semaphore, #tpu.memory_space<semaphore_mem>>, %arg14: memref<!tpu.dma_semaphore, #tpu.memory_space<semaphore_mem>>, %arg15: memref<!tpu.dma_semaphore, #tpu.memory_space<semaphore_mem>>, %arg16: memref<!tpu.dma_semaphore, #tpu.memory_space<semaphore_mem>>, %arg17: memref<!tpu.dma_semaphore, #tpu.memory_space<semaphore_mem>>, %arg18: memref<!tpu.dma_semaphore, #tpu.memory_space<semaphore_mem>>, %arg19: memref<!tpu.dma_semaphore, #tpu.memory_space<semaphore_mem>>, %arg20: memref<!tpu.dma_semaphore, #tpu.memory_space<semaphore_mem>>, %arg21: memref<!tpu.dma_semaphore, #tpu.memory_space<semaphore_mem>>, %arg22: memref<!tpu.dma_semaphore, #tpu.memory_space<semaphore_mem>>, %arg23: memref<!tpu.dma_semaphore, #tpu.memory_space<semaphore_mem>>, %arg24: memref<!tpu.dma_semaphore, #tpu.memory_space<semaphore_mem>>, %arg25: memref<!tpu.dma_semaphore, #tpu.memory_space<semaphore_mem>>, %arg26: memref<!tpu.dma_semaphore, #tpu.memory_space<semaphore_mem>>) attributes {dimension_semantics = [#tpu.dimension_semantics<core_parallel>, #tpu.dimension_semantics<subcore_parallel>], iteration_bounds = array<i64: 2, 16>, scalar_prefetch = 0 : i64, scratch_operands = 20 : i64, tpu.core_type = #tpu.core_type<sc_vector_subcore>, window_params = [{transform_indices = #map}, {transform_indices = #map1}, {transform_indices = #map1}, {transform_indices = #map}, {transform_indices = #map1}]} {
    %mul3A = arith.constant 16 : i32
    %mul3A_0 = arith.muli %arg0, %mul3A : i32
    %add3A = arith.addi %mul3A_0, %arg1 : i32
    "tpu.region"() ({
      %run_scoped3A = tpu.sem_alloc : memref<!tpu.dma_semaphore, #tpu.memory_space<semaphore_mem>>
      %dma_start3A_396 = arith.constant 0 : i32
      %dma_start3A_397 = arith.constant 0 : i32
      %dma_start3A_398 = tpu.memref_slice %arg3[%add3A, %dma_start3A_396, %dma_start3A_397] : memref<32x80x128xi32, #tpu.memory_space<hbm>> -> memref<1x80x128xi32, #tpu.memory_space<hbm>>
      %dma_start3A_399 = tpu.memref_squeeze %dma_start3A_398 : memref<1x80x128xi32, #tpu.memory_space<hbm>> -> memref<80x128xi32, #tpu.memory_space<hbm>>
      %dma_start3A_400 = arith.constant 0 : i32
      %dma_start3A_401 = arith.constant 0 : i32
      %dma_start3A_402 = tpu.memref_slice %arg3[%add3A, %dma_start3A_400, %dma_start3A_401] : memref<32x80x128xi32, #tpu.memory_space<hbm>> -> memref<1x80x128xi32, #tpu.memory_space<hbm>>
      %dma_start3A_403 = tpu.memref_squeeze %dma_start3A_402 : memref<1x80x128xi32, #tpu.memory_space<hbm>> -> memref<80x128xi32, #tpu.memory_space<hbm>>
      tpu.enqueue_dma source(%dma_start3A_403 : memref<80x128xi32, #tpu.memory_space<hbm>>) target(%arg7 : memref<80x128xi32, #tpu.memory_space<vmem>>) target_semaphore(%run_scoped3A : memref<!tpu.dma_semaphore, #tpu.memory_space<semaphore_mem>>)
      %dma_wait3A_404 = arith.constant 0 : i32
      %dma_wait3A_405 = arith.constant 0 : i32
      %dma_wait3A_406 = tpu.memref_slice %arg3[%add3A, %dma_wait3A_404, %dma_wait3A_405] : memref<32x80x128xi32, #tpu.memory_space<hbm>> -> memref<1x80x128xi32, #tpu.memory_space<hbm>>
      %dma_wait3A_407 = tpu.memref_squeeze %dma_wait3A_406 : memref<1x80x128xi32, #tpu.memory_space<hbm>> -> memref<80x128xi32, #tpu.memory_space<hbm>>
      %dma_wait3A_408 = arith.constant 0 : i32
      %dma_wait3A_409 = arith.constant 0 : i32
      %dma_wait3A_410 = tpu.memref_slice %arg3[%add3A, %dma_wait3A_408, %dma_wait3A_409] : memref<32x80x128xi32, #tpu.memory_space<hbm>> -> memref<1x80x128xi32, #tpu.memory_space<hbm>>
      %dma_wait3A_411 = tpu.memref_squeeze %dma_wait3A_410 : memref<1x80x128xi32, #tpu.memory_space<hbm>> -> memref<80x128xi32, #tpu.memory_space<hbm>>
      tpu.wait_dma2 semaphore(%run_scoped3A : memref<!tpu.dma_semaphore, #tpu.memory_space<semaphore_mem>>) src(%dma_wait3A_411 : memref<80x128xi32, #tpu.memory_space<hbm>>) dst(%arg7 : memref<80x128xi32, #tpu.memory_space<vmem>>)
      tpu.yield
    }) : () -> ()
    "tpu.region"() ({
      %run_scoped3A = tpu.sem_alloc : memref<!tpu.dma_semaphore, #tpu.memory_space<semaphore_mem>>
      %dma_start3A_396 = arith.constant 0 : i32
      %dma_start3A_397 = arith.constant 0 : i32
      %dma_start3A_398 = tpu.memref_slice %arg4[%add3A, %dma_start3A_396, %dma_start3A_397] : memref<32x80x128xi32, #tpu.memory_space<hbm>> -> memref<1x80x128xi32, #tpu.memory_space<hbm>>
      %dma_start3A_399 = tpu.memref_squeeze %dma_start3A_398 : memref<1x80x128xi32, #tpu.memory_space<hbm>> -> memref<80x128xi32, #tpu.memory_space<hbm>>
      %dma_start3A_400 = arith.constant 0 : i32
      %dma_start3A_401 = arith.constant 0 : i32
      %dma_start3A_402 = tpu.memref_slice %arg4[%add3A, %dma_start3A_400, %dma_start3A_401] : memref<32x80x128xi32, #tpu.memory_space<hbm>> -> memref<1x80x128xi32, #tpu.memory_space<hbm>>
      %dma_start3A_403 = tpu.memref_squeeze %dma_start3A_402 : memref<1x80x128xi32, #tpu.memory_space<hbm>> -> memref<80x128xi32, #tpu.memory_space<hbm>>
      tpu.enqueue_dma source(%dma_start3A_403 : memref<80x128xi32, #tpu.memory_space<hbm>>) target(%arg8 : memref<80x128xi32, #tpu.memory_space<vmem>>) target_semaphore(%run_scoped3A : memref<!tpu.dma_semaphore, #tpu.memory_space<semaphore_mem>>)
      %dma_wait3A_404 = arith.constant 0 : i32
      %dma_wait3A_405 = arith.constant 0 : i32
      %dma_wait3A_406 = tpu.memref_slice %arg4[%add3A, %dma_wait3A_404, %dma_wait3A_405] : memref<32x80x128xi32, #tpu.memory_space<hbm>> -> memref<1x80x128xi32, #tpu.memory_space<hbm>>
      %dma_wait3A_407 = tpu.memref_squeeze %dma_wait3A_406 : memref<1x80x128xi32, #tpu.memory_space<hbm>> -> memref<80x128xi32, #tpu.memory_space<hbm>>
      %dma_wait3A_408 = arith.constant 0 : i32
      %dma_wait3A_409 = arith.constant 0 : i32
      %dma_wait3A_410 = tpu.memref_slice %arg4[%add3A, %dma_wait3A_408, %dma_wait3A_409] : memref<32x80x128xi32, #tpu.memory_space<hbm>> -> memref<1x80x128xi32, #tpu.memory_space<hbm>>
      %dma_wait3A_411 = tpu.memref_squeeze %dma_wait3A_410 : memref<1x80x128xi32, #tpu.memory_space<hbm>> -> memref<80x128xi32, #tpu.memory_space<hbm>>
      tpu.wait_dma2 semaphore(%run_scoped3A : memref<!tpu.dma_semaphore, #tpu.memory_space<semaphore_mem>>) src(%dma_wait3A_411 : memref<80x128xi32, #tpu.memory_space<hbm>>) dst(%arg8 : memref<80x128xi32, #tpu.memory_space<vmem>>)
      tpu.yield
    }) : () -> ()
    %mul3A_1 = arith.constant 640 : i32
    %mul3A_2 = arith.muli %arg1, %mul3A_1 : i32
    "tpu.region"() ({
      %run_scoped3A = tpu.sem_alloc : memref<!tpu.dma_semaphore, #tpu.memory_space<semaphore_mem>>
      %dma_start3A_396 = arith.constant 0 : i32
      %dma_start3A_397 = tpu.memref_slice %arg10[%mul3A_2, %dma_start3A_396] : memref<10240x16xf32, #tpu.memory_space<vmem_shared>> -> memref<640x16xf32, #tpu.memory_space<vmem_shared>>
      tpu.enqueue_dma source(%arg5 : memref<640x16xf32, #tpu.memory_space<hbm>>) target(%dma_start3A_397 : memref<640x16xf32, #tpu.memory_space<vmem_shared>>) target_semaphore(%run_scoped3A : memref<!tpu.dma_semaphore, #tpu.memory_space<semaphore_mem>>)
      %dma_wait3A_398 = arith.constant 0 : i32
      %dma_wait3A_399 = tpu.memref_slice %arg10[%mul3A_2, %dma_wait3A_398] : memref<10240x16xf32, #tpu.memory_space<vmem_shared>> -> memref<640x16xf32, #tpu.memory_space<vmem_shared>>
      tpu.wait_dma2 semaphore(%run_scoped3A : memref<!tpu.dma_semaphore, #tpu.memory_space<semaphore_mem>>) src(%arg5 : memref<640x16xf32, #tpu.memory_space<hbm>>) dst(%dma_wait3A_399 : memref<640x16xf32, #tpu.memory_space<vmem_shared>>)
      tpu.yield
    }) : () -> ()
    %barrier3A = arith.constant 0 : index
    tpu.barrier barrier_id(%barrier3A)
    %dma_start3A = arith.constant 0 : i32
    %dma_start3A_3 = arith.constant 0 : i32
    %dma_start3A_4 = arith.constant 0 : i32
    %dma_start3A_5 = arith.constant 0 : i32
    %dma_start3A_6 = tpu.memref_slice %arg9[%dma_start3A_3, %dma_start3A_4, %dma_start3A_5] : memref<8x128x16xf32, #tpu.memory_space<vmem>> -> memref<1x128x16xf32, #tpu.memory_space<vmem>>
    %dma_start3A_7 = tpu.memref_squeeze %dma_start3A_6 : memref<1x128x16xf32, #tpu.memory_space<vmem>> -> memref<128x16xf32, #tpu.memory_space<vmem>>
    %dma_start3A_8 = arith.constant 0 : i32
    %dma_start3A_9 = tpu.memref_slice %arg7[%dma_start3A, %dma_start3A_8] : memref<80x128xi32, #tpu.memory_space<vmem>> -> memref<1x128xi32, #tpu.memory_space<vmem>>
    %dma_start3A_10 = tpu.memref_squeeze %dma_start3A_9 : memref<1x128xi32, #tpu.memory_space<vmem>> -> memref<128xi32, #tpu.memory_space<vmem>>
    %dma_start3A_11 = arith.constant 0 : i32
    %dma_start3A_12 = arith.constant 0 : i32
    %dma_start3A_13 = tpu.memref_slice %arg2[%dma_start3A_11, %dma_start3A_12] : memref<10000x16xf32, #tpu.memory_space<hbm>> -> memref<10000x16xf32, #tpu.memory_space<hbm>>
    tpu.enqueue_indirect_dma source(%dma_start3A_13 : memref<10000x16xf32, #tpu.memory_space<hbm>>) target(%dma_start3A_7 : memref<128x16xf32, #tpu.memory_space<vmem>>) offsets(%dma_start3A_10 : memref<128xi32, #tpu.memory_space<vmem>>) semaphore(%arg11 : memref<!tpu.dma_semaphore, #tpu.memory_space<semaphore_mem>>)
    %dma_start3A_14 = arith.constant 1 : i32
    %dma_start3A_15 = arith.constant 1 : i32
    %dma_start3A_16 = arith.constant 0 : i32
    %dma_start3A_17 = arith.constant 0 : i32
    %dma_start3A_18 = tpu.memref_slice %arg9[%dma_start3A_15, %dma_start3A_16, %dma_start3A_17] : memref<8x128x16xf32, #tpu.memory_space<vmem>> -> memref<1x128x16xf32, #tpu.memory_space<vmem>>
    %dma_start3A_19 = tpu.memref_squeeze %dma_start3A_18 : memref<1x128x16xf32, #tpu.memory_space<vmem>> -> memref<128x16xf32, #tpu.memory_space<vmem>>
    %dma_start3A_20 = arith.constant 0 : i32
    %dma_start3A_21 = tpu.memref_slice %arg7[%dma_start3A_14, %dma_start3A_20] : memref<80x128xi32, #tpu.memory_space<vmem>> -> memref<1x128xi32, #tpu.memory_space<vmem>>
    %dma_start3A_22 = tpu.memref_squeeze %dma_start3A_21 : memref<1x128xi32, #tpu.memory_space<vmem>> -> memref<128xi32, #tpu.memory_space<vmem>>
    %dma_start3A_23 = arith.constant 0 : i32
    %dma_start3A_24 = arith.constant 0 : i32
    %dma_start3A_25 = tpu.memref_slice %arg2[%dma_start3A_23, %dma_start3A_24] : memref<10000x16xf32, #tpu.memory_space<hbm>> -> memref<10000x16xf32, #tpu.memory_space<hbm>>
    tpu.enqueue_indirect_dma source(%dma_start3A_25 : memref<10000x16xf32, #tpu.memory_space<hbm>>) target(%dma_start3A_19 : memref<128x16xf32, #tpu.memory_space<vmem>>) offsets(%dma_start3A_22 : memref<128xi32, #tpu.memory_space<vmem>>) semaphore(%arg12 : memref<!tpu.dma_semaphore, #tpu.memory_space<semaphore_mem>>)
    %dma_start3A_26 = arith.constant 2 : i32
    %dma_start3A_27 = arith.constant 2 : i32
    %dma_start3A_28 = arith.constant 0 : i32
    %dma_start3A_29 = arith.constant 0 : i32
    %dma_start3A_30 = tpu.memref_slice %arg9[%dma_start3A_27, %dma_start3A_28, %dma_start3A_29] : memref<8x128x16xf32, #tpu.memory_space<vmem>> -> memref<1x128x16xf32, #tpu.memory_space<vmem>>
    %dma_start3A_31 = tpu.memref_squeeze %dma_start3A_30 : memref<1x128x16xf32, #tpu.memory_space<vmem>> -> memref<128x16xf32, #tpu.memory_space<vmem>>
    %dma_start3A_32 = arith.constant 0 : i32
    %dma_start3A_33 = tpu.memref_slice %arg7[%dma_start3A_26, %dma_start3A_32] : memref<80x128xi32, #tpu.memory_space<vmem>> -> memref<1x128xi32, #tpu.memory_space<vmem>>
    %dma_start3A_34 = tpu.memref_squeeze %dma_start3A_33 : memref<1x128xi32, #tpu.memory_space<vmem>> -> memref<128xi32, #tpu.memory_space<vmem>>
    %dma_start3A_35 = arith.constant 0 : i32
    %dma_start3A_36 = arith.constant 0 : i32
    %dma_start3A_37 = tpu.memref_slice %arg2[%dma_start3A_35, %dma_start3A_36] : memref<10000x16xf32, #tpu.memory_space<hbm>> -> memref<10000x16xf32, #tpu.memory_space<hbm>>
    tpu.enqueue_indirect_dma source(%dma_start3A_37 : memref<10000x16xf32, #tpu.memory_space<hbm>>) target(%dma_start3A_31 : memref<128x16xf32, #tpu.memory_space<vmem>>) offsets(%dma_start3A_34 : memref<128xi32, #tpu.memory_space<vmem>>) semaphore(%arg13 : memref<!tpu.dma_semaphore, #tpu.memory_space<semaphore_mem>>)
    %dma_start3A_38 = arith.constant 3 : i32
    %dma_start3A_39 = arith.constant 3 : i32
    %dma_start3A_40 = arith.constant 0 : i32
    %dma_start3A_41 = arith.constant 0 : i32
    %dma_start3A_42 = tpu.memref_slice %arg9[%dma_start3A_39, %dma_start3A_40, %dma_start3A_41] : memref<8x128x16xf32, #tpu.memory_space<vmem>> -> memref<1x128x16xf32, #tpu.memory_space<vmem>>
    %dma_start3A_43 = tpu.memref_squeeze %dma_start3A_42 : memref<1x128x16xf32, #tpu.memory_space<vmem>> -> memref<128x16xf32, #tpu.memory_space<vmem>>
    %dma_start3A_44 = arith.constant 0 : i32
    %dma_start3A_45 = tpu.memref_slice %arg7[%dma_start3A_38, %dma_start3A_44] : memref<80x128xi32, #tpu.memory_space<vmem>> -> memref<1x128xi32, #tpu.memory_space<vmem>>
    %dma_start3A_46 = tpu.memref_squeeze %dma_start3A_45 : memref<1x128xi32, #tpu.memory_space<vmem>> -> memref<128xi32, #tpu.memory_space<vmem>>
    %dma_start3A_47 = arith.constant 0 : i32
    %dma_start3A_48 = arith.constant 0 : i32
    %dma_start3A_49 = tpu.memref_slice %arg2[%dma_start3A_47, %dma_start3A_48] : memref<10000x16xf32, #tpu.memory_space<hbm>> -> memref<10000x16xf32, #tpu.memory_space<hbm>>
    tpu.enqueue_indirect_dma source(%dma_start3A_49 : memref<10000x16xf32, #tpu.memory_space<hbm>>) target(%dma_start3A_43 : memref<128x16xf32, #tpu.memory_space<vmem>>) offsets(%dma_start3A_46 : memref<128xi32, #tpu.memory_space<vmem>>) semaphore(%arg14 : memref<!tpu.dma_semaphore, #tpu.memory_space<semaphore_mem>>)
    %dma_start3A_50 = arith.constant 4 : i32
    %dma_start3A_51 = arith.constant 4 : i32
    %dma_start3A_52 = arith.constant 0 : i32
    %dma_start3A_53 = arith.constant 0 : i32
    %dma_start3A_54 = tpu.memref_slice %arg9[%dma_start3A_51, %dma_start3A_52, %dma_start3A_53] : memref<8x128x16xf32, #tpu.memory_space<vmem>> -> memref<1x128x16xf32, #tpu.memory_space<vmem>>
    %dma_start3A_55 = tpu.memref_squeeze %dma_start3A_54 : memref<1x128x16xf32, #tpu.memory_space<vmem>> -> memref<128x16xf32, #tpu.memory_space<vmem>>
    %dma_start3A_56 = arith.constant 0 : i32
    %dma_start3A_57 = tpu.memref_slice %arg7[%dma_start3A_50, %dma_start3A_56] : memref<80x128xi32, #tpu.memory_space<vmem>> -> memref<1x128xi32, #tpu.memory_space<vmem>>
    %dma_start3A_58 = tpu.memref_squeeze %dma_start3A_57 : memref<1x128xi32, #tpu.memory_space<vmem>> -> memref<128xi32, #tpu.memory_space<vmem>>
    %dma_start3A_59 = arith.constant 0 : i32
    %dma_start3A_60 = arith.constant 0 : i32
    %dma_start3A_61 = tpu.memref_slice %arg2[%dma_start3A_59, %dma_start3A_60] : memref<10000x16xf32, #tpu.memory_space<hbm>> -> memref<10000x16xf32, #tpu.memory_space<hbm>>
    tpu.enqueue_indirect_dma source(%dma_start3A_61 : memref<10000x16xf32, #tpu.memory_space<hbm>>) target(%dma_start3A_55 : memref<128x16xf32, #tpu.memory_space<vmem>>) offsets(%dma_start3A_58 : memref<128xi32, #tpu.memory_space<vmem>>) semaphore(%arg15 : memref<!tpu.dma_semaphore, #tpu.memory_space<semaphore_mem>>)
    %dma_start3A_62 = arith.constant 5 : i32
    %dma_start3A_63 = arith.constant 5 : i32
    %dma_start3A_64 = arith.constant 0 : i32
    %dma_start3A_65 = arith.constant 0 : i32
    %dma_start3A_66 = tpu.memref_slice %arg9[%dma_start3A_63, %dma_start3A_64, %dma_start3A_65] : memref<8x128x16xf32, #tpu.memory_space<vmem>> -> memref<1x128x16xf32, #tpu.memory_space<vmem>>
    %dma_start3A_67 = tpu.memref_squeeze %dma_start3A_66 : memref<1x128x16xf32, #tpu.memory_space<vmem>> -> memref<128x16xf32, #tpu.memory_space<vmem>>
    %dma_start3A_68 = arith.constant 0 : i32
    %dma_start3A_69 = tpu.memref_slice %arg7[%dma_start3A_62, %dma_start3A_68] : memref<80x128xi32, #tpu.memory_space<vmem>> -> memref<1x128xi32, #tpu.memory_space<vmem>>
    %dma_start3A_70 = tpu.memref_squeeze %dma_start3A_69 : memref<1x128xi32, #tpu.memory_space<vmem>> -> memref<128xi32, #tpu.memory_space<vmem>>
    %dma_start3A_71 = arith.constant 0 : i32
    %dma_start3A_72 = arith.constant 0 : i32
    %dma_start3A_73 = tpu.memref_slice %arg2[%dma_start3A_71, %dma_start3A_72] : memref<10000x16xf32, #tpu.memory_space<hbm>> -> memref<10000x16xf32, #tpu.memory_space<hbm>>
    tpu.enqueue_indirect_dma source(%dma_start3A_73 : memref<10000x16xf32, #tpu.memory_space<hbm>>) target(%dma_start3A_67 : memref<128x16xf32, #tpu.memory_space<vmem>>) offsets(%dma_start3A_70 : memref<128xi32, #tpu.memory_space<vmem>>) semaphore(%arg16 : memref<!tpu.dma_semaphore, #tpu.memory_space<semaphore_mem>>)
    %dma_start3A_74 = arith.constant 6 : i32
    %dma_start3A_75 = arith.constant 6 : i32
    %dma_start3A_76 = arith.constant 0 : i32
    %dma_start3A_77 = arith.constant 0 : i32
    %dma_start3A_78 = tpu.memref_slice %arg9[%dma_start3A_75, %dma_start3A_76, %dma_start3A_77] : memref<8x128x16xf32, #tpu.memory_space<vmem>> -> memref<1x128x16xf32, #tpu.memory_space<vmem>>
    %dma_start3A_79 = tpu.memref_squeeze %dma_start3A_78 : memref<1x128x16xf32, #tpu.memory_space<vmem>> -> memref<128x16xf32, #tpu.memory_space<vmem>>
    %dma_start3A_80 = arith.constant 0 : i32
    %dma_start3A_81 = tpu.memref_slice %arg7[%dma_start3A_74, %dma_start3A_80] : memref<80x128xi32, #tpu.memory_space<vmem>> -> memref<1x128xi32, #tpu.memory_space<vmem>>
    %dma_start3A_82 = tpu.memref_squeeze %dma_start3A_81 : memref<1x128xi32, #tpu.memory_space<vmem>> -> memref<128xi32, #tpu.memory_space<vmem>>
    %dma_start3A_83 = arith.constant 0 : i32
    %dma_start3A_84 = arith.constant 0 : i32
    %dma_start3A_85 = tpu.memref_slice %arg2[%dma_start3A_83, %dma_start3A_84] : memref<10000x16xf32, #tpu.memory_space<hbm>> -> memref<10000x16xf32, #tpu.memory_space<hbm>>
    tpu.enqueue_indirect_dma source(%dma_start3A_85 : memref<10000x16xf32, #tpu.memory_space<hbm>>) target(%dma_start3A_79 : memref<128x16xf32, #tpu.memory_space<vmem>>) offsets(%dma_start3A_82 : memref<128xi32, #tpu.memory_space<vmem>>) semaphore(%arg17 : memref<!tpu.dma_semaphore, #tpu.memory_space<semaphore_mem>>)
    %dma_start3A_86 = arith.constant 7 : i32
    %dma_start3A_87 = arith.constant 7 : i32
    %dma_start3A_88 = arith.constant 0 : i32
    %dma_start3A_89 = arith.constant 0 : i32
    %dma_start3A_90 = tpu.memref_slice %arg9[%dma_start3A_87, %dma_start3A_88, %dma_start3A_89] : memref<8x128x16xf32, #tpu.memory_space<vmem>> -> memref<1x128x16xf32, #tpu.memory_space<vmem>>
    %dma_start3A_91 = tpu.memref_squeeze %dma_start3A_90 : memref<1x128x16xf32, #tpu.memory_space<vmem>> -> memref<128x16xf32, #tpu.memory_space<vmem>>
    %dma_start3A_92 = arith.constant 0 : i32
    %dma_start3A_93 = tpu.memref_slice %arg7[%dma_start3A_86, %dma_start3A_92] : memref<80x128xi32, #tpu.memory_space<vmem>> -> memref<1x128xi32, #tpu.memory_space<vmem>>
    %dma_start3A_94 = tpu.memref_squeeze %dma_start3A_93 : memref<1x128xi32, #tpu.memory_space<vmem>> -> memref<128xi32, #tpu.memory_space<vmem>>
    %dma_start3A_95 = arith.constant 0 : i32
    %dma_start3A_96 = arith.constant 0 : i32
    %dma_start3A_97 = tpu.memref_slice %arg2[%dma_start3A_95, %dma_start3A_96] : memref<10000x16xf32, #tpu.memory_space<hbm>> -> memref<10000x16xf32, #tpu.memory_space<hbm>>
    tpu.enqueue_indirect_dma source(%dma_start3A_97 : memref<10000x16xf32, #tpu.memory_space<hbm>>) target(%dma_start3A_91 : memref<128x16xf32, #tpu.memory_space<vmem>>) offsets(%dma_start3A_94 : memref<128xi32, #tpu.memory_space<vmem>>) semaphore(%arg18 : memref<!tpu.dma_semaphore, #tpu.memory_space<semaphore_mem>>)
    %scan3A = arith.constant 0 : i32
    %scan3A_98 = arith.constant 0 : i32
    %scan3A_99 = arith.constant 9 : i32
    %scan3A_100 = arith.addi %scan3A_98, %scan3A_99 : i32
    %scan3A_101 = arith.constant 1 : i32
    %scan3A_102 = scf.for %scan3A_396 = %scan3A_98 to %scan3A_100 step %scan3A_101 iter_args(%scan3A_397 = %scan3A) -> (i32)  : i32 {
      %mul3A_398 = arith.constant 8 : i32
      %mul3A_399 = arith.muli %scan3A_396, %mul3A_398 : i32
      %add3A_400 = arith.constant 1 : i32
      %add3A_401 = arith.addi %scan3A_396, %add3A_400 : i32
      %mul3A_402 = arith.constant 8 : i32
      %mul3A_403 = arith.muli %add3A_401, %mul3A_402 : i32
      %dma_wait3A_404 = arith.constant 0 : i32
      %dma_wait3A_405 = arith.constant 0 : i32
      %dma_wait3A_406 = arith.constant 0 : i32
      %dma_wait3A_407 = arith.constant 0 : i32
      %dma_wait3A_408 = tpu.memref_slice %arg9[%dma_wait3A_405, %dma_wait3A_406, %dma_wait3A_407] : memref<8x128x16xf32, #tpu.memory_space<vmem>> -> memref<1x128x16xf32, #tpu.memory_space<vmem>>
      %dma_wait3A_409 = tpu.memref_squeeze %dma_wait3A_408 : memref<1x128x16xf32, #tpu.memory_space<vmem>> -> memref<128x16xf32, #tpu.memory_space<vmem>>
      %dma_wait3A_410 = arith.constant 0 : i32
      %dma_wait3A_411 = tpu.memref_slice %arg7[%dma_wait3A_404, %dma_wait3A_410] : memref<80x128xi32, #tpu.memory_space<vmem>> -> memref<1x128xi32, #tpu.memory_space<vmem>>
      %dma_wait3A_412 = tpu.memref_squeeze %dma_wait3A_411 : memref<1x128xi32, #tpu.memory_space<vmem>> -> memref<128xi32, #tpu.memory_space<vmem>>
      %dma_wait3A_413 = arith.constant 0 : i32
      %dma_wait3A_414 = arith.constant 0 : i32
      %dma_wait3A_415 = tpu.memref_slice %arg2[%dma_wait3A_413, %dma_wait3A_414] : memref<10000x16xf32, #tpu.memory_space<hbm>> -> memref<10000x16xf32, #tpu.memory_space<hbm>>
      tpu.wait_indirect_dma semaphore(%arg11 : memref<!tpu.dma_semaphore, #tpu.memory_space<semaphore_mem>>) src(%dma_wait3A_415 : memref<10000x16xf32, #tpu.memory_space<hbm>>) dst(%dma_wait3A_409 : memref<128x16xf32, #tpu.memory_space<vmem>>)
      %add3A_416 = arith.constant 0 : i32
      %add3A_417 = arith.addi %mul3A_399, %add3A_416 : i32
      %dma_start3A_418 = arith.constant 0 : i32
      %dma_start3A_419 = arith.constant 0 : i32
      %dma_start3A_420 = arith.constant 0 : i32
      %dma_start3A_421 = tpu.memref_slice %arg9[%dma_start3A_418, %dma_start3A_419, %dma_start3A_420] : memref<8x128x16xf32, #tpu.memory_space<vmem>> -> memref<1x128x16xf32, #tpu.memory_space<vmem>>
      %dma_start3A_422 = tpu.memref_squeeze %dma_start3A_421 : memref<1x128x16xf32, #tpu.memory_space<vmem>> -> memref<128x16xf32, #tpu.memory_space<vmem>>
      %dma_start3A_423 = arith.constant 0 : i32
      %dma_start3A_424 = tpu.memref_slice %arg8[%add3A_417, %dma_start3A_423] : memref<80x128xi32, #tpu.memory_space<vmem>> -> memref<1x128xi32, #tpu.memory_space<vmem>>
      %dma_start3A_425 = tpu.memref_squeeze %dma_start3A_424 : memref<1x128xi32, #tpu.memory_space<vmem>> -> memref<128xi32, #tpu.memory_space<vmem>>
      %dma_start3A_426 = arith.constant 0 : i32
      %dma_start3A_427 = arith.constant 0 : i32
      %dma_start3A_428 = tpu.memref_slice %arg10[%dma_start3A_426, %dma_start3A_427] : memref<10240x16xf32, #tpu.memory_space<vmem_shared>> -> memref<10240x16xf32, #tpu.memory_space<vmem_shared>>
      tpu.enqueue_indirect_dma source(%dma_start3A_422 : memref<128x16xf32, #tpu.memory_space<vmem>>) target(%dma_start3A_428 : memref<10240x16xf32, #tpu.memory_space<vmem_shared>>) offsets(%dma_start3A_425 : memref<128xi32, #tpu.memory_space<vmem>>) semaphore(%arg19 : memref<!tpu.dma_semaphore, #tpu.memory_space<semaphore_mem>>) {add = true}
      %dma_wait3A_429 = arith.constant 0 : i32
      %dma_wait3A_430 = arith.constant 0 : i32
      %dma_wait3A_431 = arith.constant 0 : i32
      %dma_wait3A_432 = arith.constant 0 : i32
      %dma_wait3A_433 = tpu.memref_slice %arg9[%dma_wait3A_429, %dma_wait3A_431, %dma_wait3A_432] : memref<8x128x16xf32, #tpu.memory_space<vmem>> -> memref<1x128x16xf32, #tpu.memory_space<vmem>>
      %dma_wait3A_434 = tpu.memref_squeeze %dma_wait3A_433 : memref<1x128x16xf32, #tpu.memory_space<vmem>> -> memref<128x16xf32, #tpu.memory_space<vmem>>
      %dma_wait3A_435 = arith.constant 0 : i32
      %dma_wait3A_436 = tpu.memref_slice %arg8[%dma_wait3A_430, %dma_wait3A_435] : memref<80x128xi32, #tpu.memory_space<vmem>> -> memref<1x128xi32, #tpu.memory_space<vmem>>
      %dma_wait3A_437 = tpu.memref_squeeze %dma_wait3A_436 : memref<1x128xi32, #tpu.memory_space<vmem>> -> memref<128xi32, #tpu.memory_space<vmem>>
      %dma_wait3A_438 = arith.constant 0 : i32
      %dma_wait3A_439 = arith.constant 0 : i32
      %dma_wait3A_440 = tpu.memref_slice %arg10[%dma_wait3A_438, %dma_wait3A_439] : memref<10240x16xf32, #tpu.memory_space<vmem_shared>> -> memref<10240x16xf32, #tpu.memory_space<vmem_shared>>
      tpu.wait_indirect_dma semaphore(%arg19 : memref<!tpu.dma_semaphore, #tpu.memory_space<semaphore_mem>>) src(%dma_wait3A_434 : memref<128x16xf32, #tpu.memory_space<vmem>>) dst(%dma_wait3A_440 : memref<10240x16xf32, #tpu.memory_space<vmem_shared>>)
      %add3A_441 = arith.constant 0 : i32
      %add3A_442 = arith.addi %mul3A_403, %add3A_441 : i32
      %dma_start3A_443 = arith.constant 0 : i32
      %dma_start3A_444 = arith.constant 0 : i32
      %dma_start3A_445 = arith.constant 0 : i32
      %dma_start3A_446 = tpu.memref_slice %arg9[%dma_start3A_443, %dma_start3A_444, %dma_start3A_445] : memref<8x128x16xf32, #tpu.memory_space<vmem>> -> memref<1x128x16xf32, #tpu.memory_space<vmem>>
      %dma_start3A_447 = tpu.memref_squeeze %dma_start3A_446 : memref<1x128x16xf32, #tpu.memory_space<vmem>> -> memref<128x16xf32, #tpu.memory_space<vmem>>
      %dma_start3A_448 = arith.constant 0 : i32
      %dma_start3A_449 = tpu.memref_slice %arg7[%add3A_442, %dma_start3A_448] : memref<80x128xi32, #tpu.memory_space<vmem>> -> memref<1x128xi32, #tpu.memory_space<vmem>>
      %dma_start3A_450 = tpu.memref_squeeze %dma_start3A_449 : memref<1x128xi32, #tpu.memory_space<vmem>> -> memref<128xi32, #tpu.memory_space<vmem>>
      %dma_start3A_451 = arith.constant 0 : i32
      %dma_start3A_452 = arith.constant 0 : i32
      %dma_start3A_453 = tpu.memref_slice %arg2[%dma_start3A_451, %dma_start3A_452] : memref<10000x16xf32, #tpu.memory_space<hbm>> -> memref<10000x16xf32, #tpu.memory_space<hbm>>
      tpu.enqueue_indirect_dma source(%dma_start3A_453 : memref<10000x16xf32, #tpu.memory_space<hbm>>) target(%dma_start3A_447 : memref<128x16xf32, #tpu.memory_space<vmem>>) offsets(%dma_start3A_450 : memref<128xi32, #tpu.memory_space<vmem>>) semaphore(%arg11 : memref<!tpu.dma_semaphore, #tpu.memory_space<semaphore_mem>>)
      %add3A_454 = arith.constant 1 : i32
      %add3A_455 = arith.addi %scan3A_396, %add3A_454 : i32
      %mul3A_456 = arith.constant 8 : i32
      %mul3A_457 = arith.muli %add3A_455, %mul3A_456 : i32
      %dma_wait3A_458 = arith.constant 1 : i32
      %dma_wait3A_459 = arith.constant 1 : i32
      %dma_wait3A_460 = arith.constant 0 : i32
      %dma_wait3A_461 = arith.constant 0 : i32
      %dma_wait3A_462 = tpu.memref_slice %arg9[%dma_wait3A_459, %dma_wait3A_460, %dma_wait3A_461] : memref<8x128x16xf32, #tpu.memory_space<vmem>> -> memref<1x128x16xf32, #tpu.memory_space<vmem>>
      %dma_wait3A_463 = tpu.memref_squeeze %dma_wait3A_462 : memref<1x128x16xf32, #tpu.memory_space<vmem>> -> memref<128x16xf32, #tpu.memory_space<vmem>>
      %dma_wait3A_464 = arith.constant 0 : i32
      %dma_wait3A_465 = tpu.memref_slice %arg7[%dma_wait3A_458, %dma_wait3A_464] : memref<80x128xi32, #tpu.memory_space<vmem>> -> memref<1x128xi32, #tpu.memory_space<vmem>>
      %dma_wait3A_466 = tpu.memref_squeeze %dma_wait3A_465 : memref<1x128xi32, #tpu.memory_space<vmem>> -> memref<128xi32, #tpu.memory_space<vmem>>
      %dma_wait3A_467 = arith.constant 0 : i32
      %dma_wait3A_468 = arith.constant 0 : i32
      %dma_wait3A_469 = tpu.memref_slice %arg2[%dma_wait3A_467, %dma_wait3A_468] : memref<10000x16xf32, #tpu.memory_space<hbm>> -> memref<10000x16xf32, #tpu.memory_space<hbm>>
      tpu.wait_indirect_dma semaphore(%arg12 : memref<!tpu.dma_semaphore, #tpu.memory_space<semaphore_mem>>) src(%dma_wait3A_469 : memref<10000x16xf32, #tpu.memory_space<hbm>>) dst(%dma_wait3A_463 : memref<128x16xf32, #tpu.memory_space<vmem>>)
      %add3A_470 = arith.constant 1 : i32
      %add3A_471 = arith.addi %mul3A_399, %add3A_470 : i32
      %dma_start3A_472 = arith.constant 1 : i32
      %dma_start3A_473 = arith.constant 0 : i32
      %dma_start3A_474 = arith.constant 0 : i32
      %dma_start3A_475 = tpu.memref_slice %arg9[%dma_start3A_472, %dma_start3A_473, %dma_start3A_474] : memref<8x128x16xf32, #tpu.memory_space<vmem>> -> memref<1x128x16xf32, #tpu.memory_space<vmem>>
      %dma_start3A_476 = tpu.memref_squeeze %dma_start3A_475 : memref<1x128x16xf32, #tpu.memory_space<vmem>> -> memref<128x16xf32, #tpu.memory_space<vmem>>
      %dma_start3A_477 = arith.constant 0 : i32
      %dma_start3A_478 = tpu.memref_slice %arg8[%add3A_471, %dma_start3A_477] : memref<80x128xi32, #tpu.memory_space<vmem>> -> memref<1x128xi32, #tpu.memory_space<vmem>>
      %dma_start3A_479 = tpu.memref_squeeze %dma_start3A_478 : memref<1x128xi32, #tpu.memory_space<vmem>> -> memref<128xi32, #tpu.memory_space<vmem>>
      %dma_start3A_480 = arith.constant 0 : i32
      %dma_start3A_481 = arith.constant 0 : i32
      %dma_start3A_482 = tpu.memref_slice %arg10[%dma_start3A_480, %dma_start3A_481] : memref<10240x16xf32, #tpu.memory_space<vmem_shared>> -> memref<10240x16xf32, #tpu.memory_space<vmem_shared>>
      tpu.enqueue_indirect_dma source(%dma_start3A_476 : memref<128x16xf32, #tpu.memory_space<vmem>>) target(%dma_start3A_482 : memref<10240x16xf32, #tpu.memory_space<vmem_shared>>) offsets(%dma_start3A_479 : memref<128xi32, #tpu.memory_space<vmem>>) semaphore(%arg20 : memref<!tpu.dma_semaphore, #tpu.memory_space<semaphore_mem>>) {add = true}
      %dma_wait3A_483 = arith.constant 1 : i32
      %dma_wait3A_484 = arith.constant 0 : i32
      %dma_wait3A_485 = arith.constant 0 : i32
      %dma_wait3A_486 = arith.constant 0 : i32
      %dma_wait3A_487 = tpu.memref_slice %arg9[%dma_wait3A_483, %dma_wait3A_485, %dma_wait3A_486] : memref<8x128x16xf32, #tpu.memory_space<vmem>> -> memref<1x128x16xf32, #tpu.memory_space<vmem>>
      %dma_wait3A_488 = tpu.memref_squeeze %dma_wait3A_487 : memref<1x128x16xf32, #tpu.memory_space<vmem>> -> memref<128x16xf32, #tpu.memory_space<vmem>>
      %dma_wait3A_489 = arith.constant 0 : i32
      %dma_wait3A_490 = tpu.memref_slice %arg8[%dma_wait3A_484, %dma_wait3A_489] : memref<80x128xi32, #tpu.memory_space<vmem>> -> memref<1x128xi32, #tpu.memory_space<vmem>>
      %dma_wait3A_491 = tpu.memref_squeeze %dma_wait3A_490 : memref<1x128xi32, #tpu.memory_space<vmem>> -> memref<128xi32, #tpu.memory_space<vmem>>
      %dma_wait3A_492 = arith.constant 0 : i32
      %dma_wait3A_493 = arith.constant 0 : i32
      %dma_wait3A_494 = tpu.memref_slice %arg10[%dma_wait3A_492, %dma_wait3A_493] : memref<10240x16xf32, #tpu.memory_space<vmem_shared>> -> memref<10240x16xf32, #tpu.memory_space<vmem_shared>>
      tpu.wait_indirect_dma semaphore(%arg20 : memref<!tpu.dma_semaphore, #tpu.memory_space<semaphore_mem>>) src(%dma_wait3A_488 : memref<128x16xf32, #tpu.memory_space<vmem>>) dst(%dma_wait3A_494 : memref<10240x16xf32, #tpu.memory_space<vmem_shared>>)
      %add3A_495 = arith.constant 1 : i32
      %add3A_496 = arith.addi %mul3A_457, %add3A_495 : i32
      %dma_start3A_497 = arith.constant 1 : i32
      %dma_start3A_498 = arith.constant 0 : i32
      %dma_start3A_499 = arith.constant 0 : i32
      %dma_start3A_500 = tpu.memref_slice %arg9[%dma_start3A_497, %dma_start3A_498, %dma_start3A_499] : memref<8x128x16xf32, #tpu.memory_space<vmem>> -> memref<1x128x16xf32, #tpu.memory_space<vmem>>
      %dma_start3A_501 = tpu.memref_squeeze %dma_start3A_500 : memref<1x128x16xf32, #tpu.memory_space<vmem>> -> memref<128x16xf32, #tpu.memory_space<vmem>>
      %dma_start3A_502 = arith.constant 0 : i32
      %dma_start3A_503 = tpu.memref_slice %arg7[%add3A_496, %dma_start3A_502] : memref<80x128xi32, #tpu.memory_space<vmem>> -> memref<1x128xi32, #tpu.memory_space<vmem>>
      %dma_start3A_504 = tpu.memref_squeeze %dma_start3A_503 : memref<1x128xi32, #tpu.memory_space<vmem>> -> memref<128xi32, #tpu.memory_space<vmem>>
      %dma_start3A_505 = arith.constant 0 : i32
      %dma_start3A_506 = arith.constant 0 : i32
      %dma_start3A_507 = tpu.memref_slice %arg2[%dma_start3A_505, %dma_start3A_506] : memref<10000x16xf32, #tpu.memory_space<hbm>> -> memref<10000x16xf32, #tpu.memory_space<hbm>>
      tpu.enqueue_indirect_dma source(%dma_start3A_507 : memref<10000x16xf32, #tpu.memory_space<hbm>>) target(%dma_start3A_501 : memref<128x16xf32, #tpu.memory_space<vmem>>) offsets(%dma_start3A_504 : memref<128xi32, #tpu.memory_space<vmem>>) semaphore(%arg12 : memref<!tpu.dma_semaphore, #tpu.memory_space<semaphore_mem>>)
      %add3A_508 = arith.constant 1 : i32
      %add3A_509 = arith.addi %scan3A_396, %add3A_508 : i32
      %mul3A_510 = arith.constant 8 : i32
      %mul3A_511 = arith.muli %add3A_509, %mul3A_510 : i32
      %dma_wait3A_512 = arith.constant 2 : i32
      %dma_wait3A_513 = arith.constant 2 : i32
      %dma_wait3A_514 = arith.constant 0 : i32
      %dma_wait3A_515 = arith.constant 0 : i32
      %dma_wait3A_516 = tpu.memref_slice %arg9[%dma_wait3A_513, %dma_wait3A_514, %dma_wait3A_515] : memref<8x128x16xf32, #tpu.memory_space<vmem>> -> memref<1x128x16xf32, #tpu.memory_space<vmem>>
      %dma_wait3A_517 = tpu.memref_squeeze %dma_wait3A_516 : memref<1x128x16xf32, #tpu.memory_space<vmem>> -> memref<128x16xf32, #tpu.memory_space<vmem>>
      %dma_wait3A_518 = arith.constant 0 : i32
      %dma_wait3A_519 = tpu.memref_slice %arg7[%dma_wait3A_512, %dma_wait3A_518] : memref<80x128xi32, #tpu.memory_space<vmem>> -> memref<1x128xi32, #tpu.memory_space<vmem>>
      %dma_wait3A_520 = tpu.memref_squeeze %dma_wait3A_519 : memref<1x128xi32, #tpu.memory_space<vmem>> -> memref<128xi32, #tpu.memory_space<vmem>>
      %dma_wait3A_521 = arith.constant 0 : i32
      %dma_wait3A_522 = arith.constant 0 : i32
      %dma_wait3A_523 = tpu.memref_slice %arg2[%dma_wait3A_521, %dma_wait3A_522] : memref<10000x16xf32, #tpu.memory_space<hbm>> -> memref<10000x16xf32, #tpu.memory_space<hbm>>
      tpu.wait_indirect_dma semaphore(%arg13 : memref<!tpu.dma_semaphore, #tpu.memory_space<semaphore_mem>>) src(%dma_wait3A_523 : memref<10000x16xf32, #tpu.memory_space<hbm>>) dst(%dma_wait3A_517 : memref<128x16xf32, #tpu.memory_space<vmem>>)
      %add3A_524 = arith.constant 2 : i32
      %add3A_525 = arith.addi %mul3A_399, %add3A_524 : i32
      %dma_start3A_526 = arith.constant 2 : i32
      %dma_start3A_527 = arith.constant 0 : i32
      %dma_start3A_528 = arith.constant 0 : i32
      %dma_start3A_529 = tpu.memref_slice %arg9[%dma_start3A_526, %dma_start3A_527, %dma_start3A_528] : memref<8x128x16xf32, #tpu.memory_space<vmem>> -> memref<1x128x16xf32, #tpu.memory_space<vmem>>
      %dma_start3A_530 = tpu.memref_squeeze %dma_start3A_529 : memref<1x128x16xf32, #tpu.memory_space<vmem>> -> memref<128x16xf32, #tpu.memory_space<vmem>>
      %dma_start3A_531 = arith.constant 0 : i32
      %dma_start3A_532 = tpu.memref_slice %arg8[%add3A_525, %dma_start3A_531] : memref<80x128xi32, #tpu.memory_space<vmem>> -> memref<1x128xi32, #tpu.memory_space<vmem>>
      %dma_start3A_533 = tpu.memref_squeeze %dma_start3A_532 : memref<1x128xi32, #tpu.memory_space<vmem>> -> memref<128xi32, #tpu.memory_space<vmem>>
      %dma_start3A_534 = arith.constant 0 : i32
      %dma_start3A_535 = arith.constant 0 : i32
      %dma_start3A_536 = tpu.memref_slice %arg10[%dma_start3A_534, %dma_start3A_535] : memref<10240x16xf32, #tpu.memory_space<vmem_shared>> -> memref<10240x16xf32, #tpu.memory_space<vmem_shared>>
      tpu.enqueue_indirect_dma source(%dma_start3A_530 : memref<128x16xf32, #tpu.memory_space<vmem>>) target(%dma_start3A_536 : memref<10240x16xf32, #tpu.memory_space<vmem_shared>>) offsets(%dma_start3A_533 : memref<128xi32, #tpu.memory_space<vmem>>) semaphore(%arg21 : memref<!tpu.dma_semaphore, #tpu.memory_space<semaphore_mem>>) {add = true}
      %dma_wait3A_537 = arith.constant 2 : i32
      %dma_wait3A_538 = arith.constant 0 : i32
      %dma_wait3A_539 = arith.constant 0 : i32
      %dma_wait3A_540 = arith.constant 0 : i32
      %dma_wait3A_541 = tpu.memref_slice %arg9[%dma_wait3A_537, %dma_wait3A_539, %dma_wait3A_540] : memref<8x128x16xf32, #tpu.memory_space<vmem>> -> memref<1x128x16xf32, #tpu.memory_space<vmem>>
      %dma_wait3A_542 = tpu.memref_squeeze %dma_wait3A_541 : memref<1x128x16xf32, #tpu.memory_space<vmem>> -> memref<128x16xf32, #tpu.memory_space<vmem>>
      %dma_wait3A_543 = arith.constant 0 : i32
      %dma_wait3A_544 = tpu.memref_slice %arg8[%dma_wait3A_538, %dma_wait3A_543] : memref<80x128xi32, #tpu.memory_space<vmem>> -> memref<1x128xi32, #tpu.memory_space<vmem>>
      %dma_wait3A_545 = tpu.memref_squeeze %dma_wait3A_544 : memref<1x128xi32, #tpu.memory_space<vmem>> -> memref<128xi32, #tpu.memory_space<vmem>>
      %dma_wait3A_546 = arith.constant 0 : i32
      %dma_wait3A_547 = arith.constant 0 : i32
      %dma_wait3A_548 = tpu.memref_slice %arg10[%dma_wait3A_546, %dma_wait3A_547] : memref<10240x16xf32, #tpu.memory_space<vmem_shared>> -> memref<10240x16xf32, #tpu.memory_space<vmem_shared>>
      tpu.wait_indirect_dma semaphore(%arg21 : memref<!tpu.dma_semaphore, #tpu.memory_space<semaphore_mem>>) src(%dma_wait3A_542 : memref<128x16xf32, #tpu.memory_space<vmem>>) dst(%dma_wait3A_548 : memref<10240x16xf32, #tpu.memory_space<vmem_shared>>)
      %add3A_549 = arith.constant 2 : i32
      %add3A_550 = arith.addi %mul3A_511, %add3A_549 : i32
      %dma_start3A_551 = arith.constant 2 : i32
      %dma_start3A_552 = arith.constant 0 : i32
      %dma_start3A_553 = arith.constant 0 : i32
      %dma_start3A_554 = tpu.memref_slice %arg9[%dma_start3A_551, %dma_start3A_552, %dma_start3A_553] : memref<8x128x16xf32, #tpu.memory_space<vmem>> -> memref<1x128x16xf32, #tpu.memory_space<vmem>>
      %dma_start3A_555 = tpu.memref_squeeze %dma_start3A_554 : memref<1x128x16xf32, #tpu.memory_space<vmem>> -> memref<128x16xf32, #tpu.memory_space<vmem>>
      %dma_start3A_556 = arith.constant 0 : i32
      %dma_start3A_557 = tpu.memref_slice %arg7[%add3A_550, %dma_start3A_556] : memref<80x128xi32, #tpu.memory_space<vmem>> -> memref<1x128xi32, #tpu.memory_space<vmem>>
      %dma_start3A_558 = tpu.memref_squeeze %dma_start3A_557 : memref<1x128xi32, #tpu.memory_space<vmem>> -> memref<128xi32, #tpu.memory_space<vmem>>
      %dma_start3A_559 = arith.constant 0 : i32
      %dma_start3A_560 = arith.constant 0 : i32
      %dma_start3A_561 = tpu.memref_slice %arg2[%dma_start3A_559, %dma_start3A_560] : memref<10000x16xf32, #tpu.memory_space<hbm>> -> memref<10000x16xf32, #tpu.memory_space<hbm>>
      tpu.enqueue_indirect_dma source(%dma_start3A_561 : memref<10000x16xf32, #tpu.memory_space<hbm>>) target(%dma_start3A_555 : memref<128x16xf32, #tpu.memory_space<vmem>>) offsets(%dma_start3A_558 : memref<128xi32, #tpu.memory_space<vmem>>) semaphore(%arg13 : memref<!tpu.dma_semaphore, #tpu.memory_space<semaphore_mem>>)
      %add3A_562 = arith.constant 1 : i32
      %add3A_563 = arith.addi %scan3A_396, %add3A_562 : i32
      %mul3A_564 = arith.constant 8 : i32
      %mul3A_565 = arith.muli %add3A_563, %mul3A_564 : i32
      %dma_wait3A_566 = arith.constant 3 : i32
      %dma_wait3A_567 = arith.constant 3 : i32
      %dma_wait3A_568 = arith.constant 0 : i32
      %dma_wait3A_569 = arith.constant 0 : i32
      %dma_wait3A_570 = tpu.memref_slice %arg9[%dma_wait3A_567, %dma_wait3A_568, %dma_wait3A_569] : memref<8x128x16xf32, #tpu.memory_space<vmem>> -> memref<1x128x16xf32, #tpu.memory_space<vmem>>
      %dma_wait3A_571 = tpu.memref_squeeze %dma_wait3A_570 : memref<1x128x16xf32, #tpu.memory_space<vmem>> -> memref<128x16xf32, #tpu.memory_space<vmem>>
      %dma_wait3A_572 = arith.constant 0 : i32
      %dma_wait3A_573 = tpu.memref_slice %arg7[%dma_wait3A_566, %dma_wait3A_572] : memref<80x128xi32, #tpu.memory_space<vmem>> -> memref<1x128xi32, #tpu.memory_space<vmem>>
      %dma_wait3A_574 = tpu.memref_squeeze %dma_wait3A_573 : memref<1x128xi32, #tpu.memory_space<vmem>> -> memref<128xi32, #tpu.memory_space<vmem>>
      %dma_wait3A_575 = arith.constant 0 : i32
      %dma_wait3A_576 = arith.constant 0 : i32
      %dma_wait3A_577 = tpu.memref_slice %arg2[%dma_wait3A_575, %dma_wait3A_576] : memref<10000x16xf32, #tpu.memory_space<hbm>> -> memref<10000x16xf32, #tpu.memory_space<hbm>>
      tpu.wait_indirect_dma semaphore(%arg14 : memref<!tpu.dma_semaphore, #tpu.memory_space<semaphore_mem>>) src(%dma_wait3A_577 : memref<10000x16xf32, #tpu.memory_space<hbm>>) dst(%dma_wait3A_571 : memref<128x16xf32, #tpu.memory_space<vmem>>)
      %add3A_578 = arith.constant 3 : i32
      %add3A_579 = arith.addi %mul3A_399, %add3A_578 : i32
      %dma_start3A_580 = arith.constant 3 : i32
      %dma_start3A_581 = arith.constant 0 : i32
      %dma_start3A_582 = arith.constant 0 : i32
      %dma_start3A_583 = tpu.memref_slice %arg9[%dma_start3A_580, %dma_start3A_581, %dma_start3A_582] : memref<8x128x16xf32, #tpu.memory_space<vmem>> -> memref<1x128x16xf32, #tpu.memory_space<vmem>>
      %dma_start3A_584 = tpu.memref_squeeze %dma_start3A_583 : memref<1x128x16xf32, #tpu.memory_space<vmem>> -> memref<128x16xf32, #tpu.memory_space<vmem>>
      %dma_start3A_585 = arith.constant 0 : i32
      %dma_start3A_586 = tpu.memref_slice %arg8[%add3A_579, %dma_start3A_585] : memref<80x128xi32, #tpu.memory_space<vmem>> -> memref<1x128xi32, #tpu.memory_space<vmem>>
      %dma_start3A_587 = tpu.memref_squeeze %dma_start3A_586 : memref<1x128xi32, #tpu.memory_space<vmem>> -> memref<128xi32, #tpu.memory_space<vmem>>
      %dma_start3A_588 = arith.constant 0 : i32
      %dma_start3A_589 = arith.constant 0 : i32
      %dma_start3A_590 = tpu.memref_slice %arg10[%dma_start3A_588, %dma_start3A_589] : memref<10240x16xf32, #tpu.memory_space<vmem_shared>> -> memref<10240x16xf32, #tpu.memory_space<vmem_shared>>
      tpu.enqueue_indirect_dma source(%dma_start3A_584 : memref<128x16xf32, #tpu.memory_space<vmem>>) target(%dma_start3A_590 : memref<10240x16xf32, #tpu.memory_space<vmem_shared>>) offsets(%dma_start3A_587 : memref<128xi32, #tpu.memory_space<vmem>>) semaphore(%arg22 : memref<!tpu.dma_semaphore, #tpu.memory_space<semaphore_mem>>) {add = true}
      %dma_wait3A_591 = arith.constant 3 : i32
      %dma_wait3A_592 = arith.constant 0 : i32
      %dma_wait3A_593 = arith.constant 0 : i32
      %dma_wait3A_594 = arith.constant 0 : i32
      %dma_wait3A_595 = tpu.memref_slice %arg9[%dma_wait3A_591, %dma_wait3A_593, %dma_wait3A_594] : memref<8x128x16xf32, #tpu.memory_space<vmem>> -> memref<1x128x16xf32, #tpu.memory_space<vmem>>
      %dma_wait3A_596 = tpu.memref_squeeze %dma_wait3A_595 : memref<1x128x16xf32, #tpu.memory_space<vmem>> -> memref<128x16xf32, #tpu.memory_space<vmem>>
      %dma_wait3A_597 = arith.constant 0 : i32
      %dma_wait3A_598 = tpu.memref_slice %arg8[%dma_wait3A_592, %dma_wait3A_597] : memref<80x128xi32, #tpu.memory_space<vmem>> -> memref<1x128xi32, #tpu.memory_space<vmem>>
      %dma_wait3A_599 = tpu.memref_squeeze %dma_wait3A_598 : memref<1x128xi32, #tpu.memory_space<vmem>> -> memref<128xi32, #tpu.memory_space<vmem>>
      %dma_wait3A_600 = arith.constant 0 : i32
      %dma_wait3A_601 = arith.constant 0 : i32
      %dma_wait3A_602 = tpu.memref_slice %arg10[%dma_wait3A_600, %dma_wait3A_601] : memref<10240x16xf32, #tpu.memory_space<vmem_shared>> -> memref<10240x16xf32, #tpu.memory_space<vmem_shared>>
      tpu.wait_indirect_dma semaphore(%arg22 : memref<!tpu.dma_semaphore, #tpu.memory_space<semaphore_mem>>) src(%dma_wait3A_596 : memref<128x16xf32, #tpu.memory_space<vmem>>) dst(%dma_wait3A_602 : memref<10240x16xf32, #tpu.memory_space<vmem_shared>>)
      %add3A_603 = arith.constant 3 : i32
      %add3A_604 = arith.addi %mul3A_565, %add3A_603 : i32
      %dma_start3A_605 = arith.constant 3 : i32
      %dma_start3A_606 = arith.constant 0 : i32
      %dma_start3A_607 = arith.constant 0 : i32
      %dma_start3A_608 = tpu.memref_slice %arg9[%dma_start3A_605, %dma_start3A_606, %dma_start3A_607] : memref<8x128x16xf32, #tpu.memory_space<vmem>> -> memref<1x128x16xf32, #tpu.memory_space<vmem>>
      %dma_start3A_609 = tpu.memref_squeeze %dma_start3A_608 : memref<1x128x16xf32, #tpu.memory_space<vmem>> -> memref<128x16xf32, #tpu.memory_space<vmem>>
      %dma_start3A_610 = arith.constant 0 : i32
      %dma_start3A_611 = tpu.memref_slice %arg7[%add3A_604, %dma_start3A_610] : memref<80x128xi32, #tpu.memory_space<vmem>> -> memref<1x128xi32, #tpu.memory_space<vmem>>
      %dma_start3A_612 = tpu.memref_squeeze %dma_start3A_611 : memref<1x128xi32, #tpu.memory_space<vmem>> -> memref<128xi32, #tpu.memory_space<vmem>>
      %dma_start3A_613 = arith.constant 0 : i32
      %dma_start3A_614 = arith.constant 0 : i32
      %dma_start3A_615 = tpu.memref_slice %arg2[%dma_start3A_613, %dma_start3A_614] : memref<10000x16xf32, #tpu.memory_space<hbm>> -> memref<10000x16xf32, #tpu.memory_space<hbm>>
      tpu.enqueue_indirect_dma source(%dma_start3A_615 : memref<10000x16xf32, #tpu.memory_space<hbm>>) target(%dma_start3A_609 : memref<128x16xf32, #tpu.memory_space<vmem>>) offsets(%dma_start3A_612 : memref<128xi32, #tpu.memory_space<vmem>>) semaphore(%arg14 : memref<!tpu.dma_semaphore, #tpu.memory_space<semaphore_mem>>)
      %add3A_616 = arith.constant 1 : i32
      %add3A_617 = arith.addi %scan3A_396, %add3A_616 : i32
      %mul3A_618 = arith.constant 8 : i32
      %mul3A_619 = arith.muli %add3A_617, %mul3A_618 : i32
      %dma_wait3A_620 = arith.constant 4 : i32
      %dma_wait3A_621 = arith.constant 4 : i32
      %dma_wait3A_622 = arith.constant 0 : i32
      %dma_wait3A_623 = arith.constant 0 : i32
      %dma_wait3A_624 = tpu.memref_slice %arg9[%dma_wait3A_621, %dma_wait3A_622, %dma_wait3A_623] : memref<8x128x16xf32, #tpu.memory_space<vmem>> -> memref<1x128x16xf32, #tpu.memory_space<vmem>>
      %dma_wait3A_625 = tpu.memref_squeeze %dma_wait3A_624 : memref<1x128x16xf32, #tpu.memory_space<vmem>> -> memref<128x16xf32, #tpu.memory_space<vmem>>
      %dma_wait3A_626 = arith.constant 0 : i32
      %dma_wait3A_627 = tpu.memref_slice %arg7[%dma_wait3A_620, %dma_wait3A_626] : memref<80x128xi32, #tpu.memory_space<vmem>> -> memref<1x128xi32, #tpu.memory_space<vmem>>
      %dma_wait3A_628 = tpu.memref_squeeze %dma_wait3A_627 : memref<1x128xi32, #tpu.memory_space<vmem>> -> memref<128xi32, #tpu.memory_space<vmem>>
      %dma_wait3A_629 = arith.constant 0 : i32
      %dma_wait3A_630 = arith.constant 0 : i32
      %dma_wait3A_631 = tpu.memref_slice %arg2[%dma_wait3A_629, %dma_wait3A_630] : memref<10000x16xf32, #tpu.memory_space<hbm>> -> memref<10000x16xf32, #tpu.memory_space<hbm>>
      tpu.wait_indirect_dma semaphore(%arg15 : memref<!tpu.dma_semaphore, #tpu.memory_space<semaphore_mem>>) src(%dma_wait3A_631 : memref<10000x16xf32, #tpu.memory_space<hbm>>) dst(%dma_wait3A_625 : memref<128x16xf32, #tpu.memory_space<vmem>>)
      %add3A_632 = arith.constant 4 : i32
      %add3A_633 = arith.addi %mul3A_399, %add3A_632 : i32
      %dma_start3A_634 = arith.constant 4 : i32
      %dma_start3A_635 = arith.constant 0 : i32
      %dma_start3A_636 = arith.constant 0 : i32
      %dma_start3A_637 = tpu.memref_slice %arg9[%dma_start3A_634, %dma_start3A_635, %dma_start3A_636] : memref<8x128x16xf32, #tpu.memory_space<vmem>> -> memref<1x128x16xf32, #tpu.memory_space<vmem>>
      %dma_start3A_638 = tpu.memref_squeeze %dma_start3A_637 : memref<1x128x16xf32, #tpu.memory_space<vmem>> -> memref<128x16xf32, #tpu.memory_space<vmem>>
      %dma_start3A_639 = arith.constant 0 : i32
      %dma_start3A_640 = tpu.memref_slice %arg8[%add3A_633, %dma_start3A_639] : memref<80x128xi32, #tpu.memory_space<vmem>> -> memref<1x128xi32, #tpu.memory_space<vmem>>
      %dma_start3A_641 = tpu.memref_squeeze %dma_start3A_640 : memref<1x128xi32, #tpu.memory_space<vmem>> -> memref<128xi32, #tpu.memory_space<vmem>>
      %dma_start3A_642 = arith.constant 0 : i32
      %dma_start3A_643 = arith.constant 0 : i32
      %dma_start3A_644 = tpu.memref_slice %arg10[%dma_start3A_642, %dma_start3A_643] : memref<10240x16xf32, #tpu.memory_space<vmem_shared>> -> memref<10240x16xf32, #tpu.memory_space<vmem_shared>>
      tpu.enqueue_indirect_dma source(%dma_start3A_638 : memref<128x16xf32, #tpu.memory_space<vmem>>) target(%dma_start3A_644 : memref<10240x16xf32, #tpu.memory_space<vmem_shared>>) offsets(%dma_start3A_641 : memref<128xi32, #tpu.memory_space<vmem>>) semaphore(%arg23 : memref<!tpu.dma_semaphore, #tpu.memory_space<semaphore_mem>>) {add = true}
      %dma_wait3A_645 = arith.constant 4 : i32
      %dma_wait3A_646 = arith.constant 0 : i32
      %dma_wait3A_647 = arith.constant 0 : i32
      %dma_wait3A_648 = arith.constant 0 : i32
      %dma_wait3A_649 = tpu.memref_slice %arg9[%dma_wait3A_645, %dma_wait3A_647, %dma_wait3A_648] : memref<8x128x16xf32, #tpu.memory_space<vmem>> -> memref<1x128x16xf32, #tpu.memory_space<vmem>>
      %dma_wait3A_650 = tpu.memref_squeeze %dma_wait3A_649 : memref<1x128x16xf32, #tpu.memory_space<vmem>> -> memref<128x16xf32, #tpu.memory_space<vmem>>
      %dma_wait3A_651 = arith.constant 0 : i32
      %dma_wait3A_652 = tpu.memref_slice %arg8[%dma_wait3A_646, %dma_wait3A_651] : memref<80x128xi32, #tpu.memory_space<vmem>> -> memref<1x128xi32, #tpu.memory_space<vmem>>
      %dma_wait3A_653 = tpu.memref_squeeze %dma_wait3A_652 : memref<1x128xi32, #tpu.memory_space<vmem>> -> memref<128xi32, #tpu.memory_space<vmem>>
      %dma_wait3A_654 = arith.constant 0 : i32
      %dma_wait3A_655 = arith.constant 0 : i32
      %dma_wait3A_656 = tpu.memref_slice %arg10[%dma_wait3A_654, %dma_wait3A_655] : memref<10240x16xf32, #tpu.memory_space<vmem_shared>> -> memref<10240x16xf32, #tpu.memory_space<vmem_shared>>
      tpu.wait_indirect_dma semaphore(%arg23 : memref<!tpu.dma_semaphore, #tpu.memory_space<semaphore_mem>>) src(%dma_wait3A_650 : memref<128x16xf32, #tpu.memory_space<vmem>>) dst(%dma_wait3A_656 : memref<10240x16xf32, #tpu.memory_space<vmem_shared>>)
      %add3A_657 = arith.constant 4 : i32
      %add3A_658 = arith.addi %mul3A_619, %add3A_657 : i32
      %dma_start3A_659 = arith.constant 4 : i32
      %dma_start3A_660 = arith.constant 0 : i32
      %dma_start3A_661 = arith.constant 0 : i32
      %dma_start3A_662 = tpu.memref_slice %arg9[%dma_start3A_659, %dma_start3A_660, %dma_start3A_661] : memref<8x128x16xf32, #tpu.memory_space<vmem>> -> memref<1x128x16xf32, #tpu.memory_space<vmem>>
      %dma_start3A_663 = tpu.memref_squeeze %dma_start3A_662 : memref<1x128x16xf32, #tpu.memory_space<vmem>> -> memref<128x16xf32, #tpu.memory_space<vmem>>
      %dma_start3A_664 = arith.constant 0 : i32
      %dma_start3A_665 = tpu.memref_slice %arg7[%add3A_658, %dma_start3A_664] : memref<80x128xi32, #tpu.memory_space<vmem>> -> memref<1x128xi32, #tpu.memory_space<vmem>>
      %dma_start3A_666 = tpu.memref_squeeze %dma_start3A_665 : memref<1x128xi32, #tpu.memory_space<vmem>> -> memref<128xi32, #tpu.memory_space<vmem>>
      %dma_start3A_667 = arith.constant 0 : i32
      %dma_start3A_668 = arith.constant 0 : i32
      %dma_start3A_669 = tpu.memref_slice %arg2[%dma_start3A_667, %dma_start3A_668] : memref<10000x16xf32, #tpu.memory_space<hbm>> -> memref<10000x16xf32, #tpu.memory_space<hbm>>
      tpu.enqueue_indirect_dma source(%dma_start3A_669 : memref<10000x16xf32, #tpu.memory_space<hbm>>) target(%dma_start3A_663 : memref<128x16xf32, #tpu.memory_space<vmem>>) offsets(%dma_start3A_666 : memref<128xi32, #tpu.memory_space<vmem>>) semaphore(%arg15 : memref<!tpu.dma_semaphore, #tpu.memory_space<semaphore_mem>>)
      %add3A_670 = arith.constant 1 : i32
      %add3A_671 = arith.addi %scan3A_396, %add3A_670 : i32
      %mul3A_672 = arith.constant 8 : i32
      %mul3A_673 = arith.muli %add3A_671, %mul3A_672 : i32
      %dma_wait3A_674 = arith.constant 5 : i32
      %dma_wait3A_675 = arith.constant 5 : i32
      %dma_wait3A_676 = arith.constant 0 : i32
      %dma_wait3A_677 = arith.constant 0 : i32
      %dma_wait3A_678 = tpu.memref_slice %arg9[%dma_wait3A_675, %dma_wait3A_676, %dma_wait3A_677] : memref<8x128x16xf32, #tpu.memory_space<vmem>> -> memref<1x128x16xf32, #tpu.memory_space<vmem>>
      %dma_wait3A_679 = tpu.memref_squeeze %dma_wait3A_678 : memref<1x128x16xf32, #tpu.memory_space<vmem>> -> memref<128x16xf32, #tpu.memory_space<vmem>>
      %dma_wait3A_680 = arith.constant 0 : i32
      %dma_wait3A_681 = tpu.memref_slice %arg7[%dma_wait3A_674, %dma_wait3A_680] : memref<80x128xi32, #tpu.memory_space<vmem>> -> memref<1x128xi32, #tpu.memory_space<vmem>>
      %dma_wait3A_682 = tpu.memref_squeeze %dma_wait3A_681 : memref<1x128xi32, #tpu.memory_space<vmem>> -> memref<128xi32, #tpu.memory_space<vmem>>
      %dma_wait3A_683 = arith.constant 0 : i32
      %dma_wait3A_684 = arith.constant 0 : i32
      %dma_wait3A_685 = tpu.memref_slice %arg2[%dma_wait3A_683, %dma_wait3A_684] : memref<10000x16xf32, #tpu.memory_space<hbm>> -> memref<10000x16xf32, #tpu.memory_space<hbm>>
      tpu.wait_indirect_dma semaphore(%arg16 : memref<!tpu.dma_semaphore, #tpu.memory_space<semaphore_mem>>) src(%dma_wait3A_685 : memref<10000x16xf32, #tpu.memory_space<hbm>>) dst(%dma_wait3A_679 : memref<128x16xf32, #tpu.memory_space<vmem>>)
      %add3A_686 = arith.constant 5 : i32
      %add3A_687 = arith.addi %mul3A_399, %add3A_686 : i32
      %dma_start3A_688 = arith.constant 5 : i32
      %dma_start3A_689 = arith.constant 0 : i32
      %dma_start3A_690 = arith.constant 0 : i32
      %dma_start3A_691 = tpu.memref_slice %arg9[%dma_start3A_688, %dma_start3A_689, %dma_start3A_690] : memref<8x128x16xf32, #tpu.memory_space<vmem>> -> memref<1x128x16xf32, #tpu.memory_space<vmem>>
      %dma_start3A_692 = tpu.memref_squeeze %dma_start3A_691 : memref<1x128x16xf32, #tpu.memory_space<vmem>> -> memref<128x16xf32, #tpu.memory_space<vmem>>
      %dma_start3A_693 = arith.constant 0 : i32
      %dma_start3A_694 = tpu.memref_slice %arg8[%add3A_687, %dma_start3A_693] : memref<80x128xi32, #tpu.memory_space<vmem>> -> memref<1x128xi32, #tpu.memory_space<vmem>>
      %dma_start3A_695 = tpu.memref_squeeze %dma_start3A_694 : memref<1x128xi32, #tpu.memory_space<vmem>> -> memref<128xi32, #tpu.memory_space<vmem>>
      %dma_start3A_696 = arith.constant 0 : i32
      %dma_start3A_697 = arith.constant 0 : i32
      %dma_start3A_698 = tpu.memref_slice %arg10[%dma_start3A_696, %dma_start3A_697] : memref<10240x16xf32, #tpu.memory_space<vmem_shared>> -> memref<10240x16xf32, #tpu.memory_space<vmem_shared>>
      tpu.enqueue_indirect_dma source(%dma_start3A_692 : memref<128x16xf32, #tpu.memory_space<vmem>>) target(%dma_start3A_698 : memref<10240x16xf32, #tpu.memory_space<vmem_shared>>) offsets(%dma_start3A_695 : memref<128xi32, #tpu.memory_space<vmem>>) semaphore(%arg24 : memref<!tpu.dma_semaphore, #tpu.memory_space<semaphore_mem>>) {add = true}
      %dma_wait3A_699 = arith.constant 5 : i32
      %dma_wait3A_700 = arith.constant 0 : i32
      %dma_wait3A_701 = arith.constant 0 : i32
      %dma_wait3A_702 = arith.constant 0 : i32
      %dma_wait3A_703 = tpu.memref_slice %arg9[%dma_wait3A_699, %dma_wait3A_701, %dma_wait3A_702] : memref<8x128x16xf32, #tpu.memory_space<vmem>> -> memref<1x128x16xf32, #tpu.memory_space<vmem>>
      %dma_wait3A_704 = tpu.memref_squeeze %dma_wait3A_703 : memref<1x128x16xf32, #tpu.memory_space<vmem>> -> memref<128x16xf32, #tpu.memory_space<vmem>>
      %dma_wait3A_705 = arith.constant 0 : i32
      %dma_wait3A_706 = tpu.memref_slice %arg8[%dma_wait3A_700, %dma_wait3A_705] : memref<80x128xi32, #tpu.memory_space<vmem>> -> memref<1x128xi32, #tpu.memory_space<vmem>>
      %dma_wait3A_707 = tpu.memref_squeeze %dma_wait3A_706 : memref<1x128xi32, #tpu.memory_space<vmem>> -> memref<128xi32, #tpu.memory_space<vmem>>
      %dma_wait3A_708 = arith.constant 0 : i32
      %dma_wait3A_709 = arith.constant 0 : i32
      %dma_wait3A_710 = tpu.memref_slice %arg10[%dma_wait3A_708, %dma_wait3A_709] : memref<10240x16xf32, #tpu.memory_space<vmem_shared>> -> memref<10240x16xf32, #tpu.memory_space<vmem_shared>>
      tpu.wait_indirect_dma semaphore(%arg24 : memref<!tpu.dma_semaphore, #tpu.memory_space<semaphore_mem>>) src(%dma_wait3A_704 : memref<128x16xf32, #tpu.memory_space<vmem>>) dst(%dma_wait3A_710 : memref<10240x16xf32, #tpu.memory_space<vmem_shared>>)
      %add3A_711 = arith.constant 5 : i32
      %add3A_712 = arith.addi %mul3A_673, %add3A_711 : i32
      %dma_start3A_713 = arith.constant 5 : i32
      %dma_start3A_714 = arith.constant 0 : i32
      %dma_start3A_715 = arith.constant 0 : i32
      %dma_start3A_716 = tpu.memref_slice %arg9[%dma_start3A_713, %dma_start3A_714, %dma_start3A_715] : memref<8x128x16xf32, #tpu.memory_space<vmem>> -> memref<1x128x16xf32, #tpu.memory_space<vmem>>
      %dma_start3A_717 = tpu.memref_squeeze %dma_start3A_716 : memref<1x128x16xf32, #tpu.memory_space<vmem>> -> memref<128x16xf32, #tpu.memory_space<vmem>>
      %dma_start3A_718 = arith.constant 0 : i32
      %dma_start3A_719 = tpu.memref_slice %arg7[%add3A_712, %dma_start3A_718] : memref<80x128xi32, #tpu.memory_space<vmem>> -> memref<1x128xi32, #tpu.memory_space<vmem>>
      %dma_start3A_720 = tpu.memref_squeeze %dma_start3A_719 : memref<1x128xi32, #tpu.memory_space<vmem>> -> memref<128xi32, #tpu.memory_space<vmem>>
      %dma_start3A_721 = arith.constant 0 : i32
      %dma_start3A_722 = arith.constant 0 : i32
      %dma_start3A_723 = tpu.memref_slice %arg2[%dma_start3A_721, %dma_start3A_722] : memref<10000x16xf32, #tpu.memory_space<hbm>> -> memref<10000x16xf32, #tpu.memory_space<hbm>>
      tpu.enqueue_indirect_dma source(%dma_start3A_723 : memref<10000x16xf32, #tpu.memory_space<hbm>>) target(%dma_start3A_717 : memref<128x16xf32, #tpu.memory_space<vmem>>) offsets(%dma_start3A_720 : memref<128xi32, #tpu.memory_space<vmem>>) semaphore(%arg16 : memref<!tpu.dma_semaphore, #tpu.memory_space<semaphore_mem>>)
      %add3A_724 = arith.constant 1 : i32
      %add3A_725 = arith.addi %scan3A_396, %add3A_724 : i32
      %mul3A_726 = arith.constant 8 : i32
      %mul3A_727 = arith.muli %add3A_725, %mul3A_726 : i32
      %dma_wait3A_728 = arith.constant 6 : i32
      %dma_wait3A_729 = arith.constant 6 : i32
      %dma_wait3A_730 = arith.constant 0 : i32
      %dma_wait3A_731 = arith.constant 0 : i32
      %dma_wait3A_732 = tpu.memref_slice %arg9[%dma_wait3A_729, %dma_wait3A_730, %dma_wait3A_731] : memref<8x128x16xf32, #tpu.memory_space<vmem>> -> memref<1x128x16xf32, #tpu.memory_space<vmem>>
      %dma_wait3A_733 = tpu.memref_squeeze %dma_wait3A_732 : memref<1x128x16xf32, #tpu.memory_space<vmem>> -> memref<128x16xf32, #tpu.memory_space<vmem>>
      %dma_wait3A_734 = arith.constant 0 : i32
      %dma_wait3A_735 = tpu.memref_slice %arg7[%dma_wait3A_728, %dma_wait3A_734] : memref<80x128xi32, #tpu.memory_space<vmem>> -> memref<1x128xi32, #tpu.memory_space<vmem>>
      %dma_wait3A_736 = tpu.memref_squeeze %dma_wait3A_735 : memref<1x128xi32, #tpu.memory_space<vmem>> -> memref<128xi32, #tpu.memory_space<vmem>>
      %dma_wait3A_737 = arith.constant 0 : i32
      %dma_wait3A_738 = arith.constant 0 : i32
      %dma_wait3A_739 = tpu.memref_slice %arg2[%dma_wait3A_737, %dma_wait3A_738] : memref<10000x16xf32, #tpu.memory_space<hbm>> -> memref<10000x16xf32, #tpu.memory_space<hbm>>
      tpu.wait_indirect_dma semaphore(%arg17 : memref<!tpu.dma_semaphore, #tpu.memory_space<semaphore_mem>>) src(%dma_wait3A_739 : memref<10000x16xf32, #tpu.memory_space<hbm>>) dst(%dma_wait3A_733 : memref<128x16xf32, #tpu.memory_space<vmem>>)
      %add3A_740 = arith.constant 6 : i32
      %add3A_741 = arith.addi %mul3A_399, %add3A_740 : i32
      %dma_start3A_742 = arith.constant 6 : i32
      %dma_start3A_743 = arith.constant 0 : i32
      %dma_start3A_744 = arith.constant 0 : i32
      %dma_start3A_745 = tpu.memref_slice %arg9[%dma_start3A_742, %dma_start3A_743, %dma_start3A_744] : memref<8x128x16xf32, #tpu.memory_space<vmem>> -> memref<1x128x16xf32, #tpu.memory_space<vmem>>
      %dma_start3A_746 = tpu.memref_squeeze %dma_start3A_745 : memref<1x128x16xf32, #tpu.memory_space<vmem>> -> memref<128x16xf32, #tpu.memory_space<vmem>>
      %dma_start3A_747 = arith.constant 0 : i32
      %dma_start3A_748 = tpu.memref_slice %arg8[%add3A_741, %dma_start3A_747] : memref<80x128xi32, #tpu.memory_space<vmem>> -> memref<1x128xi32, #tpu.memory_space<vmem>>
      %dma_start3A_749 = tpu.memref_squeeze %dma_start3A_748 : memref<1x128xi32, #tpu.memory_space<vmem>> -> memref<128xi32, #tpu.memory_space<vmem>>
      %dma_start3A_750 = arith.constant 0 : i32
      %dma_start3A_751 = arith.constant 0 : i32
      %dma_start3A_752 = tpu.memref_slice %arg10[%dma_start3A_750, %dma_start3A_751] : memref<10240x16xf32, #tpu.memory_space<vmem_shared>> -> memref<10240x16xf32, #tpu.memory_space<vmem_shared>>
      tpu.enqueue_indirect_dma source(%dma_start3A_746 : memref<128x16xf32, #tpu.memory_space<vmem>>) target(%dma_start3A_752 : memref<10240x16xf32, #tpu.memory_space<vmem_shared>>) offsets(%dma_start3A_749 : memref<128xi32, #tpu.memory_space<vmem>>) semaphore(%arg25 : memref<!tpu.dma_semaphore, #tpu.memory_space<semaphore_mem>>) {add = true}
      %dma_wait3A_753 = arith.constant 6 : i32
      %dma_wait3A_754 = arith.constant 0 : i32
      %dma_wait3A_755 = arith.constant 0 : i32
      %dma_wait3A_756 = arith.constant 0 : i32
      %dma_wait3A_757 = tpu.memref_slice %arg9[%dma_wait3A_753, %dma_wait3A_755, %dma_wait3A_756] : memref<8x128x16xf32, #tpu.memory_space<vmem>> -> memref<1x128x16xf32, #tpu.memory_space<vmem>>
      %dma_wait3A_758 = tpu.memref_squeeze %dma_wait3A_757 : memref<1x128x16xf32, #tpu.memory_space<vmem>> -> memref<128x16xf32, #tpu.memory_space<vmem>>
      %dma_wait3A_759 = arith.constant 0 : i32
      %dma_wait3A_760 = tpu.memref_slice %arg8[%dma_wait3A_754, %dma_wait3A_759] : memref<80x128xi32, #tpu.memory_space<vmem>> -> memref<1x128xi32, #tpu.memory_space<vmem>>
      %dma_wait3A_761 = tpu.memref_squeeze %dma_wait3A_760 : memref<1x128xi32, #tpu.memory_space<vmem>> -> memref<128xi32, #tpu.memory_space<vmem>>
      %dma_wait3A_762 = arith.constant 0 : i32
      %dma_wait3A_763 = arith.constant 0 : i32
      %dma_wait3A_764 = tpu.memref_slice %arg10[%dma_wait3A_762, %dma_wait3A_763] : memref<10240x16xf32, #tpu.memory_space<vmem_shared>> -> memref<10240x16xf32, #tpu.memory_space<vmem_shared>>
      tpu.wait_indirect_dma semaphore(%arg25 : memref<!tpu.dma_semaphore, #tpu.memory_space<semaphore_mem>>) src(%dma_wait3A_758 : memref<128x16xf32, #tpu.memory_space<vmem>>) dst(%dma_wait3A_764 : memref<10240x16xf32, #tpu.memory_space<vmem_shared>>)
      %add3A_765 = arith.constant 6 : i32
      %add3A_766 = arith.addi %mul3A_727, %add3A_765 : i32
      %dma_start3A_767 = arith.constant 6 : i32
      %dma_start3A_768 = arith.constant 0 : i32
      %dma_start3A_769 = arith.constant 0 : i32
      %dma_start3A_770 = tpu.memref_slice %arg9[%dma_start3A_767, %dma_start3A_768, %dma_start3A_769] : memref<8x128x16xf32, #tpu.memory_space<vmem>> -> memref<1x128x16xf32, #tpu.memory_space<vmem>>
      %dma_start3A_771 = tpu.memref_squeeze %dma_start3A_770 : memref<1x128x16xf32, #tpu.memory_space<vmem>> -> memref<128x16xf32, #tpu.memory_space<vmem>>
      %dma_start3A_772 = arith.constant 0 : i32
      %dma_start3A_773 = tpu.memref_slice %arg7[%add3A_766, %dma_start3A_772] : memref<80x128xi32, #tpu.memory_space<vmem>> -> memref<1x128xi32, #tpu.memory_space<vmem>>
      %dma_start3A_774 = tpu.memref_squeeze %dma_start3A_773 : memref<1x128xi32, #tpu.memory_space<vmem>> -> memref<128xi32, #tpu.memory_space<vmem>>
      %dma_start3A_775 = arith.constant 0 : i32
      %dma_start3A_776 = arith.constant 0 : i32
      %dma_start3A_777 = tpu.memref_slice %arg2[%dma_start3A_775, %dma_start3A_776] : memref<10000x16xf32, #tpu.memory_space<hbm>> -> memref<10000x16xf32, #tpu.memory_space<hbm>>
      tpu.enqueue_indirect_dma source(%dma_start3A_777 : memref<10000x16xf32, #tpu.memory_space<hbm>>) target(%dma_start3A_771 : memref<128x16xf32, #tpu.memory_space<vmem>>) offsets(%dma_start3A_774 : memref<128xi32, #tpu.memory_space<vmem>>) semaphore(%arg17 : memref<!tpu.dma_semaphore, #tpu.memory_space<semaphore_mem>>)
      %add3A_778 = arith.constant 1 : i32
      %add3A_779 = arith.addi %scan3A_396, %add3A_778 : i32
      %mul3A_780 = arith.constant 8 : i32
      %mul3A_781 = arith.muli %add3A_779, %mul3A_780 : i32
      %dma_wait3A_782 = arith.constant 7 : i32
      %dma_wait3A_783 = arith.constant 7 : i32
      %dma_wait3A_784 = arith.constant 0 : i32
      %dma_wait3A_785 = arith.constant 0 : i32
      %dma_wait3A_786 = tpu.memref_slice %arg9[%dma_wait3A_783, %dma_wait3A_784, %dma_wait3A_785] : memref<8x128x16xf32, #tpu.memory_space<vmem>> -> memref<1x128x16xf32, #tpu.memory_space<vmem>>
      %dma_wait3A_787 = tpu.memref_squeeze %dma_wait3A_786 : memref<1x128x16xf32, #tpu.memory_space<vmem>> -> memref<128x16xf32, #tpu.memory_space<vmem>>
      %dma_wait3A_788 = arith.constant 0 : i32
      %dma_wait3A_789 = tpu.memref_slice %arg7[%dma_wait3A_782, %dma_wait3A_788] : memref<80x128xi32, #tpu.memory_space<vmem>> -> memref<1x128xi32, #tpu.memory_space<vmem>>
      %dma_wait3A_790 = tpu.memref_squeeze %dma_wait3A_789 : memref<1x128xi32, #tpu.memory_space<vmem>> -> memref<128xi32, #tpu.memory_space<vmem>>
      %dma_wait3A_791 = arith.constant 0 : i32
      %dma_wait3A_792 = arith.constant 0 : i32
      %dma_wait3A_793 = tpu.memref_slice %arg2[%dma_wait3A_791, %dma_wait3A_792] : memref<10000x16xf32, #tpu.memory_space<hbm>> -> memref<10000x16xf32, #tpu.memory_space<hbm>>
      tpu.wait_indirect_dma semaphore(%arg18 : memref<!tpu.dma_semaphore, #tpu.memory_space<semaphore_mem>>) src(%dma_wait3A_793 : memref<10000x16xf32, #tpu.memory_space<hbm>>) dst(%dma_wait3A_787 : memref<128x16xf32, #tpu.memory_space<vmem>>)
      %add3A_794 = arith.constant 7 : i32
      %add3A_795 = arith.addi %mul3A_399, %add3A_794 : i32
      %dma_start3A_796 = arith.constant 7 : i32
      %dma_start3A_797 = arith.constant 0 : i32
      %dma_start3A_798 = arith.constant 0 : i32
      %dma_start3A_799 = tpu.memref_slice %arg9[%dma_start3A_796, %dma_start3A_797, %dma_start3A_798] : memref<8x128x16xf32, #tpu.memory_space<vmem>> -> memref<1x128x16xf32, #tpu.memory_space<vmem>>
      %dma_start3A_800 = tpu.memref_squeeze %dma_start3A_799 : memref<1x128x16xf32, #tpu.memory_space<vmem>> -> memref<128x16xf32, #tpu.memory_space<vmem>>
      %dma_start3A_801 = arith.constant 0 : i32
      %dma_start3A_802 = tpu.memref_slice %arg8[%add3A_795, %dma_start3A_801] : memref<80x128xi32, #tpu.memory_space<vmem>> -> memref<1x128xi32, #tpu.memory_space<vmem>>
      %dma_start3A_803 = tpu.memref_squeeze %dma_start3A_802 : memref<1x128xi32, #tpu.memory_space<vmem>> -> memref<128xi32, #tpu.memory_space<vmem>>
      %dma_start3A_804 = arith.constant 0 : i32
      %dma_start3A_805 = arith.constant 0 : i32
      %dma_start3A_806 = tpu.memref_slice %arg10[%dma_start3A_804, %dma_start3A_805] : memref<10240x16xf32, #tpu.memory_space<vmem_shared>> -> memref<10240x16xf32, #tpu.memory_space<vmem_shared>>
      tpu.enqueue_indirect_dma source(%dma_start3A_800 : memref<128x16xf32, #tpu.memory_space<vmem>>) target(%dma_start3A_806 : memref<10240x16xf32, #tpu.memory_space<vmem_shared>>) offsets(%dma_start3A_803 : memref<128xi32, #tpu.memory_space<vmem>>) semaphore(%arg26 : memref<!tpu.dma_semaphore, #tpu.memory_space<semaphore_mem>>) {add = true}
      %dma_wait3A_807 = arith.constant 7 : i32
      %dma_wait3A_808 = arith.constant 0 : i32
      %dma_wait3A_809 = arith.constant 0 : i32
      %dma_wait3A_810 = arith.constant 0 : i32
      %dma_wait3A_811 = tpu.memref_slice %arg9[%dma_wait3A_807, %dma_wait3A_809, %dma_wait3A_810] : memref<8x128x16xf32, #tpu.memory_space<vmem>> -> memref<1x128x16xf32, #tpu.memory_space<vmem>>
      %dma_wait3A_812 = tpu.memref_squeeze %dma_wait3A_811 : memref<1x128x16xf32, #tpu.memory_space<vmem>> -> memref<128x16xf32, #tpu.memory_space<vmem>>
      %dma_wait3A_813 = arith.constant 0 : i32
      %dma_wait3A_814 = tpu.memref_slice %arg8[%dma_wait3A_808, %dma_wait3A_813] : memref<80x128xi32, #tpu.memory_space<vmem>> -> memref<1x128xi32, #tpu.memory_space<vmem>>
      %dma_wait3A_815 = tpu.memref_squeeze %dma_wait3A_814 : memref<1x128xi32, #tpu.memory_space<vmem>> -> memref<128xi32, #tpu.memory_space<vmem>>
      %dma_wait3A_816 = arith.constant 0 : i32
      %dma_wait3A_817 = arith.constant 0 : i32
      %dma_wait3A_818 = tpu.memref_slice %arg10[%dma_wait3A_816, %dma_wait3A_817] : memref<10240x16xf32, #tpu.memory_space<vmem_shared>> -> memref<10240x16xf32, #tpu.memory_space<vmem_shared>>
      tpu.wait_indirect_dma semaphore(%arg26 : memref<!tpu.dma_semaphore, #tpu.memory_space<semaphore_mem>>) src(%dma_wait3A_812 : memref<128x16xf32, #tpu.memory_space<vmem>>) dst(%dma_wait3A_818 : memref<10240x16xf32, #tpu.memory_space<vmem_shared>>)
      %add3A_819 = arith.constant 7 : i32
      %add3A_820 = arith.addi %mul3A_781, %add3A_819 : i32
      %dma_start3A_821 = arith.constant 7 : i32
      %dma_start3A_822 = arith.constant 0 : i32
      %dma_start3A_823 = arith.constant 0 : i32
      %dma_start3A_824 = tpu.memref_slice %arg9[%dma_start3A_821, %dma_start3A_822, %dma_start3A_823] : memref<8x128x16xf32, #tpu.memory_space<vmem>> -> memref<1x128x16xf32, #tpu.memory_space<vmem>>
      %dma_start3A_825 = tpu.memref_squeeze %dma_start3A_824 : memref<1x128x16xf32, #tpu.memory_space<vmem>> -> memref<128x16xf32, #tpu.memory_space<vmem>>
      %dma_start3A_826 = arith.constant 0 : i32
      %dma_start3A_827 = tpu.memref_slice %arg7[%add3A_820, %dma_start3A_826] : memref<80x128xi32, #tpu.memory_space<vmem>> -> memref<1x128xi32, #tpu.memory_space<vmem>>
      %dma_start3A_828 = tpu.memref_squeeze %dma_start3A_827 : memref<1x128xi32, #tpu.memory_space<vmem>> -> memref<128xi32, #tpu.memory_space<vmem>>
      %dma_start3A_829 = arith.constant 0 : i32
      %dma_start3A_830 = arith.constant 0 : i32
      %dma_start3A_831 = tpu.memref_slice %arg2[%dma_start3A_829, %dma_start3A_830] : memref<10000x16xf32, #tpu.memory_space<hbm>> -> memref<10000x16xf32, #tpu.memory_space<hbm>>
      tpu.enqueue_indirect_dma source(%dma_start3A_831 : memref<10000x16xf32, #tpu.memory_space<hbm>>) target(%dma_start3A_825 : memref<128x16xf32, #tpu.memory_space<vmem>>) offsets(%dma_start3A_828 : memref<128xi32, #tpu.memory_space<vmem>>) semaphore(%arg18 : memref<!tpu.dma_semaphore, #tpu.memory_space<semaphore_mem>>)
      %scan3A_832 = arith.constant 0 : i32
      scf.yield %scan3A_832 : i32
    }
    %scan3A_103 = arith.constant 9 : i32
    %dma_wait3A = arith.constant 0 : i32
    %dma_wait3A_104 = arith.constant 0 : i32
    %dma_wait3A_105 = arith.constant 0 : i32
    %dma_wait3A_106 = arith.constant 0 : i32
    %dma_wait3A_107 = tpu.memref_slice %arg9[%dma_wait3A_104, %dma_wait3A_105, %dma_wait3A_106] : memref<8x128x16xf32, #tpu.memory_space<vmem>> -> memref<1x128x16xf32, #tpu.memory_space<vmem>>
    %dma_wait3A_108 = tpu.memref_squeeze %dma_wait3A_107 : memref<1x128x16xf32, #tpu.memory_space<vmem>> -> memref<128x16xf32, #tpu.memory_space<vmem>>
    %dma_wait3A_109 = arith.constant 0 : i32
    %dma_wait3A_110 = tpu.memref_slice %arg7[%dma_wait3A, %dma_wait3A_109] : memref<80x128xi32, #tpu.memory_space<vmem>> -> memref<1x128xi32, #tpu.memory_space<vmem>>
    %dma_wait3A_111 = tpu.memref_squeeze %dma_wait3A_110 : memref<1x128xi32, #tpu.memory_space<vmem>> -> memref<128xi32, #tpu.memory_space<vmem>>
    %dma_wait3A_112 = arith.constant 0 : i32
    %dma_wait3A_113 = arith.constant 0 : i32
    %dma_wait3A_114 = tpu.memref_slice %arg2[%dma_wait3A_112, %dma_wait3A_113] : memref<10000x16xf32, #tpu.memory_space<hbm>> -> memref<10000x16xf32, #tpu.memory_space<hbm>>
    tpu.wait_indirect_dma semaphore(%arg11 : memref<!tpu.dma_semaphore, #tpu.memory_space<semaphore_mem>>) src(%dma_wait3A_114 : memref<10000x16xf32, #tpu.memory_space<hbm>>) dst(%dma_wait3A_108 : memref<128x16xf32, #tpu.memory_space<vmem>>)
    %dma_start3A_115 = arith.constant 0 : i32
    %dma_start3A_116 = arith.constant 72 : i32
    %dma_start3A_117 = arith.constant 0 : i32
    %dma_start3A_118 = arith.constant 0 : i32
    %dma_start3A_119 = tpu.memref_slice %arg9[%dma_start3A_115, %dma_start3A_117, %dma_start3A_118] : memref<8x128x16xf32, #tpu.memory_space<vmem>> -> memref<1x128x16xf32, #tpu.memory_space<vmem>>
    %dma_start3A_120 = tpu.memref_squeeze %dma_start3A_119 : memref<1x128x16xf32, #tpu.memory_space<vmem>> -> memref<128x16xf32, #tpu.memory_space<vmem>>
    %dma_start3A_121 = arith.constant 0 : i32
    %dma_start3A_122 = tpu.memref_slice %arg8[%dma_start3A_116, %dma_start3A_121] : memref<80x128xi32, #tpu.memory_space<vmem>> -> memref<1x128xi32, #tpu.memory_space<vmem>>
    %dma_start3A_123 = tpu.memref_squeeze %dma_start3A_122 : memref<1x128xi32, #tpu.memory_space<vmem>> -> memref<128xi32, #tpu.memory_space<vmem>>
    %dma_start3A_124 = arith.constant 0 : i32
    %dma_start3A_125 = arith.constant 0 : i32
    %dma_start3A_126 = tpu.memref_slice %arg10[%dma_start3A_124, %dma_start3A_125] : memref<10240x16xf32, #tpu.memory_space<vmem_shared>> -> memref<10240x16xf32, #tpu.memory_space<vmem_shared>>
    tpu.enqueue_indirect_dma source(%dma_start3A_120 : memref<128x16xf32, #tpu.memory_space<vmem>>) target(%dma_start3A_126 : memref<10240x16xf32, #tpu.memory_space<vmem_shared>>) offsets(%dma_start3A_123 : memref<128xi32, #tpu.memory_space<vmem>>) semaphore(%arg19 : memref<!tpu.dma_semaphore, #tpu.memory_space<semaphore_mem>>) {add = true}
    %dma_wait3A_127 = arith.constant 1 : i32
    %dma_wait3A_128 = arith.constant 1 : i32
    %dma_wait3A_129 = arith.constant 0 : i32
    %dma_wait3A_130 = arith.constant 0 : i32
    %dma_wait3A_131 = tpu.memref_slice %arg9[%dma_wait3A_128, %dma_wait3A_129, %dma_wait3A_130] : memref<8x128x16xf32, #tpu.memory_space<vmem>> -> memref<1x128x16xf32, #tpu.memory_space<vmem>>
    %dma_wait3A_132 = tpu.memref_squeeze %dma_wait3A_131 : memref<1x128x16xf32, #tpu.memory_space<vmem>> -> memref<128x16xf32, #tpu.memory_space<vmem>>
    %dma_wait3A_133 = arith.constant 0 : i32
    %dma_wait3A_134 = tpu.memref_slice %arg7[%dma_wait3A_127, %dma_wait3A_133] : memref<80x128xi32, #tpu.memory_space<vmem>> -> memref<1x128xi32, #tpu.memory_space<vmem>>
    %dma_wait3A_135 = tpu.memref_squeeze %dma_wait3A_134 : memref<1x128xi32, #tpu.memory_space<vmem>> -> memref<128xi32, #tpu.memory_space<vmem>>
    %dma_wait3A_136 = arith.constant 0 : i32
    %dma_wait3A_137 = arith.constant 0 : i32
    %dma_wait3A_138 = tpu.memref_slice %arg2[%dma_wait3A_136, %dma_wait3A_137] : memref<10000x16xf32, #tpu.memory_space<hbm>> -> memref<10000x16xf32, #tpu.memory_space<hbm>>
    tpu.wait_indirect_dma semaphore(%arg12 : memref<!tpu.dma_semaphore, #tpu.memory_space<semaphore_mem>>) src(%dma_wait3A_138 : memref<10000x16xf32, #tpu.memory_space<hbm>>) dst(%dma_wait3A_132 : memref<128x16xf32, #tpu.memory_space<vmem>>)
    %dma_start3A_139 = arith.constant 1 : i32
    %dma_start3A_140 = arith.constant 73 : i32
    %dma_start3A_141 = arith.constant 0 : i32
    %dma_start3A_142 = arith.constant 0 : i32
    %dma_start3A_143 = tpu.memref_slice %arg9[%dma_start3A_139, %dma_start3A_141, %dma_start3A_142] : memref<8x128x16xf32, #tpu.memory_space<vmem>> -> memref<1x128x16xf32, #tpu.memory_space<vmem>>
    %dma_start3A_144 = tpu.memref_squeeze %dma_start3A_143 : memref<1x128x16xf32, #tpu.memory_space<vmem>> -> memref<128x16xf32, #tpu.memory_space<vmem>>
    %dma_start3A_145 = arith.constant 0 : i32
    %dma_start3A_146 = tpu.memref_slice %arg8[%dma_start3A_140, %dma_start3A_145] : memref<80x128xi32, #tpu.memory_space<vmem>> -> memref<1x128xi32, #tpu.memory_space<vmem>>
    %dma_start3A_147 = tpu.memref_squeeze %dma_start3A_146 : memref<1x128xi32, #tpu.memory_space<vmem>> -> memref<128xi32, #tpu.memory_space<vmem>>
    %dma_start3A_148 = arith.constant 0 : i32
    %dma_start3A_149 = arith.constant 0 : i32
    %dma_start3A_150 = tpu.memref_slice %arg10[%dma_start3A_148, %dma_start3A_149] : memref<10240x16xf32, #tpu.memory_space<vmem_shared>> -> memref<10240x16xf32, #tpu.memory_space<vmem_shared>>
    tpu.enqueue_indirect_dma source(%dma_start3A_144 : memref<128x16xf32, #tpu.memory_space<vmem>>) target(%dma_start3A_150 : memref<10240x16xf32, #tpu.memory_space<vmem_shared>>) offsets(%dma_start3A_147 : memref<128xi32, #tpu.memory_space<vmem>>) semaphore(%arg20 : memref<!tpu.dma_semaphore, #tpu.memory_space<semaphore_mem>>) {add = true}
    %dma_wait3A_151 = arith.constant 2 : i32
    %dma_wait3A_152 = arith.constant 2 : i32
    %dma_wait3A_153 = arith.constant 0 : i32
    %dma_wait3A_154 = arith.constant 0 : i32
    %dma_wait3A_155 = tpu.memref_slice %arg9[%dma_wait3A_152, %dma_wait3A_153, %dma_wait3A_154] : memref<8x128x16xf32, #tpu.memory_space<vmem>> -> memref<1x128x16xf32, #tpu.memory_space<vmem>>
    %dma_wait3A_156 = tpu.memref_squeeze %dma_wait3A_155 : memref<1x128x16xf32, #tpu.memory_space<vmem>> -> memref<128x16xf32, #tpu.memory_space<vmem>>
    %dma_wait3A_157 = arith.constant 0 : i32
    %dma_wait3A_158 = tpu.memref_slice %arg7[%dma_wait3A_151, %dma_wait3A_157] : memref<80x128xi32, #tpu.memory_space<vmem>> -> memref<1x128xi32, #tpu.memory_space<vmem>>
    %dma_wait3A_159 = tpu.memref_squeeze %dma_wait3A_158 : memref<1x128xi32, #tpu.memory_space<vmem>> -> memref<128xi32, #tpu.memory_space<vmem>>
    %dma_wait3A_160 = arith.constant 0 : i32
    %dma_wait3A_161 = arith.constant 0 : i32
    %dma_wait3A_162 = tpu.memref_slice %arg2[%dma_wait3A_160, %dma_wait3A_161] : memref<10000x16xf32, #tpu.memory_space<hbm>> -> memref<10000x16xf32, #tpu.memory_space<hbm>>
    tpu.wait_indirect_dma semaphore(%arg13 : memref<!tpu.dma_semaphore, #tpu.memory_space<semaphore_mem>>) src(%dma_wait3A_162 : memref<10000x16xf32, #tpu.memory_space<hbm>>) dst(%dma_wait3A_156 : memref<128x16xf32, #tpu.memory_space<vmem>>)
    %dma_start3A_163 = arith.constant 2 : i32
    %dma_start3A_164 = arith.constant 74 : i32
    %dma_start3A_165 = arith.constant 0 : i32
    %dma_start3A_166 = arith.constant 0 : i32
    %dma_start3A_167 = tpu.memref_slice %arg9[%dma_start3A_163, %dma_start3A_165, %dma_start3A_166] : memref<8x128x16xf32, #tpu.memory_space<vmem>> -> memref<1x128x16xf32, #tpu.memory_space<vmem>>
    %dma_start3A_168 = tpu.memref_squeeze %dma_start3A_167 : memref<1x128x16xf32, #tpu.memory_space<vmem>> -> memref<128x16xf32, #tpu.memory_space<vmem>>
    %dma_start3A_169 = arith.constant 0 : i32
    %dma_start3A_170 = tpu.memref_slice %arg8[%dma_start3A_164, %dma_start3A_169] : memref<80x128xi32, #tpu.memory_space<vmem>> -> memref<1x128xi32, #tpu.memory_space<vmem>>
    %dma_start3A_171 = tpu.memref_squeeze %dma_start3A_170 : memref<1x128xi32, #tpu.memory_space<vmem>> -> memref<128xi32, #tpu.memory_space<vmem>>
    %dma_start3A_172 = arith.constant 0 : i32
    %dma_start3A_173 = arith.constant 0 : i32
    %dma_start3A_174 = tpu.memref_slice %arg10[%dma_start3A_172, %dma_start3A_173] : memref<10240x16xf32, #tpu.memory_space<vmem_shared>> -> memref<10240x16xf32, #tpu.memory_space<vmem_shared>>
    tpu.enqueue_indirect_dma source(%dma_start3A_168 : memref<128x16xf32, #tpu.memory_space<vmem>>) target(%dma_start3A_174 : memref<10240x16xf32, #tpu.memory_space<vmem_shared>>) offsets(%dma_start3A_171 : memref<128xi32, #tpu.memory_space<vmem>>) semaphore(%arg21 : memref<!tpu.dma_semaphore, #tpu.memory_space<semaphore_mem>>) {add = true}
    %dma_wait3A_175 = arith.constant 3 : i32
    %dma_wait3A_176 = arith.constant 3 : i32
    %dma_wait3A_177 = arith.constant 0 : i32
    %dma_wait3A_178 = arith.constant 0 : i32
    %dma_wait3A_179 = tpu.memref_slice %arg9[%dma_wait3A_176, %dma_wait3A_177, %dma_wait3A_178] : memref<8x128x16xf32, #tpu.memory_space<vmem>> -> memref<1x128x16xf32, #tpu.memory_space<vmem>>
    %dma_wait3A_180 = tpu.memref_squeeze %dma_wait3A_179 : memref<1x128x16xf32, #tpu.memory_space<vmem>> -> memref<128x16xf32, #tpu.memory_space<vmem>>
    %dma_wait3A_181 = arith.constant 0 : i32
    %dma_wait3A_182 = tpu.memref_slice %arg7[%dma_wait3A_175, %dma_wait3A_181] : memref<80x128xi32, #tpu.memory_space<vmem>> -> memref<1x128xi32, #tpu.memory_space<vmem>>
    %dma_wait3A_183 = tpu.memref_squeeze %dma_wait3A_182 : memref<1x128xi32, #tpu.memory_space<vmem>> -> memref<128xi32, #tpu.memory_space<vmem>>
    %dma_wait3A_184 = arith.constant 0 : i32
    %dma_wait3A_185 = arith.constant 0 : i32
    %dma_wait3A_186 = tpu.memref_slice %arg2[%dma_wait3A_184, %dma_wait3A_185] : memref<10000x16xf32, #tpu.memory_space<hbm>> -> memref<10000x16xf32, #tpu.memory_space<hbm>>
    tpu.wait_indirect_dma semaphore(%arg14 : memref<!tpu.dma_semaphore, #tpu.memory_space<semaphore_mem>>) src(%dma_wait3A_186 : memref<10000x16xf32, #tpu.memory_space<hbm>>) dst(%dma_wait3A_180 : memref<128x16xf32, #tpu.memory_space<vmem>>)
    %dma_start3A_187 = arith.constant 3 : i32
    %dma_start3A_188 = arith.constant 75 : i32
    %dma_start3A_189 = arith.constant 0 : i32
    %dma_start3A_190 = arith.constant 0 : i32
    %dma_start3A_191 = tpu.memref_slice %arg9[%dma_start3A_187, %dma_start3A_189, %dma_start3A_190] : memref<8x128x16xf32, #tpu.memory_space<vmem>> -> memref<1x128x16xf32, #tpu.memory_space<vmem>>
    %dma_start3A_192 = tpu.memref_squeeze %dma_start3A_191 : memref<1x128x16xf32, #tpu.memory_space<vmem>> -> memref<128x16xf32, #tpu.memory_space<vmem>>
    %dma_start3A_193 = arith.constant 0 : i32
    %dma_start3A_194 = tpu.memref_slice %arg8[%dma_start3A_188, %dma_start3A_193] : memref<80x128xi32, #tpu.memory_space<vmem>> -> memref<1x128xi32, #tpu.memory_space<vmem>>
    %dma_start3A_195 = tpu.memref_squeeze %dma_start3A_194 : memref<1x128xi32, #tpu.memory_space<vmem>> -> memref<128xi32, #tpu.memory_space<vmem>>
    %dma_start3A_196 = arith.constant 0 : i32
    %dma_start3A_197 = arith.constant 0 : i32
    %dma_start3A_198 = tpu.memref_slice %arg10[%dma_start3A_196, %dma_start3A_197] : memref<10240x16xf32, #tpu.memory_space<vmem_shared>> -> memref<10240x16xf32, #tpu.memory_space<vmem_shared>>
    tpu.enqueue_indirect_dma source(%dma_start3A_192 : memref<128x16xf32, #tpu.memory_space<vmem>>) target(%dma_start3A_198 : memref<10240x16xf32, #tpu.memory_space<vmem_shared>>) offsets(%dma_start3A_195 : memref<128xi32, #tpu.memory_space<vmem>>) semaphore(%arg22 : memref<!tpu.dma_semaphore, #tpu.memory_space<semaphore_mem>>) {add = true}
    %dma_wait3A_199 = arith.constant 4 : i32
    %dma_wait3A_200 = arith.constant 4 : i32
    %dma_wait3A_201 = arith.constant 0 : i32
    %dma_wait3A_202 = arith.constant 0 : i32
    %dma_wait3A_203 = tpu.memref_slice %arg9[%dma_wait3A_200, %dma_wait3A_201, %dma_wait3A_202] : memref<8x128x16xf32, #tpu.memory_space<vmem>> -> memref<1x128x16xf32, #tpu.memory_space<vmem>>
    %dma_wait3A_204 = tpu.memref_squeeze %dma_wait3A_203 : memref<1x128x16xf32, #tpu.memory_space<vmem>> -> memref<128x16xf32, #tpu.memory_space<vmem>>
    %dma_wait3A_205 = arith.constant 0 : i32
    %dma_wait3A_206 = tpu.memref_slice %arg7[%dma_wait3A_199, %dma_wait3A_205] : memref<80x128xi32, #tpu.memory_space<vmem>> -> memref<1x128xi32, #tpu.memory_space<vmem>>
    %dma_wait3A_207 = tpu.memref_squeeze %dma_wait3A_206 : memref<1x128xi32, #tpu.memory_space<vmem>> -> memref<128xi32, #tpu.memory_space<vmem>>
    %dma_wait3A_208 = arith.constant 0 : i32
    %dma_wait3A_209 = arith.constant 0 : i32
    %dma_wait3A_210 = tpu.memref_slice %arg2[%dma_wait3A_208, %dma_wait3A_209] : memref<10000x16xf32, #tpu.memory_space<hbm>> -> memref<10000x16xf32, #tpu.memory_space<hbm>>
    tpu.wait_indirect_dma semaphore(%arg15 : memref<!tpu.dma_semaphore, #tpu.memory_space<semaphore_mem>>) src(%dma_wait3A_210 : memref<10000x16xf32, #tpu.memory_space<hbm>>) dst(%dma_wait3A_204 : memref<128x16xf32, #tpu.memory_space<vmem>>)
    %dma_start3A_211 = arith.constant 4 : i32
    %dma_start3A_212 = arith.constant 76 : i32
    %dma_start3A_213 = arith.constant 0 : i32
    %dma_start3A_214 = arith.constant 0 : i32
    %dma_start3A_215 = tpu.memref_slice %arg9[%dma_start3A_211, %dma_start3A_213, %dma_start3A_214] : memref<8x128x16xf32, #tpu.memory_space<vmem>> -> memref<1x128x16xf32, #tpu.memory_space<vmem>>
    %dma_start3A_216 = tpu.memref_squeeze %dma_start3A_215 : memref<1x128x16xf32, #tpu.memory_space<vmem>> -> memref<128x16xf32, #tpu.memory_space<vmem>>
    %dma_start3A_217 = arith.constant 0 : i32
    %dma_start3A_218 = tpu.memref_slice %arg8[%dma_start3A_212, %dma_start3A_217] : memref<80x128xi32, #tpu.memory_space<vmem>> -> memref<1x128xi32, #tpu.memory_space<vmem>>
    %dma_start3A_219 = tpu.memref_squeeze %dma_start3A_218 : memref<1x128xi32, #tpu.memory_space<vmem>> -> memref<128xi32, #tpu.memory_space<vmem>>
    %dma_start3A_220 = arith.constant 0 : i32
    %dma_start3A_221 = arith.constant 0 : i32
    %dma_start3A_222 = tpu.memref_slice %arg10[%dma_start3A_220, %dma_start3A_221] : memref<10240x16xf32, #tpu.memory_space<vmem_shared>> -> memref<10240x16xf32, #tpu.memory_space<vmem_shared>>
    tpu.enqueue_indirect_dma source(%dma_start3A_216 : memref<128x16xf32, #tpu.memory_space<vmem>>) target(%dma_start3A_222 : memref<10240x16xf32, #tpu.memory_space<vmem_shared>>) offsets(%dma_start3A_219 : memref<128xi32, #tpu.memory_space<vmem>>) semaphore(%arg23 : memref<!tpu.dma_semaphore, #tpu.memory_space<semaphore_mem>>) {add = true}
    %dma_wait3A_223 = arith.constant 5 : i32
    %dma_wait3A_224 = arith.constant 5 : i32
    %dma_wait3A_225 = arith.constant 0 : i32
    %dma_wait3A_226 = arith.constant 0 : i32
    %dma_wait3A_227 = tpu.memref_slice %arg9[%dma_wait3A_224, %dma_wait3A_225, %dma_wait3A_226] : memref<8x128x16xf32, #tpu.memory_space<vmem>> -> memref<1x128x16xf32, #tpu.memory_space<vmem>>
    %dma_wait3A_228 = tpu.memref_squeeze %dma_wait3A_227 : memref<1x128x16xf32, #tpu.memory_space<vmem>> -> memref<128x16xf32, #tpu.memory_space<vmem>>
    %dma_wait3A_229 = arith.constant 0 : i32
    %dma_wait3A_230 = tpu.memref_slice %arg7[%dma_wait3A_223, %dma_wait3A_229] : memref<80x128xi32, #tpu.memory_space<vmem>> -> memref<1x128xi32, #tpu.memory_space<vmem>>
    %dma_wait3A_231 = tpu.memref_squeeze %dma_wait3A_230 : memref<1x128xi32, #tpu.memory_space<vmem>> -> memref<128xi32, #tpu.memory_space<vmem>>
    %dma_wait3A_232 = arith.constant 0 : i32
    %dma_wait3A_233 = arith.constant 0 : i32
    %dma_wait3A_234 = tpu.memref_slice %arg2[%dma_wait3A_232, %dma_wait3A_233] : memref<10000x16xf32, #tpu.memory_space<hbm>> -> memref<10000x16xf32, #tpu.memory_space<hbm>>
    tpu.wait_indirect_dma semaphore(%arg16 : memref<!tpu.dma_semaphore, #tpu.memory_space<semaphore_mem>>) src(%dma_wait3A_234 : memref<10000x16xf32, #tpu.memory_space<hbm>>) dst(%dma_wait3A_228 : memref<128x16xf32, #tpu.memory_space<vmem>>)
    %dma_start3A_235 = arith.constant 5 : i32
    %dma_start3A_236 = arith.constant 77 : i32
    %dma_start3A_237 = arith.constant 0 : i32
    %dma_start3A_238 = arith.constant 0 : i32
    %dma_start3A_239 = tpu.memref_slice %arg9[%dma_start3A_235, %dma_start3A_237, %dma_start3A_238] : memref<8x128x16xf32, #tpu.memory_space<vmem>> -> memref<1x128x16xf32, #tpu.memory_space<vmem>>
    %dma_start3A_240 = tpu.memref_squeeze %dma_start3A_239 : memref<1x128x16xf32, #tpu.memory_space<vmem>> -> memref<128x16xf32, #tpu.memory_space<vmem>>
    %dma_start3A_241 = arith.constant 0 : i32
    %dma_start3A_242 = tpu.memref_slice %arg8[%dma_start3A_236, %dma_start3A_241] : memref<80x128xi32, #tpu.memory_space<vmem>> -> memref<1x128xi32, #tpu.memory_space<vmem>>
    %dma_start3A_243 = tpu.memref_squeeze %dma_start3A_242 : memref<1x128xi32, #tpu.memory_space<vmem>> -> memref<128xi32, #tpu.memory_space<vmem>>
    %dma_start3A_244 = arith.constant 0 : i32
    %dma_start3A_245 = arith.constant 0 : i32
    %dma_start3A_246 = tpu.memref_slice %arg10[%dma_start3A_244, %dma_start3A_245] : memref<10240x16xf32, #tpu.memory_space<vmem_shared>> -> memref<10240x16xf32, #tpu.memory_space<vmem_shared>>
    tpu.enqueue_indirect_dma source(%dma_start3A_240 : memref<128x16xf32, #tpu.memory_space<vmem>>) target(%dma_start3A_246 : memref<10240x16xf32, #tpu.memory_space<vmem_shared>>) offsets(%dma_start3A_243 : memref<128xi32, #tpu.memory_space<vmem>>) semaphore(%arg24 : memref<!tpu.dma_semaphore, #tpu.memory_space<semaphore_mem>>) {add = true}
    %dma_wait3A_247 = arith.constant 6 : i32
    %dma_wait3A_248 = arith.constant 6 : i32
    %dma_wait3A_249 = arith.constant 0 : i32
    %dma_wait3A_250 = arith.constant 0 : i32
    %dma_wait3A_251 = tpu.memref_slice %arg9[%dma_wait3A_248, %dma_wait3A_249, %dma_wait3A_250] : memref<8x128x16xf32, #tpu.memory_space<vmem>> -> memref<1x128x16xf32, #tpu.memory_space<vmem>>
    %dma_wait3A_252 = tpu.memref_squeeze %dma_wait3A_251 : memref<1x128x16xf32, #tpu.memory_space<vmem>> -> memref<128x16xf32, #tpu.memory_space<vmem>>
    %dma_wait3A_253 = arith.constant 0 : i32
    %dma_wait3A_254 = tpu.memref_slice %arg7[%dma_wait3A_247, %dma_wait3A_253] : memref<80x128xi32, #tpu.memory_space<vmem>> -> memref<1x128xi32, #tpu.memory_space<vmem>>
    %dma_wait3A_255 = tpu.memref_squeeze %dma_wait3A_254 : memref<1x128xi32, #tpu.memory_space<vmem>> -> memref<128xi32, #tpu.memory_space<vmem>>
    %dma_wait3A_256 = arith.constant 0 : i32
    %dma_wait3A_257 = arith.constant 0 : i32
    %dma_wait3A_258 = tpu.memref_slice %arg2[%dma_wait3A_256, %dma_wait3A_257] : memref<10000x16xf32, #tpu.memory_space<hbm>> -> memref<10000x16xf32, #tpu.memory_space<hbm>>
    tpu.wait_indirect_dma semaphore(%arg17 : memref<!tpu.dma_semaphore, #tpu.memory_space<semaphore_mem>>) src(%dma_wait3A_258 : memref<10000x16xf32, #tpu.memory_space<hbm>>) dst(%dma_wait3A_252 : memref<128x16xf32, #tpu.memory_space<vmem>>)
    %dma_start3A_259 = arith.constant 6 : i32
    %dma_start3A_260 = arith.constant 78 : i32
    %dma_start3A_261 = arith.constant 0 : i32
    %dma_start3A_262 = arith.constant 0 : i32
    %dma_start3A_263 = tpu.memref_slice %arg9[%dma_start3A_259, %dma_start3A_261, %dma_start3A_262] : memref<8x128x16xf32, #tpu.memory_space<vmem>> -> memref<1x128x16xf32, #tpu.memory_space<vmem>>
    %dma_start3A_264 = tpu.memref_squeeze %dma_start3A_263 : memref<1x128x16xf32, #tpu.memory_space<vmem>> -> memref<128x16xf32, #tpu.memory_space<vmem>>
    %dma_start3A_265 = arith.constant 0 : i32
    %dma_start3A_266 = tpu.memref_slice %arg8[%dma_start3A_260, %dma_start3A_265] : memref<80x128xi32, #tpu.memory_space<vmem>> -> memref<1x128xi32, #tpu.memory_space<vmem>>
    %dma_start3A_267 = tpu.memref_squeeze %dma_start3A_266 : memref<1x128xi32, #tpu.memory_space<vmem>> -> memref<128xi32, #tpu.memory_space<vmem>>
    %dma_start3A_268 = arith.constant 0 : i32
    %dma_start3A_269 = arith.constant 0 : i32
    %dma_start3A_270 = tpu.memref_slice %arg10[%dma_start3A_268, %dma_start3A_269] : memref<10240x16xf32, #tpu.memory_space<vmem_shared>> -> memref<10240x16xf32, #tpu.memory_space<vmem_shared>>
    tpu.enqueue_indirect_dma source(%dma_start3A_264 : memref<128x16xf32, #tpu.memory_space<vmem>>) target(%dma_start3A_270 : memref<10240x16xf32, #tpu.memory_space<vmem_shared>>) offsets(%dma_start3A_267 : memref<128xi32, #tpu.memory_space<vmem>>) semaphore(%arg25 : memref<!tpu.dma_semaphore, #tpu.memory_space<semaphore_mem>>) {add = true}
    %dma_wait3A_271 = arith.constant 7 : i32
    %dma_wait3A_272 = arith.constant 7 : i32
    %dma_wait3A_273 = arith.constant 0 : i32
    %dma_wait3A_274 = arith.constant 0 : i32
    %dma_wait3A_275 = tpu.memref_slice %arg9[%dma_wait3A_272, %dma_wait3A_273, %dma_wait3A_274] : memref<8x128x16xf32, #tpu.memory_space<vmem>> -> memref<1x128x16xf32, #tpu.memory_space<vmem>>
    %dma_wait3A_276 = tpu.memref_squeeze %dma_wait3A_275 : memref<1x128x16xf32, #tpu.memory_space<vmem>> -> memref<128x16xf32, #tpu.memory_space<vmem>>
    %dma_wait3A_277 = arith.constant 0 : i32
    %dma_wait3A_278 = tpu.memref_slice %arg7[%dma_wait3A_271, %dma_wait3A_277] : memref<80x128xi32, #tpu.memory_space<vmem>> -> memref<1x128xi32, #tpu.memory_space<vmem>>
    %dma_wait3A_279 = tpu.memref_squeeze %dma_wait3A_278 : memref<1x128xi32, #tpu.memory_space<vmem>> -> memref<128xi32, #tpu.memory_space<vmem>>
    %dma_wait3A_280 = arith.constant 0 : i32
    %dma_wait3A_281 = arith.constant 0 : i32
    %dma_wait3A_282 = tpu.memref_slice %arg2[%dma_wait3A_280, %dma_wait3A_281] : memref<10000x16xf32, #tpu.memory_space<hbm>> -> memref<10000x16xf32, #tpu.memory_space<hbm>>
    tpu.wait_indirect_dma semaphore(%arg18 : memref<!tpu.dma_semaphore, #tpu.memory_space<semaphore_mem>>) src(%dma_wait3A_282 : memref<10000x16xf32, #tpu.memory_space<hbm>>) dst(%dma_wait3A_276 : memref<128x16xf32, #tpu.memory_space<vmem>>)
    %dma_start3A_283 = arith.constant 7 : i32
    %dma_start3A_284 = arith.constant 79 : i32
    %dma_start3A_285 = arith.constant 0 : i32
    %dma_start3A_286 = arith.constant 0 : i32
    %dma_start3A_287 = tpu.memref_slice %arg9[%dma_start3A_283, %dma_start3A_285, %dma_start3A_286] : memref<8x128x16xf32, #tpu.memory_space<vmem>> -> memref<1x128x16xf32, #tpu.memory_space<vmem>>
    %dma_start3A_288 = tpu.memref_squeeze %dma_start3A_287 : memref<1x128x16xf32, #tpu.memory_space<vmem>> -> memref<128x16xf32, #tpu.memory_space<vmem>>
    %dma_start3A_289 = arith.constant 0 : i32
    %dma_start3A_290 = tpu.memref_slice %arg8[%dma_start3A_284, %dma_start3A_289] : memref<80x128xi32, #tpu.memory_space<vmem>> -> memref<1x128xi32, #tpu.memory_space<vmem>>
    %dma_start3A_291 = tpu.memref_squeeze %dma_start3A_290 : memref<1x128xi32, #tpu.memory_space<vmem>> -> memref<128xi32, #tpu.memory_space<vmem>>
    %dma_start3A_292 = arith.constant 0 : i32
    %dma_start3A_293 = arith.constant 0 : i32
    %dma_start3A_294 = tpu.memref_slice %arg10[%dma_start3A_292, %dma_start3A_293] : memref<10240x16xf32, #tpu.memory_space<vmem_shared>> -> memref<10240x16xf32, #tpu.memory_space<vmem_shared>>
    tpu.enqueue_indirect_dma source(%dma_start3A_288 : memref<128x16xf32, #tpu.memory_space<vmem>>) target(%dma_start3A_294 : memref<10240x16xf32, #tpu.memory_space<vmem_shared>>) offsets(%dma_start3A_291 : memref<128xi32, #tpu.memory_space<vmem>>) semaphore(%arg26 : memref<!tpu.dma_semaphore, #tpu.memory_space<semaphore_mem>>) {add = true}
    %dma_wait3A_295 = arith.constant 0 : i32
    %dma_wait3A_296 = arith.constant 0 : i32
    %dma_wait3A_297 = arith.constant 0 : i32
    %dma_wait3A_298 = arith.constant 0 : i32
    %dma_wait3A_299 = tpu.memref_slice %arg9[%dma_wait3A_295, %dma_wait3A_297, %dma_wait3A_298] : memref<8x128x16xf32, #tpu.memory_space<vmem>> -> memref<1x128x16xf32, #tpu.memory_space<vmem>>
    %dma_wait3A_300 = tpu.memref_squeeze %dma_wait3A_299 : memref<1x128x16xf32, #tpu.memory_space<vmem>> -> memref<128x16xf32, #tpu.memory_space<vmem>>
    %dma_wait3A_301 = arith.constant 0 : i32
    %dma_wait3A_302 = tpu.memref_slice %arg8[%dma_wait3A_296, %dma_wait3A_301] : memref<80x128xi32, #tpu.memory_space<vmem>> -> memref<1x128xi32, #tpu.memory_space<vmem>>
    %dma_wait3A_303 = tpu.memref_squeeze %dma_wait3A_302 : memref<1x128xi32, #tpu.memory_space<vmem>> -> memref<128xi32, #tpu.memory_space<vmem>>
    %dma_wait3A_304 = arith.constant 0 : i32
    %dma_wait3A_305 = arith.constant 0 : i32
    %dma_wait3A_306 = tpu.memref_slice %arg10[%dma_wait3A_304, %dma_wait3A_305] : memref<10240x16xf32, #tpu.memory_space<vmem_shared>> -> memref<10240x16xf32, #tpu.memory_space<vmem_shared>>
    tpu.wait_indirect_dma semaphore(%arg19 : memref<!tpu.dma_semaphore, #tpu.memory_space<semaphore_mem>>) src(%dma_wait3A_300 : memref<128x16xf32, #tpu.memory_space<vmem>>) dst(%dma_wait3A_306 : memref<10240x16xf32, #tpu.memory_space<vmem_shared>>)
    %dma_wait3A_307 = arith.constant 1 : i32
    %dma_wait3A_308 = arith.constant 0 : i32
    %dma_wait3A_309 = arith.constant 0 : i32
    %dma_wait3A_310 = arith.constant 0 : i32
    %dma_wait3A_311 = tpu.memref_slice %arg9[%dma_wait3A_307, %dma_wait3A_309, %dma_wait3A_310] : memref<8x128x16xf32, #tpu.memory_space<vmem>> -> memref<1x128x16xf32, #tpu.memory_space<vmem>>
    %dma_wait3A_312 = tpu.memref_squeeze %dma_wait3A_311 : memref<1x128x16xf32, #tpu.memory_space<vmem>> -> memref<128x16xf32, #tpu.memory_space<vmem>>
    %dma_wait3A_313 = arith.constant 0 : i32
    %dma_wait3A_314 = tpu.memref_slice %arg8[%dma_wait3A_308, %dma_wait3A_313] : memref<80x128xi32, #tpu.memory_space<vmem>> -> memref<1x128xi32, #tpu.memory_space<vmem>>
    %dma_wait3A_315 = tpu.memref_squeeze %dma_wait3A_314 : memref<1x128xi32, #tpu.memory_space<vmem>> -> memref<128xi32, #tpu.memory_space<vmem>>
    %dma_wait3A_316 = arith.constant 0 : i32
    %dma_wait3A_317 = arith.constant 0 : i32
    %dma_wait3A_318 = tpu.memref_slice %arg10[%dma_wait3A_316, %dma_wait3A_317] : memref<10240x16xf32, #tpu.memory_space<vmem_shared>> -> memref<10240x16xf32, #tpu.memory_space<vmem_shared>>
    tpu.wait_indirect_dma semaphore(%arg20 : memref<!tpu.dma_semaphore, #tpu.memory_space<semaphore_mem>>) src(%dma_wait3A_312 : memref<128x16xf32, #tpu.memory_space<vmem>>) dst(%dma_wait3A_318 : memref<10240x16xf32, #tpu.memory_space<vmem_shared>>)
    %dma_wait3A_319 = arith.constant 2 : i32
    %dma_wait3A_320 = arith.constant 0 : i32
    %dma_wait3A_321 = arith.constant 0 : i32
    %dma_wait3A_322 = arith.constant 0 : i32
    %dma_wait3A_323 = tpu.memref_slice %arg9[%dma_wait3A_319, %dma_wait3A_321, %dma_wait3A_322] : memref<8x128x16xf32, #tpu.memory_space<vmem>> -> memref<1x128x16xf32, #tpu.memory_space<vmem>>
    %dma_wait3A_324 = tpu.memref_squeeze %dma_wait3A_323 : memref<1x128x16xf32, #tpu.memory_space<vmem>> -> memref<128x16xf32, #tpu.memory_space<vmem>>
    %dma_wait3A_325 = arith.constant 0 : i32
    %dma_wait3A_326 = tpu.memref_slice %arg8[%dma_wait3A_320, %dma_wait3A_325] : memref<80x128xi32, #tpu.memory_space<vmem>> -> memref<1x128xi32, #tpu.memory_space<vmem>>
    %dma_wait3A_327 = tpu.memref_squeeze %dma_wait3A_326 : memref<1x128xi32, #tpu.memory_space<vmem>> -> memref<128xi32, #tpu.memory_space<vmem>>
    %dma_wait3A_328 = arith.constant 0 : i32
    %dma_wait3A_329 = arith.constant 0 : i32
    %dma_wait3A_330 = tpu.memref_slice %arg10[%dma_wait3A_328, %dma_wait3A_329] : memref<10240x16xf32, #tpu.memory_space<vmem_shared>> -> memref<10240x16xf32, #tpu.memory_space<vmem_shared>>
    tpu.wait_indirect_dma semaphore(%arg21 : memref<!tpu.dma_semaphore, #tpu.memory_space<semaphore_mem>>) src(%dma_wait3A_324 : memref<128x16xf32, #tpu.memory_space<vmem>>) dst(%dma_wait3A_330 : memref<10240x16xf32, #tpu.memory_space<vmem_shared>>)
    %dma_wait3A_331 = arith.constant 3 : i32
    %dma_wait3A_332 = arith.constant 0 : i32
    %dma_wait3A_333 = arith.constant 0 : i32
    %dma_wait3A_334 = arith.constant 0 : i32
    %dma_wait3A_335 = tpu.memref_slice %arg9[%dma_wait3A_331, %dma_wait3A_333, %dma_wait3A_334] : memref<8x128x16xf32, #tpu.memory_space<vmem>> -> memref<1x128x16xf32, #tpu.memory_space<vmem>>
    %dma_wait3A_336 = tpu.memref_squeeze %dma_wait3A_335 : memref<1x128x16xf32, #tpu.memory_space<vmem>> -> memref<128x16xf32, #tpu.memory_space<vmem>>
    %dma_wait3A_337 = arith.constant 0 : i32
    %dma_wait3A_338 = tpu.memref_slice %arg8[%dma_wait3A_332, %dma_wait3A_337] : memref<80x128xi32, #tpu.memory_space<vmem>> -> memref<1x128xi32, #tpu.memory_space<vmem>>
    %dma_wait3A_339 = tpu.memref_squeeze %dma_wait3A_338 : memref<1x128xi32, #tpu.memory_space<vmem>> -> memref<128xi32, #tpu.memory_space<vmem>>
    %dma_wait3A_340 = arith.constant 0 : i32
    %dma_wait3A_341 = arith.constant 0 : i32
    %dma_wait3A_342 = tpu.memref_slice %arg10[%dma_wait3A_340, %dma_wait3A_341] : memref<10240x16xf32, #tpu.memory_space<vmem_shared>> -> memref<10240x16xf32, #tpu.memory_space<vmem_shared>>
    tpu.wait_indirect_dma semaphore(%arg22 : memref<!tpu.dma_semaphore, #tpu.memory_space<semaphore_mem>>) src(%dma_wait3A_336 : memref<128x16xf32, #tpu.memory_space<vmem>>) dst(%dma_wait3A_342 : memref<10240x16xf32, #tpu.memory_space<vmem_shared>>)
    %dma_wait3A_343 = arith.constant 4 : i32
    %dma_wait3A_344 = arith.constant 0 : i32
    %dma_wait3A_345 = arith.constant 0 : i32
    %dma_wait3A_346 = arith.constant 0 : i32
    %dma_wait3A_347 = tpu.memref_slice %arg9[%dma_wait3A_343, %dma_wait3A_345, %dma_wait3A_346] : memref<8x128x16xf32, #tpu.memory_space<vmem>> -> memref<1x128x16xf32, #tpu.memory_space<vmem>>
    %dma_wait3A_348 = tpu.memref_squeeze %dma_wait3A_347 : memref<1x128x16xf32, #tpu.memory_space<vmem>> -> memref<128x16xf32, #tpu.memory_space<vmem>>
    %dma_wait3A_349 = arith.constant 0 : i32
    %dma_wait3A_350 = tpu.memref_slice %arg8[%dma_wait3A_344, %dma_wait3A_349] : memref<80x128xi32, #tpu.memory_space<vmem>> -> memref<1x128xi32, #tpu.memory_space<vmem>>
    %dma_wait3A_351 = tpu.memref_squeeze %dma_wait3A_350 : memref<1x128xi32, #tpu.memory_space<vmem>> -> memref<128xi32, #tpu.memory_space<vmem>>
    %dma_wait3A_352 = arith.constant 0 : i32
    %dma_wait3A_353 = arith.constant 0 : i32
    %dma_wait3A_354 = tpu.memref_slice %arg10[%dma_wait3A_352, %dma_wait3A_353] : memref<10240x16xf32, #tpu.memory_space<vmem_shared>> -> memref<10240x16xf32, #tpu.memory_space<vmem_shared>>
    tpu.wait_indirect_dma semaphore(%arg23 : memref<!tpu.dma_semaphore, #tpu.memory_space<semaphore_mem>>) src(%dma_wait3A_348 : memref<128x16xf32, #tpu.memory_space<vmem>>) dst(%dma_wait3A_354 : memref<10240x16xf32, #tpu.memory_space<vmem_shared>>)
    %dma_wait3A_355 = arith.constant 5 : i32
    %dma_wait3A_356 = arith.constant 0 : i32
    %dma_wait3A_357 = arith.constant 0 : i32
    %dma_wait3A_358 = arith.constant 0 : i32
    %dma_wait3A_359 = tpu.memref_slice %arg9[%dma_wait3A_355, %dma_wait3A_357, %dma_wait3A_358] : memref<8x128x16xf32, #tpu.memory_space<vmem>> -> memref<1x128x16xf32, #tpu.memory_space<vmem>>
    %dma_wait3A_360 = tpu.memref_squeeze %dma_wait3A_359 : memref<1x128x16xf32, #tpu.memory_space<vmem>> -> memref<128x16xf32, #tpu.memory_space<vmem>>
    %dma_wait3A_361 = arith.constant 0 : i32
    %dma_wait3A_362 = tpu.memref_slice %arg8[%dma_wait3A_356, %dma_wait3A_361] : memref<80x128xi32, #tpu.memory_space<vmem>> -> memref<1x128xi32, #tpu.memory_space<vmem>>
    %dma_wait3A_363 = tpu.memref_squeeze %dma_wait3A_362 : memref<1x128xi32, #tpu.memory_space<vmem>> -> memref<128xi32, #tpu.memory_space<vmem>>
    %dma_wait3A_364 = arith.constant 0 : i32
    %dma_wait3A_365 = arith.constant 0 : i32
    %dma_wait3A_366 = tpu.memref_slice %arg10[%dma_wait3A_364, %dma_wait3A_365] : memref<10240x16xf32, #tpu.memory_space<vmem_shared>> -> memref<10240x16xf32, #tpu.memory_space<vmem_shared>>
    tpu.wait_indirect_dma semaphore(%arg24 : memref<!tpu.dma_semaphore, #tpu.memory_space<semaphore_mem>>) src(%dma_wait3A_360 : memref<128x16xf32, #tpu.memory_space<vmem>>) dst(%dma_wait3A_366 : memref<10240x16xf32, #tpu.memory_space<vmem_shared>>)
    %dma_wait3A_367 = arith.constant 6 : i32
    %dma_wait3A_368 = arith.constant 0 : i32
    %dma_wait3A_369 = arith.constant 0 : i32
    %dma_wait3A_370 = arith.constant 0 : i32
    %dma_wait3A_371 = tpu.memref_slice %arg9[%dma_wait3A_367, %dma_wait3A_369, %dma_wait3A_370] : memref<8x128x16xf32, #tpu.memory_space<vmem>> -> memref<1x128x16xf32, #tpu.memory_space<vmem>>
    %dma_wait3A_372 = tpu.memref_squeeze %dma_wait3A_371 : memref<1x128x16xf32, #tpu.memory_space<vmem>> -> memref<128x16xf32, #tpu.memory_space<vmem>>
    %dma_wait3A_373 = arith.constant 0 : i32
    %dma_wait3A_374 = tpu.memref_slice %arg8[%dma_wait3A_368, %dma_wait3A_373] : memref<80x128xi32, #tpu.memory_space<vmem>> -> memref<1x128xi32, #tpu.memory_space<vmem>>
    %dma_wait3A_375 = tpu.memref_squeeze %dma_wait3A_374 : memref<1x128xi32, #tpu.memory_space<vmem>> -> memref<128xi32, #tpu.memory_space<vmem>>
    %dma_wait3A_376 = arith.constant 0 : i32
    %dma_wait3A_377 = arith.constant 0 : i32
    %dma_wait3A_378 = tpu.memref_slice %arg10[%dma_wait3A_376, %dma_wait3A_377] : memref<10240x16xf32, #tpu.memory_space<vmem_shared>> -> memref<10240x16xf32, #tpu.memory_space<vmem_shared>>
    tpu.wait_indirect_dma semaphore(%arg25 : memref<!tpu.dma_semaphore, #tpu.memory_space<semaphore_mem>>) src(%dma_wait3A_372 : memref<128x16xf32, #tpu.memory_space<vmem>>) dst(%dma_wait3A_378 : memref<10240x16xf32, #tpu.memory_space<vmem_shared>>)
    %dma_wait3A_379 = arith.constant 7 : i32
    %dma_wait3A_380 = arith.constant 0 : i32
    %dma_wait3A_381 = arith.constant 0 : i32
    %dma_wait3A_382 = arith.constant 0 : i32
    %dma_wait3A_383 = tpu.memref_slice %arg9[%dma_wait3A_379, %dma_wait3A_381, %dma_wait3A_382] : memref<8x128x16xf32, #tpu.memory_space<vmem>> -> memref<1x128x16xf32, #tpu.memory_space<vmem>>
    %dma_wait3A_384 = tpu.memref_squeeze %dma_wait3A_383 : memref<1x128x16xf32, #tpu.memory_space<vmem>> -> memref<128x16xf32, #tpu.memory_space<vmem>>
    %dma_wait3A_385 = arith.constant 0 : i32
    %dma_wait3A_386 = tpu.memref_slice %arg8[%dma_wait3A_380, %dma_wait3A_385] : memref<80x128xi32, #tpu.memory_space<vmem>> -> memref<1x128xi32, #tpu.memory_space<vmem>>
    %dma_wait3A_387 = tpu.memref_squeeze %dma_wait3A_386 : memref<1x128xi32, #tpu.memory_space<vmem>> -> memref<128xi32, #tpu.memory_space<vmem>>
    %dma_wait3A_388 = arith.constant 0 : i32
    %dma_wait3A_389 = arith.constant 0 : i32
    %dma_wait3A_390 = tpu.memref_slice %arg10[%dma_wait3A_388, %dma_wait3A_389] : memref<10240x16xf32, #tpu.memory_space<vmem_shared>> -> memref<10240x16xf32, #tpu.memory_space<vmem_shared>>
    tpu.wait_indirect_dma semaphore(%arg26 : memref<!tpu.dma_semaphore, #tpu.memory_space<semaphore_mem>>) src(%dma_wait3A_384 : memref<128x16xf32, #tpu.memory_space<vmem>>) dst(%dma_wait3A_390 : memref<10240x16xf32, #tpu.memory_space<vmem_shared>>)
    %barrier3A_391 = arith.constant 0 : index
    tpu.barrier barrier_id(%barrier3A_391)
    %mul3A_392 = arith.constant 640 : i32
    %mul3A_393 = arith.muli %arg1, %mul3A_392 : i32
    %mul3A_394 = arith.constant 640 : i32
    %mul3A_395 = arith.muli %arg1, %mul3A_394 : i32
    "tpu.region"() ({
      %run_scoped3A = tpu.sem_alloc : memref<!tpu.dma_semaphore, #tpu.memory_space<semaphore_mem>>
      %dma_start3A_396 = arith.constant 0 : i32
      %dma_start3A_397 = tpu.memref_slice %arg6[%arg0, %mul3A_395, %dma_start3A_396] : memref<2x10240x16xf32, #tpu.memory_space<hbm>> -> memref<1x640x16xf32, #tpu.memory_space<hbm>>
      %dma_start3A_398 = tpu.memref_squeeze %dma_start3A_397 : memref<1x640x16xf32, #tpu.memory_space<hbm>> -> memref<640x16xf32, #tpu.memory_space<hbm>>
      %dma_start3A_399 = arith.constant 0 : i32
      %dma_start3A_400 = tpu.memref_slice %arg10[%mul3A_393, %dma_start3A_399] : memref<10240x16xf32, #tpu.memory_space<vmem_shared>> -> memref<640x16xf32, #tpu.memory_space<vmem_shared>>
      tpu.enqueue_dma source(%dma_start3A_400 : memref<640x16xf32, #tpu.memory_space<vmem_shared>>) target(%dma_start3A_398 : memref<640x16xf32, #tpu.memory_space<hbm>>) target_semaphore(%run_scoped3A : memref<!tpu.dma_semaphore, #tpu.memory_space<semaphore_mem>>)
      %dma_wait3A_401 = arith.constant 0 : i32
      %dma_wait3A_402 = tpu.memref_slice %arg6[%arg0, %mul3A_395, %dma_wait3A_401] : memref<2x10240x16xf32, #tpu.memory_space<hbm>> -> memref<1x640x16xf32, #tpu.memory_space<hbm>>
      %dma_wait3A_403 = tpu.memref_squeeze %dma_wait3A_402 : memref<1x640x16xf32, #tpu.memory_space<hbm>> -> memref<640x16xf32, #tpu.memory_space<hbm>>
      %dma_wait3A_404 = arith.constant 0 : i32
      %dma_wait3A_405 = tpu.memref_slice %arg10[%mul3A_393, %dma_wait3A_404] : memref<10240x16xf32, #tpu.memory_space<vmem_shared>> -> memref<640x16xf32, #tpu.memory_space<vmem_shared>>
      tpu.wait_dma2 semaphore(%run_scoped3A : memref<!tpu.dma_semaphore, #tpu.memory_space<semaphore_mem>>) src(%dma_wait3A_405 : memref<640x16xf32, #tpu.memory_space<vmem_shared>>) dst(%dma_wait3A_403 : memref<640x16xf32, #tpu.memory_space<hbm>>)
      tpu.yield
    }) : () -> ()
    return
  }
}

#map = affine_map<(d0, d1) -> (0, 0)>
#map1 = affine_map<(d0, d1) -> (0, 0, 0)>
module attributes {stable_mosaic.version = 14 : i64} {
  func.func @k(%arg0: i32, %arg1: i32, %arg2: memref<10000x32xf32, #tpu.memory_space<hbm>>, %arg3: memref<32x80x128xi32, #tpu.memory_space<hbm>>, %arg4: memref<32x80x128xi32, #tpu.memory_space<hbm>>, %arg5: memref<640x32xf32, #tpu.memory_space<hbm>>, %arg6: memref<2x10240x32xf32, #tpu.memory_space<hbm>>, %arg7: memref<80x128xi32, #tpu.memory_space<vmem>>, %arg8: memref<80x128xi32, #tpu.memory_space<vmem>>, %arg9: memref<8x128x32xf32, #tpu.memory_space<vmem>>, %arg10: memref<10240x32xf32, #tpu.memory_space<vmem_shared>>, %arg11: memref<!tpu.dma_semaphore, #tpu.memory_space<semaphore_mem>>, %arg12: memref<!tpu.dma_semaphore, #tpu.memory_space<semaphore_mem>>, %arg13: memref<!tpu.dma_semaphore, #tpu.memory_space<semaphore_mem>>, %arg14: memref<!tpu.dma_semaphore, #tpu.memory_space<semaphore_mem>>, %arg15: memref<!tpu.dma_semaphore, #tpu.memory_space<semaphore_mem>>, %arg16: memref<!tpu.dma_semaphore, #tpu.memory_space<semaphore_mem>>, %arg17: memref<!tpu.dma_semaphore, #tpu.memory_space<semaphore_mem>>, %arg18: memref<!tpu.dma_semaphore, #tpu.memory_space<semaphore_mem>>, %arg19: memref<!tpu.dma_semaphore, #tpu.memory_space<semaphore_mem>>, %arg20: memref<!tpu.dma_semaphore, #tpu.memory_space<semaphore_mem>>, %arg21: memref<!tpu.dma_semaphore, #tpu.memory_space<semaphore_mem>>, %arg22: memref<!tpu.dma_semaphore, #tpu.memory_space<semaphore_mem>>, %arg23: memref<!tpu.dma_semaphore, #tpu.memory_space<semaphore_mem>>, %arg24: memref<!tpu.dma_semaphore, #tpu.memory_space<semaphore_mem>>, %arg25: memref<!tpu.dma_semaphore, #tpu.memory_space<semaphore_mem>>, %arg26: memref<!tpu.dma_semaphore, #tpu.memory_space<semaphore_mem>>) attributes {dimension_semantics = [#tpu.dimension_semantics<core_parallel>, #tpu.dimension_semantics<subcore_parallel>], iteration_bounds = array<i64: 2, 16>, scalar_prefetch = 0 : i64, scratch_operands = 20 : i64, tpu.core_type = #tpu.core_type<sc_vector_subcore>, window_params = [{transform_indices = #map}, {transform_indices = #map1}, {transform_indices = #map1}, {transform_indices = #map}, {transform_indices = #map1}]} {
    %mul3A = arith.constant 16 : i32
    %mul3A_0 = arith.muli %arg0, %mul3A : i32
    %add3A = arith.addi %mul3A_0, %arg1 : i32
    "tpu.region"() ({
      %run_scoped3A = tpu.sem_alloc : memref<!tpu.dma_semaphore, #tpu.memory_space<semaphore_mem>>
      %dma_start3A_396 = arith.constant 0 : i32
      %dma_start3A_397 = arith.constant 0 : i32
      %dma_start3A_398 = tpu.memref_slice %arg3[%add3A, %dma_start3A_396, %dma_start3A_397] : memref<32x80x128xi32, #tpu.memory_space<hbm>> -> memref<1x80x128xi32, #tpu.memory_space<hbm>>
      %dma_start3A_399 = tpu.memref_squeeze %dma_start3A_398 : memref<1x80x128xi32, #tpu.memory_space<hbm>> -> memref<80x128xi32, #tpu.memory_space<hbm>>
      %dma_start3A_400 = arith.constant 0 : i32
      %dma_start3A_401 = arith.constant 0 : i32
      %dma_start3A_402 = tpu.memref_slice %arg3[%add3A, %dma_start3A_400, %dma_start3A_401] : memref<32x80x128xi32, #tpu.memory_space<hbm>> -> memref<1x80x128xi32, #tpu.memory_space<hbm>>
      %dma_start3A_403 = tpu.memref_squeeze %dma_start3A_402 : memref<1x80x128xi32, #tpu.memory_space<hbm>> -> memref<80x128xi32, #tpu.memory_space<hbm>>
      tpu.enqueue_dma source(%dma_start3A_403 : memref<80x128xi32, #tpu.memory_space<hbm>>) target(%arg7 : memref<80x128xi32, #tpu.memory_space<vmem>>) target_semaphore(%run_scoped3A : memref<!tpu.dma_semaphore, #tpu.memory_space<semaphore_mem>>)
      %dma_wait3A_404 = arith.constant 0 : i32
      %dma_wait3A_405 = arith.constant 0 : i32
      %dma_wait3A_406 = tpu.memref_slice %arg3[%add3A, %dma_wait3A_404, %dma_wait3A_405] : memref<32x80x128xi32, #tpu.memory_space<hbm>> -> memref<1x80x128xi32, #tpu.memory_space<hbm>>
      %dma_wait3A_407 = tpu.memref_squeeze %dma_wait3A_406 : memref<1x80x128xi32, #tpu.memory_space<hbm>> -> memref<80x128xi32, #tpu.memory_space<hbm>>
      %dma_wait3A_408 = arith.constant 0 : i32
      %dma_wait3A_409 = arith.constant 0 : i32
      %dma_wait3A_410 = tpu.memref_slice %arg3[%add3A, %dma_wait3A_408, %dma_wait3A_409] : memref<32x80x128xi32, #tpu.memory_space<hbm>> -> memref<1x80x128xi32, #tpu.memory_space<hbm>>
      %dma_wait3A_411 = tpu.memref_squeeze %dma_wait3A_410 : memref<1x80x128xi32, #tpu.memory_space<hbm>> -> memref<80x128xi32, #tpu.memory_space<hbm>>
      tpu.wait_dma2 semaphore(%run_scoped3A : memref<!tpu.dma_semaphore, #tpu.memory_space<semaphore_mem>>) src(%dma_wait3A_411 : memref<80x128xi32, #tpu.memory_space<hbm>>) dst(%arg7 : memref<80x128xi32, #tpu.memory_space<vmem>>)
      tpu.yield
    }) : () -> ()
    "tpu.region"() ({
      %run_scoped3A = tpu.sem_alloc : memref<!tpu.dma_semaphore, #tpu.memory_space<semaphore_mem>>
      %dma_start3A_396 = arith.constant 0 : i32
      %dma_start3A_397 = arith.constant 0 : i32
      %dma_start3A_398 = tpu.memref_slice %arg4[%add3A, %dma_start3A_396, %dma_start3A_397] : memref<32x80x128xi32, #tpu.memory_space<hbm>> -> memref<1x80x128xi32, #tpu.memory_space<hbm>>
      %dma_start3A_399 = tpu.memref_squeeze %dma_start3A_398 : memref<1x80x128xi32, #tpu.memory_space<hbm>> -> memref<80x128xi32, #tpu.memory_space<hbm>>
      %dma_start3A_400 = arith.constant 0 : i32
      %dma_start3A_401 = arith.constant 0 : i32
      %dma_start3A_402 = tpu.memref_slice %arg4[%add3A, %dma_start3A_400, %dma_start3A_401] : memref<32x80x128xi32, #tpu.memory_space<hbm>> -> memref<1x80x128xi32, #tpu.memory_space<hbm>>
      %dma_start3A_403 = tpu.memref_squeeze %dma_start3A_402 : memref<1x80x128xi32, #tpu.memory_space<hbm>> -> memref<80x128xi32, #tpu.memory_space<hbm>>
      tpu.enqueue_dma source(%dma_start3A_403 : memref<80x128xi32, #tpu.memory_space<hbm>>) target(%arg8 : memref<80x128xi32, #tpu.memory_space<vmem>>) target_semaphore(%run_scoped3A : memref<!tpu.dma_semaphore, #tpu.memory_space<semaphore_mem>>)
      %dma_wait3A_404 = arith.constant 0 : i32
      %dma_wait3A_405 = arith.constant 0 : i32
      %dma_wait3A_406 = tpu.memref_slice %arg4[%add3A, %dma_wait3A_404, %dma_wait3A_405] : memref<32x80x128xi32, #tpu.memory_space<hbm>> -> memref<1x80x128xi32, #tpu.memory_space<hbm>>
      %dma_wait3A_407 = tpu.memref_squeeze %dma_wait3A_406 : memref<1x80x128xi32, #tpu.memory_space<hbm>> -> memref<80x128xi32, #tpu.memory_space<hbm>>
      %dma_wait3A_408 = arith.constant 0 : i32
      %dma_wait3A_409 = arith.constant 0 : i32
      %dma_wait3A_410 = tpu.memref_slice %arg4[%add3A, %dma_wait3A_408, %dma_wait3A_409] : memref<32x80x128xi32, #tpu.memory_space<hbm>> -> memref<1x80x128xi32, #tpu.memory_space<hbm>>
      %dma_wait3A_411 = tpu.memref_squeeze %dma_wait3A_410 : memref<1x80x128xi32, #tpu.memory_space<hbm>> -> memref<80x128xi32, #tpu.memory_space<hbm>>
      tpu.wait_dma2 semaphore(%run_scoped3A : memref<!tpu.dma_semaphore, #tpu.memory_space<semaphore_mem>>) src(%dma_wait3A_411 : memref<80x128xi32, #tpu.memory_space<hbm>>) dst(%arg8 : memref<80x128xi32, #tpu.memory_space<vmem>>)
      tpu.yield
    }) : () -> ()
    %mul3A_1 = arith.constant 640 : i32
    %mul3A_2 = arith.muli %arg1, %mul3A_1 : i32
    "tpu.region"() ({
      %run_scoped3A = tpu.sem_alloc : memref<!tpu.dma_semaphore, #tpu.memory_space<semaphore_mem>>
      %dma_start3A_396 = arith.constant 0 : i32
      %dma_start3A_397 = tpu.memref_slice %arg10[%mul3A_2, %dma_start3A_396] : memref<10240x32xf32, #tpu.memory_space<vmem_shared>> -> memref<640x32xf32, #tpu.memory_space<vmem_shared>>
      tpu.enqueue_dma source(%arg5 : memref<640x32xf32, #tpu.memory_space<hbm>>) target(%dma_start3A_397 : memref<640x32xf32, #tpu.memory_space<vmem_shared>>) target_semaphore(%run_scoped3A : memref<!tpu.dma_semaphore, #tpu.memory_space<semaphore_mem>>)
      %dma_wait3A_398 = arith.constant 0 : i32
      %dma_wait3A_399 = tpu.memref_slice %arg10[%mul3A_2, %dma_wait3A_398] : memref<10240x32xf32, #tpu.memory_space<vmem_shared>> -> memref<640x32xf32, #tpu.memory_space<vmem_shared>>
      tpu.wait_dma2 semaphore(%run_scoped3A : memref<!tpu.dma_semaphore, #tpu.memory_space<semaphore_mem>>) src(%arg5 : memref<640x32xf32, #tpu.memory_space<hbm>>) dst(%dma_wait3A_399 : memref<640x32xf32, #tpu.memory_space<vmem_shared>>)
      tpu.yield
    }) : () -> ()
    %barrier3A = arith.constant 0 : index
    tpu.barrier barrier_id(%barrier3A)
    %dma_start3A = arith.constant 0 : i32
    %dma_start3A_3 = arith.constant 0 : i32
    %dma_start3A_4 = arith.constant 0 : i32
    %dma_start3A_5 = arith.constant 0 : i32
    %dma_start3A_6 = tpu.memref_slice %arg9[%dma_start3A_3, %dma_start3A_4, %dma_start3A_5] : memref<8x128x32xf32, #tpu.memory_space<vmem>> -> memref<1x128x32xf32, #tpu.memory_space<vmem>>
    %dma_start3A_7 = tpu.memref_squeeze %dma_start3A_6 : memref<1x128x32xf32, #tpu.memory_space<vmem>> -> memref<128x32xf32, #tpu.memory_space<vmem>>
    %dma_start3A_8 = arith.constant 0 : i32
    %dma_start3A_9 = tpu.memref_slice %arg7[%dma_start3A, %dma_start3A_8] : memref<80x128xi32, #tpu.memory_space<vmem>> -> memref<1x128xi32, #tpu.memory_space<vmem>>
    %dma_start3A_10 = tpu.memref_squeeze %dma_start3A_9 : memref<1x128xi32, #tpu.memory_space<vmem>> -> memref<128xi32, #tpu.memory_space<vmem>>
    %dma_start3A_11 = arith.constant 0 : i32
    %dma_start3A_12 = arith.constant 0 : i32
    %dma_start3A_13 = tpu.memref_slice %arg2[%dma_start3A_11, %dma_start3A_12] : memref<10000x32xf32, #tpu.memory_space<hbm>> -> memref<10000x32xf32, #tpu.memory_space<hbm>>
    tpu.enqueue_indirect_dma source(%dma_start3A_13 : memref<10000x32xf32, #tpu.memory_space<hbm>>) target(%dma_start3A_7 : memref<128x32xf32, #tpu.memory_space<vmem>>) offsets(%dma_start3A_10 : memref<128xi32, #tpu.memory_space<vmem>>) semaphore(%arg11 : memref<!tpu.dma_semaphore, #tpu.memory_space<semaphore_mem>>)
    %dma_start3A_14 = arith.constant 1 : i32
    %dma_start3A_15 = arith.constant 1 : i32
    %dma_start3A_16 = arith.constant 0 : i32
    %dma_start3A_17 = arith.constant 0 : i32
    %dma_start3A_18 = tpu.memref_slice %arg9[%dma_start3A_15, %dma_start3A_16, %dma_start3A_17] : memref<8x128x32xf32, #tpu.memory_space<vmem>> -> memref<1x128x32xf32, #tpu.memory_space<vmem>>
    %dma_start3A_19 = tpu.memref_squeeze %dma_start3A_18 : memref<1x128x32xf32, #tpu.memory_space<vmem>> -> memref<128x32xf32, #tpu.memory_space<vmem>>
    %dma_start3A_20 = arith.constant 0 : i32
    %dma_start3A_21 = tpu.memref_slice %arg7[%dma_start3A_14, %dma_start3A_20] : memref<80x128xi32, #tpu.memory_space<vmem>> -> memref<1x128xi32, #tpu.memory_space<vmem>>
    %dma_start3A_22 = tpu.memref_squeeze %dma_start3A_21 : memref<1x128xi32, #tpu.memory_space<vmem>> -> memref<128xi32, #tpu.memory_space<vmem>>
    %dma_start3A_23 = arith.constant 0 : i32
    %dma_start3A_24 = arith.constant 0 : i32
    %dma_start3A_25 = tpu.memref_slice %arg2[%dma_start3A_23, %dma_start3A_24] : memref<10000x32xf32, #tpu.memory_space<hbm>> -> memref<10000x32xf32, #tpu.memory_space<hbm>>
    tpu.enqueue_indirect_dma source(%dma_start3A_25 : memref<10000x32xf32, #tpu.memory_space<hbm>>) target(%dma_start3A_19 : memref<128x32xf32, #tpu.memory_space<vmem>>) offsets(%dma_start3A_22 : memref<128xi32, #tpu.memory_space<vmem>>) semaphore(%arg12 : memref<!tpu.dma_semaphore, #tpu.memory_space<semaphore_mem>>)
    %dma_start3A_26 = arith.constant 2 : i32
    %dma_start3A_27 = arith.constant 2 : i32
    %dma_start3A_28 = arith.constant 0 : i32
    %dma_start3A_29 = arith.constant 0 : i32
    %dma_start3A_30 = tpu.memref_slice %arg9[%dma_start3A_27, %dma_start3A_28, %dma_start3A_29] : memref<8x128x32xf32, #tpu.memory_space<vmem>> -> memref<1x128x32xf32, #tpu.memory_space<vmem>>
    %dma_start3A_31 = tpu.memref_squeeze %dma_start3A_30 : memref<1x128x32xf32, #tpu.memory_space<vmem>> -> memref<128x32xf32, #tpu.memory_space<vmem>>
    %dma_start3A_32 = arith.constant 0 : i32
    %dma_start3A_33 = tpu.memref_slice %arg7[%dma_start3A_26, %dma_start3A_32] : memref<80x128xi32, #tpu.memory_space<vmem>> -> memref<1x128xi32, #tpu.memory_space<vmem>>
    %dma_start3A_34 = tpu.memref_squeeze %dma_start3A_33 : memref<1x128xi32, #tpu.memory_space<vmem>> -> memref<128xi32, #tpu.memory_space<vmem>>
    %dma_start3A_35 = arith.constant 0 : i32
    %dma_start3A_36 = arith.constant 0 : i32
    %dma_start3A_37 = tpu.memref_slice %arg2[%dma_start3A_35, %dma_start3A_36] : memref<10000x32xf32, #tpu.memory_space<hbm>> -> memref<10000x32xf32, #tpu.memory_space<hbm>>
    tpu.enqueue_indirect_dma source(%dma_start3A_37 : memref<10000x32xf32, #tpu.memory_space<hbm>>) target(%dma_start3A_31 : memref<128x32xf32, #tpu.memory_space<vmem>>) offsets(%dma_start3A_34 : memref<128xi32, #tpu.memory_space<vmem>>) semaphore(%arg13 : memref<!tpu.dma_semaphore, #tpu.memory_space<semaphore_mem>>)
    %dma_start3A_38 = arith.constant 3 : i32
    %dma_start3A_39 = arith.constant 3 : i32
    %dma_start3A_40 = arith.constant 0 : i32
    %dma_start3A_41 = arith.constant 0 : i32
    %dma_start3A_42 = tpu.memref_slice %arg9[%dma_start3A_39, %dma_start3A_40, %dma_start3A_41] : memref<8x128x32xf32, #tpu.memory_space<vmem>> -> memref<1x128x32xf32, #tpu.memory_space<vmem>>
    %dma_start3A_43 = tpu.memref_squeeze %dma_start3A_42 : memref<1x128x32xf32, #tpu.memory_space<vmem>> -> memref<128x32xf32, #tpu.memory_space<vmem>>
    %dma_start3A_44 = arith.constant 0 : i32
    %dma_start3A_45 = tpu.memref_slice %arg7[%dma_start3A_38, %dma_start3A_44] : memref<80x128xi32, #tpu.memory_space<vmem>> -> memref<1x128xi32, #tpu.memory_space<vmem>>
    %dma_start3A_46 = tpu.memref_squeeze %dma_start3A_45 : memref<1x128xi32, #tpu.memory_space<vmem>> -> memref<128xi32, #tpu.memory_space<vmem>>
    %dma_start3A_47 = arith.constant 0 : i32
    %dma_start3A_48 = arith.constant 0 : i32
    %dma_start3A_49 = tpu.memref_slice %arg2[%dma_start3A_47, %dma_start3A_48] : memref<10000x32xf32, #tpu.memory_space<hbm>> -> memref<10000x32xf32, #tpu.memory_space<hbm>>
    tpu.enqueue_indirect_dma source(%dma_start3A_49 : memref<10000x32xf32, #tpu.memory_space<hbm>>) target(%dma_start3A_43 : memref<128x32xf32, #tpu.memory_space<vmem>>) offsets(%dma_start3A_46 : memref<128xi32, #tpu.memory_space<vmem>>) semaphore(%arg14 : memref<!tpu.dma_semaphore, #tpu.memory_space<semaphore_mem>>)
    %dma_start3A_50 = arith.constant 4 : i32
    %dma_start3A_51 = arith.constant 4 : i32
    %dma_start3A_52 = arith.constant 0 : i32
    %dma_start3A_53 = arith.constant 0 : i32
    %dma_start3A_54 = tpu.memref_slice %arg9[%dma_start3A_51, %dma_start3A_52, %dma_start3A_53] : memref<8x128x32xf32, #tpu.memory_space<vmem>> -> memref<1x128x32xf32, #tpu.memory_space<vmem>>
    %dma_start3A_55 = tpu.memref_squeeze %dma_start3A_54 : memref<1x128x32xf32, #tpu.memory_space<vmem>> -> memref<128x32xf32, #tpu.memory_space<vmem>>
    %dma_start3A_56 = arith.constant 0 : i32
    %dma_start3A_57 = tpu.memref_slice %arg7[%dma_start3A_50, %dma_start3A_56] : memref<80x128xi32, #tpu.memory_space<vmem>> -> memref<1x128xi32, #tpu.memory_space<vmem>>
    %dma_start3A_58 = tpu.memref_squeeze %dma_start3A_57 : memref<1x128xi32, #tpu.memory_space<vmem>> -> memref<128xi32, #tpu.memory_space<vmem>>
    %dma_start3A_59 = arith.constant 0 : i32
    %dma_start3A_60 = arith.constant 0 : i32
    %dma_start3A_61 = tpu.memref_slice %arg2[%dma_start3A_59, %dma_start3A_60] : memref<10000x32xf32, #tpu.memory_space<hbm>> -> memref<10000x32xf32, #tpu.memory_space<hbm>>
    tpu.enqueue_indirect_dma source(%dma_start3A_61 : memref<10000x32xf32, #tpu.memory_space<hbm>>) target(%dma_start3A_55 : memref<128x32xf32, #tpu.memory_space<vmem>>) offsets(%dma_start3A_58 : memref<128xi32, #tpu.memory_space<vmem>>) semaphore(%arg15 : memref<!tpu.dma_semaphore, #tpu.memory_space<semaphore_mem>>)
    %dma_start3A_62 = arith.constant 5 : i32
    %dma_start3A_63 = arith.constant 5 : i32
    %dma_start3A_64 = arith.constant 0 : i32
    %dma_start3A_65 = arith.constant 0 : i32
    %dma_start3A_66 = tpu.memref_slice %arg9[%dma_start3A_63, %dma_start3A_64, %dma_start3A_65] : memref<8x128x32xf32, #tpu.memory_space<vmem>> -> memref<1x128x32xf32, #tpu.memory_space<vmem>>
    %dma_start3A_67 = tpu.memref_squeeze %dma_start3A_66 : memref<1x128x32xf32, #tpu.memory_space<vmem>> -> memref<128x32xf32, #tpu.memory_space<vmem>>
    %dma_start3A_68 = arith.constant 0 : i32
    %dma_start3A_69 = tpu.memref_slice %arg7[%dma_start3A_62, %dma_start3A_68] : memref<80x128xi32, #tpu.memory_space<vmem>> -> memref<1x128xi32, #tpu.memory_space<vmem>>
    %dma_start3A_70 = tpu.memref_squeeze %dma_start3A_69 : memref<1x128xi32, #tpu.memory_space<vmem>> -> memref<128xi32, #tpu.memory_space<vmem>>
    %dma_start3A_71 = arith.constant 0 : i32
    %dma_start3A_72 = arith.constant 0 : i32
    %dma_start3A_73 = tpu.memref_slice %arg2[%dma_start3A_71, %dma_start3A_72] : memref<10000x32xf32, #tpu.memory_space<hbm>> -> memref<10000x32xf32, #tpu.memory_space<hbm>>
    tpu.enqueue_indirect_dma source(%dma_start3A_73 : memref<10000x32xf32, #tpu.memory_space<hbm>>) target(%dma_start3A_67 : memref<128x32xf32, #tpu.memory_space<vmem>>) offsets(%dma_start3A_70 : memref<128xi32, #tpu.memory_space<vmem>>) semaphore(%arg16 : memref<!tpu.dma_semaphore, #tpu.memory_space<semaphore_mem>>)
    %dma_start3A_74 = arith.constant 6 : i32
    %dma_start3A_75 = arith.constant 6 : i32
    %dma_start3A_76 = arith.constant 0 : i32
    %dma_start3A_77 = arith.constant 0 : i32
    %dma_start3A_78 = tpu.memref_slice %arg9[%dma_start3A_75, %dma_start3A_76, %dma_start3A_77] : memref<8x128x32xf32, #tpu.memory_space<vmem>> -> memref<1x128x32xf32, #tpu.memory_space<vmem>>
    %dma_start3A_79 = tpu.memref_squeeze %dma_start3A_78 : memref<1x128x32xf32, #tpu.memory_space<vmem>> -> memref<128x32xf32, #tpu.memory_space<vmem>>
    %dma_start3A_80 = arith.constant 0 : i32
    %dma_start3A_81 = tpu.memref_slice %arg7[%dma_start3A_74, %dma_start3A_80] : memref<80x128xi32, #tpu.memory_space<vmem>> -> memref<1x128xi32, #tpu.memory_space<vmem>>
    %dma_start3A_82 = tpu.memref_squeeze %dma_start3A_81 : memref<1x128xi32, #tpu.memory_space<vmem>> -> memref<128xi32, #tpu.memory_space<vmem>>
    %dma_start3A_83 = arith.constant 0 : i32
    %dma_start3A_84 = arith.constant 0 : i32
    %dma_start3A_85 = tpu.memref_slice %arg2[%dma_start3A_83, %dma_start3A_84] : memref<10000x32xf32, #tpu.memory_space<hbm>> -> memref<10000x32xf32, #tpu.memory_space<hbm>>
    tpu.enqueue_indirect_dma source(%dma_start3A_85 : memref<10000x32xf32, #tpu.memory_space<hbm>>) target(%dma_start3A_79 : memref<128x32xf32, #tpu.memory_space<vmem>>) offsets(%dma_start3A_82 : memref<128xi32, #tpu.memory_space<vmem>>) semaphore(%arg17 : memref<!tpu.dma_semaphore, #tpu.memory_space<semaphore_mem>>)
    %dma_start3A_86 = arith.constant 7 : i32
    %dma_start3A_87 = arith.constant 7 : i32
    %dma_start3A_88 = arith.constant 0 : i32
    %dma_start3A_89 = arith.constant 0 : i32
    %dma_start3A_90 = tpu.memref_slice %arg9[%dma_start3A_87, %dma_start3A_88, %dma_start3A_89] : memref<8x128x32xf32, #tpu.memory_space<vmem>> -> memref<1x128x32xf32, #tpu.memory_space<vmem>>
    %dma_start3A_91 = tpu.memref_squeeze %dma_start3A_90 : memref<1x128x32xf32, #tpu.memory_space<vmem>> -> memref<128x32xf32, #tpu.memory_space<vmem>>
    %dma_start3A_92 = arith.constant 0 : i32
    %dma_start3A_93 = tpu.memref_slice %arg7[%dma_start3A_86, %dma_start3A_92] : memref<80x128xi32, #tpu.memory_space<vmem>> -> memref<1x128xi32, #tpu.memory_space<vmem>>
    %dma_start3A_94 = tpu.memref_squeeze %dma_start3A_93 : memref<1x128xi32, #tpu.memory_space<vmem>> -> memref<128xi32, #tpu.memory_space<vmem>>
    %dma_start3A_95 = arith.constant 0 : i32
    %dma_start3A_96 = arith.constant 0 : i32
    %dma_start3A_97 = tpu.memref_slice %arg2[%dma_start3A_95, %dma_start3A_96] : memref<10000x32xf32, #tpu.memory_space<hbm>> -> memref<10000x32xf32, #tpu.memory_space<hbm>>
    tpu.enqueue_indirect_dma source(%dma_start3A_97 : memref<10000x32xf32, #tpu.memory_space<hbm>>) target(%dma_start3A_91 : memref<128x32xf32, #tpu.memory_space<vmem>>) offsets(%dma_start3A_94 : memref<128xi32, #tpu.memory_space<vmem>>) semaphore(%arg18 : memref<!tpu.dma_semaphore, #tpu.memory_space<semaphore_mem>>)
    %scan3A = arith.constant 0 : i32
    %scan3A_98 = arith.constant 0 : i32
    %scan3A_99 = arith.constant 9 : i32
    %scan3A_100 = arith.addi %scan3A_98, %scan3A_99 : i32
    %scan3A_101 = arith.constant 1 : i32
    %scan3A_102 = scf.for %scan3A_396 = %scan3A_98 to %scan3A_100 step %scan3A_101 iter_args(%scan3A_397 = %scan3A) -> (i32)  : i32 {
      %mul3A_398 = arith.constant 8 : i32
      %mul3A_399 = arith.muli %scan3A_396, %mul3A_398 : i32
      %add3A_400 = arith.constant 1 : i32
      %add3A_401 = arith.addi %scan3A_396, %add3A_400 : i32
      %mul3A_402 = arith.constant 8 : i32
      %mul3A_403 = arith.muli %add3A_401, %mul3A_402 : i32
      %dma_wait3A_404 = arith.constant 0 : i32
      %dma_wait3A_405 = arith.constant 0 : i32
      %dma_wait3A_406 = arith.constant 0 : i32
      %dma_wait3A_407 = arith.constant 0 : i32
      %dma_wait3A_408 = tpu.memref_slice %arg9[%dma_wait3A_405, %dma_wait3A_406, %dma_wait3A_407] : memref<8x128x32xf32, #tpu.memory_space<vmem>> -> memref<1x128x32xf32, #tpu.memory_space<vmem>>
      %dma_wait3A_409 = tpu.memref_squeeze %dma_wait3A_408 : memref<1x128x32xf32, #tpu.memory_space<vmem>> -> memref<128x32xf32, #tpu.memory_space<vmem>>
      %dma_wait3A_410 = arith.constant 0 : i32
      %dma_wait3A_411 = tpu.memref_slice %arg7[%dma_wait3A_404, %dma_wait3A_410] : memref<80x128xi32, #tpu.memory_space<vmem>> -> memref<1x128xi32, #tpu.memory_space<vmem>>
      %dma_wait3A_412 = tpu.memref_squeeze %dma_wait3A_411 : memref<1x128xi32, #tpu.memory_space<vmem>> -> memref<128xi32, #tpu.memory_space<vmem>>
      %dma_wait3A_413 = arith.constant 0 : i32
      %dma_wait3A_414 = arith.constant 0 : i32
      %dma_wait3A_415 = tpu.memref_slice %arg2[%dma_wait3A_413, %dma_wait3A_414] : memref<10000x32xf32, #tpu.memory_space<hbm>> -> memref<10000x32xf32, #tpu.memory_space<hbm>>
      tpu.wait_indirect_dma semaphore(%arg11 : memref<!tpu.dma_semaphore, #tpu.memory_space<semaphore_mem>>) src(%dma_wait3A_415 : memref<10000x32xf32, #tpu.memory_space<hbm>>) dst(%dma_wait3A_409 : memref<128x32xf32, #tpu.memory_space<vmem>>)
      %add3A_416 = arith.constant 0 : i32
      %add3A_417 = arith.addi %mul3A_399, %add3A_416 : i32
      %dma_start3A_418 = arith.constant 0 : i32
      %dma_start3A_419 = arith.constant 0 : i32
      %dma_start3A_420 = arith.constant 0 : i32
      %dma_start3A_421 = tpu.memref_slice %arg9[%dma_start3A_418, %dma_start3A_419, %dma_start3A_420] : memref<8x128x32xf32, #tpu.memory_space<vmem>> -> memref<1x128x32xf32, #tpu.memory_space<vmem>>
      %dma_start3A_422 = tpu.memref_squeeze %dma_start3A_421 : memref<1x128x32xf32, #tpu.memory_space<vmem>> -> memref<128x32xf32, #tpu.memory_space<vmem>>
      %dma_start3A_423 = arith.constant 0 : i32
      %dma_start3A_424 = tpu.memref_slice %arg8[%add3A_417, %dma_start3A_423] : memref<80x128xi32, #tpu.memory_space<vmem>> -> memref<1x128xi32, #tpu.memory_space<vmem>>
      %dma_start3A_425 = tpu.memref_squeeze %dma_start3A_424 : memref<1x128xi32, #tpu.memory_space<vmem>> -> memref<128xi32, #tpu.memory_space<vmem>>
      %dma_start3A_426 = arith.constant 0 : i32
      %dma_start3A_427 = arith.constant 0 : i32
      %dma_start3A_428 = tpu.memref_slice %arg10[%dma_start3A_426, %dma_start3A_427] : memref<10240x32xf32, #tpu.memory_space<vmem_shared>> -> memref<10240x32xf32, #tpu.memory_space<vmem_shared>>
      tpu.enqueue_indirect_dma source(%dma_start3A_422 : memref<128x32xf32, #tpu.memory_space<vmem>>) target(%dma_start3A_428 : memref<10240x32xf32, #tpu.memory_space<vmem_shared>>) offsets(%dma_start3A_425 : memref<128xi32, #tpu.memory_space<vmem>>) semaphore(%arg19 : memref<!tpu.dma_semaphore, #tpu.memory_space<semaphore_mem>>) {add = true}
      %dma_wait3A_429 = arith.constant 0 : i32
      %dma_wait3A_430 = arith.constant 0 : i32
      %dma_wait3A_431 = arith.constant 0 : i32
      %dma_wait3A_432 = arith.constant 0 : i32
      %dma_wait3A_433 = tpu.memref_slice %arg9[%dma_wait3A_429, %dma_wait3A_431, %dma_wait3A_432] : memref<8x128x32xf32, #tpu.memory_space<vmem>> -> memref<1x128x32xf32, #tpu.memory_space<vmem>>
      %dma_wait3A_434 = tpu.memref_squeeze %dma_wait3A_433 : memref<1x128x32xf32, #tpu.memory_space<vmem>> -> memref<128x32xf32, #tpu.memory_space<vmem>>
      %dma_wait3A_435 = arith.constant 0 : i32
      %dma_wait3A_436 = tpu.memref_slice %arg8[%dma_wait3A_430, %dma_wait3A_435] : memref<80x128xi32, #tpu.memory_space<vmem>> -> memref<1x128xi32, #tpu.memory_space<vmem>>
      %dma_wait3A_437 = tpu.memref_squeeze %dma_wait3A_436 : memref<1x128xi32, #tpu.memory_space<vmem>> -> memref<128xi32, #tpu.memory_space<vmem>>
      %dma_wait3A_438 = arith.constant 0 : i32
      %dma_wait3A_439 = arith.constant 0 : i32
      %dma_wait3A_440 = tpu.memref_slice %arg10[%dma_wait3A_438, %dma_wait3A_439] : memref<10240x32xf32, #tpu.memory_space<vmem_shared>> -> memref<10240x32xf32, #tpu.memory_space<vmem_shared>>
      tpu.wait_indirect_dma semaphore(%arg19 : memref<!tpu.dma_semaphore, #tpu.memory_space<semaphore_mem>>) src(%dma_wait3A_434 : memref<128x32xf32, #tpu.memory_space<vmem>>) dst(%dma_wait3A_440 : memref<10240x32xf32, #tpu.memory_space<vmem_shared>>)
      %add3A_441 = arith.constant 0 : i32
      %add3A_442 = arith.addi %mul3A_403, %add3A_441 : i32
      %dma_start3A_443 = arith.constant 0 : i32
      %dma_start3A_444 = arith.constant 0 : i32
      %dma_start3A_445 = arith.constant 0 : i32
      %dma_start3A_446 = tpu.memref_slice %arg9[%dma_start3A_443, %dma_start3A_444, %dma_start3A_445] : memref<8x128x32xf32, #tpu.memory_space<vmem>> -> memref<1x128x32xf32, #tpu.memory_space<vmem>>
      %dma_start3A_447 = tpu.memref_squeeze %dma_start3A_446 : memref<1x128x32xf32, #tpu.memory_space<vmem>> -> memref<128x32xf32, #tpu.memory_space<vmem>>
      %dma_start3A_448 = arith.constant 0 : i32
      %dma_start3A_449 = tpu.memref_slice %arg7[%add3A_442, %dma_start3A_448] : memref<80x128xi32, #tpu.memory_space<vmem>> -> memref<1x128xi32, #tpu.memory_space<vmem>>
      %dma_start3A_450 = tpu.memref_squeeze %dma_start3A_449 : memref<1x128xi32, #tpu.memory_space<vmem>> -> memref<128xi32, #tpu.memory_space<vmem>>
      %dma_start3A_451 = arith.constant 0 : i32
      %dma_start3A_452 = arith.constant 0 : i32
      %dma_start3A_453 = tpu.memref_slice %arg2[%dma_start3A_451, %dma_start3A_452] : memref<10000x32xf32, #tpu.memory_space<hbm>> -> memref<10000x32xf32, #tpu.memory_space<hbm>>
      tpu.enqueue_indirect_dma source(%dma_start3A_453 : memref<10000x32xf32, #tpu.memory_space<hbm>>) target(%dma_start3A_447 : memref<128x32xf32, #tpu.memory_space<vmem>>) offsets(%dma_start3A_450 : memref<128xi32, #tpu.memory_space<vmem>>) semaphore(%arg11 : memref<!tpu.dma_semaphore, #tpu.memory_space<semaphore_mem>>)
      %add3A_454 = arith.constant 1 : i32
      %add3A_455 = arith.addi %scan3A_396, %add3A_454 : i32
      %mul3A_456 = arith.constant 8 : i32
      %mul3A_457 = arith.muli %add3A_455, %mul3A_456 : i32
      %dma_wait3A_458 = arith.constant 1 : i32
      %dma_wait3A_459 = arith.constant 1 : i32
      %dma_wait3A_460 = arith.constant 0 : i32
      %dma_wait3A_461 = arith.constant 0 : i32
      %dma_wait3A_462 = tpu.memref_slice %arg9[%dma_wait3A_459, %dma_wait3A_460, %dma_wait3A_461] : memref<8x128x32xf32, #tpu.memory_space<vmem>> -> memref<1x128x32xf32, #tpu.memory_space<vmem>>
      %dma_wait3A_463 = tpu.memref_squeeze %dma_wait3A_462 : memref<1x128x32xf32, #tpu.memory_space<vmem>> -> memref<128x32xf32, #tpu.memory_space<vmem>>
      %dma_wait3A_464 = arith.constant 0 : i32
      %dma_wait3A_465 = tpu.memref_slice %arg7[%dma_wait3A_458, %dma_wait3A_464] : memref<80x128xi32, #tpu.memory_space<vmem>> -> memref<1x128xi32, #tpu.memory_space<vmem>>
      %dma_wait3A_466 = tpu.memref_squeeze %dma_wait3A_465 : memref<1x128xi32, #tpu.memory_space<vmem>> -> memref<128xi32, #tpu.memory_space<vmem>>
      %dma_wait3A_467 = arith.constant 0 : i32
      %dma_wait3A_468 = arith.constant 0 : i32
      %dma_wait3A_469 = tpu.memref_slice %arg2[%dma_wait3A_467, %dma_wait3A_468] : memref<10000x32xf32, #tpu.memory_space<hbm>> -> memref<10000x32xf32, #tpu.memory_space<hbm>>
      tpu.wait_indirect_dma semaphore(%arg12 : memref<!tpu.dma_semaphore, #tpu.memory_space<semaphore_mem>>) src(%dma_wait3A_469 : memref<10000x32xf32, #tpu.memory_space<hbm>>) dst(%dma_wait3A_463 : memref<128x32xf32, #tpu.memory_space<vmem>>)
      %add3A_470 = arith.constant 1 : i32
      %add3A_471 = arith.addi %mul3A_399, %add3A_470 : i32
      %dma_start3A_472 = arith.constant 1 : i32
      %dma_start3A_473 = arith.constant 0 : i32
      %dma_start3A_474 = arith.constant 0 : i32
      %dma_start3A_475 = tpu.memref_slice %arg9[%dma_start3A_472, %dma_start3A_473, %dma_start3A_474] : memref<8x128x32xf32, #tpu.memory_space<vmem>> -> memref<1x128x32xf32, #tpu.memory_space<vmem>>
      %dma_start3A_476 = tpu.memref_squeeze %dma_start3A_475 : memref<1x128x32xf32, #tpu.memory_space<vmem>> -> memref<128x32xf32, #tpu.memory_space<vmem>>
      %dma_start3A_477 = arith.constant 0 : i32
      %dma_start3A_478 = tpu.memref_slice %arg8[%add3A_471, %dma_start3A_477] : memref<80x128xi32, #tpu.memory_space<vmem>> -> memref<1x128xi32, #tpu.memory_space<vmem>>
      %dma_start3A_479 = tpu.memref_squeeze %dma_start3A_478 : memref<1x128xi32, #tpu.memory_space<vmem>> -> memref<128xi32, #tpu.memory_space<vmem>>
      %dma_start3A_480 = arith.constant 0 : i32
      %dma_start3A_481 = arith.constant 0 : i32
      %dma_start3A_482 = tpu.memref_slice %arg10[%dma_start3A_480, %dma_start3A_481] : memref<10240x32xf32, #tpu.memory_space<vmem_shared>> -> memref<10240x32xf32, #tpu.memory_space<vmem_shared>>
      tpu.enqueue_indirect_dma source(%dma_start3A_476 : memref<128x32xf32, #tpu.memory_space<vmem>>) target(%dma_start3A_482 : memref<10240x32xf32, #tpu.memory_space<vmem_shared>>) offsets(%dma_start3A_479 : memref<128xi32, #tpu.memory_space<vmem>>) semaphore(%arg20 : memref<!tpu.dma_semaphore, #tpu.memory_space<semaphore_mem>>) {add = true}
      %dma_wait3A_483 = arith.constant 1 : i32
      %dma_wait3A_484 = arith.constant 0 : i32
      %dma_wait3A_485 = arith.constant 0 : i32
      %dma_wait3A_486 = arith.constant 0 : i32
      %dma_wait3A_487 = tpu.memref_slice %arg9[%dma_wait3A_483, %dma_wait3A_485, %dma_wait3A_486] : memref<8x128x32xf32, #tpu.memory_space<vmem>> -> memref<1x128x32xf32, #tpu.memory_space<vmem>>
      %dma_wait3A_488 = tpu.memref_squeeze %dma_wait3A_487 : memref<1x128x32xf32, #tpu.memory_space<vmem>> -> memref<128x32xf32, #tpu.memory_space<vmem>>
      %dma_wait3A_489 = arith.constant 0 : i32
      %dma_wait3A_490 = tpu.memref_slice %arg8[%dma_wait3A_484, %dma_wait3A_489] : memref<80x128xi32, #tpu.memory_space<vmem>> -> memref<1x128xi32, #tpu.memory_space<vmem>>
      %dma_wait3A_491 = tpu.memref_squeeze %dma_wait3A_490 : memref<1x128xi32, #tpu.memory_space<vmem>> -> memref<128xi32, #tpu.memory_space<vmem>>
      %dma_wait3A_492 = arith.constant 0 : i32
      %dma_wait3A_493 = arith.constant 0 : i32
      %dma_wait3A_494 = tpu.memref_slice %arg10[%dma_wait3A_492, %dma_wait3A_493] : memref<10240x32xf32, #tpu.memory_space<vmem_shared>> -> memref<10240x32xf32, #tpu.memory_space<vmem_shared>>
      tpu.wait_indirect_dma semaphore(%arg20 : memref<!tpu.dma_semaphore, #tpu.memory_space<semaphore_mem>>) src(%dma_wait3A_488 : memref<128x32xf32, #tpu.memory_space<vmem>>) dst(%dma_wait3A_494 : memref<10240x32xf32, #tpu.memory_space<vmem_shared>>)
      %add3A_495 = arith.constant 1 : i32
      %add3A_496 = arith.addi %mul3A_457, %add3A_495 : i32
      %dma_start3A_497 = arith.constant 1 : i32
      %dma_start3A_498 = arith.constant 0 : i32
      %dma_start3A_499 = arith.constant 0 : i32
      %dma_start3A_500 = tpu.memref_slice %arg9[%dma_start3A_497, %dma_start3A_498, %dma_start3A_499] : memref<8x128x32xf32, #tpu.memory_space<vmem>> -> memref<1x128x32xf32, #tpu.memory_space<vmem>>
      %dma_start3A_501 = tpu.memref_squeeze %dma_start3A_500 : memref<1x128x32xf32, #tpu.memory_space<vmem>> -> memref<128x32xf32, #tpu.memory_space<vmem>>
      %dma_start3A_502 = arith.constant 0 : i32
      %dma_start3A_503 = tpu.memref_slice %arg7[%add3A_496, %dma_start3A_502] : memref<80x128xi32, #tpu.memory_space<vmem>> -> memref<1x128xi32, #tpu.memory_space<vmem>>
      %dma_start3A_504 = tpu.memref_squeeze %dma_start3A_503 : memref<1x128xi32, #tpu.memory_space<vmem>> -> memref<128xi32, #tpu.memory_space<vmem>>
      %dma_start3A_505 = arith.constant 0 : i32
      %dma_start3A_506 = arith.constant 0 : i32
      %dma_start3A_507 = tpu.memref_slice %arg2[%dma_start3A_505, %dma_start3A_506] : memref<10000x32xf32, #tpu.memory_space<hbm>> -> memref<10000x32xf32, #tpu.memory_space<hbm>>
      tpu.enqueue_indirect_dma source(%dma_start3A_507 : memref<10000x32xf32, #tpu.memory_space<hbm>>) target(%dma_start3A_501 : memref<128x32xf32, #tpu.memory_space<vmem>>) offsets(%dma_start3A_504 : memref<128xi32, #tpu.memory_space<vmem>>) semaphore(%arg12 : memref<!tpu.dma_semaphore, #tpu.memory_space<semaphore_mem>>)
      %add3A_508 = arith.constant 1 : i32
      %add3A_509 = arith.addi %scan3A_396, %add3A_508 : i32
      %mul3A_510 = arith.constant 8 : i32
      %mul3A_511 = arith.muli %add3A_509, %mul3A_510 : i32
      %dma_wait3A_512 = arith.constant 2 : i32
      %dma_wait3A_513 = arith.constant 2 : i32
      %dma_wait3A_514 = arith.constant 0 : i32
      %dma_wait3A_515 = arith.constant 0 : i32
      %dma_wait3A_516 = tpu.memref_slice %arg9[%dma_wait3A_513, %dma_wait3A_514, %dma_wait3A_515] : memref<8x128x32xf32, #tpu.memory_space<vmem>> -> memref<1x128x32xf32, #tpu.memory_space<vmem>>
      %dma_wait3A_517 = tpu.memref_squeeze %dma_wait3A_516 : memref<1x128x32xf32, #tpu.memory_space<vmem>> -> memref<128x32xf32, #tpu.memory_space<vmem>>
      %dma_wait3A_518 = arith.constant 0 : i32
      %dma_wait3A_519 = tpu.memref_slice %arg7[%dma_wait3A_512, %dma_wait3A_518] : memref<80x128xi32, #tpu.memory_space<vmem>> -> memref<1x128xi32, #tpu.memory_space<vmem>>
      %dma_wait3A_520 = tpu.memref_squeeze %dma_wait3A_519 : memref<1x128xi32, #tpu.memory_space<vmem>> -> memref<128xi32, #tpu.memory_space<vmem>>
      %dma_wait3A_521 = arith.constant 0 : i32
      %dma_wait3A_522 = arith.constant 0 : i32
      %dma_wait3A_523 = tpu.memref_slice %arg2[%dma_wait3A_521, %dma_wait3A_522] : memref<10000x32xf32, #tpu.memory_space<hbm>> -> memref<10000x32xf32, #tpu.memory_space<hbm>>
      tpu.wait_indirect_dma semaphore(%arg13 : memref<!tpu.dma_semaphore, #tpu.memory_space<semaphore_mem>>) src(%dma_wait3A_523 : memref<10000x32xf32, #tpu.memory_space<hbm>>) dst(%dma_wait3A_517 : memref<128x32xf32, #tpu.memory_space<vmem>>)
      %add3A_524 = arith.constant 2 : i32
      %add3A_525 = arith.addi %mul3A_399, %add3A_524 : i32
      %dma_start3A_526 = arith.constant 2 : i32
      %dma_start3A_527 = arith.constant 0 : i32
      %dma_start3A_528 = arith.constant 0 : i32
      %dma_start3A_529 = tpu.memref_slice %arg9[%dma_start3A_526, %dma_start3A_527, %dma_start3A_528] : memref<8x128x32xf32, #tpu.memory_space<vmem>> -> memref<1x128x32xf32, #tpu.memory_space<vmem>>
      %dma_start3A_530 = tpu.memref_squeeze %dma_start3A_529 : memref<1x128x32xf32, #tpu.memory_space<vmem>> -> memref<128x32xf32, #tpu.memory_space<vmem>>
      %dma_start3A_531 = arith.constant 0 : i32
      %dma_start3A_532 = tpu.memref_slice %arg8[%add3A_525, %dma_start3A_531] : memref<80x128xi32, #tpu.memory_space<vmem>> -> memref<1x128xi32, #tpu.memory_space<vmem>>
      %dma_start3A_533 = tpu.memref_squeeze %dma_start3A_532 : memref<1x128xi32, #tpu.memory_space<vmem>> -> memref<128xi32, #tpu.memory_space<vmem>>
      %dma_start3A_534 = arith.constant 0 : i32
      %dma_start3A_535 = arith.constant 0 : i32
      %dma_start3A_536 = tpu.memref_slice %arg10[%dma_start3A_534, %dma_start3A_535] : memref<10240x32xf32, #tpu.memory_space<vmem_shared>> -> memref<10240x32xf32, #tpu.memory_space<vmem_shared>>
      tpu.enqueue_indirect_dma source(%dma_start3A_530 : memref<128x32xf32, #tpu.memory_space<vmem>>) target(%dma_start3A_536 : memref<10240x32xf32, #tpu.memory_space<vmem_shared>>) offsets(%dma_start3A_533 : memref<128xi32, #tpu.memory_space<vmem>>) semaphore(%arg21 : memref<!tpu.dma_semaphore, #tpu.memory_space<semaphore_mem>>) {add = true}
      %dma_wait3A_537 = arith.constant 2 : i32
      %dma_wait3A_538 = arith.constant 0 : i32
      %dma_wait3A_539 = arith.constant 0 : i32
      %dma_wait3A_540 = arith.constant 0 : i32
      %dma_wait3A_541 = tpu.memref_slice %arg9[%dma_wait3A_537, %dma_wait3A_539, %dma_wait3A_540] : memref<8x128x32xf32, #tpu.memory_space<vmem>> -> memref<1x128x32xf32, #tpu.memory_space<vmem>>
      %dma_wait3A_542 = tpu.memref_squeeze %dma_wait3A_541 : memref<1x128x32xf32, #tpu.memory_space<vmem>> -> memref<128x32xf32, #tpu.memory_space<vmem>>
      %dma_wait3A_543 = arith.constant 0 : i32
      %dma_wait3A_544 = tpu.memref_slice %arg8[%dma_wait3A_538, %dma_wait3A_543] : memref<80x128xi32, #tpu.memory_space<vmem>> -> memref<1x128xi32, #tpu.memory_space<vmem>>
      %dma_wait3A_545 = tpu.memref_squeeze %dma_wait3A_544 : memref<1x128xi32, #tpu.memory_space<vmem>> -> memref<128xi32, #tpu.memory_space<vmem>>
      %dma_wait3A_546 = arith.constant 0 : i32
      %dma_wait3A_547 = arith.constant 0 : i32
      %dma_wait3A_548 = tpu.memref_slice %arg10[%dma_wait3A_546, %dma_wait3A_547] : memref<10240x32xf32, #tpu.memory_space<vmem_shared>> -> memref<10240x32xf32, #tpu.memory_space<vmem_shared>>
      tpu.wait_indirect_dma semaphore(%arg21 : memref<!tpu.dma_semaphore, #tpu.memory_space<semaphore_mem>>) src(%dma_wait3A_542 : memref<128x32xf32, #tpu.memory_space<vmem>>) dst(%dma_wait3A_548 : memref<10240x32xf32, #tpu.memory_space<vmem_shared>>)
      %add3A_549 = arith.constant 2 : i32
      %add3A_550 = arith.addi %mul3A_511, %add3A_549 : i32
      %dma_start3A_551 = arith.constant 2 : i32
      %dma_start3A_552 = arith.constant 0 : i32
      %dma_start3A_553 = arith.constant 0 : i32
      %dma_start3A_554 = tpu.memref_slice %arg9[%dma_start3A_551, %dma_start3A_552, %dma_start3A_553] : memref<8x128x32xf32, #tpu.memory_space<vmem>> -> memref<1x128x32xf32, #tpu.memory_space<vmem>>
      %dma_start3A_555 = tpu.memref_squeeze %dma_start3A_554 : memref<1x128x32xf32, #tpu.memory_space<vmem>> -> memref<128x32xf32, #tpu.memory_space<vmem>>
      %dma_start3A_556 = arith.constant 0 : i32
      %dma_start3A_557 = tpu.memref_slice %arg7[%add3A_550, %dma_start3A_556] : memref<80x128xi32, #tpu.memory_space<vmem>> -> memref<1x128xi32, #tpu.memory_space<vmem>>
      %dma_start3A_558 = tpu.memref_squeeze %dma_start3A_557 : memref<1x128xi32, #tpu.memory_space<vmem>> -> memref<128xi32, #tpu.memory_space<vmem>>
      %dma_start3A_559 = arith.constant 0 : i32
      %dma_start3A_560 = arith.constant 0 : i32
      %dma_start3A_561 = tpu.memref_slice %arg2[%dma_start3A_559, %dma_start3A_560] : memref<10000x32xf32, #tpu.memory_space<hbm>> -> memref<10000x32xf32, #tpu.memory_space<hbm>>
      tpu.enqueue_indirect_dma source(%dma_start3A_561 : memref<10000x32xf32, #tpu.memory_space<hbm>>) target(%dma_start3A_555 : memref<128x32xf32, #tpu.memory_space<vmem>>) offsets(%dma_start3A_558 : memref<128xi32, #tpu.memory_space<vmem>>) semaphore(%arg13 : memref<!tpu.dma_semaphore, #tpu.memory_space<semaphore_mem>>)
      %add3A_562 = arith.constant 1 : i32
      %add3A_563 = arith.addi %scan3A_396, %add3A_562 : i32
      %mul3A_564 = arith.constant 8 : i32
      %mul3A_565 = arith.muli %add3A_563, %mul3A_564 : i32
      %dma_wait3A_566 = arith.constant 3 : i32
      %dma_wait3A_567 = arith.constant 3 : i32
      %dma_wait3A_568 = arith.constant 0 : i32
      %dma_wait3A_569 = arith.constant 0 : i32
      %dma_wait3A_570 = tpu.memref_slice %arg9[%dma_wait3A_567, %dma_wait3A_568, %dma_wait3A_569] : memref<8x128x32xf32, #tpu.memory_space<vmem>> -> memref<1x128x32xf32, #tpu.memory_space<vmem>>
      %dma_wait3A_571 = tpu.memref_squeeze %dma_wait3A_570 : memref<1x128x32xf32, #tpu.memory_space<vmem>> -> memref<128x32xf32, #tpu.memory_space<vmem>>
      %dma_wait3A_572 = arith.constant 0 : i32
      %dma_wait3A_573 = tpu.memref_slice %arg7[%dma_wait3A_566, %dma_wait3A_572] : memref<80x128xi32, #tpu.memory_space<vmem>> -> memref<1x128xi32, #tpu.memory_space<vmem>>
      %dma_wait3A_574 = tpu.memref_squeeze %dma_wait3A_573 : memref<1x128xi32, #tpu.memory_space<vmem>> -> memref<128xi32, #tpu.memory_space<vmem>>
      %dma_wait3A_575 = arith.constant 0 : i32
      %dma_wait3A_576 = arith.constant 0 : i32
      %dma_wait3A_577 = tpu.memref_slice %arg2[%dma_wait3A_575, %dma_wait3A_576] : memref<10000x32xf32, #tpu.memory_space<hbm>> -> memref<10000x32xf32, #tpu.memory_space<hbm>>
      tpu.wait_indirect_dma semaphore(%arg14 : memref<!tpu.dma_semaphore, #tpu.memory_space<semaphore_mem>>) src(%dma_wait3A_577 : memref<10000x32xf32, #tpu.memory_space<hbm>>) dst(%dma_wait3A_571 : memref<128x32xf32, #tpu.memory_space<vmem>>)
      %add3A_578 = arith.constant 3 : i32
      %add3A_579 = arith.addi %mul3A_399, %add3A_578 : i32
      %dma_start3A_580 = arith.constant 3 : i32
      %dma_start3A_581 = arith.constant 0 : i32
      %dma_start3A_582 = arith.constant 0 : i32
      %dma_start3A_583 = tpu.memref_slice %arg9[%dma_start3A_580, %dma_start3A_581, %dma_start3A_582] : memref<8x128x32xf32, #tpu.memory_space<vmem>> -> memref<1x128x32xf32, #tpu.memory_space<vmem>>
      %dma_start3A_584 = tpu.memref_squeeze %dma_start3A_583 : memref<1x128x32xf32, #tpu.memory_space<vmem>> -> memref<128x32xf32, #tpu.memory_space<vmem>>
      %dma_start3A_585 = arith.constant 0 : i32
      %dma_start3A_586 = tpu.memref_slice %arg8[%add3A_579, %dma_start3A_585] : memref<80x128xi32, #tpu.memory_space<vmem>> -> memref<1x128xi32, #tpu.memory_space<vmem>>
      %dma_start3A_587 = tpu.memref_squeeze %dma_start3A_586 : memref<1x128xi32, #tpu.memory_space<vmem>> -> memref<128xi32, #tpu.memory_space<vmem>>
      %dma_start3A_588 = arith.constant 0 : i32
      %dma_start3A_589 = arith.constant 0 : i32
      %dma_start3A_590 = tpu.memref_slice %arg10[%dma_start3A_588, %dma_start3A_589] : memref<10240x32xf32, #tpu.memory_space<vmem_shared>> -> memref<10240x32xf32, #tpu.memory_space<vmem_shared>>
      tpu.enqueue_indirect_dma source(%dma_start3A_584 : memref<128x32xf32, #tpu.memory_space<vmem>>) target(%dma_start3A_590 : memref<10240x32xf32, #tpu.memory_space<vmem_shared>>) offsets(%dma_start3A_587 : memref<128xi32, #tpu.memory_space<vmem>>) semaphore(%arg22 : memref<!tpu.dma_semaphore, #tpu.memory_space<semaphore_mem>>) {add = true}
      %dma_wait3A_591 = arith.constant 3 : i32
      %dma_wait3A_592 = arith.constant 0 : i32
      %dma_wait3A_593 = arith.constant 0 : i32
      %dma_wait3A_594 = arith.constant 0 : i32
      %dma_wait3A_595 = tpu.memref_slice %arg9[%dma_wait3A_591, %dma_wait3A_593, %dma_wait3A_594] : memref<8x128x32xf32, #tpu.memory_space<vmem>> -> memref<1x128x32xf32, #tpu.memory_space<vmem>>
      %dma_wait3A_596 = tpu.memref_squeeze %dma_wait3A_595 : memref<1x128x32xf32, #tpu.memory_space<vmem>> -> memref<128x32xf32, #tpu.memory_space<vmem>>
      %dma_wait3A_597 = arith.constant 0 : i32
      %dma_wait3A_598 = tpu.memref_slice %arg8[%dma_wait3A_592, %dma_wait3A_597] : memref<80x128xi32, #tpu.memory_space<vmem>> -> memref<1x128xi32, #tpu.memory_space<vmem>>
      %dma_wait3A_599 = tpu.memref_squeeze %dma_wait3A_598 : memref<1x128xi32, #tpu.memory_space<vmem>> -> memref<128xi32, #tpu.memory_space<vmem>>
      %dma_wait3A_600 = arith.constant 0 : i32
      %dma_wait3A_601 = arith.constant 0 : i32
      %dma_wait3A_602 = tpu.memref_slice %arg10[%dma_wait3A_600, %dma_wait3A_601] : memref<10240x32xf32, #tpu.memory_space<vmem_shared>> -> memref<10240x32xf32, #tpu.memory_space<vmem_shared>>
      tpu.wait_indirect_dma semaphore(%arg22 : memref<!tpu.dma_semaphore, #tpu.memory_space<semaphore_mem>>) src(%dma_wait3A_596 : memref<128x32xf32, #tpu.memory_space<vmem>>) dst(%dma_wait3A_602 : memref<10240x32xf32, #tpu.memory_space<vmem_shared>>)
      %add3A_603 = arith.constant 3 : i32
      %add3A_604 = arith.addi %mul3A_565, %add3A_603 : i32
      %dma_start3A_605 = arith.constant 3 : i32
      %dma_start3A_606 = arith.constant 0 : i32
      %dma_start3A_607 = arith.constant 0 : i32
      %dma_start3A_608 = tpu.memref_slice %arg9[%dma_start3A_605, %dma_start3A_606, %dma_start3A_607] : memref<8x128x32xf32, #tpu.memory_space<vmem>> -> memref<1x128x32xf32, #tpu.memory_space<vmem>>
      %dma_start3A_609 = tpu.memref_squeeze %dma_start3A_608 : memref<1x128x32xf32, #tpu.memory_space<vmem>> -> memref<128x32xf32, #tpu.memory_space<vmem>>
      %dma_start3A_610 = arith.constant 0 : i32
      %dma_start3A_611 = tpu.memref_slice %arg7[%add3A_604, %dma_start3A_610] : memref<80x128xi32, #tpu.memory_space<vmem>> -> memref<1x128xi32, #tpu.memory_space<vmem>>
      %dma_start3A_612 = tpu.memref_squeeze %dma_start3A_611 : memref<1x128xi32, #tpu.memory_space<vmem>> -> memref<128xi32, #tpu.memory_space<vmem>>
      %dma_start3A_613 = arith.constant 0 : i32
      %dma_start3A_614 = arith.constant 0 : i32
      %dma_start3A_615 = tpu.memref_slice %arg2[%dma_start3A_613, %dma_start3A_614] : memref<10000x32xf32, #tpu.memory_space<hbm>> -> memref<10000x32xf32, #tpu.memory_space<hbm>>
      tpu.enqueue_indirect_dma source(%dma_start3A_615 : memref<10000x32xf32, #tpu.memory_space<hbm>>) target(%dma_start3A_609 : memref<128x32xf32, #tpu.memory_space<vmem>>) offsets(%dma_start3A_612 : memref<128xi32, #tpu.memory_space<vmem>>) semaphore(%arg14 : memref<!tpu.dma_semaphore, #tpu.memory_space<semaphore_mem>>)
      %add3A_616 = arith.constant 1 : i32
      %add3A_617 = arith.addi %scan3A_396, %add3A_616 : i32
      %mul3A_618 = arith.constant 8 : i32
      %mul3A_619 = arith.muli %add3A_617, %mul3A_618 : i32
      %dma_wait3A_620 = arith.constant 4 : i32
      %dma_wait3A_621 = arith.constant 4 : i32
      %dma_wait3A_622 = arith.constant 0 : i32
      %dma_wait3A_623 = arith.constant 0 : i32
      %dma_wait3A_624 = tpu.memref_slice %arg9[%dma_wait3A_621, %dma_wait3A_622, %dma_wait3A_623] : memref<8x128x32xf32, #tpu.memory_space<vmem>> -> memref<1x128x32xf32, #tpu.memory_space<vmem>>
      %dma_wait3A_625 = tpu.memref_squeeze %dma_wait3A_624 : memref<1x128x32xf32, #tpu.memory_space<vmem>> -> memref<128x32xf32, #tpu.memory_space<vmem>>
      %dma_wait3A_626 = arith.constant 0 : i32
      %dma_wait3A_627 = tpu.memref_slice %arg7[%dma_wait3A_620, %dma_wait3A_626] : memref<80x128xi32, #tpu.memory_space<vmem>> -> memref<1x128xi32, #tpu.memory_space<vmem>>
      %dma_wait3A_628 = tpu.memref_squeeze %dma_wait3A_627 : memref<1x128xi32, #tpu.memory_space<vmem>> -> memref<128xi32, #tpu.memory_space<vmem>>
      %dma_wait3A_629 = arith.constant 0 : i32
      %dma_wait3A_630 = arith.constant 0 : i32
      %dma_wait3A_631 = tpu.memref_slice %arg2[%dma_wait3A_629, %dma_wait3A_630] : memref<10000x32xf32, #tpu.memory_space<hbm>> -> memref<10000x32xf32, #tpu.memory_space<hbm>>
      tpu.wait_indirect_dma semaphore(%arg15 : memref<!tpu.dma_semaphore, #tpu.memory_space<semaphore_mem>>) src(%dma_wait3A_631 : memref<10000x32xf32, #tpu.memory_space<hbm>>) dst(%dma_wait3A_625 : memref<128x32xf32, #tpu.memory_space<vmem>>)
      %add3A_632 = arith.constant 4 : i32
      %add3A_633 = arith.addi %mul3A_399, %add3A_632 : i32
      %dma_start3A_634 = arith.constant 4 : i32
      %dma_start3A_635 = arith.constant 0 : i32
      %dma_start3A_636 = arith.constant 0 : i32
      %dma_start3A_637 = tpu.memref_slice %arg9[%dma_start3A_634, %dma_start3A_635, %dma_start3A_636] : memref<8x128x32xf32, #tpu.memory_space<vmem>> -> memref<1x128x32xf32, #tpu.memory_space<vmem>>
      %dma_start3A_638 = tpu.memref_squeeze %dma_start3A_637 : memref<1x128x32xf32, #tpu.memory_space<vmem>> -> memref<128x32xf32, #tpu.memory_space<vmem>>
      %dma_start3A_639 = arith.constant 0 : i32
      %dma_start3A_640 = tpu.memref_slice %arg8[%add3A_633, %dma_start3A_639] : memref<80x128xi32, #tpu.memory_space<vmem>> -> memref<1x128xi32, #tpu.memory_space<vmem>>
      %dma_start3A_641 = tpu.memref_squeeze %dma_start3A_640 : memref<1x128xi32, #tpu.memory_space<vmem>> -> memref<128xi32, #tpu.memory_space<vmem>>
      %dma_start3A_642 = arith.constant 0 : i32
      %dma_start3A_643 = arith.constant 0 : i32
      %dma_start3A_644 = tpu.memref_slice %arg10[%dma_start3A_642, %dma_start3A_643] : memref<10240x32xf32, #tpu.memory_space<vmem_shared>> -> memref<10240x32xf32, #tpu.memory_space<vmem_shared>>
      tpu.enqueue_indirect_dma source(%dma_start3A_638 : memref<128x32xf32, #tpu.memory_space<vmem>>) target(%dma_start3A_644 : memref<10240x32xf32, #tpu.memory_space<vmem_shared>>) offsets(%dma_start3A_641 : memref<128xi32, #tpu.memory_space<vmem>>) semaphore(%arg23 : memref<!tpu.dma_semaphore, #tpu.memory_space<semaphore_mem>>) {add = true}
      %dma_wait3A_645 = arith.constant 4 : i32
      %dma_wait3A_646 = arith.constant 0 : i32
      %dma_wait3A_647 = arith.constant 0 : i32
      %dma_wait3A_648 = arith.constant 0 : i32
      %dma_wait3A_649 = tpu.memref_slice %arg9[%dma_wait3A_645, %dma_wait3A_647, %dma_wait3A_648] : memref<8x128x32xf32, #tpu.memory_space<vmem>> -> memref<1x128x32xf32, #tpu.memory_space<vmem>>
      %dma_wait3A_650 = tpu.memref_squeeze %dma_wait3A_649 : memref<1x128x32xf32, #tpu.memory_space<vmem>> -> memref<128x32xf32, #tpu.memory_space<vmem>>
      %dma_wait3A_651 = arith.constant 0 : i32
      %dma_wait3A_652 = tpu.memref_slice %arg8[%dma_wait3A_646, %dma_wait3A_651] : memref<80x128xi32, #tpu.memory_space<vmem>> -> memref<1x128xi32, #tpu.memory_space<vmem>>
      %dma_wait3A_653 = tpu.memref_squeeze %dma_wait3A_652 : memref<1x128xi32, #tpu.memory_space<vmem>> -> memref<128xi32, #tpu.memory_space<vmem>>
      %dma_wait3A_654 = arith.constant 0 : i32
      %dma_wait3A_655 = arith.constant 0 : i32
      %dma_wait3A_656 = tpu.memref_slice %arg10[%dma_wait3A_654, %dma_wait3A_655] : memref<10240x32xf32, #tpu.memory_space<vmem_shared>> -> memref<10240x32xf32, #tpu.memory_space<vmem_shared>>
      tpu.wait_indirect_dma semaphore(%arg23 : memref<!tpu.dma_semaphore, #tpu.memory_space<semaphore_mem>>) src(%dma_wait3A_650 : memref<128x32xf32, #tpu.memory_space<vmem>>) dst(%dma_wait3A_656 : memref<10240x32xf32, #tpu.memory_space<vmem_shared>>)
      %add3A_657 = arith.constant 4 : i32
      %add3A_658 = arith.addi %mul3A_619, %add3A_657 : i32
      %dma_start3A_659 = arith.constant 4 : i32
      %dma_start3A_660 = arith.constant 0 : i32
      %dma_start3A_661 = arith.constant 0 : i32
      %dma_start3A_662 = tpu.memref_slice %arg9[%dma_start3A_659, %dma_start3A_660, %dma_start3A_661] : memref<8x128x32xf32, #tpu.memory_space<vmem>> -> memref<1x128x32xf32, #tpu.memory_space<vmem>>
      %dma_start3A_663 = tpu.memref_squeeze %dma_start3A_662 : memref<1x128x32xf32, #tpu.memory_space<vmem>> -> memref<128x32xf32, #tpu.memory_space<vmem>>
      %dma_start3A_664 = arith.constant 0 : i32
      %dma_start3A_665 = tpu.memref_slice %arg7[%add3A_658, %dma_start3A_664] : memref<80x128xi32, #tpu.memory_space<vmem>> -> memref<1x128xi32, #tpu.memory_space<vmem>>
      %dma_start3A_666 = tpu.memref_squeeze %dma_start3A_665 : memref<1x128xi32, #tpu.memory_space<vmem>> -> memref<128xi32, #tpu.memory_space<vmem>>
      %dma_start3A_667 = arith.constant 0 : i32
      %dma_start3A_668 = arith.constant 0 : i32
      %dma_start3A_669 = tpu.memref_slice %arg2[%dma_start3A_667, %dma_start3A_668] : memref<10000x32xf32, #tpu.memory_space<hbm>> -> memref<10000x32xf32, #tpu.memory_space<hbm>>
      tpu.enqueue_indirect_dma source(%dma_start3A_669 : memref<10000x32xf32, #tpu.memory_space<hbm>>) target(%dma_start3A_663 : memref<128x32xf32, #tpu.memory_space<vmem>>) offsets(%dma_start3A_666 : memref<128xi32, #tpu.memory_space<vmem>>) semaphore(%arg15 : memref<!tpu.dma_semaphore, #tpu.memory_space<semaphore_mem>>)
      %add3A_670 = arith.constant 1 : i32
      %add3A_671 = arith.addi %scan3A_396, %add3A_670 : i32
      %mul3A_672 = arith.constant 8 : i32
      %mul3A_673 = arith.muli %add3A_671, %mul3A_672 : i32
      %dma_wait3A_674 = arith.constant 5 : i32
      %dma_wait3A_675 = arith.constant 5 : i32
      %dma_wait3A_676 = arith.constant 0 : i32
      %dma_wait3A_677 = arith.constant 0 : i32
      %dma_wait3A_678 = tpu.memref_slice %arg9[%dma_wait3A_675, %dma_wait3A_676, %dma_wait3A_677] : memref<8x128x32xf32, #tpu.memory_space<vmem>> -> memref<1x128x32xf32, #tpu.memory_space<vmem>>
      %dma_wait3A_679 = tpu.memref_squeeze %dma_wait3A_678 : memref<1x128x32xf32, #tpu.memory_space<vmem>> -> memref<128x32xf32, #tpu.memory_space<vmem>>
      %dma_wait3A_680 = arith.constant 0 : i32
      %dma_wait3A_681 = tpu.memref_slice %arg7[%dma_wait3A_674, %dma_wait3A_680] : memref<80x128xi32, #tpu.memory_space<vmem>> -> memref<1x128xi32, #tpu.memory_space<vmem>>
      %dma_wait3A_682 = tpu.memref_squeeze %dma_wait3A_681 : memref<1x128xi32, #tpu.memory_space<vmem>> -> memref<128xi32, #tpu.memory_space<vmem>>
      %dma_wait3A_683 = arith.constant 0 : i32
      %dma_wait3A_684 = arith.constant 0 : i32
      %dma_wait3A_685 = tpu.memref_slice %arg2[%dma_wait3A_683, %dma_wait3A_684] : memref<10000x32xf32, #tpu.memory_space<hbm>> -> memref<10000x32xf32, #tpu.memory_space<hbm>>
      tpu.wait_indirect_dma semaphore(%arg16 : memref<!tpu.dma_semaphore, #tpu.memory_space<semaphore_mem>>) src(%dma_wait3A_685 : memref<10000x32xf32, #tpu.memory_space<hbm>>) dst(%dma_wait3A_679 : memref<128x32xf32, #tpu.memory_space<vmem>>)
      %add3A_686 = arith.constant 5 : i32
      %add3A_687 = arith.addi %mul3A_399, %add3A_686 : i32
      %dma_start3A_688 = arith.constant 5 : i32
      %dma_start3A_689 = arith.constant 0 : i32
      %dma_start3A_690 = arith.constant 0 : i32
      %dma_start3A_691 = tpu.memref_slice %arg9[%dma_start3A_688, %dma_start3A_689, %dma_start3A_690] : memref<8x128x32xf32, #tpu.memory_space<vmem>> -> memref<1x128x32xf32, #tpu.memory_space<vmem>>
      %dma_start3A_692 = tpu.memref_squeeze %dma_start3A_691 : memref<1x128x32xf32, #tpu.memory_space<vmem>> -> memref<128x32xf32, #tpu.memory_space<vmem>>
      %dma_start3A_693 = arith.constant 0 : i32
      %dma_start3A_694 = tpu.memref_slice %arg8[%add3A_687, %dma_start3A_693] : memref<80x128xi32, #tpu.memory_space<vmem>> -> memref<1x128xi32, #tpu.memory_space<vmem>>
      %dma_start3A_695 = tpu.memref_squeeze %dma_start3A_694 : memref<1x128xi32, #tpu.memory_space<vmem>> -> memref<128xi32, #tpu.memory_space<vmem>>
      %dma_start3A_696 = arith.constant 0 : i32
      %dma_start3A_697 = arith.constant 0 : i32
      %dma_start3A_698 = tpu.memref_slice %arg10[%dma_start3A_696, %dma_start3A_697] : memref<10240x32xf32, #tpu.memory_space<vmem_shared>> -> memref<10240x32xf32, #tpu.memory_space<vmem_shared>>
      tpu.enqueue_indirect_dma source(%dma_start3A_692 : memref<128x32xf32, #tpu.memory_space<vmem>>) target(%dma_start3A_698 : memref<10240x32xf32, #tpu.memory_space<vmem_shared>>) offsets(%dma_start3A_695 : memref<128xi32, #tpu.memory_space<vmem>>) semaphore(%arg24 : memref<!tpu.dma_semaphore, #tpu.memory_space<semaphore_mem>>) {add = true}
      %dma_wait3A_699 = arith.constant 5 : i32
      %dma_wait3A_700 = arith.constant 0 : i32
      %dma_wait3A_701 = arith.constant 0 : i32
      %dma_wait3A_702 = arith.constant 0 : i32
      %dma_wait3A_703 = tpu.memref_slice %arg9[%dma_wait3A_699, %dma_wait3A_701, %dma_wait3A_702] : memref<8x128x32xf32, #tpu.memory_space<vmem>> -> memref<1x128x32xf32, #tpu.memory_space<vmem>>
      %dma_wait3A_704 = tpu.memref_squeeze %dma_wait3A_703 : memref<1x128x32xf32, #tpu.memory_space<vmem>> -> memref<128x32xf32, #tpu.memory_space<vmem>>
      %dma_wait3A_705 = arith.constant 0 : i32
      %dma_wait3A_706 = tpu.memref_slice %arg8[%dma_wait3A_700, %dma_wait3A_705] : memref<80x128xi32, #tpu.memory_space<vmem>> -> memref<1x128xi32, #tpu.memory_space<vmem>>
      %dma_wait3A_707 = tpu.memref_squeeze %dma_wait3A_706 : memref<1x128xi32, #tpu.memory_space<vmem>> -> memref<128xi32, #tpu.memory_space<vmem>>
      %dma_wait3A_708 = arith.constant 0 : i32
      %dma_wait3A_709 = arith.constant 0 : i32
      %dma_wait3A_710 = tpu.memref_slice %arg10[%dma_wait3A_708, %dma_wait3A_709] : memref<10240x32xf32, #tpu.memory_space<vmem_shared>> -> memref<10240x32xf32, #tpu.memory_space<vmem_shared>>
      tpu.wait_indirect_dma semaphore(%arg24 : memref<!tpu.dma_semaphore, #tpu.memory_space<semaphore_mem>>) src(%dma_wait3A_704 : memref<128x32xf32, #tpu.memory_space<vmem>>) dst(%dma_wait3A_710 : memref<10240x32xf32, #tpu.memory_space<vmem_shared>>)
      %add3A_711 = arith.constant 5 : i32
      %add3A_712 = arith.addi %mul3A_673, %add3A_711 : i32
      %dma_start3A_713 = arith.constant 5 : i32
      %dma_start3A_714 = arith.constant 0 : i32
      %dma_start3A_715 = arith.constant 0 : i32
      %dma_start3A_716 = tpu.memref_slice %arg9[%dma_start3A_713, %dma_start3A_714, %dma_start3A_715] : memref<8x128x32xf32, #tpu.memory_space<vmem>> -> memref<1x128x32xf32, #tpu.memory_space<vmem>>
      %dma_start3A_717 = tpu.memref_squeeze %dma_start3A_716 : memref<1x128x32xf32, #tpu.memory_space<vmem>> -> memref<128x32xf32, #tpu.memory_space<vmem>>
      %dma_start3A_718 = arith.constant 0 : i32
      %dma_start3A_719 = tpu.memref_slice %arg7[%add3A_712, %dma_start3A_718] : memref<80x128xi32, #tpu.memory_space<vmem>> -> memref<1x128xi32, #tpu.memory_space<vmem>>
      %dma_start3A_720 = tpu.memref_squeeze %dma_start3A_719 : memref<1x128xi32, #tpu.memory_space<vmem>> -> memref<128xi32, #tpu.memory_space<vmem>>
      %dma_start3A_721 = arith.constant 0 : i32
      %dma_start3A_722 = arith.constant 0 : i32
      %dma_start3A_723 = tpu.memref_slice %arg2[%dma_start3A_721, %dma_start3A_722] : memref<10000x32xf32, #tpu.memory_space<hbm>> -> memref<10000x32xf32, #tpu.memory_space<hbm>>
      tpu.enqueue_indirect_dma source(%dma_start3A_723 : memref<10000x32xf32, #tpu.memory_space<hbm>>) target(%dma_start3A_717 : memref<128x32xf32, #tpu.memory_space<vmem>>) offsets(%dma_start3A_720 : memref<128xi32, #tpu.memory_space<vmem>>) semaphore(%arg16 : memref<!tpu.dma_semaphore, #tpu.memory_space<semaphore_mem>>)
      %add3A_724 = arith.constant 1 : i32
      %add3A_725 = arith.addi %scan3A_396, %add3A_724 : i32
      %mul3A_726 = arith.constant 8 : i32
      %mul3A_727 = arith.muli %add3A_725, %mul3A_726 : i32
      %dma_wait3A_728 = arith.constant 6 : i32
      %dma_wait3A_729 = arith.constant 6 : i32
      %dma_wait3A_730 = arith.constant 0 : i32
      %dma_wait3A_731 = arith.constant 0 : i32
      %dma_wait3A_732 = tpu.memref_slice %arg9[%dma_wait3A_729, %dma_wait3A_730, %dma_wait3A_731] : memref<8x128x32xf32, #tpu.memory_space<vmem>> -> memref<1x128x32xf32, #tpu.memory_space<vmem>>
      %dma_wait3A_733 = tpu.memref_squeeze %dma_wait3A_732 : memref<1x128x32xf32, #tpu.memory_space<vmem>> -> memref<128x32xf32, #tpu.memory_space<vmem>>
      %dma_wait3A_734 = arith.constant 0 : i32
      %dma_wait3A_735 = tpu.memref_slice %arg7[%dma_wait3A_728, %dma_wait3A_734] : memref<80x128xi32, #tpu.memory_space<vmem>> -> memref<1x128xi32, #tpu.memory_space<vmem>>
      %dma_wait3A_736 = tpu.memref_squeeze %dma_wait3A_735 : memref<1x128xi32, #tpu.memory_space<vmem>> -> memref<128xi32, #tpu.memory_space<vmem>>
      %dma_wait3A_737 = arith.constant 0 : i32
      %dma_wait3A_738 = arith.constant 0 : i32
      %dma_wait3A_739 = tpu.memref_slice %arg2[%dma_wait3A_737, %dma_wait3A_738] : memref<10000x32xf32, #tpu.memory_space<hbm>> -> memref<10000x32xf32, #tpu.memory_space<hbm>>
      tpu.wait_indirect_dma semaphore(%arg17 : memref<!tpu.dma_semaphore, #tpu.memory_space<semaphore_mem>>) src(%dma_wait3A_739 : memref<10000x32xf32, #tpu.memory_space<hbm>>) dst(%dma_wait3A_733 : memref<128x32xf32, #tpu.memory_space<vmem>>)
      %add3A_740 = arith.constant 6 : i32
      %add3A_741 = arith.addi %mul3A_399, %add3A_740 : i32
      %dma_start3A_742 = arith.constant 6 : i32
      %dma_start3A_743 = arith.constant 0 : i32
      %dma_start3A_744 = arith.constant 0 : i32
      %dma_start3A_745 = tpu.memref_slice %arg9[%dma_start3A_742, %dma_start3A_743, %dma_start3A_744] : memref<8x128x32xf32, #tpu.memory_space<vmem>> -> memref<1x128x32xf32, #tpu.memory_space<vmem>>
      %dma_start3A_746 = tpu.memref_squeeze %dma_start3A_745 : memref<1x128x32xf32, #tpu.memory_space<vmem>> -> memref<128x32xf32, #tpu.memory_space<vmem>>
      %dma_start3A_747 = arith.constant 0 : i32
      %dma_start3A_748 = tpu.memref_slice %arg8[%add3A_741, %dma_start3A_747] : memref<80x128xi32, #tpu.memory_space<vmem>> -> memref<1x128xi32, #tpu.memory_space<vmem>>
      %dma_start3A_749 = tpu.memref_squeeze %dma_start3A_748 : memref<1x128xi32, #tpu.memory_space<vmem>> -> memref<128xi32, #tpu.memory_space<vmem>>
      %dma_start3A_750 = arith.constant 0 : i32
      %dma_start3A_751 = arith.constant 0 : i32
      %dma_start3A_752 = tpu.memref_slice %arg10[%dma_start3A_750, %dma_start3A_751] : memref<10240x32xf32, #tpu.memory_space<vmem_shared>> -> memref<10240x32xf32, #tpu.memory_space<vmem_shared>>
      tpu.enqueue_indirect_dma source(%dma_start3A_746 : memref<128x32xf32, #tpu.memory_space<vmem>>) target(%dma_start3A_752 : memref<10240x32xf32, #tpu.memory_space<vmem_shared>>) offsets(%dma_start3A_749 : memref<128xi32, #tpu.memory_space<vmem>>) semaphore(%arg25 : memref<!tpu.dma_semaphore, #tpu.memory_space<semaphore_mem>>) {add = true}
      %dma_wait3A_753 = arith.constant 6 : i32
      %dma_wait3A_754 = arith.constant 0 : i32
      %dma_wait3A_755 = arith.constant 0 : i32
      %dma_wait3A_756 = arith.constant 0 : i32
      %dma_wait3A_757 = tpu.memref_slice %arg9[%dma_wait3A_753, %dma_wait3A_755, %dma_wait3A_756] : memref<8x128x32xf32, #tpu.memory_space<vmem>> -> memref<1x128x32xf32, #tpu.memory_space<vmem>>
      %dma_wait3A_758 = tpu.memref_squeeze %dma_wait3A_757 : memref<1x128x32xf32, #tpu.memory_space<vmem>> -> memref<128x32xf32, #tpu.memory_space<vmem>>
      %dma_wait3A_759 = arith.constant 0 : i32
      %dma_wait3A_760 = tpu.memref_slice %arg8[%dma_wait3A_754, %dma_wait3A_759] : memref<80x128xi32, #tpu.memory_space<vmem>> -> memref<1x128xi32, #tpu.memory_space<vmem>>
      %dma_wait3A_761 = tpu.memref_squeeze %dma_wait3A_760 : memref<1x128xi32, #tpu.memory_space<vmem>> -> memref<128xi32, #tpu.memory_space<vmem>>
      %dma_wait3A_762 = arith.constant 0 : i32
      %dma_wait3A_763 = arith.constant 0 : i32
      %dma_wait3A_764 = tpu.memref_slice %arg10[%dma_wait3A_762, %dma_wait3A_763] : memref<10240x32xf32, #tpu.memory_space<vmem_shared>> -> memref<10240x32xf32, #tpu.memory_space<vmem_shared>>
      tpu.wait_indirect_dma semaphore(%arg25 : memref<!tpu.dma_semaphore, #tpu.memory_space<semaphore_mem>>) src(%dma_wait3A_758 : memref<128x32xf32, #tpu.memory_space<vmem>>) dst(%dma_wait3A_764 : memref<10240x32xf32, #tpu.memory_space<vmem_shared>>)
      %add3A_765 = arith.constant 6 : i32
      %add3A_766 = arith.addi %mul3A_727, %add3A_765 : i32
      %dma_start3A_767 = arith.constant 6 : i32
      %dma_start3A_768 = arith.constant 0 : i32
      %dma_start3A_769 = arith.constant 0 : i32
      %dma_start3A_770 = tpu.memref_slice %arg9[%dma_start3A_767, %dma_start3A_768, %dma_start3A_769] : memref<8x128x32xf32, #tpu.memory_space<vmem>> -> memref<1x128x32xf32, #tpu.memory_space<vmem>>
      %dma_start3A_771 = tpu.memref_squeeze %dma_start3A_770 : memref<1x128x32xf32, #tpu.memory_space<vmem>> -> memref<128x32xf32, #tpu.memory_space<vmem>>
      %dma_start3A_772 = arith.constant 0 : i32
      %dma_start3A_773 = tpu.memref_slice %arg7[%add3A_766, %dma_start3A_772] : memref<80x128xi32, #tpu.memory_space<vmem>> -> memref<1x128xi32, #tpu.memory_space<vmem>>
      %dma_start3A_774 = tpu.memref_squeeze %dma_start3A_773 : memref<1x128xi32, #tpu.memory_space<vmem>> -> memref<128xi32, #tpu.memory_space<vmem>>
      %dma_start3A_775 = arith.constant 0 : i32
      %dma_start3A_776 = arith.constant 0 : i32
      %dma_start3A_777 = tpu.memref_slice %arg2[%dma_start3A_775, %dma_start3A_776] : memref<10000x32xf32, #tpu.memory_space<hbm>> -> memref<10000x32xf32, #tpu.memory_space<hbm>>
      tpu.enqueue_indirect_dma source(%dma_start3A_777 : memref<10000x32xf32, #tpu.memory_space<hbm>>) target(%dma_start3A_771 : memref<128x32xf32, #tpu.memory_space<vmem>>) offsets(%dma_start3A_774 : memref<128xi32, #tpu.memory_space<vmem>>) semaphore(%arg17 : memref<!tpu.dma_semaphore, #tpu.memory_space<semaphore_mem>>)
      %add3A_778 = arith.constant 1 : i32
      %add3A_779 = arith.addi %scan3A_396, %add3A_778 : i32
      %mul3A_780 = arith.constant 8 : i32
      %mul3A_781 = arith.muli %add3A_779, %mul3A_780 : i32
      %dma_wait3A_782 = arith.constant 7 : i32
      %dma_wait3A_783 = arith.constant 7 : i32
      %dma_wait3A_784 = arith.constant 0 : i32
      %dma_wait3A_785 = arith.constant 0 : i32
      %dma_wait3A_786 = tpu.memref_slice %arg9[%dma_wait3A_783, %dma_wait3A_784, %dma_wait3A_785] : memref<8x128x32xf32, #tpu.memory_space<vmem>> -> memref<1x128x32xf32, #tpu.memory_space<vmem>>
      %dma_wait3A_787 = tpu.memref_squeeze %dma_wait3A_786 : memref<1x128x32xf32, #tpu.memory_space<vmem>> -> memref<128x32xf32, #tpu.memory_space<vmem>>
      %dma_wait3A_788 = arith.constant 0 : i32
      %dma_wait3A_789 = tpu.memref_slice %arg7[%dma_wait3A_782, %dma_wait3A_788] : memref<80x128xi32, #tpu.memory_space<vmem>> -> memref<1x128xi32, #tpu.memory_space<vmem>>
      %dma_wait3A_790 = tpu.memref_squeeze %dma_wait3A_789 : memref<1x128xi32, #tpu.memory_space<vmem>> -> memref<128xi32, #tpu.memory_space<vmem>>
      %dma_wait3A_791 = arith.constant 0 : i32
      %dma_wait3A_792 = arith.constant 0 : i32
      %dma_wait3A_793 = tpu.memref_slice %arg2[%dma_wait3A_791, %dma_wait3A_792] : memref<10000x32xf32, #tpu.memory_space<hbm>> -> memref<10000x32xf32, #tpu.memory_space<hbm>>
      tpu.wait_indirect_dma semaphore(%arg18 : memref<!tpu.dma_semaphore, #tpu.memory_space<semaphore_mem>>) src(%dma_wait3A_793 : memref<10000x32xf32, #tpu.memory_space<hbm>>) dst(%dma_wait3A_787 : memref<128x32xf32, #tpu.memory_space<vmem>>)
      %add3A_794 = arith.constant 7 : i32
      %add3A_795 = arith.addi %mul3A_399, %add3A_794 : i32
      %dma_start3A_796 = arith.constant 7 : i32
      %dma_start3A_797 = arith.constant 0 : i32
      %dma_start3A_798 = arith.constant 0 : i32
      %dma_start3A_799 = tpu.memref_slice %arg9[%dma_start3A_796, %dma_start3A_797, %dma_start3A_798] : memref<8x128x32xf32, #tpu.memory_space<vmem>> -> memref<1x128x32xf32, #tpu.memory_space<vmem>>
      %dma_start3A_800 = tpu.memref_squeeze %dma_start3A_799 : memref<1x128x32xf32, #tpu.memory_space<vmem>> -> memref<128x32xf32, #tpu.memory_space<vmem>>
      %dma_start3A_801 = arith.constant 0 : i32
      %dma_start3A_802 = tpu.memref_slice %arg8[%add3A_795, %dma_start3A_801] : memref<80x128xi32, #tpu.memory_space<vmem>> -> memref<1x128xi32, #tpu.memory_space<vmem>>
      %dma_start3A_803 = tpu.memref_squeeze %dma_start3A_802 : memref<1x128xi32, #tpu.memory_space<vmem>> -> memref<128xi32, #tpu.memory_space<vmem>>
      %dma_start3A_804 = arith.constant 0 : i32
      %dma_start3A_805 = arith.constant 0 : i32
      %dma_start3A_806 = tpu.memref_slice %arg10[%dma_start3A_804, %dma_start3A_805] : memref<10240x32xf32, #tpu.memory_space<vmem_shared>> -> memref<10240x32xf32, #tpu.memory_space<vmem_shared>>
      tpu.enqueue_indirect_dma source(%dma_start3A_800 : memref<128x32xf32, #tpu.memory_space<vmem>>) target(%dma_start3A_806 : memref<10240x32xf32, #tpu.memory_space<vmem_shared>>) offsets(%dma_start3A_803 : memref<128xi32, #tpu.memory_space<vmem>>) semaphore(%arg26 : memref<!tpu.dma_semaphore, #tpu.memory_space<semaphore_mem>>) {add = true}
      %dma_wait3A_807 = arith.constant 7 : i32
      %dma_wait3A_808 = arith.constant 0 : i32
      %dma_wait3A_809 = arith.constant 0 : i32
      %dma_wait3A_810 = arith.constant 0 : i32
      %dma_wait3A_811 = tpu.memref_slice %arg9[%dma_wait3A_807, %dma_wait3A_809, %dma_wait3A_810] : memref<8x128x32xf32, #tpu.memory_space<vmem>> -> memref<1x128x32xf32, #tpu.memory_space<vmem>>
      %dma_wait3A_812 = tpu.memref_squeeze %dma_wait3A_811 : memref<1x128x32xf32, #tpu.memory_space<vmem>> -> memref<128x32xf32, #tpu.memory_space<vmem>>
      %dma_wait3A_813 = arith.constant 0 : i32
      %dma_wait3A_814 = tpu.memref_slice %arg8[%dma_wait3A_808, %dma_wait3A_813] : memref<80x128xi32, #tpu.memory_space<vmem>> -> memref<1x128xi32, #tpu.memory_space<vmem>>
      %dma_wait3A_815 = tpu.memref_squeeze %dma_wait3A_814 : memref<1x128xi32, #tpu.memory_space<vmem>> -> memref<128xi32, #tpu.memory_space<vmem>>
      %dma_wait3A_816 = arith.constant 0 : i32
      %dma_wait3A_817 = arith.constant 0 : i32
      %dma_wait3A_818 = tpu.memref_slice %arg10[%dma_wait3A_816, %dma_wait3A_817] : memref<10240x32xf32, #tpu.memory_space<vmem_shared>> -> memref<10240x32xf32, #tpu.memory_space<vmem_shared>>
      tpu.wait_indirect_dma semaphore(%arg26 : memref<!tpu.dma_semaphore, #tpu.memory_space<semaphore_mem>>) src(%dma_wait3A_812 : memref<128x32xf32, #tpu.memory_space<vmem>>) dst(%dma_wait3A_818 : memref<10240x32xf32, #tpu.memory_space<vmem_shared>>)
      %add3A_819 = arith.constant 7 : i32
      %add3A_820 = arith.addi %mul3A_781, %add3A_819 : i32
      %dma_start3A_821 = arith.constant 7 : i32
      %dma_start3A_822 = arith.constant 0 : i32
      %dma_start3A_823 = arith.constant 0 : i32
      %dma_start3A_824 = tpu.memref_slice %arg9[%dma_start3A_821, %dma_start3A_822, %dma_start3A_823] : memref<8x128x32xf32, #tpu.memory_space<vmem>> -> memref<1x128x32xf32, #tpu.memory_space<vmem>>
      %dma_start3A_825 = tpu.memref_squeeze %dma_start3A_824 : memref<1x128x32xf32, #tpu.memory_space<vmem>> -> memref<128x32xf32, #tpu.memory_space<vmem>>
      %dma_start3A_826 = arith.constant 0 : i32
      %dma_start3A_827 = tpu.memref_slice %arg7[%add3A_820, %dma_start3A_826] : memref<80x128xi32, #tpu.memory_space<vmem>> -> memref<1x128xi32, #tpu.memory_space<vmem>>
      %dma_start3A_828 = tpu.memref_squeeze %dma_start3A_827 : memref<1x128xi32, #tpu.memory_space<vmem>> -> memref<128xi32, #tpu.memory_space<vmem>>
      %dma_start3A_829 = arith.constant 0 : i32
      %dma_start3A_830 = arith.constant 0 : i32
      %dma_start3A_831 = tpu.memref_slice %arg2[%dma_start3A_829, %dma_start3A_830] : memref<10000x32xf32, #tpu.memory_space<hbm>> -> memref<10000x32xf32, #tpu.memory_space<hbm>>
      tpu.enqueue_indirect_dma source(%dma_start3A_831 : memref<10000x32xf32, #tpu.memory_space<hbm>>) target(%dma_start3A_825 : memref<128x32xf32, #tpu.memory_space<vmem>>) offsets(%dma_start3A_828 : memref<128xi32, #tpu.memory_space<vmem>>) semaphore(%arg18 : memref<!tpu.dma_semaphore, #tpu.memory_space<semaphore_mem>>)
      %scan3A_832 = arith.constant 0 : i32
      scf.yield %scan3A_832 : i32
    }
    %scan3A_103 = arith.constant 9 : i32
    %dma_wait3A = arith.constant 0 : i32
    %dma_wait3A_104 = arith.constant 0 : i32
    %dma_wait3A_105 = arith.constant 0 : i32
    %dma_wait3A_106 = arith.constant 0 : i32
    %dma_wait3A_107 = tpu.memref_slice %arg9[%dma_wait3A_104, %dma_wait3A_105, %dma_wait3A_106] : memref<8x128x32xf32, #tpu.memory_space<vmem>> -> memref<1x128x32xf32, #tpu.memory_space<vmem>>
    %dma_wait3A_108 = tpu.memref_squeeze %dma_wait3A_107 : memref<1x128x32xf32, #tpu.memory_space<vmem>> -> memref<128x32xf32, #tpu.memory_space<vmem>>
    %dma_wait3A_109 = arith.constant 0 : i32
    %dma_wait3A_110 = tpu.memref_slice %arg7[%dma_wait3A, %dma_wait3A_109] : memref<80x128xi32, #tpu.memory_space<vmem>> -> memref<1x128xi32, #tpu.memory_space<vmem>>
    %dma_wait3A_111 = tpu.memref_squeeze %dma_wait3A_110 : memref<1x128xi32, #tpu.memory_space<vmem>> -> memref<128xi32, #tpu.memory_space<vmem>>
    %dma_wait3A_112 = arith.constant 0 : i32
    %dma_wait3A_113 = arith.constant 0 : i32
    %dma_wait3A_114 = tpu.memref_slice %arg2[%dma_wait3A_112, %dma_wait3A_113] : memref<10000x32xf32, #tpu.memory_space<hbm>> -> memref<10000x32xf32, #tpu.memory_space<hbm>>
    tpu.wait_indirect_dma semaphore(%arg11 : memref<!tpu.dma_semaphore, #tpu.memory_space<semaphore_mem>>) src(%dma_wait3A_114 : memref<10000x32xf32, #tpu.memory_space<hbm>>) dst(%dma_wait3A_108 : memref<128x32xf32, #tpu.memory_space<vmem>>)
    %dma_start3A_115 = arith.constant 0 : i32
    %dma_start3A_116 = arith.constant 72 : i32
    %dma_start3A_117 = arith.constant 0 : i32
    %dma_start3A_118 = arith.constant 0 : i32
    %dma_start3A_119 = tpu.memref_slice %arg9[%dma_start3A_115, %dma_start3A_117, %dma_start3A_118] : memref<8x128x32xf32, #tpu.memory_space<vmem>> -> memref<1x128x32xf32, #tpu.memory_space<vmem>>
    %dma_start3A_120 = tpu.memref_squeeze %dma_start3A_119 : memref<1x128x32xf32, #tpu.memory_space<vmem>> -> memref<128x32xf32, #tpu.memory_space<vmem>>
    %dma_start3A_121 = arith.constant 0 : i32
    %dma_start3A_122 = tpu.memref_slice %arg8[%dma_start3A_116, %dma_start3A_121] : memref<80x128xi32, #tpu.memory_space<vmem>> -> memref<1x128xi32, #tpu.memory_space<vmem>>
    %dma_start3A_123 = tpu.memref_squeeze %dma_start3A_122 : memref<1x128xi32, #tpu.memory_space<vmem>> -> memref<128xi32, #tpu.memory_space<vmem>>
    %dma_start3A_124 = arith.constant 0 : i32
    %dma_start3A_125 = arith.constant 0 : i32
    %dma_start3A_126 = tpu.memref_slice %arg10[%dma_start3A_124, %dma_start3A_125] : memref<10240x32xf32, #tpu.memory_space<vmem_shared>> -> memref<10240x32xf32, #tpu.memory_space<vmem_shared>>
    tpu.enqueue_indirect_dma source(%dma_start3A_120 : memref<128x32xf32, #tpu.memory_space<vmem>>) target(%dma_start3A_126 : memref<10240x32xf32, #tpu.memory_space<vmem_shared>>) offsets(%dma_start3A_123 : memref<128xi32, #tpu.memory_space<vmem>>) semaphore(%arg19 : memref<!tpu.dma_semaphore, #tpu.memory_space<semaphore_mem>>) {add = true}
    %dma_wait3A_127 = arith.constant 1 : i32
    %dma_wait3A_128 = arith.constant 1 : i32
    %dma_wait3A_129 = arith.constant 0 : i32
    %dma_wait3A_130 = arith.constant 0 : i32
    %dma_wait3A_131 = tpu.memref_slice %arg9[%dma_wait3A_128, %dma_wait3A_129, %dma_wait3A_130] : memref<8x128x32xf32, #tpu.memory_space<vmem>> -> memref<1x128x32xf32, #tpu.memory_space<vmem>>
    %dma_wait3A_132 = tpu.memref_squeeze %dma_wait3A_131 : memref<1x128x32xf32, #tpu.memory_space<vmem>> -> memref<128x32xf32, #tpu.memory_space<vmem>>
    %dma_wait3A_133 = arith.constant 0 : i32
    %dma_wait3A_134 = tpu.memref_slice %arg7[%dma_wait3A_127, %dma_wait3A_133] : memref<80x128xi32, #tpu.memory_space<vmem>> -> memref<1x128xi32, #tpu.memory_space<vmem>>
    %dma_wait3A_135 = tpu.memref_squeeze %dma_wait3A_134 : memref<1x128xi32, #tpu.memory_space<vmem>> -> memref<128xi32, #tpu.memory_space<vmem>>
    %dma_wait3A_136 = arith.constant 0 : i32
    %dma_wait3A_137 = arith.constant 0 : i32
    %dma_wait3A_138 = tpu.memref_slice %arg2[%dma_wait3A_136, %dma_wait3A_137] : memref<10000x32xf32, #tpu.memory_space<hbm>> -> memref<10000x32xf32, #tpu.memory_space<hbm>>
    tpu.wait_indirect_dma semaphore(%arg12 : memref<!tpu.dma_semaphore, #tpu.memory_space<semaphore_mem>>) src(%dma_wait3A_138 : memref<10000x32xf32, #tpu.memory_space<hbm>>) dst(%dma_wait3A_132 : memref<128x32xf32, #tpu.memory_space<vmem>>)
    %dma_start3A_139 = arith.constant 1 : i32
    %dma_start3A_140 = arith.constant 73 : i32
    %dma_start3A_141 = arith.constant 0 : i32
    %dma_start3A_142 = arith.constant 0 : i32
    %dma_start3A_143 = tpu.memref_slice %arg9[%dma_start3A_139, %dma_start3A_141, %dma_start3A_142] : memref<8x128x32xf32, #tpu.memory_space<vmem>> -> memref<1x128x32xf32, #tpu.memory_space<vmem>>
    %dma_start3A_144 = tpu.memref_squeeze %dma_start3A_143 : memref<1x128x32xf32, #tpu.memory_space<vmem>> -> memref<128x32xf32, #tpu.memory_space<vmem>>
    %dma_start3A_145 = arith.constant 0 : i32
    %dma_start3A_146 = tpu.memref_slice %arg8[%dma_start3A_140, %dma_start3A_145] : memref<80x128xi32, #tpu.memory_space<vmem>> -> memref<1x128xi32, #tpu.memory_space<vmem>>
    %dma_start3A_147 = tpu.memref_squeeze %dma_start3A_146 : memref<1x128xi32, #tpu.memory_space<vmem>> -> memref<128xi32, #tpu.memory_space<vmem>>
    %dma_start3A_148 = arith.constant 0 : i32
    %dma_start3A_149 = arith.constant 0 : i32
    %dma_start3A_150 = tpu.memref_slice %arg10[%dma_start3A_148, %dma_start3A_149] : memref<10240x32xf32, #tpu.memory_space<vmem_shared>> -> memref<10240x32xf32, #tpu.memory_space<vmem_shared>>
    tpu.enqueue_indirect_dma source(%dma_start3A_144 : memref<128x32xf32, #tpu.memory_space<vmem>>) target(%dma_start3A_150 : memref<10240x32xf32, #tpu.memory_space<vmem_shared>>) offsets(%dma_start3A_147 : memref<128xi32, #tpu.memory_space<vmem>>) semaphore(%arg20 : memref<!tpu.dma_semaphore, #tpu.memory_space<semaphore_mem>>) {add = true}
    %dma_wait3A_151 = arith.constant 2 : i32
    %dma_wait3A_152 = arith.constant 2 : i32
    %dma_wait3A_153 = arith.constant 0 : i32
    %dma_wait3A_154 = arith.constant 0 : i32
    %dma_wait3A_155 = tpu.memref_slice %arg9[%dma_wait3A_152, %dma_wait3A_153, %dma_wait3A_154] : memref<8x128x32xf32, #tpu.memory_space<vmem>> -> memref<1x128x32xf32, #tpu.memory_space<vmem>>
    %dma_wait3A_156 = tpu.memref_squeeze %dma_wait3A_155 : memref<1x128x32xf32, #tpu.memory_space<vmem>> -> memref<128x32xf32, #tpu.memory_space<vmem>>
    %dma_wait3A_157 = arith.constant 0 : i32
    %dma_wait3A_158 = tpu.memref_slice %arg7[%dma_wait3A_151, %dma_wait3A_157] : memref<80x128xi32, #tpu.memory_space<vmem>> -> memref<1x128xi32, #tpu.memory_space<vmem>>
    %dma_wait3A_159 = tpu.memref_squeeze %dma_wait3A_158 : memref<1x128xi32, #tpu.memory_space<vmem>> -> memref<128xi32, #tpu.memory_space<vmem>>
    %dma_wait3A_160 = arith.constant 0 : i32
    %dma_wait3A_161 = arith.constant 0 : i32
    %dma_wait3A_162 = tpu.memref_slice %arg2[%dma_wait3A_160, %dma_wait3A_161] : memref<10000x32xf32, #tpu.memory_space<hbm>> -> memref<10000x32xf32, #tpu.memory_space<hbm>>
    tpu.wait_indirect_dma semaphore(%arg13 : memref<!tpu.dma_semaphore, #tpu.memory_space<semaphore_mem>>) src(%dma_wait3A_162 : memref<10000x32xf32, #tpu.memory_space<hbm>>) dst(%dma_wait3A_156 : memref<128x32xf32, #tpu.memory_space<vmem>>)
    %dma_start3A_163 = arith.constant 2 : i32
    %dma_start3A_164 = arith.constant 74 : i32
    %dma_start3A_165 = arith.constant 0 : i32
    %dma_start3A_166 = arith.constant 0 : i32
    %dma_start3A_167 = tpu.memref_slice %arg9[%dma_start3A_163, %dma_start3A_165, %dma_start3A_166] : memref<8x128x32xf32, #tpu.memory_space<vmem>> -> memref<1x128x32xf32, #tpu.memory_space<vmem>>
    %dma_start3A_168 = tpu.memref_squeeze %dma_start3A_167 : memref<1x128x32xf32, #tpu.memory_space<vmem>> -> memref<128x32xf32, #tpu.memory_space<vmem>>
    %dma_start3A_169 = arith.constant 0 : i32
    %dma_start3A_170 = tpu.memref_slice %arg8[%dma_start3A_164, %dma_start3A_169] : memref<80x128xi32, #tpu.memory_space<vmem>> -> memref<1x128xi32, #tpu.memory_space<vmem>>
    %dma_start3A_171 = tpu.memref_squeeze %dma_start3A_170 : memref<1x128xi32, #tpu.memory_space<vmem>> -> memref<128xi32, #tpu.memory_space<vmem>>
    %dma_start3A_172 = arith.constant 0 : i32
    %dma_start3A_173 = arith.constant 0 : i32
    %dma_start3A_174 = tpu.memref_slice %arg10[%dma_start3A_172, %dma_start3A_173] : memref<10240x32xf32, #tpu.memory_space<vmem_shared>> -> memref<10240x32xf32, #tpu.memory_space<vmem_shared>>
    tpu.enqueue_indirect_dma source(%dma_start3A_168 : memref<128x32xf32, #tpu.memory_space<vmem>>) target(%dma_start3A_174 : memref<10240x32xf32, #tpu.memory_space<vmem_shared>>) offsets(%dma_start3A_171 : memref<128xi32, #tpu.memory_space<vmem>>) semaphore(%arg21 : memref<!tpu.dma_semaphore, #tpu.memory_space<semaphore_mem>>) {add = true}
    %dma_wait3A_175 = arith.constant 3 : i32
    %dma_wait3A_176 = arith.constant 3 : i32
    %dma_wait3A_177 = arith.constant 0 : i32
    %dma_wait3A_178 = arith.constant 0 : i32
    %dma_wait3A_179 = tpu.memref_slice %arg9[%dma_wait3A_176, %dma_wait3A_177, %dma_wait3A_178] : memref<8x128x32xf32, #tpu.memory_space<vmem>> -> memref<1x128x32xf32, #tpu.memory_space<vmem>>
    %dma_wait3A_180 = tpu.memref_squeeze %dma_wait3A_179 : memref<1x128x32xf32, #tpu.memory_space<vmem>> -> memref<128x32xf32, #tpu.memory_space<vmem>>
    %dma_wait3A_181 = arith.constant 0 : i32
    %dma_wait3A_182 = tpu.memref_slice %arg7[%dma_wait3A_175, %dma_wait3A_181] : memref<80x128xi32, #tpu.memory_space<vmem>> -> memref<1x128xi32, #tpu.memory_space<vmem>>
    %dma_wait3A_183 = tpu.memref_squeeze %dma_wait3A_182 : memref<1x128xi32, #tpu.memory_space<vmem>> -> memref<128xi32, #tpu.memory_space<vmem>>
    %dma_wait3A_184 = arith.constant 0 : i32
    %dma_wait3A_185 = arith.constant 0 : i32
    %dma_wait3A_186 = tpu.memref_slice %arg2[%dma_wait3A_184, %dma_wait3A_185] : memref<10000x32xf32, #tpu.memory_space<hbm>> -> memref<10000x32xf32, #tpu.memory_space<hbm>>
    tpu.wait_indirect_dma semaphore(%arg14 : memref<!tpu.dma_semaphore, #tpu.memory_space<semaphore_mem>>) src(%dma_wait3A_186 : memref<10000x32xf32, #tpu.memory_space<hbm>>) dst(%dma_wait3A_180 : memref<128x32xf32, #tpu.memory_space<vmem>>)
    %dma_start3A_187 = arith.constant 3 : i32
    %dma_start3A_188 = arith.constant 75 : i32
    %dma_start3A_189 = arith.constant 0 : i32
    %dma_start3A_190 = arith.constant 0 : i32
    %dma_start3A_191 = tpu.memref_slice %arg9[%dma_start3A_187, %dma_start3A_189, %dma_start3A_190] : memref<8x128x32xf32, #tpu.memory_space<vmem>> -> memref<1x128x32xf32, #tpu.memory_space<vmem>>
    %dma_start3A_192 = tpu.memref_squeeze %dma_start3A_191 : memref<1x128x32xf32, #tpu.memory_space<vmem>> -> memref<128x32xf32, #tpu.memory_space<vmem>>
    %dma_start3A_193 = arith.constant 0 : i32
    %dma_start3A_194 = tpu.memref_slice %arg8[%dma_start3A_188, %dma_start3A_193] : memref<80x128xi32, #tpu.memory_space<vmem>> -> memref<1x128xi32, #tpu.memory_space<vmem>>
    %dma_start3A_195 = tpu.memref_squeeze %dma_start3A_194 : memref<1x128xi32, #tpu.memory_space<vmem>> -> memref<128xi32, #tpu.memory_space<vmem>>
    %dma_start3A_196 = arith.constant 0 : i32
    %dma_start3A_197 = arith.constant 0 : i32
    %dma_start3A_198 = tpu.memref_slice %arg10[%dma_start3A_196, %dma_start3A_197] : memref<10240x32xf32, #tpu.memory_space<vmem_shared>> -> memref<10240x32xf32, #tpu.memory_space<vmem_shared>>
    tpu.enqueue_indirect_dma source(%dma_start3A_192 : memref<128x32xf32, #tpu.memory_space<vmem>>) target(%dma_start3A_198 : memref<10240x32xf32, #tpu.memory_space<vmem_shared>>) offsets(%dma_start3A_195 : memref<128xi32, #tpu.memory_space<vmem>>) semaphore(%arg22 : memref<!tpu.dma_semaphore, #tpu.memory_space<semaphore_mem>>) {add = true}
    %dma_wait3A_199 = arith.constant 4 : i32
    %dma_wait3A_200 = arith.constant 4 : i32
    %dma_wait3A_201 = arith.constant 0 : i32
    %dma_wait3A_202 = arith.constant 0 : i32
    %dma_wait3A_203 = tpu.memref_slice %arg9[%dma_wait3A_200, %dma_wait3A_201, %dma_wait3A_202] : memref<8x128x32xf32, #tpu.memory_space<vmem>> -> memref<1x128x32xf32, #tpu.memory_space<vmem>>
    %dma_wait3A_204 = tpu.memref_squeeze %dma_wait3A_203 : memref<1x128x32xf32, #tpu.memory_space<vmem>> -> memref<128x32xf32, #tpu.memory_space<vmem>>
    %dma_wait3A_205 = arith.constant 0 : i32
    %dma_wait3A_206 = tpu.memref_slice %arg7[%dma_wait3A_199, %dma_wait3A_205] : memref<80x128xi32, #tpu.memory_space<vmem>> -> memref<1x128xi32, #tpu.memory_space<vmem>>
    %dma_wait3A_207 = tpu.memref_squeeze %dma_wait3A_206 : memref<1x128xi32, #tpu.memory_space<vmem>> -> memref<128xi32, #tpu.memory_space<vmem>>
    %dma_wait3A_208 = arith.constant 0 : i32
    %dma_wait3A_209 = arith.constant 0 : i32
    %dma_wait3A_210 = tpu.memref_slice %arg2[%dma_wait3A_208, %dma_wait3A_209] : memref<10000x32xf32, #tpu.memory_space<hbm>> -> memref<10000x32xf32, #tpu.memory_space<hbm>>
    tpu.wait_indirect_dma semaphore(%arg15 : memref<!tpu.dma_semaphore, #tpu.memory_space<semaphore_mem>>) src(%dma_wait3A_210 : memref<10000x32xf32, #tpu.memory_space<hbm>>) dst(%dma_wait3A_204 : memref<128x32xf32, #tpu.memory_space<vmem>>)
    %dma_start3A_211 = arith.constant 4 : i32
    %dma_start3A_212 = arith.constant 76 : i32
    %dma_start3A_213 = arith.constant 0 : i32
    %dma_start3A_214 = arith.constant 0 : i32
    %dma_start3A_215 = tpu.memref_slice %arg9[%dma_start3A_211, %dma_start3A_213, %dma_start3A_214] : memref<8x128x32xf32, #tpu.memory_space<vmem>> -> memref<1x128x32xf32, #tpu.memory_space<vmem>>
    %dma_start3A_216 = tpu.memref_squeeze %dma_start3A_215 : memref<1x128x32xf32, #tpu.memory_space<vmem>> -> memref<128x32xf32, #tpu.memory_space<vmem>>
    %dma_start3A_217 = arith.constant 0 : i32
    %dma_start3A_218 = tpu.memref_slice %arg8[%dma_start3A_212, %dma_start3A_217] : memref<80x128xi32, #tpu.memory_space<vmem>> -> memref<1x128xi32, #tpu.memory_space<vmem>>
    %dma_start3A_219 = tpu.memref_squeeze %dma_start3A_218 : memref<1x128xi32, #tpu.memory_space<vmem>> -> memref<128xi32, #tpu.memory_space<vmem>>
    %dma_start3A_220 = arith.constant 0 : i32
    %dma_start3A_221 = arith.constant 0 : i32
    %dma_start3A_222 = tpu.memref_slice %arg10[%dma_start3A_220, %dma_start3A_221] : memref<10240x32xf32, #tpu.memory_space<vmem_shared>> -> memref<10240x32xf32, #tpu.memory_space<vmem_shared>>
    tpu.enqueue_indirect_dma source(%dma_start3A_216 : memref<128x32xf32, #tpu.memory_space<vmem>>) target(%dma_start3A_222 : memref<10240x32xf32, #tpu.memory_space<vmem_shared>>) offsets(%dma_start3A_219 : memref<128xi32, #tpu.memory_space<vmem>>) semaphore(%arg23 : memref<!tpu.dma_semaphore, #tpu.memory_space<semaphore_mem>>) {add = true}
    %dma_wait3A_223 = arith.constant 5 : i32
    %dma_wait3A_224 = arith.constant 5 : i32
    %dma_wait3A_225 = arith.constant 0 : i32
    %dma_wait3A_226 = arith.constant 0 : i32
    %dma_wait3A_227 = tpu.memref_slice %arg9[%dma_wait3A_224, %dma_wait3A_225, %dma_wait3A_226] : memref<8x128x32xf32, #tpu.memory_space<vmem>> -> memref<1x128x32xf32, #tpu.memory_space<vmem>>
    %dma_wait3A_228 = tpu.memref_squeeze %dma_wait3A_227 : memref<1x128x32xf32, #tpu.memory_space<vmem>> -> memref<128x32xf32, #tpu.memory_space<vmem>>
    %dma_wait3A_229 = arith.constant 0 : i32
    %dma_wait3A_230 = tpu.memref_slice %arg7[%dma_wait3A_223, %dma_wait3A_229] : memref<80x128xi32, #tpu.memory_space<vmem>> -> memref<1x128xi32, #tpu.memory_space<vmem>>
    %dma_wait3A_231 = tpu.memref_squeeze %dma_wait3A_230 : memref<1x128xi32, #tpu.memory_space<vmem>> -> memref<128xi32, #tpu.memory_space<vmem>>
    %dma_wait3A_232 = arith.constant 0 : i32
    %dma_wait3A_233 = arith.constant 0 : i32
    %dma_wait3A_234 = tpu.memref_slice %arg2[%dma_wait3A_232, %dma_wait3A_233] : memref<10000x32xf32, #tpu.memory_space<hbm>> -> memref<10000x32xf32, #tpu.memory_space<hbm>>
    tpu.wait_indirect_dma semaphore(%arg16 : memref<!tpu.dma_semaphore, #tpu.memory_space<semaphore_mem>>) src(%dma_wait3A_234 : memref<10000x32xf32, #tpu.memory_space<hbm>>) dst(%dma_wait3A_228 : memref<128x32xf32, #tpu.memory_space<vmem>>)
    %dma_start3A_235 = arith.constant 5 : i32
    %dma_start3A_236 = arith.constant 77 : i32
    %dma_start3A_237 = arith.constant 0 : i32
    %dma_start3A_238 = arith.constant 0 : i32
    %dma_start3A_239 = tpu.memref_slice %arg9[%dma_start3A_235, %dma_start3A_237, %dma_start3A_238] : memref<8x128x32xf32, #tpu.memory_space<vmem>> -> memref<1x128x32xf32, #tpu.memory_space<vmem>>
    %dma_start3A_240 = tpu.memref_squeeze %dma_start3A_239 : memref<1x128x32xf32, #tpu.memory_space<vmem>> -> memref<128x32xf32, #tpu.memory_space<vmem>>
    %dma_start3A_241 = arith.constant 0 : i32
    %dma_start3A_242 = tpu.memref_slice %arg8[%dma_start3A_236, %dma_start3A_241] : memref<80x128xi32, #tpu.memory_space<vmem>> -> memref<1x128xi32, #tpu.memory_space<vmem>>
    %dma_start3A_243 = tpu.memref_squeeze %dma_start3A_242 : memref<1x128xi32, #tpu.memory_space<vmem>> -> memref<128xi32, #tpu.memory_space<vmem>>
    %dma_start3A_244 = arith.constant 0 : i32
    %dma_start3A_245 = arith.constant 0 : i32
    %dma_start3A_246 = tpu.memref_slice %arg10[%dma_start3A_244, %dma_start3A_245] : memref<10240x32xf32, #tpu.memory_space<vmem_shared>> -> memref<10240x32xf32, #tpu.memory_space<vmem_shared>>
    tpu.enqueue_indirect_dma source(%dma_start3A_240 : memref<128x32xf32, #tpu.memory_space<vmem>>) target(%dma_start3A_246 : memref<10240x32xf32, #tpu.memory_space<vmem_shared>>) offsets(%dma_start3A_243 : memref<128xi32, #tpu.memory_space<vmem>>) semaphore(%arg24 : memref<!tpu.dma_semaphore, #tpu.memory_space<semaphore_mem>>) {add = true}
    %dma_wait3A_247 = arith.constant 6 : i32
    %dma_wait3A_248 = arith.constant 6 : i32
    %dma_wait3A_249 = arith.constant 0 : i32
    %dma_wait3A_250 = arith.constant 0 : i32
    %dma_wait3A_251 = tpu.memref_slice %arg9[%dma_wait3A_248, %dma_wait3A_249, %dma_wait3A_250] : memref<8x128x32xf32, #tpu.memory_space<vmem>> -> memref<1x128x32xf32, #tpu.memory_space<vmem>>
    %dma_wait3A_252 = tpu.memref_squeeze %dma_wait3A_251 : memref<1x128x32xf32, #tpu.memory_space<vmem>> -> memref<128x32xf32, #tpu.memory_space<vmem>>
    %dma_wait3A_253 = arith.constant 0 : i32
    %dma_wait3A_254 = tpu.memref_slice %arg7[%dma_wait3A_247, %dma_wait3A_253] : memref<80x128xi32, #tpu.memory_space<vmem>> -> memref<1x128xi32, #tpu.memory_space<vmem>>
    %dma_wait3A_255 = tpu.memref_squeeze %dma_wait3A_254 : memref<1x128xi32, #tpu.memory_space<vmem>> -> memref<128xi32, #tpu.memory_space<vmem>>
    %dma_wait3A_256 = arith.constant 0 : i32
    %dma_wait3A_257 = arith.constant 0 : i32
    %dma_wait3A_258 = tpu.memref_slice %arg2[%dma_wait3A_256, %dma_wait3A_257] : memref<10000x32xf32, #tpu.memory_space<hbm>> -> memref<10000x32xf32, #tpu.memory_space<hbm>>
    tpu.wait_indirect_dma semaphore(%arg17 : memref<!tpu.dma_semaphore, #tpu.memory_space<semaphore_mem>>) src(%dma_wait3A_258 : memref<10000x32xf32, #tpu.memory_space<hbm>>) dst(%dma_wait3A_252 : memref<128x32xf32, #tpu.memory_space<vmem>>)
    %dma_start3A_259 = arith.constant 6 : i32
    %dma_start3A_260 = arith.constant 78 : i32
    %dma_start3A_261 = arith.constant 0 : i32
    %dma_start3A_262 = arith.constant 0 : i32
    %dma_start3A_263 = tpu.memref_slice %arg9[%dma_start3A_259, %dma_start3A_261, %dma_start3A_262] : memref<8x128x32xf32, #tpu.memory_space<vmem>> -> memref<1x128x32xf32, #tpu.memory_space<vmem>>
    %dma_start3A_264 = tpu.memref_squeeze %dma_start3A_263 : memref<1x128x32xf32, #tpu.memory_space<vmem>> -> memref<128x32xf32, #tpu.memory_space<vmem>>
    %dma_start3A_265 = arith.constant 0 : i32
    %dma_start3A_266 = tpu.memref_slice %arg8[%dma_start3A_260, %dma_start3A_265] : memref<80x128xi32, #tpu.memory_space<vmem>> -> memref<1x128xi32, #tpu.memory_space<vmem>>
    %dma_start3A_267 = tpu.memref_squeeze %dma_start3A_266 : memref<1x128xi32, #tpu.memory_space<vmem>> -> memref<128xi32, #tpu.memory_space<vmem>>
    %dma_start3A_268 = arith.constant 0 : i32
    %dma_start3A_269 = arith.constant 0 : i32
    %dma_start3A_270 = tpu.memref_slice %arg10[%dma_start3A_268, %dma_start3A_269] : memref<10240x32xf32, #tpu.memory_space<vmem_shared>> -> memref<10240x32xf32, #tpu.memory_space<vmem_shared>>
    tpu.enqueue_indirect_dma source(%dma_start3A_264 : memref<128x32xf32, #tpu.memory_space<vmem>>) target(%dma_start3A_270 : memref<10240x32xf32, #tpu.memory_space<vmem_shared>>) offsets(%dma_start3A_267 : memref<128xi32, #tpu.memory_space<vmem>>) semaphore(%arg25 : memref<!tpu.dma_semaphore, #tpu.memory_space<semaphore_mem>>) {add = true}
    %dma_wait3A_271 = arith.constant 7 : i32
    %dma_wait3A_272 = arith.constant 7 : i32
    %dma_wait3A_273 = arith.constant 0 : i32
    %dma_wait3A_274 = arith.constant 0 : i32
    %dma_wait3A_275 = tpu.memref_slice %arg9[%dma_wait3A_272, %dma_wait3A_273, %dma_wait3A_274] : memref<8x128x32xf32, #tpu.memory_space<vmem>> -> memref<1x128x32xf32, #tpu.memory_space<vmem>>
    %dma_wait3A_276 = tpu.memref_squeeze %dma_wait3A_275 : memref<1x128x32xf32, #tpu.memory_space<vmem>> -> memref<128x32xf32, #tpu.memory_space<vmem>>
    %dma_wait3A_277 = arith.constant 0 : i32
    %dma_wait3A_278 = tpu.memref_slice %arg7[%dma_wait3A_271, %dma_wait3A_277] : memref<80x128xi32, #tpu.memory_space<vmem>> -> memref<1x128xi32, #tpu.memory_space<vmem>>
    %dma_wait3A_279 = tpu.memref_squeeze %dma_wait3A_278 : memref<1x128xi32, #tpu.memory_space<vmem>> -> memref<128xi32, #tpu.memory_space<vmem>>
    %dma_wait3A_280 = arith.constant 0 : i32
    %dma_wait3A_281 = arith.constant 0 : i32
    %dma_wait3A_282 = tpu.memref_slice %arg2[%dma_wait3A_280, %dma_wait3A_281] : memref<10000x32xf32, #tpu.memory_space<hbm>> -> memref<10000x32xf32, #tpu.memory_space<hbm>>
    tpu.wait_indirect_dma semaphore(%arg18 : memref<!tpu.dma_semaphore, #tpu.memory_space<semaphore_mem>>) src(%dma_wait3A_282 : memref<10000x32xf32, #tpu.memory_space<hbm>>) dst(%dma_wait3A_276 : memref<128x32xf32, #tpu.memory_space<vmem>>)
    %dma_start3A_283 = arith.constant 7 : i32
    %dma_start3A_284 = arith.constant 79 : i32
    %dma_start3A_285 = arith.constant 0 : i32
    %dma_start3A_286 = arith.constant 0 : i32
    %dma_start3A_287 = tpu.memref_slice %arg9[%dma_start3A_283, %dma_start3A_285, %dma_start3A_286] : memref<8x128x32xf32, #tpu.memory_space<vmem>> -> memref<1x128x32xf32, #tpu.memory_space<vmem>>
    %dma_start3A_288 = tpu.memref_squeeze %dma_start3A_287 : memref<1x128x32xf32, #tpu.memory_space<vmem>> -> memref<128x32xf32, #tpu.memory_space<vmem>>
    %dma_start3A_289 = arith.constant 0 : i32
    %dma_start3A_290 = tpu.memref_slice %arg8[%dma_start3A_284, %dma_start3A_289] : memref<80x128xi32, #tpu.memory_space<vmem>> -> memref<1x128xi32, #tpu.memory_space<vmem>>
    %dma_start3A_291 = tpu.memref_squeeze %dma_start3A_290 : memref<1x128xi32, #tpu.memory_space<vmem>> -> memref<128xi32, #tpu.memory_space<vmem>>
    %dma_start3A_292 = arith.constant 0 : i32
    %dma_start3A_293 = arith.constant 0 : i32
    %dma_start3A_294 = tpu.memref_slice %arg10[%dma_start3A_292, %dma_start3A_293] : memref<10240x32xf32, #tpu.memory_space<vmem_shared>> -> memref<10240x32xf32, #tpu.memory_space<vmem_shared>>
    tpu.enqueue_indirect_dma source(%dma_start3A_288 : memref<128x32xf32, #tpu.memory_space<vmem>>) target(%dma_start3A_294 : memref<10240x32xf32, #tpu.memory_space<vmem_shared>>) offsets(%dma_start3A_291 : memref<128xi32, #tpu.memory_space<vmem>>) semaphore(%arg26 : memref<!tpu.dma_semaphore, #tpu.memory_space<semaphore_mem>>) {add = true}
    %dma_wait3A_295 = arith.constant 0 : i32
    %dma_wait3A_296 = arith.constant 0 : i32
    %dma_wait3A_297 = arith.constant 0 : i32
    %dma_wait3A_298 = arith.constant 0 : i32
    %dma_wait3A_299 = tpu.memref_slice %arg9[%dma_wait3A_295, %dma_wait3A_297, %dma_wait3A_298] : memref<8x128x32xf32, #tpu.memory_space<vmem>> -> memref<1x128x32xf32, #tpu.memory_space<vmem>>
    %dma_wait3A_300 = tpu.memref_squeeze %dma_wait3A_299 : memref<1x128x32xf32, #tpu.memory_space<vmem>> -> memref<128x32xf32, #tpu.memory_space<vmem>>
    %dma_wait3A_301 = arith.constant 0 : i32
    %dma_wait3A_302 = tpu.memref_slice %arg8[%dma_wait3A_296, %dma_wait3A_301] : memref<80x128xi32, #tpu.memory_space<vmem>> -> memref<1x128xi32, #tpu.memory_space<vmem>>
    %dma_wait3A_303 = tpu.memref_squeeze %dma_wait3A_302 : memref<1x128xi32, #tpu.memory_space<vmem>> -> memref<128xi32, #tpu.memory_space<vmem>>
    %dma_wait3A_304 = arith.constant 0 : i32
    %dma_wait3A_305 = arith.constant 0 : i32
    %dma_wait3A_306 = tpu.memref_slice %arg10[%dma_wait3A_304, %dma_wait3A_305] : memref<10240x32xf32, #tpu.memory_space<vmem_shared>> -> memref<10240x32xf32, #tpu.memory_space<vmem_shared>>
    tpu.wait_indirect_dma semaphore(%arg19 : memref<!tpu.dma_semaphore, #tpu.memory_space<semaphore_mem>>) src(%dma_wait3A_300 : memref<128x32xf32, #tpu.memory_space<vmem>>) dst(%dma_wait3A_306 : memref<10240x32xf32, #tpu.memory_space<vmem_shared>>)
    %dma_wait3A_307 = arith.constant 1 : i32
    %dma_wait3A_308 = arith.constant 0 : i32
    %dma_wait3A_309 = arith.constant 0 : i32
    %dma_wait3A_310 = arith.constant 0 : i32
    %dma_wait3A_311 = tpu.memref_slice %arg9[%dma_wait3A_307, %dma_wait3A_309, %dma_wait3A_310] : memref<8x128x32xf32, #tpu.memory_space<vmem>> -> memref<1x128x32xf32, #tpu.memory_space<vmem>>
    %dma_wait3A_312 = tpu.memref_squeeze %dma_wait3A_311 : memref<1x128x32xf32, #tpu.memory_space<vmem>> -> memref<128x32xf32, #tpu.memory_space<vmem>>
    %dma_wait3A_313 = arith.constant 0 : i32
    %dma_wait3A_314 = tpu.memref_slice %arg8[%dma_wait3A_308, %dma_wait3A_313] : memref<80x128xi32, #tpu.memory_space<vmem>> -> memref<1x128xi32, #tpu.memory_space<vmem>>
    %dma_wait3A_315 = tpu.memref_squeeze %dma_wait3A_314 : memref<1x128xi32, #tpu.memory_space<vmem>> -> memref<128xi32, #tpu.memory_space<vmem>>
    %dma_wait3A_316 = arith.constant 0 : i32
    %dma_wait3A_317 = arith.constant 0 : i32
    %dma_wait3A_318 = tpu.memref_slice %arg10[%dma_wait3A_316, %dma_wait3A_317] : memref<10240x32xf32, #tpu.memory_space<vmem_shared>> -> memref<10240x32xf32, #tpu.memory_space<vmem_shared>>
    tpu.wait_indirect_dma semaphore(%arg20 : memref<!tpu.dma_semaphore, #tpu.memory_space<semaphore_mem>>) src(%dma_wait3A_312 : memref<128x32xf32, #tpu.memory_space<vmem>>) dst(%dma_wait3A_318 : memref<10240x32xf32, #tpu.memory_space<vmem_shared>>)
    %dma_wait3A_319 = arith.constant 2 : i32
    %dma_wait3A_320 = arith.constant 0 : i32
    %dma_wait3A_321 = arith.constant 0 : i32
    %dma_wait3A_322 = arith.constant 0 : i32
    %dma_wait3A_323 = tpu.memref_slice %arg9[%dma_wait3A_319, %dma_wait3A_321, %dma_wait3A_322] : memref<8x128x32xf32, #tpu.memory_space<vmem>> -> memref<1x128x32xf32, #tpu.memory_space<vmem>>
    %dma_wait3A_324 = tpu.memref_squeeze %dma_wait3A_323 : memref<1x128x32xf32, #tpu.memory_space<vmem>> -> memref<128x32xf32, #tpu.memory_space<vmem>>
    %dma_wait3A_325 = arith.constant 0 : i32
    %dma_wait3A_326 = tpu.memref_slice %arg8[%dma_wait3A_320, %dma_wait3A_325] : memref<80x128xi32, #tpu.memory_space<vmem>> -> memref<1x128xi32, #tpu.memory_space<vmem>>
    %dma_wait3A_327 = tpu.memref_squeeze %dma_wait3A_326 : memref<1x128xi32, #tpu.memory_space<vmem>> -> memref<128xi32, #tpu.memory_space<vmem>>
    %dma_wait3A_328 = arith.constant 0 : i32
    %dma_wait3A_329 = arith.constant 0 : i32
    %dma_wait3A_330 = tpu.memref_slice %arg10[%dma_wait3A_328, %dma_wait3A_329] : memref<10240x32xf32, #tpu.memory_space<vmem_shared>> -> memref<10240x32xf32, #tpu.memory_space<vmem_shared>>
    tpu.wait_indirect_dma semaphore(%arg21 : memref<!tpu.dma_semaphore, #tpu.memory_space<semaphore_mem>>) src(%dma_wait3A_324 : memref<128x32xf32, #tpu.memory_space<vmem>>) dst(%dma_wait3A_330 : memref<10240x32xf32, #tpu.memory_space<vmem_shared>>)
    %dma_wait3A_331 = arith.constant 3 : i32
    %dma_wait3A_332 = arith.constant 0 : i32
    %dma_wait3A_333 = arith.constant 0 : i32
    %dma_wait3A_334 = arith.constant 0 : i32
    %dma_wait3A_335 = tpu.memref_slice %arg9[%dma_wait3A_331, %dma_wait3A_333, %dma_wait3A_334] : memref<8x128x32xf32, #tpu.memory_space<vmem>> -> memref<1x128x32xf32, #tpu.memory_space<vmem>>
    %dma_wait3A_336 = tpu.memref_squeeze %dma_wait3A_335 : memref<1x128x32xf32, #tpu.memory_space<vmem>> -> memref<128x32xf32, #tpu.memory_space<vmem>>
    %dma_wait3A_337 = arith.constant 0 : i32
    %dma_wait3A_338 = tpu.memref_slice %arg8[%dma_wait3A_332, %dma_wait3A_337] : memref<80x128xi32, #tpu.memory_space<vmem>> -> memref<1x128xi32, #tpu.memory_space<vmem>>
    %dma_wait3A_339 = tpu.memref_squeeze %dma_wait3A_338 : memref<1x128xi32, #tpu.memory_space<vmem>> -> memref<128xi32, #tpu.memory_space<vmem>>
    %dma_wait3A_340 = arith.constant 0 : i32
    %dma_wait3A_341 = arith.constant 0 : i32
    %dma_wait3A_342 = tpu.memref_slice %arg10[%dma_wait3A_340, %dma_wait3A_341] : memref<10240x32xf32, #tpu.memory_space<vmem_shared>> -> memref<10240x32xf32, #tpu.memory_space<vmem_shared>>
    tpu.wait_indirect_dma semaphore(%arg22 : memref<!tpu.dma_semaphore, #tpu.memory_space<semaphore_mem>>) src(%dma_wait3A_336 : memref<128x32xf32, #tpu.memory_space<vmem>>) dst(%dma_wait3A_342 : memref<10240x32xf32, #tpu.memory_space<vmem_shared>>)
    %dma_wait3A_343 = arith.constant 4 : i32
    %dma_wait3A_344 = arith.constant 0 : i32
    %dma_wait3A_345 = arith.constant 0 : i32
    %dma_wait3A_346 = arith.constant 0 : i32
    %dma_wait3A_347 = tpu.memref_slice %arg9[%dma_wait3A_343, %dma_wait3A_345, %dma_wait3A_346] : memref<8x128x32xf32, #tpu.memory_space<vmem>> -> memref<1x128x32xf32, #tpu.memory_space<vmem>>
    %dma_wait3A_348 = tpu.memref_squeeze %dma_wait3A_347 : memref<1x128x32xf32, #tpu.memory_space<vmem>> -> memref<128x32xf32, #tpu.memory_space<vmem>>
    %dma_wait3A_349 = arith.constant 0 : i32
    %dma_wait3A_350 = tpu.memref_slice %arg8[%dma_wait3A_344, %dma_wait3A_349] : memref<80x128xi32, #tpu.memory_space<vmem>> -> memref<1x128xi32, #tpu.memory_space<vmem>>
    %dma_wait3A_351 = tpu.memref_squeeze %dma_wait3A_350 : memref<1x128xi32, #tpu.memory_space<vmem>> -> memref<128xi32, #tpu.memory_space<vmem>>
    %dma_wait3A_352 = arith.constant 0 : i32
    %dma_wait3A_353 = arith.constant 0 : i32
    %dma_wait3A_354 = tpu.memref_slice %arg10[%dma_wait3A_352, %dma_wait3A_353] : memref<10240x32xf32, #tpu.memory_space<vmem_shared>> -> memref<10240x32xf32, #tpu.memory_space<vmem_shared>>
    tpu.wait_indirect_dma semaphore(%arg23 : memref<!tpu.dma_semaphore, #tpu.memory_space<semaphore_mem>>) src(%dma_wait3A_348 : memref<128x32xf32, #tpu.memory_space<vmem>>) dst(%dma_wait3A_354 : memref<10240x32xf32, #tpu.memory_space<vmem_shared>>)
    %dma_wait3A_355 = arith.constant 5 : i32
    %dma_wait3A_356 = arith.constant 0 : i32
    %dma_wait3A_357 = arith.constant 0 : i32
    %dma_wait3A_358 = arith.constant 0 : i32
    %dma_wait3A_359 = tpu.memref_slice %arg9[%dma_wait3A_355, %dma_wait3A_357, %dma_wait3A_358] : memref<8x128x32xf32, #tpu.memory_space<vmem>> -> memref<1x128x32xf32, #tpu.memory_space<vmem>>
    %dma_wait3A_360 = tpu.memref_squeeze %dma_wait3A_359 : memref<1x128x32xf32, #tpu.memory_space<vmem>> -> memref<128x32xf32, #tpu.memory_space<vmem>>
    %dma_wait3A_361 = arith.constant 0 : i32
    %dma_wait3A_362 = tpu.memref_slice %arg8[%dma_wait3A_356, %dma_wait3A_361] : memref<80x128xi32, #tpu.memory_space<vmem>> -> memref<1x128xi32, #tpu.memory_space<vmem>>
    %dma_wait3A_363 = tpu.memref_squeeze %dma_wait3A_362 : memref<1x128xi32, #tpu.memory_space<vmem>> -> memref<128xi32, #tpu.memory_space<vmem>>
    %dma_wait3A_364 = arith.constant 0 : i32
    %dma_wait3A_365 = arith.constant 0 : i32
    %dma_wait3A_366 = tpu.memref_slice %arg10[%dma_wait3A_364, %dma_wait3A_365] : memref<10240x32xf32, #tpu.memory_space<vmem_shared>> -> memref<10240x32xf32, #tpu.memory_space<vmem_shared>>
    tpu.wait_indirect_dma semaphore(%arg24 : memref<!tpu.dma_semaphore, #tpu.memory_space<semaphore_mem>>) src(%dma_wait3A_360 : memref<128x32xf32, #tpu.memory_space<vmem>>) dst(%dma_wait3A_366 : memref<10240x32xf32, #tpu.memory_space<vmem_shared>>)
    %dma_wait3A_367 = arith.constant 6 : i32
    %dma_wait3A_368 = arith.constant 0 : i32
    %dma_wait3A_369 = arith.constant 0 : i32
    %dma_wait3A_370 = arith.constant 0 : i32
    %dma_wait3A_371 = tpu.memref_slice %arg9[%dma_wait3A_367, %dma_wait3A_369, %dma_wait3A_370] : memref<8x128x32xf32, #tpu.memory_space<vmem>> -> memref<1x128x32xf32, #tpu.memory_space<vmem>>
    %dma_wait3A_372 = tpu.memref_squeeze %dma_wait3A_371 : memref<1x128x32xf32, #tpu.memory_space<vmem>> -> memref<128x32xf32, #tpu.memory_space<vmem>>
    %dma_wait3A_373 = arith.constant 0 : i32
    %dma_wait3A_374 = tpu.memref_slice %arg8[%dma_wait3A_368, %dma_wait3A_373] : memref<80x128xi32, #tpu.memory_space<vmem>> -> memref<1x128xi32, #tpu.memory_space<vmem>>
    %dma_wait3A_375 = tpu.memref_squeeze %dma_wait3A_374 : memref<1x128xi32, #tpu.memory_space<vmem>> -> memref<128xi32, #tpu.memory_space<vmem>>
    %dma_wait3A_376 = arith.constant 0 : i32
    %dma_wait3A_377 = arith.constant 0 : i32
    %dma_wait3A_378 = tpu.memref_slice %arg10[%dma_wait3A_376, %dma_wait3A_377] : memref<10240x32xf32, #tpu.memory_space<vmem_shared>> -> memref<10240x32xf32, #tpu.memory_space<vmem_shared>>
    tpu.wait_indirect_dma semaphore(%arg25 : memref<!tpu.dma_semaphore, #tpu.memory_space<semaphore_mem>>) src(%dma_wait3A_372 : memref<128x32xf32, #tpu.memory_space<vmem>>) dst(%dma_wait3A_378 : memref<10240x32xf32, #tpu.memory_space<vmem_shared>>)
    %dma_wait3A_379 = arith.constant 7 : i32
    %dma_wait3A_380 = arith.constant 0 : i32
    %dma_wait3A_381 = arith.constant 0 : i32
    %dma_wait3A_382 = arith.constant 0 : i32
    %dma_wait3A_383 = tpu.memref_slice %arg9[%dma_wait3A_379, %dma_wait3A_381, %dma_wait3A_382] : memref<8x128x32xf32, #tpu.memory_space<vmem>> -> memref<1x128x32xf32, #tpu.memory_space<vmem>>
    %dma_wait3A_384 = tpu.memref_squeeze %dma_wait3A_383 : memref<1x128x32xf32, #tpu.memory_space<vmem>> -> memref<128x32xf32, #tpu.memory_space<vmem>>
    %dma_wait3A_385 = arith.constant 0 : i32
    %dma_wait3A_386 = tpu.memref_slice %arg8[%dma_wait3A_380, %dma_wait3A_385] : memref<80x128xi32, #tpu.memory_space<vmem>> -> memref<1x128xi32, #tpu.memory_space<vmem>>
    %dma_wait3A_387 = tpu.memref_squeeze %dma_wait3A_386 : memref<1x128xi32, #tpu.memory_space<vmem>> -> memref<128xi32, #tpu.memory_space<vmem>>
    %dma_wait3A_388 = arith.constant 0 : i32
    %dma_wait3A_389 = arith.constant 0 : i32
    %dma_wait3A_390 = tpu.memref_slice %arg10[%dma_wait3A_388, %dma_wait3A_389] : memref<10240x32xf32, #tpu.memory_space<vmem_shared>> -> memref<10240x32xf32, #tpu.memory_space<vmem_shared>>
    tpu.wait_indirect_dma semaphore(%arg26 : memref<!tpu.dma_semaphore, #tpu.memory_space<semaphore_mem>>) src(%dma_wait3A_384 : memref<128x32xf32, #tpu.memory_space<vmem>>) dst(%dma_wait3A_390 : memref<10240x32xf32, #tpu.memory_space<vmem_shared>>)
    %barrier3A_391 = arith.constant 0 : index
    tpu.barrier barrier_id(%barrier3A_391)
    %mul3A_392 = arith.constant 640 : i32
    %mul3A_393 = arith.muli %arg1, %mul3A_392 : i32
    %mul3A_394 = arith.constant 640 : i32
    %mul3A_395 = arith.muli %arg1, %mul3A_394 : i32
    "tpu.region"() ({
      %run_scoped3A = tpu.sem_alloc : memref<!tpu.dma_semaphore, #tpu.memory_space<semaphore_mem>>
      %dma_start3A_396 = arith.constant 0 : i32
      %dma_start3A_397 = tpu.memref_slice %arg6[%arg0, %mul3A_395, %dma_start3A_396] : memref<2x10240x32xf32, #tpu.memory_space<hbm>> -> memref<1x640x32xf32, #tpu.memory_space<hbm>>
      %dma_start3A_398 = tpu.memref_squeeze %dma_start3A_397 : memref<1x640x32xf32, #tpu.memory_space<hbm>> -> memref<640x32xf32, #tpu.memory_space<hbm>>
      %dma_start3A_399 = arith.constant 0 : i32
      %dma_start3A_400 = tpu.memref_slice %arg10[%mul3A_393, %dma_start3A_399] : memref<10240x32xf32, #tpu.memory_space<vmem_shared>> -> memref<640x32xf32, #tpu.memory_space<vmem_shared>>
      tpu.enqueue_dma source(%dma_start3A_400 : memref<640x32xf32, #tpu.memory_space<vmem_shared>>) target(%dma_start3A_398 : memref<640x32xf32, #tpu.memory_space<hbm>>) target_semaphore(%run_scoped3A : memref<!tpu.dma_semaphore, #tpu.memory_space<semaphore_mem>>)
      %dma_wait3A_401 = arith.constant 0 : i32
      %dma_wait3A_402 = tpu.memref_slice %arg6[%arg0, %mul3A_395, %dma_wait3A_401] : memref<2x10240x32xf32, #tpu.memory_space<hbm>> -> memref<1x640x32xf32, #tpu.memory_space<hbm>>
      %dma_wait3A_403 = tpu.memref_squeeze %dma_wait3A_402 : memref<1x640x32xf32, #tpu.memory_space<hbm>> -> memref<640x32xf32, #tpu.memory_space<hbm>>
      %dma_wait3A_404 = arith.constant 0 : i32
      %dma_wait3A_405 = tpu.memref_slice %arg10[%mul3A_393, %dma_wait3A_404] : memref<10240x32xf32, #tpu.memory_space<vmem_shared>> -> memref<640x32xf32, #tpu.memory_space<vmem_shared>>
      tpu.wait_dma2 semaphore(%run_scoped3A : memref<!tpu.dma_semaphore, #tpu.memory_space<semaphore_mem>>) src(%dma_wait3A_405 : memref<640x32xf32, #tpu.memory_space<vmem_shared>>) dst(%dma_wait3A_403 : memref<640x32xf32, #tpu.memory_space<hbm>>)
      tpu.yield
    }) : () -> ()
    return
  }
}

#map = affine_map<(d0, d1) -> (0, 0, 0)>
#map1 = affine_map<(d0, d1) -> (0, 0)>
module attributes {stable_mosaic.version = 14 : i64} {
  func.func @k(%arg0: i32, %arg1: i32, %arg2: memref<32x80x128xi32, #tpu.memory_space<hbm>>, %arg3: memref<128x16xf32, #tpu.memory_space<hbm>>, %arg4: memref<640x16xf32, #tpu.memory_space<hbm>>, %arg5: memref<2x10240x16xf32, #tpu.memory_space<hbm>>, %arg6: memref<128x16xf32, #tpu.memory_space<vmem>>, %arg7: memref<80x128xi32, #tpu.memory_space<vmem>>, %arg8: memref<10240x16xf32, #tpu.memory_space<vmem_shared>>, %arg9: memref<!tpu.dma_semaphore, #tpu.memory_space<semaphore_mem>>, %arg10: memref<!tpu.dma_semaphore, #tpu.memory_space<semaphore_mem>>, %arg11: memref<!tpu.dma_semaphore, #tpu.memory_space<semaphore_mem>>, %arg12: memref<!tpu.dma_semaphore, #tpu.memory_space<semaphore_mem>>, %arg13: memref<!tpu.dma_semaphore, #tpu.memory_space<semaphore_mem>>, %arg14: memref<!tpu.dma_semaphore, #tpu.memory_space<semaphore_mem>>, %arg15: memref<!tpu.dma_semaphore, #tpu.memory_space<semaphore_mem>>, %arg16: memref<!tpu.dma_semaphore, #tpu.memory_space<semaphore_mem>>) attributes {dimension_semantics = [#tpu.dimension_semantics<core_parallel>, #tpu.dimension_semantics<subcore_parallel>], iteration_bounds = array<i64: 2, 16>, scalar_prefetch = 0 : i64, scratch_operands = 11 : i64, tpu.core_type = #tpu.core_type<sc_vector_subcore>, window_params = [{transform_indices = #map}, {transform_indices = #map1}, {transform_indices = #map1}, {transform_indices = #map}]} {
    %mul3A = arith.constant 16 : i32
    %mul3A_0 = arith.muli %arg0, %mul3A : i32
    %add3A = arith.addi %mul3A_0, %arg1 : i32
    "tpu.region"() ({
      %run_scoped3A = tpu.sem_alloc : memref<!tpu.dma_semaphore, #tpu.memory_space<semaphore_mem>>
      tpu.enqueue_dma source(%arg3 : memref<128x16xf32, #tpu.memory_space<hbm>>) target(%arg6 : memref<128x16xf32, #tpu.memory_space<vmem>>) target_semaphore(%run_scoped3A : memref<!tpu.dma_semaphore, #tpu.memory_space<semaphore_mem>>)
      tpu.wait_dma2 semaphore(%run_scoped3A : memref<!tpu.dma_semaphore, #tpu.memory_space<semaphore_mem>>) src(%arg3 : memref<128x16xf32, #tpu.memory_space<hbm>>) dst(%arg6 : memref<128x16xf32, #tpu.memory_space<vmem>>)
      tpu.yield
    }) : () -> ()
    "tpu.region"() ({
      %run_scoped3A = tpu.sem_alloc : memref<!tpu.dma_semaphore, #tpu.memory_space<semaphore_mem>>
      %dma_start3A_124 = arith.constant 0 : i32
      %dma_start3A_125 = arith.constant 0 : i32
      %dma_start3A_126 = tpu.memref_slice %arg2[%add3A, %dma_start3A_124, %dma_start3A_125] : memref<32x80x128xi32, #tpu.memory_space<hbm>> -> memref<1x80x128xi32, #tpu.memory_space<hbm>>
      %dma_start3A_127 = tpu.memref_squeeze %dma_start3A_126 : memref<1x80x128xi32, #tpu.memory_space<hbm>> -> memref<80x128xi32, #tpu.memory_space<hbm>>
      %dma_start3A_128 = arith.constant 0 : i32
      %dma_start3A_129 = arith.constant 0 : i32
      %dma_start3A_130 = tpu.memref_slice %arg2[%add3A, %dma_start3A_128, %dma_start3A_129] : memref<32x80x128xi32, #tpu.memory_space<hbm>> -> memref<1x80x128xi32, #tpu.memory_space<hbm>>
      %dma_start3A_131 = tpu.memref_squeeze %dma_start3A_130 : memref<1x80x128xi32, #tpu.memory_space<hbm>> -> memref<80x128xi32, #tpu.memory_space<hbm>>
      tpu.enqueue_dma source(%dma_start3A_131 : memref<80x128xi32, #tpu.memory_space<hbm>>) target(%arg7 : memref<80x128xi32, #tpu.memory_space<vmem>>) target_semaphore(%run_scoped3A : memref<!tpu.dma_semaphore, #tpu.memory_space<semaphore_mem>>)
      %dma_wait3A_132 = arith.constant 0 : i32
      %dma_wait3A_133 = arith.constant 0 : i32
      %dma_wait3A_134 = tpu.memref_slice %arg2[%add3A, %dma_wait3A_132, %dma_wait3A_133] : memref<32x80x128xi32, #tpu.memory_space<hbm>> -> memref<1x80x128xi32, #tpu.memory_space<hbm>>
      %dma_wait3A_135 = tpu.memref_squeeze %dma_wait3A_134 : memref<1x80x128xi32, #tpu.memory_space<hbm>> -> memref<80x128xi32, #tpu.memory_space<hbm>>
      %dma_wait3A_136 = arith.constant 0 : i32
      %dma_wait3A_137 = arith.constant 0 : i32
      %dma_wait3A_138 = tpu.memref_slice %arg2[%add3A, %dma_wait3A_136, %dma_wait3A_137] : memref<32x80x128xi32, #tpu.memory_space<hbm>> -> memref<1x80x128xi32, #tpu.memory_space<hbm>>
      %dma_wait3A_139 = tpu.memref_squeeze %dma_wait3A_138 : memref<1x80x128xi32, #tpu.memory_space<hbm>> -> memref<80x128xi32, #tpu.memory_space<hbm>>
      tpu.wait_dma2 semaphore(%run_scoped3A : memref<!tpu.dma_semaphore, #tpu.memory_space<semaphore_mem>>) src(%dma_wait3A_139 : memref<80x128xi32, #tpu.memory_space<hbm>>) dst(%arg7 : memref<80x128xi32, #tpu.memory_space<vmem>>)
      tpu.yield
    }) : () -> ()
    %mul3A_1 = arith.constant 640 : i32
    %mul3A_2 = arith.muli %arg1, %mul3A_1 : i32
    "tpu.region"() ({
      %run_scoped3A = tpu.sem_alloc : memref<!tpu.dma_semaphore, #tpu.memory_space<semaphore_mem>>
      %dma_start3A_124 = arith.constant 0 : i32
      %dma_start3A_125 = tpu.memref_slice %arg8[%mul3A_2, %dma_start3A_124] : memref<10240x16xf32, #tpu.memory_space<vmem_shared>> -> memref<640x16xf32, #tpu.memory_space<vmem_shared>>
      tpu.enqueue_dma source(%arg4 : memref<640x16xf32, #tpu.memory_space<hbm>>) target(%dma_start3A_125 : memref<640x16xf32, #tpu.memory_space<vmem_shared>>) target_semaphore(%run_scoped3A : memref<!tpu.dma_semaphore, #tpu.memory_space<semaphore_mem>>)
      %dma_wait3A_126 = arith.constant 0 : i32
      %dma_wait3A_127 = tpu.memref_slice %arg8[%mul3A_2, %dma_wait3A_126] : memref<10240x16xf32, #tpu.memory_space<vmem_shared>> -> memref<640x16xf32, #tpu.memory_space<vmem_shared>>
      tpu.wait_dma2 semaphore(%run_scoped3A : memref<!tpu.dma_semaphore, #tpu.memory_space<semaphore_mem>>) src(%arg4 : memref<640x16xf32, #tpu.memory_space<hbm>>) dst(%dma_wait3A_127 : memref<640x16xf32, #tpu.memory_space<vmem_shared>>)
      tpu.yield
    }) : () -> ()
    %barrier3A = arith.constant 0 : index
    tpu.barrier barrier_id(%barrier3A)
    %dma_start3A = arith.constant 0 : i32
    %dma_start3A_3 = arith.constant 0 : i32
    %dma_start3A_4 = tpu.memref_slice %arg7[%dma_start3A, %dma_start3A_3] : memref<80x128xi32, #tpu.memory_space<vmem>> -> memref<1x128xi32, #tpu.memory_space<vmem>>
    %dma_start3A_5 = tpu.memref_squeeze %dma_start3A_4 : memref<1x128xi32, #tpu.memory_space<vmem>> -> memref<128xi32, #tpu.memory_space<vmem>>
    %dma_start3A_6 = arith.constant 0 : i32
    %dma_start3A_7 = arith.constant 0 : i32
    %dma_start3A_8 = tpu.memref_slice %arg8[%dma_start3A_6, %dma_start3A_7] : memref<10240x16xf32, #tpu.memory_space<vmem_shared>> -> memref<10240x16xf32, #tpu.memory_space<vmem_shared>>
    tpu.enqueue_indirect_dma source(%arg6 : memref<128x16xf32, #tpu.memory_space<vmem>>) target(%dma_start3A_8 : memref<10240x16xf32, #tpu.memory_space<vmem_shared>>) offsets(%dma_start3A_5 : memref<128xi32, #tpu.memory_space<vmem>>) semaphore(%arg9 : memref<!tpu.dma_semaphore, #tpu.memory_space<semaphore_mem>>) {add = true}
    %dma_start3A_9 = arith.constant 1 : i32
    %dma_start3A_10 = arith.constant 0 : i32
    %dma_start3A_11 = tpu.memref_slice %arg7[%dma_start3A_9, %dma_start3A_10] : memref<80x128xi32, #tpu.memory_space<vmem>> -> memref<1x128xi32, #tpu.memory_space<vmem>>
    %dma_start3A_12 = tpu.memref_squeeze %dma_start3A_11 : memref<1x128xi32, #tpu.memory_space<vmem>> -> memref<128xi32, #tpu.memory_space<vmem>>
    %dma_start3A_13 = arith.constant 0 : i32
    %dma_start3A_14 = arith.constant 0 : i32
    %dma_start3A_15 = tpu.memref_slice %arg8[%dma_start3A_13, %dma_start3A_14] : memref<10240x16xf32, #tpu.memory_space<vmem_shared>> -> memref<10240x16xf32, #tpu.memory_space<vmem_shared>>
    tpu.enqueue_indirect_dma source(%arg6 : memref<128x16xf32, #tpu.memory_space<vmem>>) target(%dma_start3A_15 : memref<10240x16xf32, #tpu.memory_space<vmem_shared>>) offsets(%dma_start3A_12 : memref<128xi32, #tpu.memory_space<vmem>>) semaphore(%arg10 : memref<!tpu.dma_semaphore, #tpu.memory_space<semaphore_mem>>) {add = true}
    %dma_start3A_16 = arith.constant 2 : i32
    %dma_start3A_17 = arith.constant 0 : i32
    %dma_start3A_18 = tpu.memref_slice %arg7[%dma_start3A_16, %dma_start3A_17] : memref<80x128xi32, #tpu.memory_space<vmem>> -> memref<1x128xi32, #tpu.memory_space<vmem>>
    %dma_start3A_19 = tpu.memref_squeeze %dma_start3A_18 : memref<1x128xi32, #tpu.memory_space<vmem>> -> memref<128xi32, #tpu.memory_space<vmem>>
    %dma_start3A_20 = arith.constant 0 : i32
    %dma_start3A_21 = arith.constant 0 : i32
    %dma_start3A_22 = tpu.memref_slice %arg8[%dma_start3A_20, %dma_start3A_21] : memref<10240x16xf32, #tpu.memory_space<vmem_shared>> -> memref<10240x16xf32, #tpu.memory_space<vmem_shared>>
    tpu.enqueue_indirect_dma source(%arg6 : memref<128x16xf32, #tpu.memory_space<vmem>>) target(%dma_start3A_22 : memref<10240x16xf32, #tpu.memory_space<vmem_shared>>) offsets(%dma_start3A_19 : memref<128xi32, #tpu.memory_space<vmem>>) semaphore(%arg11 : memref<!tpu.dma_semaphore, #tpu.memory_space<semaphore_mem>>) {add = true}
    %dma_start3A_23 = arith.constant 3 : i32
    %dma_start3A_24 = arith.constant 0 : i32
    %dma_start3A_25 = tpu.memref_slice %arg7[%dma_start3A_23, %dma_start3A_24] : memref<80x128xi32, #tpu.memory_space<vmem>> -> memref<1x128xi32, #tpu.memory_space<vmem>>
    %dma_start3A_26 = tpu.memref_squeeze %dma_start3A_25 : memref<1x128xi32, #tpu.memory_space<vmem>> -> memref<128xi32, #tpu.memory_space<vmem>>
    %dma_start3A_27 = arith.constant 0 : i32
    %dma_start3A_28 = arith.constant 0 : i32
    %dma_start3A_29 = tpu.memref_slice %arg8[%dma_start3A_27, %dma_start3A_28] : memref<10240x16xf32, #tpu.memory_space<vmem_shared>> -> memref<10240x16xf32, #tpu.memory_space<vmem_shared>>
    tpu.enqueue_indirect_dma source(%arg6 : memref<128x16xf32, #tpu.memory_space<vmem>>) target(%dma_start3A_29 : memref<10240x16xf32, #tpu.memory_space<vmem_shared>>) offsets(%dma_start3A_26 : memref<128xi32, #tpu.memory_space<vmem>>) semaphore(%arg12 : memref<!tpu.dma_semaphore, #tpu.memory_space<semaphore_mem>>) {add = true}
    %dma_start3A_30 = arith.constant 4 : i32
    %dma_start3A_31 = arith.constant 0 : i32
    %dma_start3A_32 = tpu.memref_slice %arg7[%dma_start3A_30, %dma_start3A_31] : memref<80x128xi32, #tpu.memory_space<vmem>> -> memref<1x128xi32, #tpu.memory_space<vmem>>
    %dma_start3A_33 = tpu.memref_squeeze %dma_start3A_32 : memref<1x128xi32, #tpu.memory_space<vmem>> -> memref<128xi32, #tpu.memory_space<vmem>>
    %dma_start3A_34 = arith.constant 0 : i32
    %dma_start3A_35 = arith.constant 0 : i32
    %dma_start3A_36 = tpu.memref_slice %arg8[%dma_start3A_34, %dma_start3A_35] : memref<10240x16xf32, #tpu.memory_space<vmem_shared>> -> memref<10240x16xf32, #tpu.memory_space<vmem_shared>>
    tpu.enqueue_indirect_dma source(%arg6 : memref<128x16xf32, #tpu.memory_space<vmem>>) target(%dma_start3A_36 : memref<10240x16xf32, #tpu.memory_space<vmem_shared>>) offsets(%dma_start3A_33 : memref<128xi32, #tpu.memory_space<vmem>>) semaphore(%arg13 : memref<!tpu.dma_semaphore, #tpu.memory_space<semaphore_mem>>) {add = true}
    %dma_start3A_37 = arith.constant 5 : i32
    %dma_start3A_38 = arith.constant 0 : i32
    %dma_start3A_39 = tpu.memref_slice %arg7[%dma_start3A_37, %dma_start3A_38] : memref<80x128xi32, #tpu.memory_space<vmem>> -> memref<1x128xi32, #tpu.memory_space<vmem>>
    %dma_start3A_40 = tpu.memref_squeeze %dma_start3A_39 : memref<1x128xi32, #tpu.memory_space<vmem>> -> memref<128xi32, #tpu.memory_space<vmem>>
    %dma_start3A_41 = arith.constant 0 : i32
    %dma_start3A_42 = arith.constant 0 : i32
    %dma_start3A_43 = tpu.memref_slice %arg8[%dma_start3A_41, %dma_start3A_42] : memref<10240x16xf32, #tpu.memory_space<vmem_shared>> -> memref<10240x16xf32, #tpu.memory_space<vmem_shared>>
    tpu.enqueue_indirect_dma source(%arg6 : memref<128x16xf32, #tpu.memory_space<vmem>>) target(%dma_start3A_43 : memref<10240x16xf32, #tpu.memory_space<vmem_shared>>) offsets(%dma_start3A_40 : memref<128xi32, #tpu.memory_space<vmem>>) semaphore(%arg14 : memref<!tpu.dma_semaphore, #tpu.memory_space<semaphore_mem>>) {add = true}
    %dma_start3A_44 = arith.constant 6 : i32
    %dma_start3A_45 = arith.constant 0 : i32
    %dma_start3A_46 = tpu.memref_slice %arg7[%dma_start3A_44, %dma_start3A_45] : memref<80x128xi32, #tpu.memory_space<vmem>> -> memref<1x128xi32, #tpu.memory_space<vmem>>
    %dma_start3A_47 = tpu.memref_squeeze %dma_start3A_46 : memref<1x128xi32, #tpu.memory_space<vmem>> -> memref<128xi32, #tpu.memory_space<vmem>>
    %dma_start3A_48 = arith.constant 0 : i32
    %dma_start3A_49 = arith.constant 0 : i32
    %dma_start3A_50 = tpu.memref_slice %arg8[%dma_start3A_48, %dma_start3A_49] : memref<10240x16xf32, #tpu.memory_space<vmem_shared>> -> memref<10240x16xf32, #tpu.memory_space<vmem_shared>>
    tpu.enqueue_indirect_dma source(%arg6 : memref<128x16xf32, #tpu.memory_space<vmem>>) target(%dma_start3A_50 : memref<10240x16xf32, #tpu.memory_space<vmem_shared>>) offsets(%dma_start3A_47 : memref<128xi32, #tpu.memory_space<vmem>>) semaphore(%arg15 : memref<!tpu.dma_semaphore, #tpu.memory_space<semaphore_mem>>) {add = true}
    %dma_start3A_51 = arith.constant 7 : i32
    %dma_start3A_52 = arith.constant 0 : i32
    %dma_start3A_53 = tpu.memref_slice %arg7[%dma_start3A_51, %dma_start3A_52] : memref<80x128xi32, #tpu.memory_space<vmem>> -> memref<1x128xi32, #tpu.memory_space<vmem>>
    %dma_start3A_54 = tpu.memref_squeeze %dma_start3A_53 : memref<1x128xi32, #tpu.memory_space<vmem>> -> memref<128xi32, #tpu.memory_space<vmem>>
    %dma_start3A_55 = arith.constant 0 : i32
    %dma_start3A_56 = arith.constant 0 : i32
    %dma_start3A_57 = tpu.memref_slice %arg8[%dma_start3A_55, %dma_start3A_56] : memref<10240x16xf32, #tpu.memory_space<vmem_shared>> -> memref<10240x16xf32, #tpu.memory_space<vmem_shared>>
    tpu.enqueue_indirect_dma source(%arg6 : memref<128x16xf32, #tpu.memory_space<vmem>>) target(%dma_start3A_57 : memref<10240x16xf32, #tpu.memory_space<vmem_shared>>) offsets(%dma_start3A_54 : memref<128xi32, #tpu.memory_space<vmem>>) semaphore(%arg16 : memref<!tpu.dma_semaphore, #tpu.memory_space<semaphore_mem>>) {add = true}
    %scan3A = arith.constant 0 : i32
    %scan3A_58 = arith.constant 1 : i32
    %scan3A_59 = arith.constant 9 : i32
    %scan3A_60 = arith.addi %scan3A_58, %scan3A_59 : i32
    %scan3A_61 = arith.constant 1 : i32
    %scan3A_62 = scf.for %scan3A_124 = %scan3A_58 to %scan3A_60 step %scan3A_61 iter_args(%scan3A_125 = %scan3A) -> (i32)  : i32 {
      %mul3A_126 = arith.constant 8 : i32
      %mul3A_127 = arith.muli %scan3A_124, %mul3A_126 : i32
      %dma_wait3A_128 = arith.constant 0 : i32
      %dma_wait3A_129 = arith.constant 0 : i32
      %dma_wait3A_130 = tpu.memref_slice %arg7[%dma_wait3A_128, %dma_wait3A_129] : memref<80x128xi32, #tpu.memory_space<vmem>> -> memref<1x128xi32, #tpu.memory_space<vmem>>
      %dma_wait3A_131 = tpu.memref_squeeze %dma_wait3A_130 : memref<1x128xi32, #tpu.memory_space<vmem>> -> memref<128xi32, #tpu.memory_space<vmem>>
      %dma_wait3A_132 = arith.constant 0 : i32
      %dma_wait3A_133 = arith.constant 0 : i32
      %dma_wait3A_134 = tpu.memref_slice %arg8[%dma_wait3A_132, %dma_wait3A_133] : memref<10240x16xf32, #tpu.memory_space<vmem_shared>> -> memref<10240x16xf32, #tpu.memory_space<vmem_shared>>
      tpu.wait_indirect_dma semaphore(%arg9 : memref<!tpu.dma_semaphore, #tpu.memory_space<semaphore_mem>>) src(%arg6 : memref<128x16xf32, #tpu.memory_space<vmem>>) dst(%dma_wait3A_134 : memref<10240x16xf32, #tpu.memory_space<vmem_shared>>)
      %add3A_135 = arith.constant 0 : i32
      %add3A_136 = arith.addi %mul3A_127, %add3A_135 : i32
      %dma_start3A_137 = arith.constant 0 : i32
      %dma_start3A_138 = tpu.memref_slice %arg7[%add3A_136, %dma_start3A_137] : memref<80x128xi32, #tpu.memory_space<vmem>> -> memref<1x128xi32, #tpu.memory_space<vmem>>
      %dma_start3A_139 = tpu.memref_squeeze %dma_start3A_138 : memref<1x128xi32, #tpu.memory_space<vmem>> -> memref<128xi32, #tpu.memory_space<vmem>>
      %dma_start3A_140 = arith.constant 0 : i32
      %dma_start3A_141 = arith.constant 0 : i32
      %dma_start3A_142 = tpu.memref_slice %arg8[%dma_start3A_140, %dma_start3A_141] : memref<10240x16xf32, #tpu.memory_space<vmem_shared>> -> memref<10240x16xf32, #tpu.memory_space<vmem_shared>>
      tpu.enqueue_indirect_dma source(%arg6 : memref<128x16xf32, #tpu.memory_space<vmem>>) target(%dma_start3A_142 : memref<10240x16xf32, #tpu.memory_space<vmem_shared>>) offsets(%dma_start3A_139 : memref<128xi32, #tpu.memory_space<vmem>>) semaphore(%arg9 : memref<!tpu.dma_semaphore, #tpu.memory_space<semaphore_mem>>) {add = true}
      %dma_wait3A_143 = arith.constant 0 : i32
      %dma_wait3A_144 = arith.constant 0 : i32
      %dma_wait3A_145 = tpu.memref_slice %arg7[%dma_wait3A_143, %dma_wait3A_144] : memref<80x128xi32, #tpu.memory_space<vmem>> -> memref<1x128xi32, #tpu.memory_space<vmem>>
      %dma_wait3A_146 = tpu.memref_squeeze %dma_wait3A_145 : memref<1x128xi32, #tpu.memory_space<vmem>> -> memref<128xi32, #tpu.memory_space<vmem>>
      %dma_wait3A_147 = arith.constant 0 : i32
      %dma_wait3A_148 = arith.constant 0 : i32
      %dma_wait3A_149 = tpu.memref_slice %arg8[%dma_wait3A_147, %dma_wait3A_148] : memref<10240x16xf32, #tpu.memory_space<vmem_shared>> -> memref<10240x16xf32, #tpu.memory_space<vmem_shared>>
      tpu.wait_indirect_dma semaphore(%arg10 : memref<!tpu.dma_semaphore, #tpu.memory_space<semaphore_mem>>) src(%arg6 : memref<128x16xf32, #tpu.memory_space<vmem>>) dst(%dma_wait3A_149 : memref<10240x16xf32, #tpu.memory_space<vmem_shared>>)
      %add3A_150 = arith.constant 1 : i32
      %add3A_151 = arith.addi %mul3A_127, %add3A_150 : i32
      %dma_start3A_152 = arith.constant 0 : i32
      %dma_start3A_153 = tpu.memref_slice %arg7[%add3A_151, %dma_start3A_152] : memref<80x128xi32, #tpu.memory_space<vmem>> -> memref<1x128xi32, #tpu.memory_space<vmem>>
      %dma_start3A_154 = tpu.memref_squeeze %dma_start3A_153 : memref<1x128xi32, #tpu.memory_space<vmem>> -> memref<128xi32, #tpu.memory_space<vmem>>
      %dma_start3A_155 = arith.constant 0 : i32
      %dma_start3A_156 = arith.constant 0 : i32
      %dma_start3A_157 = tpu.memref_slice %arg8[%dma_start3A_155, %dma_start3A_156] : memref<10240x16xf32, #tpu.memory_space<vmem_shared>> -> memref<10240x16xf32, #tpu.memory_space<vmem_shared>>
      tpu.enqueue_indirect_dma source(%arg6 : memref<128x16xf32, #tpu.memory_space<vmem>>) target(%dma_start3A_157 : memref<10240x16xf32, #tpu.memory_space<vmem_shared>>) offsets(%dma_start3A_154 : memref<128xi32, #tpu.memory_space<vmem>>) semaphore(%arg10 : memref<!tpu.dma_semaphore, #tpu.memory_space<semaphore_mem>>) {add = true}
      %dma_wait3A_158 = arith.constant 0 : i32
      %dma_wait3A_159 = arith.constant 0 : i32
      %dma_wait3A_160 = tpu.memref_slice %arg7[%dma_wait3A_158, %dma_wait3A_159] : memref<80x128xi32, #tpu.memory_space<vmem>> -> memref<1x128xi32, #tpu.memory_space<vmem>>
      %dma_wait3A_161 = tpu.memref_squeeze %dma_wait3A_160 : memref<1x128xi32, #tpu.memory_space<vmem>> -> memref<128xi32, #tpu.memory_space<vmem>>
      %dma_wait3A_162 = arith.constant 0 : i32
      %dma_wait3A_163 = arith.constant 0 : i32
      %dma_wait3A_164 = tpu.memref_slice %arg8[%dma_wait3A_162, %dma_wait3A_163] : memref<10240x16xf32, #tpu.memory_space<vmem_shared>> -> memref<10240x16xf32, #tpu.memory_space<vmem_shared>>
      tpu.wait_indirect_dma semaphore(%arg11 : memref<!tpu.dma_semaphore, #tpu.memory_space<semaphore_mem>>) src(%arg6 : memref<128x16xf32, #tpu.memory_space<vmem>>) dst(%dma_wait3A_164 : memref<10240x16xf32, #tpu.memory_space<vmem_shared>>)
      %add3A_165 = arith.constant 2 : i32
      %add3A_166 = arith.addi %mul3A_127, %add3A_165 : i32
      %dma_start3A_167 = arith.constant 0 : i32
      %dma_start3A_168 = tpu.memref_slice %arg7[%add3A_166, %dma_start3A_167] : memref<80x128xi32, #tpu.memory_space<vmem>> -> memref<1x128xi32, #tpu.memory_space<vmem>>
      %dma_start3A_169 = tpu.memref_squeeze %dma_start3A_168 : memref<1x128xi32, #tpu.memory_space<vmem>> -> memref<128xi32, #tpu.memory_space<vmem>>
      %dma_start3A_170 = arith.constant 0 : i32
      %dma_start3A_171 = arith.constant 0 : i32
      %dma_start3A_172 = tpu.memref_slice %arg8[%dma_start3A_170, %dma_start3A_171] : memref<10240x16xf32, #tpu.memory_space<vmem_shared>> -> memref<10240x16xf32, #tpu.memory_space<vmem_shared>>
      tpu.enqueue_indirect_dma source(%arg6 : memref<128x16xf32, #tpu.memory_space<vmem>>) target(%dma_start3A_172 : memref<10240x16xf32, #tpu.memory_space<vmem_shared>>) offsets(%dma_start3A_169 : memref<128xi32, #tpu.memory_space<vmem>>) semaphore(%arg11 : memref<!tpu.dma_semaphore, #tpu.memory_space<semaphore_mem>>) {add = true}
      %dma_wait3A_173 = arith.constant 0 : i32
      %dma_wait3A_174 = arith.constant 0 : i32
      %dma_wait3A_175 = tpu.memref_slice %arg7[%dma_wait3A_173, %dma_wait3A_174] : memref<80x128xi32, #tpu.memory_space<vmem>> -> memref<1x128xi32, #tpu.memory_space<vmem>>
      %dma_wait3A_176 = tpu.memref_squeeze %dma_wait3A_175 : memref<1x128xi32, #tpu.memory_space<vmem>> -> memref<128xi32, #tpu.memory_space<vmem>>
      %dma_wait3A_177 = arith.constant 0 : i32
      %dma_wait3A_178 = arith.constant 0 : i32
      %dma_wait3A_179 = tpu.memref_slice %arg8[%dma_wait3A_177, %dma_wait3A_178] : memref<10240x16xf32, #tpu.memory_space<vmem_shared>> -> memref<10240x16xf32, #tpu.memory_space<vmem_shared>>
      tpu.wait_indirect_dma semaphore(%arg12 : memref<!tpu.dma_semaphore, #tpu.memory_space<semaphore_mem>>) src(%arg6 : memref<128x16xf32, #tpu.memory_space<vmem>>) dst(%dma_wait3A_179 : memref<10240x16xf32, #tpu.memory_space<vmem_shared>>)
      %add3A_180 = arith.constant 3 : i32
      %add3A_181 = arith.addi %mul3A_127, %add3A_180 : i32
      %dma_start3A_182 = arith.constant 0 : i32
      %dma_start3A_183 = tpu.memref_slice %arg7[%add3A_181, %dma_start3A_182] : memref<80x128xi32, #tpu.memory_space<vmem>> -> memref<1x128xi32, #tpu.memory_space<vmem>>
      %dma_start3A_184 = tpu.memref_squeeze %dma_start3A_183 : memref<1x128xi32, #tpu.memory_space<vmem>> -> memref<128xi32, #tpu.memory_space<vmem>>
      %dma_start3A_185 = arith.constant 0 : i32
      %dma_start3A_186 = arith.constant 0 : i32
      %dma_start3A_187 = tpu.memref_slice %arg8[%dma_start3A_185, %dma_start3A_186] : memref<10240x16xf32, #tpu.memory_space<vmem_shared>> -> memref<10240x16xf32, #tpu.memory_space<vmem_shared>>
      tpu.enqueue_indirect_dma source(%arg6 : memref<128x16xf32, #tpu.memory_space<vmem>>) target(%dma_start3A_187 : memref<10240x16xf32, #tpu.memory_space<vmem_shared>>) offsets(%dma_start3A_184 : memref<128xi32, #tpu.memory_space<vmem>>) semaphore(%arg12 : memref<!tpu.dma_semaphore, #tpu.memory_space<semaphore_mem>>) {add = true}
      %dma_wait3A_188 = arith.constant 0 : i32
      %dma_wait3A_189 = arith.constant 0 : i32
      %dma_wait3A_190 = tpu.memref_slice %arg7[%dma_wait3A_188, %dma_wait3A_189] : memref<80x128xi32, #tpu.memory_space<vmem>> -> memref<1x128xi32, #tpu.memory_space<vmem>>
      %dma_wait3A_191 = tpu.memref_squeeze %dma_wait3A_190 : memref<1x128xi32, #tpu.memory_space<vmem>> -> memref<128xi32, #tpu.memory_space<vmem>>
      %dma_wait3A_192 = arith.constant 0 : i32
      %dma_wait3A_193 = arith.constant 0 : i32
      %dma_wait3A_194 = tpu.memref_slice %arg8[%dma_wait3A_192, %dma_wait3A_193] : memref<10240x16xf32, #tpu.memory_space<vmem_shared>> -> memref<10240x16xf32, #tpu.memory_space<vmem_shared>>
      tpu.wait_indirect_dma semaphore(%arg13 : memref<!tpu.dma_semaphore, #tpu.memory_space<semaphore_mem>>) src(%arg6 : memref<128x16xf32, #tpu.memory_space<vmem>>) dst(%dma_wait3A_194 : memref<10240x16xf32, #tpu.memory_space<vmem_shared>>)
      %add3A_195 = arith.constant 4 : i32
      %add3A_196 = arith.addi %mul3A_127, %add3A_195 : i32
      %dma_start3A_197 = arith.constant 0 : i32
      %dma_start3A_198 = tpu.memref_slice %arg7[%add3A_196, %dma_start3A_197] : memref<80x128xi32, #tpu.memory_space<vmem>> -> memref<1x128xi32, #tpu.memory_space<vmem>>
      %dma_start3A_199 = tpu.memref_squeeze %dma_start3A_198 : memref<1x128xi32, #tpu.memory_space<vmem>> -> memref<128xi32, #tpu.memory_space<vmem>>
      %dma_start3A_200 = arith.constant 0 : i32
      %dma_start3A_201 = arith.constant 0 : i32
      %dma_start3A_202 = tpu.memref_slice %arg8[%dma_start3A_200, %dma_start3A_201] : memref<10240x16xf32, #tpu.memory_space<vmem_shared>> -> memref<10240x16xf32, #tpu.memory_space<vmem_shared>>
      tpu.enqueue_indirect_dma source(%arg6 : memref<128x16xf32, #tpu.memory_space<vmem>>) target(%dma_start3A_202 : memref<10240x16xf32, #tpu.memory_space<vmem_shared>>) offsets(%dma_start3A_199 : memref<128xi32, #tpu.memory_space<vmem>>) semaphore(%arg13 : memref<!tpu.dma_semaphore, #tpu.memory_space<semaphore_mem>>) {add = true}
      %dma_wait3A_203 = arith.constant 0 : i32
      %dma_wait3A_204 = arith.constant 0 : i32
      %dma_wait3A_205 = tpu.memref_slice %arg7[%dma_wait3A_203, %dma_wait3A_204] : memref<80x128xi32, #tpu.memory_space<vmem>> -> memref<1x128xi32, #tpu.memory_space<vmem>>
      %dma_wait3A_206 = tpu.memref_squeeze %dma_wait3A_205 : memref<1x128xi32, #tpu.memory_space<vmem>> -> memref<128xi32, #tpu.memory_space<vmem>>
      %dma_wait3A_207 = arith.constant 0 : i32
      %dma_wait3A_208 = arith.constant 0 : i32
      %dma_wait3A_209 = tpu.memref_slice %arg8[%dma_wait3A_207, %dma_wait3A_208] : memref<10240x16xf32, #tpu.memory_space<vmem_shared>> -> memref<10240x16xf32, #tpu.memory_space<vmem_shared>>
      tpu.wait_indirect_dma semaphore(%arg14 : memref<!tpu.dma_semaphore, #tpu.memory_space<semaphore_mem>>) src(%arg6 : memref<128x16xf32, #tpu.memory_space<vmem>>) dst(%dma_wait3A_209 : memref<10240x16xf32, #tpu.memory_space<vmem_shared>>)
      %add3A_210 = arith.constant 5 : i32
      %add3A_211 = arith.addi %mul3A_127, %add3A_210 : i32
      %dma_start3A_212 = arith.constant 0 : i32
      %dma_start3A_213 = tpu.memref_slice %arg7[%add3A_211, %dma_start3A_212] : memref<80x128xi32, #tpu.memory_space<vmem>> -> memref<1x128xi32, #tpu.memory_space<vmem>>
      %dma_start3A_214 = tpu.memref_squeeze %dma_start3A_213 : memref<1x128xi32, #tpu.memory_space<vmem>> -> memref<128xi32, #tpu.memory_space<vmem>>
      %dma_start3A_215 = arith.constant 0 : i32
      %dma_start3A_216 = arith.constant 0 : i32
      %dma_start3A_217 = tpu.memref_slice %arg8[%dma_start3A_215, %dma_start3A_216] : memref<10240x16xf32, #tpu.memory_space<vmem_shared>> -> memref<10240x16xf32, #tpu.memory_space<vmem_shared>>
      tpu.enqueue_indirect_dma source(%arg6 : memref<128x16xf32, #tpu.memory_space<vmem>>) target(%dma_start3A_217 : memref<10240x16xf32, #tpu.memory_space<vmem_shared>>) offsets(%dma_start3A_214 : memref<128xi32, #tpu.memory_space<vmem>>) semaphore(%arg14 : memref<!tpu.dma_semaphore, #tpu.memory_space<semaphore_mem>>) {add = true}
      %dma_wait3A_218 = arith.constant 0 : i32
      %dma_wait3A_219 = arith.constant 0 : i32
      %dma_wait3A_220 = tpu.memref_slice %arg7[%dma_wait3A_218, %dma_wait3A_219] : memref<80x128xi32, #tpu.memory_space<vmem>> -> memref<1x128xi32, #tpu.memory_space<vmem>>
      %dma_wait3A_221 = tpu.memref_squeeze %dma_wait3A_220 : memref<1x128xi32, #tpu.memory_space<vmem>> -> memref<128xi32, #tpu.memory_space<vmem>>
      %dma_wait3A_222 = arith.constant 0 : i32
      %dma_wait3A_223 = arith.constant 0 : i32
      %dma_wait3A_224 = tpu.memref_slice %arg8[%dma_wait3A_222, %dma_wait3A_223] : memref<10240x16xf32, #tpu.memory_space<vmem_shared>> -> memref<10240x16xf32, #tpu.memory_space<vmem_shared>>
      tpu.wait_indirect_dma semaphore(%arg15 : memref<!tpu.dma_semaphore, #tpu.memory_space<semaphore_mem>>) src(%arg6 : memref<128x16xf32, #tpu.memory_space<vmem>>) dst(%dma_wait3A_224 : memref<10240x16xf32, #tpu.memory_space<vmem_shared>>)
      %add3A_225 = arith.constant 6 : i32
      %add3A_226 = arith.addi %mul3A_127, %add3A_225 : i32
      %dma_start3A_227 = arith.constant 0 : i32
      %dma_start3A_228 = tpu.memref_slice %arg7[%add3A_226, %dma_start3A_227] : memref<80x128xi32, #tpu.memory_space<vmem>> -> memref<1x128xi32, #tpu.memory_space<vmem>>
      %dma_start3A_229 = tpu.memref_squeeze %dma_start3A_228 : memref<1x128xi32, #tpu.memory_space<vmem>> -> memref<128xi32, #tpu.memory_space<vmem>>
      %dma_start3A_230 = arith.constant 0 : i32
      %dma_start3A_231 = arith.constant 0 : i32
      %dma_start3A_232 = tpu.memref_slice %arg8[%dma_start3A_230, %dma_start3A_231] : memref<10240x16xf32, #tpu.memory_space<vmem_shared>> -> memref<10240x16xf32, #tpu.memory_space<vmem_shared>>
      tpu.enqueue_indirect_dma source(%arg6 : memref<128x16xf32, #tpu.memory_space<vmem>>) target(%dma_start3A_232 : memref<10240x16xf32, #tpu.memory_space<vmem_shared>>) offsets(%dma_start3A_229 : memref<128xi32, #tpu.memory_space<vmem>>) semaphore(%arg15 : memref<!tpu.dma_semaphore, #tpu.memory_space<semaphore_mem>>) {add = true}
      %dma_wait3A_233 = arith.constant 0 : i32
      %dma_wait3A_234 = arith.constant 0 : i32
      %dma_wait3A_235 = tpu.memref_slice %arg7[%dma_wait3A_233, %dma_wait3A_234] : memref<80x128xi32, #tpu.memory_space<vmem>> -> memref<1x128xi32, #tpu.memory_space<vmem>>
      %dma_wait3A_236 = tpu.memref_squeeze %dma_wait3A_235 : memref<1x128xi32, #tpu.memory_space<vmem>> -> memref<128xi32, #tpu.memory_space<vmem>>
      %dma_wait3A_237 = arith.constant 0 : i32
      %dma_wait3A_238 = arith.constant 0 : i32
      %dma_wait3A_239 = tpu.memref_slice %arg8[%dma_wait3A_237, %dma_wait3A_238] : memref<10240x16xf32, #tpu.memory_space<vmem_shared>> -> memref<10240x16xf32, #tpu.memory_space<vmem_shared>>
      tpu.wait_indirect_dma semaphore(%arg16 : memref<!tpu.dma_semaphore, #tpu.memory_space<semaphore_mem>>) src(%arg6 : memref<128x16xf32, #tpu.memory_space<vmem>>) dst(%dma_wait3A_239 : memref<10240x16xf32, #tpu.memory_space<vmem_shared>>)
      %add3A_240 = arith.constant 7 : i32
      %add3A_241 = arith.addi %mul3A_127, %add3A_240 : i32
      %dma_start3A_242 = arith.constant 0 : i32
      %dma_start3A_243 = tpu.memref_slice %arg7[%add3A_241, %dma_start3A_242] : memref<80x128xi32, #tpu.memory_space<vmem>> -> memref<1x128xi32, #tpu.memory_space<vmem>>
      %dma_start3A_244 = tpu.memref_squeeze %dma_start3A_243 : memref<1x128xi32, #tpu.memory_space<vmem>> -> memref<128xi32, #tpu.memory_space<vmem>>
      %dma_start3A_245 = arith.constant 0 : i32
      %dma_start3A_246 = arith.constant 0 : i32
      %dma_start3A_247 = tpu.memref_slice %arg8[%dma_start3A_245, %dma_start3A_246] : memref<10240x16xf32, #tpu.memory_space<vmem_shared>> -> memref<10240x16xf32, #tpu.memory_space<vmem_shared>>
      tpu.enqueue_indirect_dma source(%arg6 : memref<128x16xf32, #tpu.memory_space<vmem>>) target(%dma_start3A_247 : memref<10240x16xf32, #tpu.memory_space<vmem_shared>>) offsets(%dma_start3A_244 : memref<128xi32, #tpu.memory_space<vmem>>) semaphore(%arg16 : memref<!tpu.dma_semaphore, #tpu.memory_space<semaphore_mem>>) {add = true}
      %scan3A_248 = arith.constant 0 : i32
      scf.yield %scan3A_248 : i32
    }
    %scan3A_63 = arith.constant 9 : i32
    %dma_wait3A = arith.constant 0 : i32
    %dma_wait3A_64 = arith.constant 0 : i32
    %dma_wait3A_65 = tpu.memref_slice %arg7[%dma_wait3A, %dma_wait3A_64] : memref<80x128xi32, #tpu.memory_space<vmem>> -> memref<1x128xi32, #tpu.memory_space<vmem>>
    %dma_wait3A_66 = tpu.memref_squeeze %dma_wait3A_65 : memref<1x128xi32, #tpu.memory_space<vmem>> -> memref<128xi32, #tpu.memory_space<vmem>>
    %dma_wait3A_67 = arith.constant 0 : i32
    %dma_wait3A_68 = arith.constant 0 : i32
    %dma_wait3A_69 = tpu.memref_slice %arg8[%dma_wait3A_67, %dma_wait3A_68] : memref<10240x16xf32, #tpu.memory_space<vmem_shared>> -> memref<10240x16xf32, #tpu.memory_space<vmem_shared>>
    tpu.wait_indirect_dma semaphore(%arg9 : memref<!tpu.dma_semaphore, #tpu.memory_space<semaphore_mem>>) src(%arg6 : memref<128x16xf32, #tpu.memory_space<vmem>>) dst(%dma_wait3A_69 : memref<10240x16xf32, #tpu.memory_space<vmem_shared>>)
    %dma_wait3A_70 = arith.constant 0 : i32
    %dma_wait3A_71 = arith.constant 0 : i32
    %dma_wait3A_72 = tpu.memref_slice %arg7[%dma_wait3A_70, %dma_wait3A_71] : memref<80x128xi32, #tpu.memory_space<vmem>> -> memref<1x128xi32, #tpu.memory_space<vmem>>
    %dma_wait3A_73 = tpu.memref_squeeze %dma_wait3A_72 : memref<1x128xi32, #tpu.memory_space<vmem>> -> memref<128xi32, #tpu.memory_space<vmem>>
    %dma_wait3A_74 = arith.constant 0 : i32
    %dma_wait3A_75 = arith.constant 0 : i32
    %dma_wait3A_76 = tpu.memref_slice %arg8[%dma_wait3A_74, %dma_wait3A_75] : memref<10240x16xf32, #tpu.memory_space<vmem_shared>> -> memref<10240x16xf32, #tpu.memory_space<vmem_shared>>
    tpu.wait_indirect_dma semaphore(%arg10 : memref<!tpu.dma_semaphore, #tpu.memory_space<semaphore_mem>>) src(%arg6 : memref<128x16xf32, #tpu.memory_space<vmem>>) dst(%dma_wait3A_76 : memref<10240x16xf32, #tpu.memory_space<vmem_shared>>)
    %dma_wait3A_77 = arith.constant 0 : i32
    %dma_wait3A_78 = arith.constant 0 : i32
    %dma_wait3A_79 = tpu.memref_slice %arg7[%dma_wait3A_77, %dma_wait3A_78] : memref<80x128xi32, #tpu.memory_space<vmem>> -> memref<1x128xi32, #tpu.memory_space<vmem>>
    %dma_wait3A_80 = tpu.memref_squeeze %dma_wait3A_79 : memref<1x128xi32, #tpu.memory_space<vmem>> -> memref<128xi32, #tpu.memory_space<vmem>>
    %dma_wait3A_81 = arith.constant 0 : i32
    %dma_wait3A_82 = arith.constant 0 : i32
    %dma_wait3A_83 = tpu.memref_slice %arg8[%dma_wait3A_81, %dma_wait3A_82] : memref<10240x16xf32, #tpu.memory_space<vmem_shared>> -> memref<10240x16xf32, #tpu.memory_space<vmem_shared>>
    tpu.wait_indirect_dma semaphore(%arg11 : memref<!tpu.dma_semaphore, #tpu.memory_space<semaphore_mem>>) src(%arg6 : memref<128x16xf32, #tpu.memory_space<vmem>>) dst(%dma_wait3A_83 : memref<10240x16xf32, #tpu.memory_space<vmem_shared>>)
    %dma_wait3A_84 = arith.constant 0 : i32
    %dma_wait3A_85 = arith.constant 0 : i32
    %dma_wait3A_86 = tpu.memref_slice %arg7[%dma_wait3A_84, %dma_wait3A_85] : memref<80x128xi32, #tpu.memory_space<vmem>> -> memref<1x128xi32, #tpu.memory_space<vmem>>
    %dma_wait3A_87 = tpu.memref_squeeze %dma_wait3A_86 : memref<1x128xi32, #tpu.memory_space<vmem>> -> memref<128xi32, #tpu.memory_space<vmem>>
    %dma_wait3A_88 = arith.constant 0 : i32
    %dma_wait3A_89 = arith.constant 0 : i32
    %dma_wait3A_90 = tpu.memref_slice %arg8[%dma_wait3A_88, %dma_wait3A_89] : memref<10240x16xf32, #tpu.memory_space<vmem_shared>> -> memref<10240x16xf32, #tpu.memory_space<vmem_shared>>
    tpu.wait_indirect_dma semaphore(%arg12 : memref<!tpu.dma_semaphore, #tpu.memory_space<semaphore_mem>>) src(%arg6 : memref<128x16xf32, #tpu.memory_space<vmem>>) dst(%dma_wait3A_90 : memref<10240x16xf32, #tpu.memory_space<vmem_shared>>)
    %dma_wait3A_91 = arith.constant 0 : i32
    %dma_wait3A_92 = arith.constant 0 : i32
    %dma_wait3A_93 = tpu.memref_slice %arg7[%dma_wait3A_91, %dma_wait3A_92] : memref<80x128xi32, #tpu.memory_space<vmem>> -> memref<1x128xi32, #tpu.memory_space<vmem>>
    %dma_wait3A_94 = tpu.memref_squeeze %dma_wait3A_93 : memref<1x128xi32, #tpu.memory_space<vmem>> -> memref<128xi32, #tpu.memory_space<vmem>>
    %dma_wait3A_95 = arith.constant 0 : i32
    %dma_wait3A_96 = arith.constant 0 : i32
    %dma_wait3A_97 = tpu.memref_slice %arg8[%dma_wait3A_95, %dma_wait3A_96] : memref<10240x16xf32, #tpu.memory_space<vmem_shared>> -> memref<10240x16xf32, #tpu.memory_space<vmem_shared>>
    tpu.wait_indirect_dma semaphore(%arg13 : memref<!tpu.dma_semaphore, #tpu.memory_space<semaphore_mem>>) src(%arg6 : memref<128x16xf32, #tpu.memory_space<vmem>>) dst(%dma_wait3A_97 : memref<10240x16xf32, #tpu.memory_space<vmem_shared>>)
    %dma_wait3A_98 = arith.constant 0 : i32
    %dma_wait3A_99 = arith.constant 0 : i32
    %dma_wait3A_100 = tpu.memref_slice %arg7[%dma_wait3A_98, %dma_wait3A_99] : memref<80x128xi32, #tpu.memory_space<vmem>> -> memref<1x128xi32, #tpu.memory_space<vmem>>
    %dma_wait3A_101 = tpu.memref_squeeze %dma_wait3A_100 : memref<1x128xi32, #tpu.memory_space<vmem>> -> memref<128xi32, #tpu.memory_space<vmem>>
    %dma_wait3A_102 = arith.constant 0 : i32
    %dma_wait3A_103 = arith.constant 0 : i32
    %dma_wait3A_104 = tpu.memref_slice %arg8[%dma_wait3A_102, %dma_wait3A_103] : memref<10240x16xf32, #tpu.memory_space<vmem_shared>> -> memref<10240x16xf32, #tpu.memory_space<vmem_shared>>
    tpu.wait_indirect_dma semaphore(%arg14 : memref<!tpu.dma_semaphore, #tpu.memory_space<semaphore_mem>>) src(%arg6 : memref<128x16xf32, #tpu.memory_space<vmem>>) dst(%dma_wait3A_104 : memref<10240x16xf32, #tpu.memory_space<vmem_shared>>)
    %dma_wait3A_105 = arith.constant 0 : i32
    %dma_wait3A_106 = arith.constant 0 : i32
    %dma_wait3A_107 = tpu.memref_slice %arg7[%dma_wait3A_105, %dma_wait3A_106] : memref<80x128xi32, #tpu.memory_space<vmem>> -> memref<1x128xi32, #tpu.memory_space<vmem>>
    %dma_wait3A_108 = tpu.memref_squeeze %dma_wait3A_107 : memref<1x128xi32, #tpu.memory_space<vmem>> -> memref<128xi32, #tpu.memory_space<vmem>>
    %dma_wait3A_109 = arith.constant 0 : i32
    %dma_wait3A_110 = arith.constant 0 : i32
    %dma_wait3A_111 = tpu.memref_slice %arg8[%dma_wait3A_109, %dma_wait3A_110] : memref<10240x16xf32, #tpu.memory_space<vmem_shared>> -> memref<10240x16xf32, #tpu.memory_space<vmem_shared>>
    tpu.wait_indirect_dma semaphore(%arg15 : memref<!tpu.dma_semaphore, #tpu.memory_space<semaphore_mem>>) src(%arg6 : memref<128x16xf32, #tpu.memory_space<vmem>>) dst(%dma_wait3A_111 : memref<10240x16xf32, #tpu.memory_space<vmem_shared>>)
    %dma_wait3A_112 = arith.constant 0 : i32
    %dma_wait3A_113 = arith.constant 0 : i32
    %dma_wait3A_114 = tpu.memref_slice %arg7[%dma_wait3A_112, %dma_wait3A_113] : memref<80x128xi32, #tpu.memory_space<vmem>> -> memref<1x128xi32, #tpu.memory_space<vmem>>
    %dma_wait3A_115 = tpu.memref_squeeze %dma_wait3A_114 : memref<1x128xi32, #tpu.memory_space<vmem>> -> memref<128xi32, #tpu.memory_space<vmem>>
    %dma_wait3A_116 = arith.constant 0 : i32
    %dma_wait3A_117 = arith.constant 0 : i32
    %dma_wait3A_118 = tpu.memref_slice %arg8[%dma_wait3A_116, %dma_wait3A_117] : memref<10240x16xf32, #tpu.memory_space<vmem_shared>> -> memref<10240x16xf32, #tpu.memory_space<vmem_shared>>
    tpu.wait_indirect_dma semaphore(%arg16 : memref<!tpu.dma_semaphore, #tpu.memory_space<semaphore_mem>>) src(%arg6 : memref<128x16xf32, #tpu.memory_space<vmem>>) dst(%dma_wait3A_118 : memref<10240x16xf32, #tpu.memory_space<vmem_shared>>)
    %barrier3A_119 = arith.constant 0 : index
    tpu.barrier barrier_id(%barrier3A_119)
    %mul3A_120 = arith.constant 640 : i32
    %mul3A_121 = arith.muli %arg1, %mul3A_120 : i32
    %mul3A_122 = arith.constant 640 : i32
    %mul3A_123 = arith.muli %arg1, %mul3A_122 : i32
    "tpu.region"() ({
      %run_scoped3A = tpu.sem_alloc : memref<!tpu.dma_semaphore, #tpu.memory_space<semaphore_mem>>
      %dma_start3A_124 = arith.constant 0 : i32
      %dma_start3A_125 = tpu.memref_slice %arg5[%arg0, %mul3A_123, %dma_start3A_124] : memref<2x10240x16xf32, #tpu.memory_space<hbm>> -> memref<1x640x16xf32, #tpu.memory_space<hbm>>
      %dma_start3A_126 = tpu.memref_squeeze %dma_start3A_125 : memref<1x640x16xf32, #tpu.memory_space<hbm>> -> memref<640x16xf32, #tpu.memory_space<hbm>>
      %dma_start3A_127 = arith.constant 0 : i32
      %dma_start3A_128 = tpu.memref_slice %arg8[%mul3A_121, %dma_start3A_127] : memref<10240x16xf32, #tpu.memory_space<vmem_shared>> -> memref<640x16xf32, #tpu.memory_space<vmem_shared>>
      tpu.enqueue_dma source(%dma_start3A_128 : memref<640x16xf32, #tpu.memory_space<vmem_shared>>) target(%dma_start3A_126 : memref<640x16xf32, #tpu.memory_space<hbm>>) target_semaphore(%run_scoped3A : memref<!tpu.dma_semaphore, #tpu.memory_space<semaphore_mem>>)
      %dma_wait3A_129 = arith.constant 0 : i32
      %dma_wait3A_130 = tpu.memref_slice %arg5[%arg0, %mul3A_123, %dma_wait3A_129] : memref<2x10240x16xf32, #tpu.memory_space<hbm>> -> memref<1x640x16xf32, #tpu.memory_space<hbm>>
      %dma_wait3A_131 = tpu.memref_squeeze %dma_wait3A_130 : memref<1x640x16xf32, #tpu.memory_space<hbm>> -> memref<640x16xf32, #tpu.memory_space<hbm>>
      %dma_wait3A_132 = arith.constant 0 : i32
      %dma_wait3A_133 = tpu.memref_slice %arg8[%mul3A_121, %dma_wait3A_132] : memref<10240x16xf32, #tpu.memory_space<vmem_shared>> -> memref<640x16xf32, #tpu.memory_space<vmem_shared>>
      tpu.wait_dma2 semaphore(%run_scoped3A : memref<!tpu.dma_semaphore, #tpu.memory_space<semaphore_mem>>) src(%dma_wait3A_133 : memref<640x16xf32, #tpu.memory_space<vmem_shared>>) dst(%dma_wait3A_131 : memref<640x16xf32, #tpu.memory_space<hbm>>)
      tpu.yield
    }) : () -> ()
    return
  }
}

#map = affine_map<(d0, d1) -> (0, 0)>
#map1 = affine_map<(d0, d1) -> (0, 0, 0)>
module attributes {stable_mosaic.version = 14 : i64} {
  func.func @k(%arg0: i32, %arg1: i32, %arg2: memref<10000x64xf32, #tpu.memory_space<hbm>>, %arg3: memref<32x80x128xi32, #tpu.memory_space<hbm>>, %arg4: memref<32x80x128xi32, #tpu.memory_space<hbm>>, %arg5: memref<640x64xf32, #tpu.memory_space<hbm>>, %arg6: memref<2x10240x64xf32, #tpu.memory_space<hbm>>, %arg7: memref<80x128xi32, #tpu.memory_space<vmem>>, %arg8: memref<80x128xi32, #tpu.memory_space<vmem>>, %arg9: memref<8x128x64xf32, #tpu.memory_space<vmem>>, %arg10: memref<10240x64xf32, #tpu.memory_space<vmem_shared>>, %arg11: memref<!tpu.dma_semaphore, #tpu.memory_space<semaphore_mem>>, %arg12: memref<!tpu.dma_semaphore, #tpu.memory_space<semaphore_mem>>, %arg13: memref<!tpu.dma_semaphore, #tpu.memory_space<semaphore_mem>>, %arg14: memref<!tpu.dma_semaphore, #tpu.memory_space<semaphore_mem>>, %arg15: memref<!tpu.dma_semaphore, #tpu.memory_space<semaphore_mem>>, %arg16: memref<!tpu.dma_semaphore, #tpu.memory_space<semaphore_mem>>, %arg17: memref<!tpu.dma_semaphore, #tpu.memory_space<semaphore_mem>>, %arg18: memref<!tpu.dma_semaphore, #tpu.memory_space<semaphore_mem>>, %arg19: memref<!tpu.dma_semaphore, #tpu.memory_space<semaphore_mem>>, %arg20: memref<!tpu.dma_semaphore, #tpu.memory_space<semaphore_mem>>, %arg21: memref<!tpu.dma_semaphore, #tpu.memory_space<semaphore_mem>>, %arg22: memref<!tpu.dma_semaphore, #tpu.memory_space<semaphore_mem>>, %arg23: memref<!tpu.dma_semaphore, #tpu.memory_space<semaphore_mem>>, %arg24: memref<!tpu.dma_semaphore, #tpu.memory_space<semaphore_mem>>, %arg25: memref<!tpu.dma_semaphore, #tpu.memory_space<semaphore_mem>>, %arg26: memref<!tpu.dma_semaphore, #tpu.memory_space<semaphore_mem>>) attributes {dimension_semantics = [#tpu.dimension_semantics<core_parallel>, #tpu.dimension_semantics<subcore_parallel>], iteration_bounds = array<i64: 2, 16>, scalar_prefetch = 0 : i64, scratch_operands = 20 : i64, tpu.core_type = #tpu.core_type<sc_vector_subcore>, window_params = [{transform_indices = #map}, {transform_indices = #map1}, {transform_indices = #map1}, {transform_indices = #map}, {transform_indices = #map1}]} {
    %mul3A = arith.constant 16 : i32
    %mul3A_0 = arith.muli %arg0, %mul3A : i32
    %add3A = arith.addi %mul3A_0, %arg1 : i32
    "tpu.region"() ({
      %run_scoped3A = tpu.sem_alloc : memref<!tpu.dma_semaphore, #tpu.memory_space<semaphore_mem>>
      %dma_start3A_396 = arith.constant 0 : i32
      %dma_start3A_397 = arith.constant 0 : i32
      %dma_start3A_398 = tpu.memref_slice %arg3[%add3A, %dma_start3A_396, %dma_start3A_397] : memref<32x80x128xi32, #tpu.memory_space<hbm>> -> memref<1x80x128xi32, #tpu.memory_space<hbm>>
      %dma_start3A_399 = tpu.memref_squeeze %dma_start3A_398 : memref<1x80x128xi32, #tpu.memory_space<hbm>> -> memref<80x128xi32, #tpu.memory_space<hbm>>
      %dma_start3A_400 = arith.constant 0 : i32
      %dma_start3A_401 = arith.constant 0 : i32
      %dma_start3A_402 = tpu.memref_slice %arg3[%add3A, %dma_start3A_400, %dma_start3A_401] : memref<32x80x128xi32, #tpu.memory_space<hbm>> -> memref<1x80x128xi32, #tpu.memory_space<hbm>>
      %dma_start3A_403 = tpu.memref_squeeze %dma_start3A_402 : memref<1x80x128xi32, #tpu.memory_space<hbm>> -> memref<80x128xi32, #tpu.memory_space<hbm>>
      tpu.enqueue_dma source(%dma_start3A_403 : memref<80x128xi32, #tpu.memory_space<hbm>>) target(%arg7 : memref<80x128xi32, #tpu.memory_space<vmem>>) target_semaphore(%run_scoped3A : memref<!tpu.dma_semaphore, #tpu.memory_space<semaphore_mem>>)
      %dma_wait3A_404 = arith.constant 0 : i32
      %dma_wait3A_405 = arith.constant 0 : i32
      %dma_wait3A_406 = tpu.memref_slice %arg3[%add3A, %dma_wait3A_404, %dma_wait3A_405] : memref<32x80x128xi32, #tpu.memory_space<hbm>> -> memref<1x80x128xi32, #tpu.memory_space<hbm>>
      %dma_wait3A_407 = tpu.memref_squeeze %dma_wait3A_406 : memref<1x80x128xi32, #tpu.memory_space<hbm>> -> memref<80x128xi32, #tpu.memory_space<hbm>>
      %dma_wait3A_408 = arith.constant 0 : i32
      %dma_wait3A_409 = arith.constant 0 : i32
      %dma_wait3A_410 = tpu.memref_slice %arg3[%add3A, %dma_wait3A_408, %dma_wait3A_409] : memref<32x80x128xi32, #tpu.memory_space<hbm>> -> memref<1x80x128xi32, #tpu.memory_space<hbm>>
      %dma_wait3A_411 = tpu.memref_squeeze %dma_wait3A_410 : memref<1x80x128xi32, #tpu.memory_space<hbm>> -> memref<80x128xi32, #tpu.memory_space<hbm>>
      tpu.wait_dma2 semaphore(%run_scoped3A : memref<!tpu.dma_semaphore, #tpu.memory_space<semaphore_mem>>) src(%dma_wait3A_411 : memref<80x128xi32, #tpu.memory_space<hbm>>) dst(%arg7 : memref<80x128xi32, #tpu.memory_space<vmem>>)
      tpu.yield
    }) : () -> ()
    "tpu.region"() ({
      %run_scoped3A = tpu.sem_alloc : memref<!tpu.dma_semaphore, #tpu.memory_space<semaphore_mem>>
      %dma_start3A_396 = arith.constant 0 : i32
      %dma_start3A_397 = arith.constant 0 : i32
      %dma_start3A_398 = tpu.memref_slice %arg4[%add3A, %dma_start3A_396, %dma_start3A_397] : memref<32x80x128xi32, #tpu.memory_space<hbm>> -> memref<1x80x128xi32, #tpu.memory_space<hbm>>
      %dma_start3A_399 = tpu.memref_squeeze %dma_start3A_398 : memref<1x80x128xi32, #tpu.memory_space<hbm>> -> memref<80x128xi32, #tpu.memory_space<hbm>>
      %dma_start3A_400 = arith.constant 0 : i32
      %dma_start3A_401 = arith.constant 0 : i32
      %dma_start3A_402 = tpu.memref_slice %arg4[%add3A, %dma_start3A_400, %dma_start3A_401] : memref<32x80x128xi32, #tpu.memory_space<hbm>> -> memref<1x80x128xi32, #tpu.memory_space<hbm>>
      %dma_start3A_403 = tpu.memref_squeeze %dma_start3A_402 : memref<1x80x128xi32, #tpu.memory_space<hbm>> -> memref<80x128xi32, #tpu.memory_space<hbm>>
      tpu.enqueue_dma source(%dma_start3A_403 : memref<80x128xi32, #tpu.memory_space<hbm>>) target(%arg8 : memref<80x128xi32, #tpu.memory_space<vmem>>) target_semaphore(%run_scoped3A : memref<!tpu.dma_semaphore, #tpu.memory_space<semaphore_mem>>)
      %dma_wait3A_404 = arith.constant 0 : i32
      %dma_wait3A_405 = arith.constant 0 : i32
      %dma_wait3A_406 = tpu.memref_slice %arg4[%add3A, %dma_wait3A_404, %dma_wait3A_405] : memref<32x80x128xi32, #tpu.memory_space<hbm>> -> memref<1x80x128xi32, #tpu.memory_space<hbm>>
      %dma_wait3A_407 = tpu.memref_squeeze %dma_wait3A_406 : memref<1x80x128xi32, #tpu.memory_space<hbm>> -> memref<80x128xi32, #tpu.memory_space<hbm>>
      %dma_wait3A_408 = arith.constant 0 : i32
      %dma_wait3A_409 = arith.constant 0 : i32
      %dma_wait3A_410 = tpu.memref_slice %arg4[%add3A, %dma_wait3A_408, %dma_wait3A_409] : memref<32x80x128xi32, #tpu.memory_space<hbm>> -> memref<1x80x128xi32, #tpu.memory_space<hbm>>
      %dma_wait3A_411 = tpu.memref_squeeze %dma_wait3A_410 : memref<1x80x128xi32, #tpu.memory_space<hbm>> -> memref<80x128xi32, #tpu.memory_space<hbm>>
      tpu.wait_dma2 semaphore(%run_scoped3A : memref<!tpu.dma_semaphore, #tpu.memory_space<semaphore_mem>>) src(%dma_wait3A_411 : memref<80x128xi32, #tpu.memory_space<hbm>>) dst(%arg8 : memref<80x128xi32, #tpu.memory_space<vmem>>)
      tpu.yield
    }) : () -> ()
    %mul3A_1 = arith.constant 640 : i32
    %mul3A_2 = arith.muli %arg1, %mul3A_1 : i32
    "tpu.region"() ({
      %run_scoped3A = tpu.sem_alloc : memref<!tpu.dma_semaphore, #tpu.memory_space<semaphore_mem>>
      %dma_start3A_396 = arith.constant 0 : i32
      %dma_start3A_397 = tpu.memref_slice %arg10[%mul3A_2, %dma_start3A_396] : memref<10240x64xf32, #tpu.memory_space<vmem_shared>> -> memref<640x64xf32, #tpu.memory_space<vmem_shared>>
      tpu.enqueue_dma source(%arg5 : memref<640x64xf32, #tpu.memory_space<hbm>>) target(%dma_start3A_397 : memref<640x64xf32, #tpu.memory_space<vmem_shared>>) target_semaphore(%run_scoped3A : memref<!tpu.dma_semaphore, #tpu.memory_space<semaphore_mem>>)
      %dma_wait3A_398 = arith.constant 0 : i32
      %dma_wait3A_399 = tpu.memref_slice %arg10[%mul3A_2, %dma_wait3A_398] : memref<10240x64xf32, #tpu.memory_space<vmem_shared>> -> memref<640x64xf32, #tpu.memory_space<vmem_shared>>
      tpu.wait_dma2 semaphore(%run_scoped3A : memref<!tpu.dma_semaphore, #tpu.memory_space<semaphore_mem>>) src(%arg5 : memref<640x64xf32, #tpu.memory_space<hbm>>) dst(%dma_wait3A_399 : memref<640x64xf32, #tpu.memory_space<vmem_shared>>)
      tpu.yield
    }) : () -> ()
    %barrier3A = arith.constant 0 : index
    tpu.barrier barrier_id(%barrier3A)
    %dma_start3A = arith.constant 0 : i32
    %dma_start3A_3 = arith.constant 0 : i32
    %dma_start3A_4 = arith.constant 0 : i32
    %dma_start3A_5 = arith.constant 0 : i32
    %dma_start3A_6 = tpu.memref_slice %arg9[%dma_start3A_3, %dma_start3A_4, %dma_start3A_5] : memref<8x128x64xf32, #tpu.memory_space<vmem>> -> memref<1x128x64xf32, #tpu.memory_space<vmem>>
    %dma_start3A_7 = tpu.memref_squeeze %dma_start3A_6 : memref<1x128x64xf32, #tpu.memory_space<vmem>> -> memref<128x64xf32, #tpu.memory_space<vmem>>
    %dma_start3A_8 = arith.constant 0 : i32
    %dma_start3A_9 = tpu.memref_slice %arg7[%dma_start3A, %dma_start3A_8] : memref<80x128xi32, #tpu.memory_space<vmem>> -> memref<1x128xi32, #tpu.memory_space<vmem>>
    %dma_start3A_10 = tpu.memref_squeeze %dma_start3A_9 : memref<1x128xi32, #tpu.memory_space<vmem>> -> memref<128xi32, #tpu.memory_space<vmem>>
    %dma_start3A_11 = arith.constant 0 : i32
    %dma_start3A_12 = arith.constant 0 : i32
    %dma_start3A_13 = tpu.memref_slice %arg2[%dma_start3A_11, %dma_start3A_12] : memref<10000x64xf32, #tpu.memory_space<hbm>> -> memref<10000x64xf32, #tpu.memory_space<hbm>>
    tpu.enqueue_indirect_dma source(%dma_start3A_13 : memref<10000x64xf32, #tpu.memory_space<hbm>>) target(%dma_start3A_7 : memref<128x64xf32, #tpu.memory_space<vmem>>) offsets(%dma_start3A_10 : memref<128xi32, #tpu.memory_space<vmem>>) semaphore(%arg11 : memref<!tpu.dma_semaphore, #tpu.memory_space<semaphore_mem>>)
    %dma_start3A_14 = arith.constant 1 : i32
    %dma_start3A_15 = arith.constant 1 : i32
    %dma_start3A_16 = arith.constant 0 : i32
    %dma_start3A_17 = arith.constant 0 : i32
    %dma_start3A_18 = tpu.memref_slice %arg9[%dma_start3A_15, %dma_start3A_16, %dma_start3A_17] : memref<8x128x64xf32, #tpu.memory_space<vmem>> -> memref<1x128x64xf32, #tpu.memory_space<vmem>>
    %dma_start3A_19 = tpu.memref_squeeze %dma_start3A_18 : memref<1x128x64xf32, #tpu.memory_space<vmem>> -> memref<128x64xf32, #tpu.memory_space<vmem>>
    %dma_start3A_20 = arith.constant 0 : i32
    %dma_start3A_21 = tpu.memref_slice %arg7[%dma_start3A_14, %dma_start3A_20] : memref<80x128xi32, #tpu.memory_space<vmem>> -> memref<1x128xi32, #tpu.memory_space<vmem>>
    %dma_start3A_22 = tpu.memref_squeeze %dma_start3A_21 : memref<1x128xi32, #tpu.memory_space<vmem>> -> memref<128xi32, #tpu.memory_space<vmem>>
    %dma_start3A_23 = arith.constant 0 : i32
    %dma_start3A_24 = arith.constant 0 : i32
    %dma_start3A_25 = tpu.memref_slice %arg2[%dma_start3A_23, %dma_start3A_24] : memref<10000x64xf32, #tpu.memory_space<hbm>> -> memref<10000x64xf32, #tpu.memory_space<hbm>>
    tpu.enqueue_indirect_dma source(%dma_start3A_25 : memref<10000x64xf32, #tpu.memory_space<hbm>>) target(%dma_start3A_19 : memref<128x64xf32, #tpu.memory_space<vmem>>) offsets(%dma_start3A_22 : memref<128xi32, #tpu.memory_space<vmem>>) semaphore(%arg12 : memref<!tpu.dma_semaphore, #tpu.memory_space<semaphore_mem>>)
    %dma_start3A_26 = arith.constant 2 : i32
    %dma_start3A_27 = arith.constant 2 : i32
    %dma_start3A_28 = arith.constant 0 : i32
    %dma_start3A_29 = arith.constant 0 : i32
    %dma_start3A_30 = tpu.memref_slice %arg9[%dma_start3A_27, %dma_start3A_28, %dma_start3A_29] : memref<8x128x64xf32, #tpu.memory_space<vmem>> -> memref<1x128x64xf32, #tpu.memory_space<vmem>>
    %dma_start3A_31 = tpu.memref_squeeze %dma_start3A_30 : memref<1x128x64xf32, #tpu.memory_space<vmem>> -> memref<128x64xf32, #tpu.memory_space<vmem>>
    %dma_start3A_32 = arith.constant 0 : i32
    %dma_start3A_33 = tpu.memref_slice %arg7[%dma_start3A_26, %dma_start3A_32] : memref<80x128xi32, #tpu.memory_space<vmem>> -> memref<1x128xi32, #tpu.memory_space<vmem>>
    %dma_start3A_34 = tpu.memref_squeeze %dma_start3A_33 : memref<1x128xi32, #tpu.memory_space<vmem>> -> memref<128xi32, #tpu.memory_space<vmem>>
    %dma_start3A_35 = arith.constant 0 : i32
    %dma_start3A_36 = arith.constant 0 : i32
    %dma_start3A_37 = tpu.memref_slice %arg2[%dma_start3A_35, %dma_start3A_36] : memref<10000x64xf32, #tpu.memory_space<hbm>> -> memref<10000x64xf32, #tpu.memory_space<hbm>>
    tpu.enqueue_indirect_dma source(%dma_start3A_37 : memref<10000x64xf32, #tpu.memory_space<hbm>>) target(%dma_start3A_31 : memref<128x64xf32, #tpu.memory_space<vmem>>) offsets(%dma_start3A_34 : memref<128xi32, #tpu.memory_space<vmem>>) semaphore(%arg13 : memref<!tpu.dma_semaphore, #tpu.memory_space<semaphore_mem>>)
    %dma_start3A_38 = arith.constant 3 : i32
    %dma_start3A_39 = arith.constant 3 : i32
    %dma_start3A_40 = arith.constant 0 : i32
    %dma_start3A_41 = arith.constant 0 : i32
    %dma_start3A_42 = tpu.memref_slice %arg9[%dma_start3A_39, %dma_start3A_40, %dma_start3A_41] : memref<8x128x64xf32, #tpu.memory_space<vmem>> -> memref<1x128x64xf32, #tpu.memory_space<vmem>>
    %dma_start3A_43 = tpu.memref_squeeze %dma_start3A_42 : memref<1x128x64xf32, #tpu.memory_space<vmem>> -> memref<128x64xf32, #tpu.memory_space<vmem>>
    %dma_start3A_44 = arith.constant 0 : i32
    %dma_start3A_45 = tpu.memref_slice %arg7[%dma_start3A_38, %dma_start3A_44] : memref<80x128xi32, #tpu.memory_space<vmem>> -> memref<1x128xi32, #tpu.memory_space<vmem>>
    %dma_start3A_46 = tpu.memref_squeeze %dma_start3A_45 : memref<1x128xi32, #tpu.memory_space<vmem>> -> memref<128xi32, #tpu.memory_space<vmem>>
    %dma_start3A_47 = arith.constant 0 : i32
    %dma_start3A_48 = arith.constant 0 : i32
    %dma_start3A_49 = tpu.memref_slice %arg2[%dma_start3A_47, %dma_start3A_48] : memref<10000x64xf32, #tpu.memory_space<hbm>> -> memref<10000x64xf32, #tpu.memory_space<hbm>>
    tpu.enqueue_indirect_dma source(%dma_start3A_49 : memref<10000x64xf32, #tpu.memory_space<hbm>>) target(%dma_start3A_43 : memref<128x64xf32, #tpu.memory_space<vmem>>) offsets(%dma_start3A_46 : memref<128xi32, #tpu.memory_space<vmem>>) semaphore(%arg14 : memref<!tpu.dma_semaphore, #tpu.memory_space<semaphore_mem>>)
    %dma_start3A_50 = arith.constant 4 : i32
    %dma_start3A_51 = arith.constant 4 : i32
    %dma_start3A_52 = arith.constant 0 : i32
    %dma_start3A_53 = arith.constant 0 : i32
    %dma_start3A_54 = tpu.memref_slice %arg9[%dma_start3A_51, %dma_start3A_52, %dma_start3A_53] : memref<8x128x64xf32, #tpu.memory_space<vmem>> -> memref<1x128x64xf32, #tpu.memory_space<vmem>>
    %dma_start3A_55 = tpu.memref_squeeze %dma_start3A_54 : memref<1x128x64xf32, #tpu.memory_space<vmem>> -> memref<128x64xf32, #tpu.memory_space<vmem>>
    %dma_start3A_56 = arith.constant 0 : i32
    %dma_start3A_57 = tpu.memref_slice %arg7[%dma_start3A_50, %dma_start3A_56] : memref<80x128xi32, #tpu.memory_space<vmem>> -> memref<1x128xi32, #tpu.memory_space<vmem>>
    %dma_start3A_58 = tpu.memref_squeeze %dma_start3A_57 : memref<1x128xi32, #tpu.memory_space<vmem>> -> memref<128xi32, #tpu.memory_space<vmem>>
    %dma_start3A_59 = arith.constant 0 : i32
    %dma_start3A_60 = arith.constant 0 : i32
    %dma_start3A_61 = tpu.memref_slice %arg2[%dma_start3A_59, %dma_start3A_60] : memref<10000x64xf32, #tpu.memory_space<hbm>> -> memref<10000x64xf32, #tpu.memory_space<hbm>>
    tpu.enqueue_indirect_dma source(%dma_start3A_61 : memref<10000x64xf32, #tpu.memory_space<hbm>>) target(%dma_start3A_55 : memref<128x64xf32, #tpu.memory_space<vmem>>) offsets(%dma_start3A_58 : memref<128xi32, #tpu.memory_space<vmem>>) semaphore(%arg15 : memref<!tpu.dma_semaphore, #tpu.memory_space<semaphore_mem>>)
    %dma_start3A_62 = arith.constant 5 : i32
    %dma_start3A_63 = arith.constant 5 : i32
    %dma_start3A_64 = arith.constant 0 : i32
    %dma_start3A_65 = arith.constant 0 : i32
    %dma_start3A_66 = tpu.memref_slice %arg9[%dma_start3A_63, %dma_start3A_64, %dma_start3A_65] : memref<8x128x64xf32, #tpu.memory_space<vmem>> -> memref<1x128x64xf32, #tpu.memory_space<vmem>>
    %dma_start3A_67 = tpu.memref_squeeze %dma_start3A_66 : memref<1x128x64xf32, #tpu.memory_space<vmem>> -> memref<128x64xf32, #tpu.memory_space<vmem>>
    %dma_start3A_68 = arith.constant 0 : i32
    %dma_start3A_69 = tpu.memref_slice %arg7[%dma_start3A_62, %dma_start3A_68] : memref<80x128xi32, #tpu.memory_space<vmem>> -> memref<1x128xi32, #tpu.memory_space<vmem>>
    %dma_start3A_70 = tpu.memref_squeeze %dma_start3A_69 : memref<1x128xi32, #tpu.memory_space<vmem>> -> memref<128xi32, #tpu.memory_space<vmem>>
    %dma_start3A_71 = arith.constant 0 : i32
    %dma_start3A_72 = arith.constant 0 : i32
    %dma_start3A_73 = tpu.memref_slice %arg2[%dma_start3A_71, %dma_start3A_72] : memref<10000x64xf32, #tpu.memory_space<hbm>> -> memref<10000x64xf32, #tpu.memory_space<hbm>>
    tpu.enqueue_indirect_dma source(%dma_start3A_73 : memref<10000x64xf32, #tpu.memory_space<hbm>>) target(%dma_start3A_67 : memref<128x64xf32, #tpu.memory_space<vmem>>) offsets(%dma_start3A_70 : memref<128xi32, #tpu.memory_space<vmem>>) semaphore(%arg16 : memref<!tpu.dma_semaphore, #tpu.memory_space<semaphore_mem>>)
    %dma_start3A_74 = arith.constant 6 : i32
    %dma_start3A_75 = arith.constant 6 : i32
    %dma_start3A_76 = arith.constant 0 : i32
    %dma_start3A_77 = arith.constant 0 : i32
    %dma_start3A_78 = tpu.memref_slice %arg9[%dma_start3A_75, %dma_start3A_76, %dma_start3A_77] : memref<8x128x64xf32, #tpu.memory_space<vmem>> -> memref<1x128x64xf32, #tpu.memory_space<vmem>>
    %dma_start3A_79 = tpu.memref_squeeze %dma_start3A_78 : memref<1x128x64xf32, #tpu.memory_space<vmem>> -> memref<128x64xf32, #tpu.memory_space<vmem>>
    %dma_start3A_80 = arith.constant 0 : i32
    %dma_start3A_81 = tpu.memref_slice %arg7[%dma_start3A_74, %dma_start3A_80] : memref<80x128xi32, #tpu.memory_space<vmem>> -> memref<1x128xi32, #tpu.memory_space<vmem>>
    %dma_start3A_82 = tpu.memref_squeeze %dma_start3A_81 : memref<1x128xi32, #tpu.memory_space<vmem>> -> memref<128xi32, #tpu.memory_space<vmem>>
    %dma_start3A_83 = arith.constant 0 : i32
    %dma_start3A_84 = arith.constant 0 : i32
    %dma_start3A_85 = tpu.memref_slice %arg2[%dma_start3A_83, %dma_start3A_84] : memref<10000x64xf32, #tpu.memory_space<hbm>> -> memref<10000x64xf32, #tpu.memory_space<hbm>>
    tpu.enqueue_indirect_dma source(%dma_start3A_85 : memref<10000x64xf32, #tpu.memory_space<hbm>>) target(%dma_start3A_79 : memref<128x64xf32, #tpu.memory_space<vmem>>) offsets(%dma_start3A_82 : memref<128xi32, #tpu.memory_space<vmem>>) semaphore(%arg17 : memref<!tpu.dma_semaphore, #tpu.memory_space<semaphore_mem>>)
    %dma_start3A_86 = arith.constant 7 : i32
    %dma_start3A_87 = arith.constant 7 : i32
    %dma_start3A_88 = arith.constant 0 : i32
    %dma_start3A_89 = arith.constant 0 : i32
    %dma_start3A_90 = tpu.memref_slice %arg9[%dma_start3A_87, %dma_start3A_88, %dma_start3A_89] : memref<8x128x64xf32, #tpu.memory_space<vmem>> -> memref<1x128x64xf32, #tpu.memory_space<vmem>>
    %dma_start3A_91 = tpu.memref_squeeze %dma_start3A_90 : memref<1x128x64xf32, #tpu.memory_space<vmem>> -> memref<128x64xf32, #tpu.memory_space<vmem>>
    %dma_start3A_92 = arith.constant 0 : i32
    %dma_start3A_93 = tpu.memref_slice %arg7[%dma_start3A_86, %dma_start3A_92] : memref<80x128xi32, #tpu.memory_space<vmem>> -> memref<1x128xi32, #tpu.memory_space<vmem>>
    %dma_start3A_94 = tpu.memref_squeeze %dma_start3A_93 : memref<1x128xi32, #tpu.memory_space<vmem>> -> memref<128xi32, #tpu.memory_space<vmem>>
    %dma_start3A_95 = arith.constant 0 : i32
    %dma_start3A_96 = arith.constant 0 : i32
    %dma_start3A_97 = tpu.memref_slice %arg2[%dma_start3A_95, %dma_start3A_96] : memref<10000x64xf32, #tpu.memory_space<hbm>> -> memref<10000x64xf32, #tpu.memory_space<hbm>>
    tpu.enqueue_indirect_dma source(%dma_start3A_97 : memref<10000x64xf32, #tpu.memory_space<hbm>>) target(%dma_start3A_91 : memref<128x64xf32, #tpu.memory_space<vmem>>) offsets(%dma_start3A_94 : memref<128xi32, #tpu.memory_space<vmem>>) semaphore(%arg18 : memref<!tpu.dma_semaphore, #tpu.memory_space<semaphore_mem>>)
    %scan3A = arith.constant 0 : i32
    %scan3A_98 = arith.constant 0 : i32
    %scan3A_99 = arith.constant 9 : i32
    %scan3A_100 = arith.addi %scan3A_98, %scan3A_99 : i32
    %scan3A_101 = arith.constant 1 : i32
    %scan3A_102 = scf.for %scan3A_396 = %scan3A_98 to %scan3A_100 step %scan3A_101 iter_args(%scan3A_397 = %scan3A) -> (i32)  : i32 {
      %mul3A_398 = arith.constant 8 : i32
      %mul3A_399 = arith.muli %scan3A_396, %mul3A_398 : i32
      %add3A_400 = arith.constant 1 : i32
      %add3A_401 = arith.addi %scan3A_396, %add3A_400 : i32
      %mul3A_402 = arith.constant 8 : i32
      %mul3A_403 = arith.muli %add3A_401, %mul3A_402 : i32
      %dma_wait3A_404 = arith.constant 0 : i32
      %dma_wait3A_405 = arith.constant 0 : i32
      %dma_wait3A_406 = arith.constant 0 : i32
      %dma_wait3A_407 = arith.constant 0 : i32
      %dma_wait3A_408 = tpu.memref_slice %arg9[%dma_wait3A_405, %dma_wait3A_406, %dma_wait3A_407] : memref<8x128x64xf32, #tpu.memory_space<vmem>> -> memref<1x128x64xf32, #tpu.memory_space<vmem>>
      %dma_wait3A_409 = tpu.memref_squeeze %dma_wait3A_408 : memref<1x128x64xf32, #tpu.memory_space<vmem>> -> memref<128x64xf32, #tpu.memory_space<vmem>>
      %dma_wait3A_410 = arith.constant 0 : i32
      %dma_wait3A_411 = tpu.memref_slice %arg7[%dma_wait3A_404, %dma_wait3A_410] : memref<80x128xi32, #tpu.memory_space<vmem>> -> memref<1x128xi32, #tpu.memory_space<vmem>>
      %dma_wait3A_412 = tpu.memref_squeeze %dma_wait3A_411 : memref<1x128xi32, #tpu.memory_space<vmem>> -> memref<128xi32, #tpu.memory_space<vmem>>
      %dma_wait3A_413 = arith.constant 0 : i32
      %dma_wait3A_414 = arith.constant 0 : i32
      %dma_wait3A_415 = tpu.memref_slice %arg2[%dma_wait3A_413, %dma_wait3A_414] : memref<10000x64xf32, #tpu.memory_space<hbm>> -> memref<10000x64xf32, #tpu.memory_space<hbm>>
      tpu.wait_indirect_dma semaphore(%arg11 : memref<!tpu.dma_semaphore, #tpu.memory_space<semaphore_mem>>) src(%dma_wait3A_415 : memref<10000x64xf32, #tpu.memory_space<hbm>>) dst(%dma_wait3A_409 : memref<128x64xf32, #tpu.memory_space<vmem>>)
      %add3A_416 = arith.constant 0 : i32
      %add3A_417 = arith.addi %mul3A_399, %add3A_416 : i32
      %dma_start3A_418 = arith.constant 0 : i32
      %dma_start3A_419 = arith.constant 0 : i32
      %dma_start3A_420 = arith.constant 0 : i32
      %dma_start3A_421 = tpu.memref_slice %arg9[%dma_start3A_418, %dma_start3A_419, %dma_start3A_420] : memref<8x128x64xf32, #tpu.memory_space<vmem>> -> memref<1x128x64xf32, #tpu.memory_space<vmem>>
      %dma_start3A_422 = tpu.memref_squeeze %dma_start3A_421 : memref<1x128x64xf32, #tpu.memory_space<vmem>> -> memref<128x64xf32, #tpu.memory_space<vmem>>
      %dma_start3A_423 = arith.constant 0 : i32
      %dma_start3A_424 = tpu.memref_slice %arg8[%add3A_417, %dma_start3A_423] : memref<80x128xi32, #tpu.memory_space<vmem>> -> memref<1x128xi32, #tpu.memory_space<vmem>>
      %dma_start3A_425 = tpu.memref_squeeze %dma_start3A_424 : memref<1x128xi32, #tpu.memory_space<vmem>> -> memref<128xi32, #tpu.memory_space<vmem>>
      %dma_start3A_426 = arith.constant 0 : i32
      %dma_start3A_427 = arith.constant 0 : i32
      %dma_start3A_428 = tpu.memref_slice %arg10[%dma_start3A_426, %dma_start3A_427] : memref<10240x64xf32, #tpu.memory_space<vmem_shared>> -> memref<10240x64xf32, #tpu.memory_space<vmem_shared>>
      tpu.enqueue_indirect_dma source(%dma_start3A_422 : memref<128x64xf32, #tpu.memory_space<vmem>>) target(%dma_start3A_428 : memref<10240x64xf32, #tpu.memory_space<vmem_shared>>) offsets(%dma_start3A_425 : memref<128xi32, #tpu.memory_space<vmem>>) semaphore(%arg19 : memref<!tpu.dma_semaphore, #tpu.memory_space<semaphore_mem>>) {add = true}
      %dma_wait3A_429 = arith.constant 0 : i32
      %dma_wait3A_430 = arith.constant 0 : i32
      %dma_wait3A_431 = arith.constant 0 : i32
      %dma_wait3A_432 = arith.constant 0 : i32
      %dma_wait3A_433 = tpu.memref_slice %arg9[%dma_wait3A_429, %dma_wait3A_431, %dma_wait3A_432] : memref<8x128x64xf32, #tpu.memory_space<vmem>> -> memref<1x128x64xf32, #tpu.memory_space<vmem>>
      %dma_wait3A_434 = tpu.memref_squeeze %dma_wait3A_433 : memref<1x128x64xf32, #tpu.memory_space<vmem>> -> memref<128x64xf32, #tpu.memory_space<vmem>>
      %dma_wait3A_435 = arith.constant 0 : i32
      %dma_wait3A_436 = tpu.memref_slice %arg8[%dma_wait3A_430, %dma_wait3A_435] : memref<80x128xi32, #tpu.memory_space<vmem>> -> memref<1x128xi32, #tpu.memory_space<vmem>>
      %dma_wait3A_437 = tpu.memref_squeeze %dma_wait3A_436 : memref<1x128xi32, #tpu.memory_space<vmem>> -> memref<128xi32, #tpu.memory_space<vmem>>
      %dma_wait3A_438 = arith.constant 0 : i32
      %dma_wait3A_439 = arith.constant 0 : i32
      %dma_wait3A_440 = tpu.memref_slice %arg10[%dma_wait3A_438, %dma_wait3A_439] : memref<10240x64xf32, #tpu.memory_space<vmem_shared>> -> memref<10240x64xf32, #tpu.memory_space<vmem_shared>>
      tpu.wait_indirect_dma semaphore(%arg19 : memref<!tpu.dma_semaphore, #tpu.memory_space<semaphore_mem>>) src(%dma_wait3A_434 : memref<128x64xf32, #tpu.memory_space<vmem>>) dst(%dma_wait3A_440 : memref<10240x64xf32, #tpu.memory_space<vmem_shared>>)
      %add3A_441 = arith.constant 0 : i32
      %add3A_442 = arith.addi %mul3A_403, %add3A_441 : i32
      %dma_start3A_443 = arith.constant 0 : i32
      %dma_start3A_444 = arith.constant 0 : i32
      %dma_start3A_445 = arith.constant 0 : i32
      %dma_start3A_446 = tpu.memref_slice %arg9[%dma_start3A_443, %dma_start3A_444, %dma_start3A_445] : memref<8x128x64xf32, #tpu.memory_space<vmem>> -> memref<1x128x64xf32, #tpu.memory_space<vmem>>
      %dma_start3A_447 = tpu.memref_squeeze %dma_start3A_446 : memref<1x128x64xf32, #tpu.memory_space<vmem>> -> memref<128x64xf32, #tpu.memory_space<vmem>>
      %dma_start3A_448 = arith.constant 0 : i32
      %dma_start3A_449 = tpu.memref_slice %arg7[%add3A_442, %dma_start3A_448] : memref<80x128xi32, #tpu.memory_space<vmem>> -> memref<1x128xi32, #tpu.memory_space<vmem>>
      %dma_start3A_450 = tpu.memref_squeeze %dma_start3A_449 : memref<1x128xi32, #tpu.memory_space<vmem>> -> memref<128xi32, #tpu.memory_space<vmem>>
      %dma_start3A_451 = arith.constant 0 : i32
      %dma_start3A_452 = arith.constant 0 : i32
      %dma_start3A_453 = tpu.memref_slice %arg2[%dma_start3A_451, %dma_start3A_452] : memref<10000x64xf32, #tpu.memory_space<hbm>> -> memref<10000x64xf32, #tpu.memory_space<hbm>>
      tpu.enqueue_indirect_dma source(%dma_start3A_453 : memref<10000x64xf32, #tpu.memory_space<hbm>>) target(%dma_start3A_447 : memref<128x64xf32, #tpu.memory_space<vmem>>) offsets(%dma_start3A_450 : memref<128xi32, #tpu.memory_space<vmem>>) semaphore(%arg11 : memref<!tpu.dma_semaphore, #tpu.memory_space<semaphore_mem>>)
      %add3A_454 = arith.constant 1 : i32
      %add3A_455 = arith.addi %scan3A_396, %add3A_454 : i32
      %mul3A_456 = arith.constant 8 : i32
      %mul3A_457 = arith.muli %add3A_455, %mul3A_456 : i32
      %dma_wait3A_458 = arith.constant 1 : i32
      %dma_wait3A_459 = arith.constant 1 : i32
      %dma_wait3A_460 = arith.constant 0 : i32
      %dma_wait3A_461 = arith.constant 0 : i32
      %dma_wait3A_462 = tpu.memref_slice %arg9[%dma_wait3A_459, %dma_wait3A_460, %dma_wait3A_461] : memref<8x128x64xf32, #tpu.memory_space<vmem>> -> memref<1x128x64xf32, #tpu.memory_space<vmem>>
      %dma_wait3A_463 = tpu.memref_squeeze %dma_wait3A_462 : memref<1x128x64xf32, #tpu.memory_space<vmem>> -> memref<128x64xf32, #tpu.memory_space<vmem>>
      %dma_wait3A_464 = arith.constant 0 : i32
      %dma_wait3A_465 = tpu.memref_slice %arg7[%dma_wait3A_458, %dma_wait3A_464] : memref<80x128xi32, #tpu.memory_space<vmem>> -> memref<1x128xi32, #tpu.memory_space<vmem>>
      %dma_wait3A_466 = tpu.memref_squeeze %dma_wait3A_465 : memref<1x128xi32, #tpu.memory_space<vmem>> -> memref<128xi32, #tpu.memory_space<vmem>>
      %dma_wait3A_467 = arith.constant 0 : i32
      %dma_wait3A_468 = arith.constant 0 : i32
      %dma_wait3A_469 = tpu.memref_slice %arg2[%dma_wait3A_467, %dma_wait3A_468] : memref<10000x64xf32, #tpu.memory_space<hbm>> -> memref<10000x64xf32, #tpu.memory_space<hbm>>
      tpu.wait_indirect_dma semaphore(%arg12 : memref<!tpu.dma_semaphore, #tpu.memory_space<semaphore_mem>>) src(%dma_wait3A_469 : memref<10000x64xf32, #tpu.memory_space<hbm>>) dst(%dma_wait3A_463 : memref<128x64xf32, #tpu.memory_space<vmem>>)
      %add3A_470 = arith.constant 1 : i32
      %add3A_471 = arith.addi %mul3A_399, %add3A_470 : i32
      %dma_start3A_472 = arith.constant 1 : i32
      %dma_start3A_473 = arith.constant 0 : i32
      %dma_start3A_474 = arith.constant 0 : i32
      %dma_start3A_475 = tpu.memref_slice %arg9[%dma_start3A_472, %dma_start3A_473, %dma_start3A_474] : memref<8x128x64xf32, #tpu.memory_space<vmem>> -> memref<1x128x64xf32, #tpu.memory_space<vmem>>
      %dma_start3A_476 = tpu.memref_squeeze %dma_start3A_475 : memref<1x128x64xf32, #tpu.memory_space<vmem>> -> memref<128x64xf32, #tpu.memory_space<vmem>>
      %dma_start3A_477 = arith.constant 0 : i32
      %dma_start3A_478 = tpu.memref_slice %arg8[%add3A_471, %dma_start3A_477] : memref<80x128xi32, #tpu.memory_space<vmem>> -> memref<1x128xi32, #tpu.memory_space<vmem>>
      %dma_start3A_479 = tpu.memref_squeeze %dma_start3A_478 : memref<1x128xi32, #tpu.memory_space<vmem>> -> memref<128xi32, #tpu.memory_space<vmem>>
      %dma_start3A_480 = arith.constant 0 : i32
      %dma_start3A_481 = arith.constant 0 : i32
      %dma_start3A_482 = tpu.memref_slice %arg10[%dma_start3A_480, %dma_start3A_481] : memref<10240x64xf32, #tpu.memory_space<vmem_shared>> -> memref<10240x64xf32, #tpu.memory_space<vmem_shared>>
      tpu.enqueue_indirect_dma source(%dma_start3A_476 : memref<128x64xf32, #tpu.memory_space<vmem>>) target(%dma_start3A_482 : memref<10240x64xf32, #tpu.memory_space<vmem_shared>>) offsets(%dma_start3A_479 : memref<128xi32, #tpu.memory_space<vmem>>) semaphore(%arg20 : memref<!tpu.dma_semaphore, #tpu.memory_space<semaphore_mem>>) {add = true}
      %dma_wait3A_483 = arith.constant 1 : i32
      %dma_wait3A_484 = arith.constant 0 : i32
      %dma_wait3A_485 = arith.constant 0 : i32
      %dma_wait3A_486 = arith.constant 0 : i32
      %dma_wait3A_487 = tpu.memref_slice %arg9[%dma_wait3A_483, %dma_wait3A_485, %dma_wait3A_486] : memref<8x128x64xf32, #tpu.memory_space<vmem>> -> memref<1x128x64xf32, #tpu.memory_space<vmem>>
      %dma_wait3A_488 = tpu.memref_squeeze %dma_wait3A_487 : memref<1x128x64xf32, #tpu.memory_space<vmem>> -> memref<128x64xf32, #tpu.memory_space<vmem>>
      %dma_wait3A_489 = arith.constant 0 : i32
      %dma_wait3A_490 = tpu.memref_slice %arg8[%dma_wait3A_484, %dma_wait3A_489] : memref<80x128xi32, #tpu.memory_space<vmem>> -> memref<1x128xi32, #tpu.memory_space<vmem>>
      %dma_wait3A_491 = tpu.memref_squeeze %dma_wait3A_490 : memref<1x128xi32, #tpu.memory_space<vmem>> -> memref<128xi32, #tpu.memory_space<vmem>>
      %dma_wait3A_492 = arith.constant 0 : i32
      %dma_wait3A_493 = arith.constant 0 : i32
      %dma_wait3A_494 = tpu.memref_slice %arg10[%dma_wait3A_492, %dma_wait3A_493] : memref<10240x64xf32, #tpu.memory_space<vmem_shared>> -> memref<10240x64xf32, #tpu.memory_space<vmem_shared>>
      tpu.wait_indirect_dma semaphore(%arg20 : memref<!tpu.dma_semaphore, #tpu.memory_space<semaphore_mem>>) src(%dma_wait3A_488 : memref<128x64xf32, #tpu.memory_space<vmem>>) dst(%dma_wait3A_494 : memref<10240x64xf32, #tpu.memory_space<vmem_shared>>)
      %add3A_495 = arith.constant 1 : i32
      %add3A_496 = arith.addi %mul3A_457, %add3A_495 : i32
      %dma_start3A_497 = arith.constant 1 : i32
      %dma_start3A_498 = arith.constant 0 : i32
      %dma_start3A_499 = arith.constant 0 : i32
      %dma_start3A_500 = tpu.memref_slice %arg9[%dma_start3A_497, %dma_start3A_498, %dma_start3A_499] : memref<8x128x64xf32, #tpu.memory_space<vmem>> -> memref<1x128x64xf32, #tpu.memory_space<vmem>>
      %dma_start3A_501 = tpu.memref_squeeze %dma_start3A_500 : memref<1x128x64xf32, #tpu.memory_space<vmem>> -> memref<128x64xf32, #tpu.memory_space<vmem>>
      %dma_start3A_502 = arith.constant 0 : i32
      %dma_start3A_503 = tpu.memref_slice %arg7[%add3A_496, %dma_start3A_502] : memref<80x128xi32, #tpu.memory_space<vmem>> -> memref<1x128xi32, #tpu.memory_space<vmem>>
      %dma_start3A_504 = tpu.memref_squeeze %dma_start3A_503 : memref<1x128xi32, #tpu.memory_space<vmem>> -> memref<128xi32, #tpu.memory_space<vmem>>
      %dma_start3A_505 = arith.constant 0 : i32
      %dma_start3A_506 = arith.constant 0 : i32
      %dma_start3A_507 = tpu.memref_slice %arg2[%dma_start3A_505, %dma_start3A_506] : memref<10000x64xf32, #tpu.memory_space<hbm>> -> memref<10000x64xf32, #tpu.memory_space<hbm>>
      tpu.enqueue_indirect_dma source(%dma_start3A_507 : memref<10000x64xf32, #tpu.memory_space<hbm>>) target(%dma_start3A_501 : memref<128x64xf32, #tpu.memory_space<vmem>>) offsets(%dma_start3A_504 : memref<128xi32, #tpu.memory_space<vmem>>) semaphore(%arg12 : memref<!tpu.dma_semaphore, #tpu.memory_space<semaphore_mem>>)
      %add3A_508 = arith.constant 1 : i32
      %add3A_509 = arith.addi %scan3A_396, %add3A_508 : i32
      %mul3A_510 = arith.constant 8 : i32
      %mul3A_511 = arith.muli %add3A_509, %mul3A_510 : i32
      %dma_wait3A_512 = arith.constant 2 : i32
      %dma_wait3A_513 = arith.constant 2 : i32
      %dma_wait3A_514 = arith.constant 0 : i32
      %dma_wait3A_515 = arith.constant 0 : i32
      %dma_wait3A_516 = tpu.memref_slice %arg9[%dma_wait3A_513, %dma_wait3A_514, %dma_wait3A_515] : memref<8x128x64xf32, #tpu.memory_space<vmem>> -> memref<1x128x64xf32, #tpu.memory_space<vmem>>
      %dma_wait3A_517 = tpu.memref_squeeze %dma_wait3A_516 : memref<1x128x64xf32, #tpu.memory_space<vmem>> -> memref<128x64xf32, #tpu.memory_space<vmem>>
      %dma_wait3A_518 = arith.constant 0 : i32
      %dma_wait3A_519 = tpu.memref_slice %arg7[%dma_wait3A_512, %dma_wait3A_518] : memref<80x128xi32, #tpu.memory_space<vmem>> -> memref<1x128xi32, #tpu.memory_space<vmem>>
      %dma_wait3A_520 = tpu.memref_squeeze %dma_wait3A_519 : memref<1x128xi32, #tpu.memory_space<vmem>> -> memref<128xi32, #tpu.memory_space<vmem>>
      %dma_wait3A_521 = arith.constant 0 : i32
      %dma_wait3A_522 = arith.constant 0 : i32
      %dma_wait3A_523 = tpu.memref_slice %arg2[%dma_wait3A_521, %dma_wait3A_522] : memref<10000x64xf32, #tpu.memory_space<hbm>> -> memref<10000x64xf32, #tpu.memory_space<hbm>>
      tpu.wait_indirect_dma semaphore(%arg13 : memref<!tpu.dma_semaphore, #tpu.memory_space<semaphore_mem>>) src(%dma_wait3A_523 : memref<10000x64xf32, #tpu.memory_space<hbm>>) dst(%dma_wait3A_517 : memref<128x64xf32, #tpu.memory_space<vmem>>)
      %add3A_524 = arith.constant 2 : i32
      %add3A_525 = arith.addi %mul3A_399, %add3A_524 : i32
      %dma_start3A_526 = arith.constant 2 : i32
      %dma_start3A_527 = arith.constant 0 : i32
      %dma_start3A_528 = arith.constant 0 : i32
      %dma_start3A_529 = tpu.memref_slice %arg9[%dma_start3A_526, %dma_start3A_527, %dma_start3A_528] : memref<8x128x64xf32, #tpu.memory_space<vmem>> -> memref<1x128x64xf32, #tpu.memory_space<vmem>>
      %dma_start3A_530 = tpu.memref_squeeze %dma_start3A_529 : memref<1x128x64xf32, #tpu.memory_space<vmem>> -> memref<128x64xf32, #tpu.memory_space<vmem>>
      %dma_start3A_531 = arith.constant 0 : i32
      %dma_start3A_532 = tpu.memref_slice %arg8[%add3A_525, %dma_start3A_531] : memref<80x128xi32, #tpu.memory_space<vmem>> -> memref<1x128xi32, #tpu.memory_space<vmem>>
      %dma_start3A_533 = tpu.memref_squeeze %dma_start3A_532 : memref<1x128xi32, #tpu.memory_space<vmem>> -> memref<128xi32, #tpu.memory_space<vmem>>
      %dma_start3A_534 = arith.constant 0 : i32
      %dma_start3A_535 = arith.constant 0 : i32
      %dma_start3A_536 = tpu.memref_slice %arg10[%dma_start3A_534, %dma_start3A_535] : memref<10240x64xf32, #tpu.memory_space<vmem_shared>> -> memref<10240x64xf32, #tpu.memory_space<vmem_shared>>
      tpu.enqueue_indirect_dma source(%dma_start3A_530 : memref<128x64xf32, #tpu.memory_space<vmem>>) target(%dma_start3A_536 : memref<10240x64xf32, #tpu.memory_space<vmem_shared>>) offsets(%dma_start3A_533 : memref<128xi32, #tpu.memory_space<vmem>>) semaphore(%arg21 : memref<!tpu.dma_semaphore, #tpu.memory_space<semaphore_mem>>) {add = true}
      %dma_wait3A_537 = arith.constant 2 : i32
      %dma_wait3A_538 = arith.constant 0 : i32
      %dma_wait3A_539 = arith.constant 0 : i32
      %dma_wait3A_540 = arith.constant 0 : i32
      %dma_wait3A_541 = tpu.memref_slice %arg9[%dma_wait3A_537, %dma_wait3A_539, %dma_wait3A_540] : memref<8x128x64xf32, #tpu.memory_space<vmem>> -> memref<1x128x64xf32, #tpu.memory_space<vmem>>
      %dma_wait3A_542 = tpu.memref_squeeze %dma_wait3A_541 : memref<1x128x64xf32, #tpu.memory_space<vmem>> -> memref<128x64xf32, #tpu.memory_space<vmem>>
      %dma_wait3A_543 = arith.constant 0 : i32
      %dma_wait3A_544 = tpu.memref_slice %arg8[%dma_wait3A_538, %dma_wait3A_543] : memref<80x128xi32, #tpu.memory_space<vmem>> -> memref<1x128xi32, #tpu.memory_space<vmem>>
      %dma_wait3A_545 = tpu.memref_squeeze %dma_wait3A_544 : memref<1x128xi32, #tpu.memory_space<vmem>> -> memref<128xi32, #tpu.memory_space<vmem>>
      %dma_wait3A_546 = arith.constant 0 : i32
      %dma_wait3A_547 = arith.constant 0 : i32
      %dma_wait3A_548 = tpu.memref_slice %arg10[%dma_wait3A_546, %dma_wait3A_547] : memref<10240x64xf32, #tpu.memory_space<vmem_shared>> -> memref<10240x64xf32, #tpu.memory_space<vmem_shared>>
      tpu.wait_indirect_dma semaphore(%arg21 : memref<!tpu.dma_semaphore, #tpu.memory_space<semaphore_mem>>) src(%dma_wait3A_542 : memref<128x64xf32, #tpu.memory_space<vmem>>) dst(%dma_wait3A_548 : memref<10240x64xf32, #tpu.memory_space<vmem_shared>>)
      %add3A_549 = arith.constant 2 : i32
      %add3A_550 = arith.addi %mul3A_511, %add3A_549 : i32
      %dma_start3A_551 = arith.constant 2 : i32
      %dma_start3A_552 = arith.constant 0 : i32
      %dma_start3A_553 = arith.constant 0 : i32
      %dma_start3A_554 = tpu.memref_slice %arg9[%dma_start3A_551, %dma_start3A_552, %dma_start3A_553] : memref<8x128x64xf32, #tpu.memory_space<vmem>> -> memref<1x128x64xf32, #tpu.memory_space<vmem>>
      %dma_start3A_555 = tpu.memref_squeeze %dma_start3A_554 : memref<1x128x64xf32, #tpu.memory_space<vmem>> -> memref<128x64xf32, #tpu.memory_space<vmem>>
      %dma_start3A_556 = arith.constant 0 : i32
      %dma_start3A_557 = tpu.memref_slice %arg7[%add3A_550, %dma_start3A_556] : memref<80x128xi32, #tpu.memory_space<vmem>> -> memref<1x128xi32, #tpu.memory_space<vmem>>
      %dma_start3A_558 = tpu.memref_squeeze %dma_start3A_557 : memref<1x128xi32, #tpu.memory_space<vmem>> -> memref<128xi32, #tpu.memory_space<vmem>>
      %dma_start3A_559 = arith.constant 0 : i32
      %dma_start3A_560 = arith.constant 0 : i32
      %dma_start3A_561 = tpu.memref_slice %arg2[%dma_start3A_559, %dma_start3A_560] : memref<10000x64xf32, #tpu.memory_space<hbm>> -> memref<10000x64xf32, #tpu.memory_space<hbm>>
      tpu.enqueue_indirect_dma source(%dma_start3A_561 : memref<10000x64xf32, #tpu.memory_space<hbm>>) target(%dma_start3A_555 : memref<128x64xf32, #tpu.memory_space<vmem>>) offsets(%dma_start3A_558 : memref<128xi32, #tpu.memory_space<vmem>>) semaphore(%arg13 : memref<!tpu.dma_semaphore, #tpu.memory_space<semaphore_mem>>)
      %add3A_562 = arith.constant 1 : i32
      %add3A_563 = arith.addi %scan3A_396, %add3A_562 : i32
      %mul3A_564 = arith.constant 8 : i32
      %mul3A_565 = arith.muli %add3A_563, %mul3A_564 : i32
      %dma_wait3A_566 = arith.constant 3 : i32
      %dma_wait3A_567 = arith.constant 3 : i32
      %dma_wait3A_568 = arith.constant 0 : i32
      %dma_wait3A_569 = arith.constant 0 : i32
      %dma_wait3A_570 = tpu.memref_slice %arg9[%dma_wait3A_567, %dma_wait3A_568, %dma_wait3A_569] : memref<8x128x64xf32, #tpu.memory_space<vmem>> -> memref<1x128x64xf32, #tpu.memory_space<vmem>>
      %dma_wait3A_571 = tpu.memref_squeeze %dma_wait3A_570 : memref<1x128x64xf32, #tpu.memory_space<vmem>> -> memref<128x64xf32, #tpu.memory_space<vmem>>
      %dma_wait3A_572 = arith.constant 0 : i32
      %dma_wait3A_573 = tpu.memref_slice %arg7[%dma_wait3A_566, %dma_wait3A_572] : memref<80x128xi32, #tpu.memory_space<vmem>> -> memref<1x128xi32, #tpu.memory_space<vmem>>
      %dma_wait3A_574 = tpu.memref_squeeze %dma_wait3A_573 : memref<1x128xi32, #tpu.memory_space<vmem>> -> memref<128xi32, #tpu.memory_space<vmem>>
      %dma_wait3A_575 = arith.constant 0 : i32
      %dma_wait3A_576 = arith.constant 0 : i32
      %dma_wait3A_577 = tpu.memref_slice %arg2[%dma_wait3A_575, %dma_wait3A_576] : memref<10000x64xf32, #tpu.memory_space<hbm>> -> memref<10000x64xf32, #tpu.memory_space<hbm>>
      tpu.wait_indirect_dma semaphore(%arg14 : memref<!tpu.dma_semaphore, #tpu.memory_space<semaphore_mem>>) src(%dma_wait3A_577 : memref<10000x64xf32, #tpu.memory_space<hbm>>) dst(%dma_wait3A_571 : memref<128x64xf32, #tpu.memory_space<vmem>>)
      %add3A_578 = arith.constant 3 : i32
      %add3A_579 = arith.addi %mul3A_399, %add3A_578 : i32
      %dma_start3A_580 = arith.constant 3 : i32
      %dma_start3A_581 = arith.constant 0 : i32
      %dma_start3A_582 = arith.constant 0 : i32
      %dma_start3A_583 = tpu.memref_slice %arg9[%dma_start3A_580, %dma_start3A_581, %dma_start3A_582] : memref<8x128x64xf32, #tpu.memory_space<vmem>> -> memref<1x128x64xf32, #tpu.memory_space<vmem>>
      %dma_start3A_584 = tpu.memref_squeeze %dma_start3A_583 : memref<1x128x64xf32, #tpu.memory_space<vmem>> -> memref<128x64xf32, #tpu.memory_space<vmem>>
      %dma_start3A_585 = arith.constant 0 : i32
      %dma_start3A_586 = tpu.memref_slice %arg8[%add3A_579, %dma_start3A_585] : memref<80x128xi32, #tpu.memory_space<vmem>> -> memref<1x128xi32, #tpu.memory_space<vmem>>
      %dma_start3A_587 = tpu.memref_squeeze %dma_start3A_586 : memref<1x128xi32, #tpu.memory_space<vmem>> -> memref<128xi32, #tpu.memory_space<vmem>>
      %dma_start3A_588 = arith.constant 0 : i32
      %dma_start3A_589 = arith.constant 0 : i32
      %dma_start3A_590 = tpu.memref_slice %arg10[%dma_start3A_588, %dma_start3A_589] : memref<10240x64xf32, #tpu.memory_space<vmem_shared>> -> memref<10240x64xf32, #tpu.memory_space<vmem_shared>>
      tpu.enqueue_indirect_dma source(%dma_start3A_584 : memref<128x64xf32, #tpu.memory_space<vmem>>) target(%dma_start3A_590 : memref<10240x64xf32, #tpu.memory_space<vmem_shared>>) offsets(%dma_start3A_587 : memref<128xi32, #tpu.memory_space<vmem>>) semaphore(%arg22 : memref<!tpu.dma_semaphore, #tpu.memory_space<semaphore_mem>>) {add = true}
      %dma_wait3A_591 = arith.constant 3 : i32
      %dma_wait3A_592 = arith.constant 0 : i32
      %dma_wait3A_593 = arith.constant 0 : i32
      %dma_wait3A_594 = arith.constant 0 : i32
      %dma_wait3A_595 = tpu.memref_slice %arg9[%dma_wait3A_591, %dma_wait3A_593, %dma_wait3A_594] : memref<8x128x64xf32, #tpu.memory_space<vmem>> -> memref<1x128x64xf32, #tpu.memory_space<vmem>>
      %dma_wait3A_596 = tpu.memref_squeeze %dma_wait3A_595 : memref<1x128x64xf32, #tpu.memory_space<vmem>> -> memref<128x64xf32, #tpu.memory_space<vmem>>
      %dma_wait3A_597 = arith.constant 0 : i32
      %dma_wait3A_598 = tpu.memref_slice %arg8[%dma_wait3A_592, %dma_wait3A_597] : memref<80x128xi32, #tpu.memory_space<vmem>> -> memref<1x128xi32, #tpu.memory_space<vmem>>
      %dma_wait3A_599 = tpu.memref_squeeze %dma_wait3A_598 : memref<1x128xi32, #tpu.memory_space<vmem>> -> memref<128xi32, #tpu.memory_space<vmem>>
      %dma_wait3A_600 = arith.constant 0 : i32
      %dma_wait3A_601 = arith.constant 0 : i32
      %dma_wait3A_602 = tpu.memref_slice %arg10[%dma_wait3A_600, %dma_wait3A_601] : memref<10240x64xf32, #tpu.memory_space<vmem_shared>> -> memref<10240x64xf32, #tpu.memory_space<vmem_shared>>
      tpu.wait_indirect_dma semaphore(%arg22 : memref<!tpu.dma_semaphore, #tpu.memory_space<semaphore_mem>>) src(%dma_wait3A_596 : memref<128x64xf32, #tpu.memory_space<vmem>>) dst(%dma_wait3A_602 : memref<10240x64xf32, #tpu.memory_space<vmem_shared>>)
      %add3A_603 = arith.constant 3 : i32
      %add3A_604 = arith.addi %mul3A_565, %add3A_603 : i32
      %dma_start3A_605 = arith.constant 3 : i32
      %dma_start3A_606 = arith.constant 0 : i32
      %dma_start3A_607 = arith.constant 0 : i32
      %dma_start3A_608 = tpu.memref_slice %arg9[%dma_start3A_605, %dma_start3A_606, %dma_start3A_607] : memref<8x128x64xf32, #tpu.memory_space<vmem>> -> memref<1x128x64xf32, #tpu.memory_space<vmem>>
      %dma_start3A_609 = tpu.memref_squeeze %dma_start3A_608 : memref<1x128x64xf32, #tpu.memory_space<vmem>> -> memref<128x64xf32, #tpu.memory_space<vmem>>
      %dma_start3A_610 = arith.constant 0 : i32
      %dma_start3A_611 = tpu.memref_slice %arg7[%add3A_604, %dma_start3A_610] : memref<80x128xi32, #tpu.memory_space<vmem>> -> memref<1x128xi32, #tpu.memory_space<vmem>>
      %dma_start3A_612 = tpu.memref_squeeze %dma_start3A_611 : memref<1x128xi32, #tpu.memory_space<vmem>> -> memref<128xi32, #tpu.memory_space<vmem>>
      %dma_start3A_613 = arith.constant 0 : i32
      %dma_start3A_614 = arith.constant 0 : i32
      %dma_start3A_615 = tpu.memref_slice %arg2[%dma_start3A_613, %dma_start3A_614] : memref<10000x64xf32, #tpu.memory_space<hbm>> -> memref<10000x64xf32, #tpu.memory_space<hbm>>
      tpu.enqueue_indirect_dma source(%dma_start3A_615 : memref<10000x64xf32, #tpu.memory_space<hbm>>) target(%dma_start3A_609 : memref<128x64xf32, #tpu.memory_space<vmem>>) offsets(%dma_start3A_612 : memref<128xi32, #tpu.memory_space<vmem>>) semaphore(%arg14 : memref<!tpu.dma_semaphore, #tpu.memory_space<semaphore_mem>>)
      %add3A_616 = arith.constant 1 : i32
      %add3A_617 = arith.addi %scan3A_396, %add3A_616 : i32
      %mul3A_618 = arith.constant 8 : i32
      %mul3A_619 = arith.muli %add3A_617, %mul3A_618 : i32
      %dma_wait3A_620 = arith.constant 4 : i32
      %dma_wait3A_621 = arith.constant 4 : i32
      %dma_wait3A_622 = arith.constant 0 : i32
      %dma_wait3A_623 = arith.constant 0 : i32
      %dma_wait3A_624 = tpu.memref_slice %arg9[%dma_wait3A_621, %dma_wait3A_622, %dma_wait3A_623] : memref<8x128x64xf32, #tpu.memory_space<vmem>> -> memref<1x128x64xf32, #tpu.memory_space<vmem>>
      %dma_wait3A_625 = tpu.memref_squeeze %dma_wait3A_624 : memref<1x128x64xf32, #tpu.memory_space<vmem>> -> memref<128x64xf32, #tpu.memory_space<vmem>>
      %dma_wait3A_626 = arith.constant 0 : i32
      %dma_wait3A_627 = tpu.memref_slice %arg7[%dma_wait3A_620, %dma_wait3A_626] : memref<80x128xi32, #tpu.memory_space<vmem>> -> memref<1x128xi32, #tpu.memory_space<vmem>>
      %dma_wait3A_628 = tpu.memref_squeeze %dma_wait3A_627 : memref<1x128xi32, #tpu.memory_space<vmem>> -> memref<128xi32, #tpu.memory_space<vmem>>
      %dma_wait3A_629 = arith.constant 0 : i32
      %dma_wait3A_630 = arith.constant 0 : i32
      %dma_wait3A_631 = tpu.memref_slice %arg2[%dma_wait3A_629, %dma_wait3A_630] : memref<10000x64xf32, #tpu.memory_space<hbm>> -> memref<10000x64xf32, #tpu.memory_space<hbm>>
      tpu.wait_indirect_dma semaphore(%arg15 : memref<!tpu.dma_semaphore, #tpu.memory_space<semaphore_mem>>) src(%dma_wait3A_631 : memref<10000x64xf32, #tpu.memory_space<hbm>>) dst(%dma_wait3A_625 : memref<128x64xf32, #tpu.memory_space<vmem>>)
      %add3A_632 = arith.constant 4 : i32
      %add3A_633 = arith.addi %mul3A_399, %add3A_632 : i32
      %dma_start3A_634 = arith.constant 4 : i32
      %dma_start3A_635 = arith.constant 0 : i32
      %dma_start3A_636 = arith.constant 0 : i32
      %dma_start3A_637 = tpu.memref_slice %arg9[%dma_start3A_634, %dma_start3A_635, %dma_start3A_636] : memref<8x128x64xf32, #tpu.memory_space<vmem>> -> memref<1x128x64xf32, #tpu.memory_space<vmem>>
      %dma_start3A_638 = tpu.memref_squeeze %dma_start3A_637 : memref<1x128x64xf32, #tpu.memory_space<vmem>> -> memref<128x64xf32, #tpu.memory_space<vmem>>
      %dma_start3A_639 = arith.constant 0 : i32
      %dma_start3A_640 = tpu.memref_slice %arg8[%add3A_633, %dma_start3A_639] : memref<80x128xi32, #tpu.memory_space<vmem>> -> memref<1x128xi32, #tpu.memory_space<vmem>>
      %dma_start3A_641 = tpu.memref_squeeze %dma_start3A_640 : memref<1x128xi32, #tpu.memory_space<vmem>> -> memref<128xi32, #tpu.memory_space<vmem>>
      %dma_start3A_642 = arith.constant 0 : i32
      %dma_start3A_643 = arith.constant 0 : i32
      %dma_start3A_644 = tpu.memref_slice %arg10[%dma_start3A_642, %dma_start3A_643] : memref<10240x64xf32, #tpu.memory_space<vmem_shared>> -> memref<10240x64xf32, #tpu.memory_space<vmem_shared>>
      tpu.enqueue_indirect_dma source(%dma_start3A_638 : memref<128x64xf32, #tpu.memory_space<vmem>>) target(%dma_start3A_644 : memref<10240x64xf32, #tpu.memory_space<vmem_shared>>) offsets(%dma_start3A_641 : memref<128xi32, #tpu.memory_space<vmem>>) semaphore(%arg23 : memref<!tpu.dma_semaphore, #tpu.memory_space<semaphore_mem>>) {add = true}
      %dma_wait3A_645 = arith.constant 4 : i32
      %dma_wait3A_646 = arith.constant 0 : i32
      %dma_wait3A_647 = arith.constant 0 : i32
      %dma_wait3A_648 = arith.constant 0 : i32
      %dma_wait3A_649 = tpu.memref_slice %arg9[%dma_wait3A_645, %dma_wait3A_647, %dma_wait3A_648] : memref<8x128x64xf32, #tpu.memory_space<vmem>> -> memref<1x128x64xf32, #tpu.memory_space<vmem>>
      %dma_wait3A_650 = tpu.memref_squeeze %dma_wait3A_649 : memref<1x128x64xf32, #tpu.memory_space<vmem>> -> memref<128x64xf32, #tpu.memory_space<vmem>>
      %dma_wait3A_651 = arith.constant 0 : i32
      %dma_wait3A_652 = tpu.memref_slice %arg8[%dma_wait3A_646, %dma_wait3A_651] : memref<80x128xi32, #tpu.memory_space<vmem>> -> memref<1x128xi32, #tpu.memory_space<vmem>>
      %dma_wait3A_653 = tpu.memref_squeeze %dma_wait3A_652 : memref<1x128xi32, #tpu.memory_space<vmem>> -> memref<128xi32, #tpu.memory_space<vmem>>
      %dma_wait3A_654 = arith.constant 0 : i32
      %dma_wait3A_655 = arith.constant 0 : i32
      %dma_wait3A_656 = tpu.memref_slice %arg10[%dma_wait3A_654, %dma_wait3A_655] : memref<10240x64xf32, #tpu.memory_space<vmem_shared>> -> memref<10240x64xf32, #tpu.memory_space<vmem_shared>>
      tpu.wait_indirect_dma semaphore(%arg23 : memref<!tpu.dma_semaphore, #tpu.memory_space<semaphore_mem>>) src(%dma_wait3A_650 : memref<128x64xf32, #tpu.memory_space<vmem>>) dst(%dma_wait3A_656 : memref<10240x64xf32, #tpu.memory_space<vmem_shared>>)
      %add3A_657 = arith.constant 4 : i32
      %add3A_658 = arith.addi %mul3A_619, %add3A_657 : i32
      %dma_start3A_659 = arith.constant 4 : i32
      %dma_start3A_660 = arith.constant 0 : i32
      %dma_start3A_661 = arith.constant 0 : i32
      %dma_start3A_662 = tpu.memref_slice %arg9[%dma_start3A_659, %dma_start3A_660, %dma_start3A_661] : memref<8x128x64xf32, #tpu.memory_space<vmem>> -> memref<1x128x64xf32, #tpu.memory_space<vmem>>
      %dma_start3A_663 = tpu.memref_squeeze %dma_start3A_662 : memref<1x128x64xf32, #tpu.memory_space<vmem>> -> memref<128x64xf32, #tpu.memory_space<vmem>>
      %dma_start3A_664 = arith.constant 0 : i32
      %dma_start3A_665 = tpu.memref_slice %arg7[%add3A_658, %dma_start3A_664] : memref<80x128xi32, #tpu.memory_space<vmem>> -> memref<1x128xi32, #tpu.memory_space<vmem>>
      %dma_start3A_666 = tpu.memref_squeeze %dma_start3A_665 : memref<1x128xi32, #tpu.memory_space<vmem>> -> memref<128xi32, #tpu.memory_space<vmem>>
      %dma_start3A_667 = arith.constant 0 : i32
      %dma_start3A_668 = arith.constant 0 : i32
      %dma_start3A_669 = tpu.memref_slice %arg2[%dma_start3A_667, %dma_start3A_668] : memref<10000x64xf32, #tpu.memory_space<hbm>> -> memref<10000x64xf32, #tpu.memory_space<hbm>>
      tpu.enqueue_indirect_dma source(%dma_start3A_669 : memref<10000x64xf32, #tpu.memory_space<hbm>>) target(%dma_start3A_663 : memref<128x64xf32, #tpu.memory_space<vmem>>) offsets(%dma_start3A_666 : memref<128xi32, #tpu.memory_space<vmem>>) semaphore(%arg15 : memref<!tpu.dma_semaphore, #tpu.memory_space<semaphore_mem>>)
      %add3A_670 = arith.constant 1 : i32
      %add3A_671 = arith.addi %scan3A_396, %add3A_670 : i32
      %mul3A_672 = arith.constant 8 : i32
      %mul3A_673 = arith.muli %add3A_671, %mul3A_672 : i32
      %dma_wait3A_674 = arith.constant 5 : i32
      %dma_wait3A_675 = arith.constant 5 : i32
      %dma_wait3A_676 = arith.constant 0 : i32
      %dma_wait3A_677 = arith.constant 0 : i32
      %dma_wait3A_678 = tpu.memref_slice %arg9[%dma_wait3A_675, %dma_wait3A_676, %dma_wait3A_677] : memref<8x128x64xf32, #tpu.memory_space<vmem>> -> memref<1x128x64xf32, #tpu.memory_space<vmem>>
      %dma_wait3A_679 = tpu.memref_squeeze %dma_wait3A_678 : memref<1x128x64xf32, #tpu.memory_space<vmem>> -> memref<128x64xf32, #tpu.memory_space<vmem>>
      %dma_wait3A_680 = arith.constant 0 : i32
      %dma_wait3A_681 = tpu.memref_slice %arg7[%dma_wait3A_674, %dma_wait3A_680] : memref<80x128xi32, #tpu.memory_space<vmem>> -> memref<1x128xi32, #tpu.memory_space<vmem>>
      %dma_wait3A_682 = tpu.memref_squeeze %dma_wait3A_681 : memref<1x128xi32, #tpu.memory_space<vmem>> -> memref<128xi32, #tpu.memory_space<vmem>>
      %dma_wait3A_683 = arith.constant 0 : i32
      %dma_wait3A_684 = arith.constant 0 : i32
      %dma_wait3A_685 = tpu.memref_slice %arg2[%dma_wait3A_683, %dma_wait3A_684] : memref<10000x64xf32, #tpu.memory_space<hbm>> -> memref<10000x64xf32, #tpu.memory_space<hbm>>
      tpu.wait_indirect_dma semaphore(%arg16 : memref<!tpu.dma_semaphore, #tpu.memory_space<semaphore_mem>>) src(%dma_wait3A_685 : memref<10000x64xf32, #tpu.memory_space<hbm>>) dst(%dma_wait3A_679 : memref<128x64xf32, #tpu.memory_space<vmem>>)
      %add3A_686 = arith.constant 5 : i32
      %add3A_687 = arith.addi %mul3A_399, %add3A_686 : i32
      %dma_start3A_688 = arith.constant 5 : i32
      %dma_start3A_689 = arith.constant 0 : i32
      %dma_start3A_690 = arith.constant 0 : i32
      %dma_start3A_691 = tpu.memref_slice %arg9[%dma_start3A_688, %dma_start3A_689, %dma_start3A_690] : memref<8x128x64xf32, #tpu.memory_space<vmem>> -> memref<1x128x64xf32, #tpu.memory_space<vmem>>
      %dma_start3A_692 = tpu.memref_squeeze %dma_start3A_691 : memref<1x128x64xf32, #tpu.memory_space<vmem>> -> memref<128x64xf32, #tpu.memory_space<vmem>>
      %dma_start3A_693 = arith.constant 0 : i32
      %dma_start3A_694 = tpu.memref_slice %arg8[%add3A_687, %dma_start3A_693] : memref<80x128xi32, #tpu.memory_space<vmem>> -> memref<1x128xi32, #tpu.memory_space<vmem>>
      %dma_start3A_695 = tpu.memref_squeeze %dma_start3A_694 : memref<1x128xi32, #tpu.memory_space<vmem>> -> memref<128xi32, #tpu.memory_space<vmem>>
      %dma_start3A_696 = arith.constant 0 : i32
      %dma_start3A_697 = arith.constant 0 : i32
      %dma_start3A_698 = tpu.memref_slice %arg10[%dma_start3A_696, %dma_start3A_697] : memref<10240x64xf32, #tpu.memory_space<vmem_shared>> -> memref<10240x64xf32, #tpu.memory_space<vmem_shared>>
      tpu.enqueue_indirect_dma source(%dma_start3A_692 : memref<128x64xf32, #tpu.memory_space<vmem>>) target(%dma_start3A_698 : memref<10240x64xf32, #tpu.memory_space<vmem_shared>>) offsets(%dma_start3A_695 : memref<128xi32, #tpu.memory_space<vmem>>) semaphore(%arg24 : memref<!tpu.dma_semaphore, #tpu.memory_space<semaphore_mem>>) {add = true}
      %dma_wait3A_699 = arith.constant 5 : i32
      %dma_wait3A_700 = arith.constant 0 : i32
      %dma_wait3A_701 = arith.constant 0 : i32
      %dma_wait3A_702 = arith.constant 0 : i32
      %dma_wait3A_703 = tpu.memref_slice %arg9[%dma_wait3A_699, %dma_wait3A_701, %dma_wait3A_702] : memref<8x128x64xf32, #tpu.memory_space<vmem>> -> memref<1x128x64xf32, #tpu.memory_space<vmem>>
      %dma_wait3A_704 = tpu.memref_squeeze %dma_wait3A_703 : memref<1x128x64xf32, #tpu.memory_space<vmem>> -> memref<128x64xf32, #tpu.memory_space<vmem>>
      %dma_wait3A_705 = arith.constant 0 : i32
      %dma_wait3A_706 = tpu.memref_slice %arg8[%dma_wait3A_700, %dma_wait3A_705] : memref<80x128xi32, #tpu.memory_space<vmem>> -> memref<1x128xi32, #tpu.memory_space<vmem>>
      %dma_wait3A_707 = tpu.memref_squeeze %dma_wait3A_706 : memref<1x128xi32, #tpu.memory_space<vmem>> -> memref<128xi32, #tpu.memory_space<vmem>>
      %dma_wait3A_708 = arith.constant 0 : i32
      %dma_wait3A_709 = arith.constant 0 : i32
      %dma_wait3A_710 = tpu.memref_slice %arg10[%dma_wait3A_708, %dma_wait3A_709] : memref<10240x64xf32, #tpu.memory_space<vmem_shared>> -> memref<10240x64xf32, #tpu.memory_space<vmem_shared>>
      tpu.wait_indirect_dma semaphore(%arg24 : memref<!tpu.dma_semaphore, #tpu.memory_space<semaphore_mem>>) src(%dma_wait3A_704 : memref<128x64xf32, #tpu.memory_space<vmem>>) dst(%dma_wait3A_710 : memref<10240x64xf32, #tpu.memory_space<vmem_shared>>)
      %add3A_711 = arith.constant 5 : i32
      %add3A_712 = arith.addi %mul3A_673, %add3A_711 : i32
      %dma_start3A_713 = arith.constant 5 : i32
      %dma_start3A_714 = arith.constant 0 : i32
      %dma_start3A_715 = arith.constant 0 : i32
      %dma_start3A_716 = tpu.memref_slice %arg9[%dma_start3A_713, %dma_start3A_714, %dma_start3A_715] : memref<8x128x64xf32, #tpu.memory_space<vmem>> -> memref<1x128x64xf32, #tpu.memory_space<vmem>>
      %dma_start3A_717 = tpu.memref_squeeze %dma_start3A_716 : memref<1x128x64xf32, #tpu.memory_space<vmem>> -> memref<128x64xf32, #tpu.memory_space<vmem>>
      %dma_start3A_718 = arith.constant 0 : i32
      %dma_start3A_719 = tpu.memref_slice %arg7[%add3A_712, %dma_start3A_718] : memref<80x128xi32, #tpu.memory_space<vmem>> -> memref<1x128xi32, #tpu.memory_space<vmem>>
      %dma_start3A_720 = tpu.memref_squeeze %dma_start3A_719 : memref<1x128xi32, #tpu.memory_space<vmem>> -> memref<128xi32, #tpu.memory_space<vmem>>
      %dma_start3A_721 = arith.constant 0 : i32
      %dma_start3A_722 = arith.constant 0 : i32
      %dma_start3A_723 = tpu.memref_slice %arg2[%dma_start3A_721, %dma_start3A_722] : memref<10000x64xf32, #tpu.memory_space<hbm>> -> memref<10000x64xf32, #tpu.memory_space<hbm>>
      tpu.enqueue_indirect_dma source(%dma_start3A_723 : memref<10000x64xf32, #tpu.memory_space<hbm>>) target(%dma_start3A_717 : memref<128x64xf32, #tpu.memory_space<vmem>>) offsets(%dma_start3A_720 : memref<128xi32, #tpu.memory_space<vmem>>) semaphore(%arg16 : memref<!tpu.dma_semaphore, #tpu.memory_space<semaphore_mem>>)
      %add3A_724 = arith.constant 1 : i32
      %add3A_725 = arith.addi %scan3A_396, %add3A_724 : i32
      %mul3A_726 = arith.constant 8 : i32
      %mul3A_727 = arith.muli %add3A_725, %mul3A_726 : i32
      %dma_wait3A_728 = arith.constant 6 : i32
      %dma_wait3A_729 = arith.constant 6 : i32
      %dma_wait3A_730 = arith.constant 0 : i32
      %dma_wait3A_731 = arith.constant 0 : i32
      %dma_wait3A_732 = tpu.memref_slice %arg9[%dma_wait3A_729, %dma_wait3A_730, %dma_wait3A_731] : memref<8x128x64xf32, #tpu.memory_space<vmem>> -> memref<1x128x64xf32, #tpu.memory_space<vmem>>
      %dma_wait3A_733 = tpu.memref_squeeze %dma_wait3A_732 : memref<1x128x64xf32, #tpu.memory_space<vmem>> -> memref<128x64xf32, #tpu.memory_space<vmem>>
      %dma_wait3A_734 = arith.constant 0 : i32
      %dma_wait3A_735 = tpu.memref_slice %arg7[%dma_wait3A_728, %dma_wait3A_734] : memref<80x128xi32, #tpu.memory_space<vmem>> -> memref<1x128xi32, #tpu.memory_space<vmem>>
      %dma_wait3A_736 = tpu.memref_squeeze %dma_wait3A_735 : memref<1x128xi32, #tpu.memory_space<vmem>> -> memref<128xi32, #tpu.memory_space<vmem>>
      %dma_wait3A_737 = arith.constant 0 : i32
      %dma_wait3A_738 = arith.constant 0 : i32
      %dma_wait3A_739 = tpu.memref_slice %arg2[%dma_wait3A_737, %dma_wait3A_738] : memref<10000x64xf32, #tpu.memory_space<hbm>> -> memref<10000x64xf32, #tpu.memory_space<hbm>>
      tpu.wait_indirect_dma semaphore(%arg17 : memref<!tpu.dma_semaphore, #tpu.memory_space<semaphore_mem>>) src(%dma_wait3A_739 : memref<10000x64xf32, #tpu.memory_space<hbm>>) dst(%dma_wait3A_733 : memref<128x64xf32, #tpu.memory_space<vmem>>)
      %add3A_740 = arith.constant 6 : i32
      %add3A_741 = arith.addi %mul3A_399, %add3A_740 : i32
      %dma_start3A_742 = arith.constant 6 : i32
      %dma_start3A_743 = arith.constant 0 : i32
      %dma_start3A_744 = arith.constant 0 : i32
      %dma_start3A_745 = tpu.memref_slice %arg9[%dma_start3A_742, %dma_start3A_743, %dma_start3A_744] : memref<8x128x64xf32, #tpu.memory_space<vmem>> -> memref<1x128x64xf32, #tpu.memory_space<vmem>>
      %dma_start3A_746 = tpu.memref_squeeze %dma_start3A_745 : memref<1x128x64xf32, #tpu.memory_space<vmem>> -> memref<128x64xf32, #tpu.memory_space<vmem>>
      %dma_start3A_747 = arith.constant 0 : i32
      %dma_start3A_748 = tpu.memref_slice %arg8[%add3A_741, %dma_start3A_747] : memref<80x128xi32, #tpu.memory_space<vmem>> -> memref<1x128xi32, #tpu.memory_space<vmem>>
      %dma_start3A_749 = tpu.memref_squeeze %dma_start3A_748 : memref<1x128xi32, #tpu.memory_space<vmem>> -> memref<128xi32, #tpu.memory_space<vmem>>
      %dma_start3A_750 = arith.constant 0 : i32
      %dma_start3A_751 = arith.constant 0 : i32
      %dma_start3A_752 = tpu.memref_slice %arg10[%dma_start3A_750, %dma_start3A_751] : memref<10240x64xf32, #tpu.memory_space<vmem_shared>> -> memref<10240x64xf32, #tpu.memory_space<vmem_shared>>
      tpu.enqueue_indirect_dma source(%dma_start3A_746 : memref<128x64xf32, #tpu.memory_space<vmem>>) target(%dma_start3A_752 : memref<10240x64xf32, #tpu.memory_space<vmem_shared>>) offsets(%dma_start3A_749 : memref<128xi32, #tpu.memory_space<vmem>>) semaphore(%arg25 : memref<!tpu.dma_semaphore, #tpu.memory_space<semaphore_mem>>) {add = true}
      %dma_wait3A_753 = arith.constant 6 : i32
      %dma_wait3A_754 = arith.constant 0 : i32
      %dma_wait3A_755 = arith.constant 0 : i32
      %dma_wait3A_756 = arith.constant 0 : i32
      %dma_wait3A_757 = tpu.memref_slice %arg9[%dma_wait3A_753, %dma_wait3A_755, %dma_wait3A_756] : memref<8x128x64xf32, #tpu.memory_space<vmem>> -> memref<1x128x64xf32, #tpu.memory_space<vmem>>
      %dma_wait3A_758 = tpu.memref_squeeze %dma_wait3A_757 : memref<1x128x64xf32, #tpu.memory_space<vmem>> -> memref<128x64xf32, #tpu.memory_space<vmem>>
      %dma_wait3A_759 = arith.constant 0 : i32
      %dma_wait3A_760 = tpu.memref_slice %arg8[%dma_wait3A_754, %dma_wait3A_759] : memref<80x128xi32, #tpu.memory_space<vmem>> -> memref<1x128xi32, #tpu.memory_space<vmem>>
      %dma_wait3A_761 = tpu.memref_squeeze %dma_wait3A_760 : memref<1x128xi32, #tpu.memory_space<vmem>> -> memref<128xi32, #tpu.memory_space<vmem>>
      %dma_wait3A_762 = arith.constant 0 : i32
      %dma_wait3A_763 = arith.constant 0 : i32
      %dma_wait3A_764 = tpu.memref_slice %arg10[%dma_wait3A_762, %dma_wait3A_763] : memref<10240x64xf32, #tpu.memory_space<vmem_shared>> -> memref<10240x64xf32, #tpu.memory_space<vmem_shared>>
      tpu.wait_indirect_dma semaphore(%arg25 : memref<!tpu.dma_semaphore, #tpu.memory_space<semaphore_mem>>) src(%dma_wait3A_758 : memref<128x64xf32, #tpu.memory_space<vmem>>) dst(%dma_wait3A_764 : memref<10240x64xf32, #tpu.memory_space<vmem_shared>>)
      %add3A_765 = arith.constant 6 : i32
      %add3A_766 = arith.addi %mul3A_727, %add3A_765 : i32
      %dma_start3A_767 = arith.constant 6 : i32
      %dma_start3A_768 = arith.constant 0 : i32
      %dma_start3A_769 = arith.constant 0 : i32
      %dma_start3A_770 = tpu.memref_slice %arg9[%dma_start3A_767, %dma_start3A_768, %dma_start3A_769] : memref<8x128x64xf32, #tpu.memory_space<vmem>> -> memref<1x128x64xf32, #tpu.memory_space<vmem>>
      %dma_start3A_771 = tpu.memref_squeeze %dma_start3A_770 : memref<1x128x64xf32, #tpu.memory_space<vmem>> -> memref<128x64xf32, #tpu.memory_space<vmem>>
      %dma_start3A_772 = arith.constant 0 : i32
      %dma_start3A_773 = tpu.memref_slice %arg7[%add3A_766, %dma_start3A_772] : memref<80x128xi32, #tpu.memory_space<vmem>> -> memref<1x128xi32, #tpu.memory_space<vmem>>
      %dma_start3A_774 = tpu.memref_squeeze %dma_start3A_773 : memref<1x128xi32, #tpu.memory_space<vmem>> -> memref<128xi32, #tpu.memory_space<vmem>>
      %dma_start3A_775 = arith.constant 0 : i32
      %dma_start3A_776 = arith.constant 0 : i32
      %dma_start3A_777 = tpu.memref_slice %arg2[%dma_start3A_775, %dma_start3A_776] : memref<10000x64xf32, #tpu.memory_space<hbm>> -> memref<10000x64xf32, #tpu.memory_space<hbm>>
      tpu.enqueue_indirect_dma source(%dma_start3A_777 : memref<10000x64xf32, #tpu.memory_space<hbm>>) target(%dma_start3A_771 : memref<128x64xf32, #tpu.memory_space<vmem>>) offsets(%dma_start3A_774 : memref<128xi32, #tpu.memory_space<vmem>>) semaphore(%arg17 : memref<!tpu.dma_semaphore, #tpu.memory_space<semaphore_mem>>)
      %add3A_778 = arith.constant 1 : i32
      %add3A_779 = arith.addi %scan3A_396, %add3A_778 : i32
      %mul3A_780 = arith.constant 8 : i32
      %mul3A_781 = arith.muli %add3A_779, %mul3A_780 : i32
      %dma_wait3A_782 = arith.constant 7 : i32
      %dma_wait3A_783 = arith.constant 7 : i32
      %dma_wait3A_784 = arith.constant 0 : i32
      %dma_wait3A_785 = arith.constant 0 : i32
      %dma_wait3A_786 = tpu.memref_slice %arg9[%dma_wait3A_783, %dma_wait3A_784, %dma_wait3A_785] : memref<8x128x64xf32, #tpu.memory_space<vmem>> -> memref<1x128x64xf32, #tpu.memory_space<vmem>>
      %dma_wait3A_787 = tpu.memref_squeeze %dma_wait3A_786 : memref<1x128x64xf32, #tpu.memory_space<vmem>> -> memref<128x64xf32, #tpu.memory_space<vmem>>
      %dma_wait3A_788 = arith.constant 0 : i32
      %dma_wait3A_789 = tpu.memref_slice %arg7[%dma_wait3A_782, %dma_wait3A_788] : memref<80x128xi32, #tpu.memory_space<vmem>> -> memref<1x128xi32, #tpu.memory_space<vmem>>
      %dma_wait3A_790 = tpu.memref_squeeze %dma_wait3A_789 : memref<1x128xi32, #tpu.memory_space<vmem>> -> memref<128xi32, #tpu.memory_space<vmem>>
      %dma_wait3A_791 = arith.constant 0 : i32
      %dma_wait3A_792 = arith.constant 0 : i32
      %dma_wait3A_793 = tpu.memref_slice %arg2[%dma_wait3A_791, %dma_wait3A_792] : memref<10000x64xf32, #tpu.memory_space<hbm>> -> memref<10000x64xf32, #tpu.memory_space<hbm>>
      tpu.wait_indirect_dma semaphore(%arg18 : memref<!tpu.dma_semaphore, #tpu.memory_space<semaphore_mem>>) src(%dma_wait3A_793 : memref<10000x64xf32, #tpu.memory_space<hbm>>) dst(%dma_wait3A_787 : memref<128x64xf32, #tpu.memory_space<vmem>>)
      %add3A_794 = arith.constant 7 : i32
      %add3A_795 = arith.addi %mul3A_399, %add3A_794 : i32
      %dma_start3A_796 = arith.constant 7 : i32
      %dma_start3A_797 = arith.constant 0 : i32
      %dma_start3A_798 = arith.constant 0 : i32
      %dma_start3A_799 = tpu.memref_slice %arg9[%dma_start3A_796, %dma_start3A_797, %dma_start3A_798] : memref<8x128x64xf32, #tpu.memory_space<vmem>> -> memref<1x128x64xf32, #tpu.memory_space<vmem>>
      %dma_start3A_800 = tpu.memref_squeeze %dma_start3A_799 : memref<1x128x64xf32, #tpu.memory_space<vmem>> -> memref<128x64xf32, #tpu.memory_space<vmem>>
      %dma_start3A_801 = arith.constant 0 : i32
      %dma_start3A_802 = tpu.memref_slice %arg8[%add3A_795, %dma_start3A_801] : memref<80x128xi32, #tpu.memory_space<vmem>> -> memref<1x128xi32, #tpu.memory_space<vmem>>
      %dma_start3A_803 = tpu.memref_squeeze %dma_start3A_802 : memref<1x128xi32, #tpu.memory_space<vmem>> -> memref<128xi32, #tpu.memory_space<vmem>>
      %dma_start3A_804 = arith.constant 0 : i32
      %dma_start3A_805 = arith.constant 0 : i32
      %dma_start3A_806 = tpu.memref_slice %arg10[%dma_start3A_804, %dma_start3A_805] : memref<10240x64xf32, #tpu.memory_space<vmem_shared>> -> memref<10240x64xf32, #tpu.memory_space<vmem_shared>>
      tpu.enqueue_indirect_dma source(%dma_start3A_800 : memref<128x64xf32, #tpu.memory_space<vmem>>) target(%dma_start3A_806 : memref<10240x64xf32, #tpu.memory_space<vmem_shared>>) offsets(%dma_start3A_803 : memref<128xi32, #tpu.memory_space<vmem>>) semaphore(%arg26 : memref<!tpu.dma_semaphore, #tpu.memory_space<semaphore_mem>>) {add = true}
      %dma_wait3A_807 = arith.constant 7 : i32
      %dma_wait3A_808 = arith.constant 0 : i32
      %dma_wait3A_809 = arith.constant 0 : i32
      %dma_wait3A_810 = arith.constant 0 : i32
      %dma_wait3A_811 = tpu.memref_slice %arg9[%dma_wait3A_807, %dma_wait3A_809, %dma_wait3A_810] : memref<8x128x64xf32, #tpu.memory_space<vmem>> -> memref<1x128x64xf32, #tpu.memory_space<vmem>>
      %dma_wait3A_812 = tpu.memref_squeeze %dma_wait3A_811 : memref<1x128x64xf32, #tpu.memory_space<vmem>> -> memref<128x64xf32, #tpu.memory_space<vmem>>
      %dma_wait3A_813 = arith.constant 0 : i32
      %dma_wait3A_814 = tpu.memref_slice %arg8[%dma_wait3A_808, %dma_wait3A_813] : memref<80x128xi32, #tpu.memory_space<vmem>> -> memref<1x128xi32, #tpu.memory_space<vmem>>
      %dma_wait3A_815 = tpu.memref_squeeze %dma_wait3A_814 : memref<1x128xi32, #tpu.memory_space<vmem>> -> memref<128xi32, #tpu.memory_space<vmem>>
      %dma_wait3A_816 = arith.constant 0 : i32
      %dma_wait3A_817 = arith.constant 0 : i32
      %dma_wait3A_818 = tpu.memref_slice %arg10[%dma_wait3A_816, %dma_wait3A_817] : memref<10240x64xf32, #tpu.memory_space<vmem_shared>> -> memref<10240x64xf32, #tpu.memory_space<vmem_shared>>
      tpu.wait_indirect_dma semaphore(%arg26 : memref<!tpu.dma_semaphore, #tpu.memory_space<semaphore_mem>>) src(%dma_wait3A_812 : memref<128x64xf32, #tpu.memory_space<vmem>>) dst(%dma_wait3A_818 : memref<10240x64xf32, #tpu.memory_space<vmem_shared>>)
      %add3A_819 = arith.constant 7 : i32
      %add3A_820 = arith.addi %mul3A_781, %add3A_819 : i32
      %dma_start3A_821 = arith.constant 7 : i32
      %dma_start3A_822 = arith.constant 0 : i32
      %dma_start3A_823 = arith.constant 0 : i32
      %dma_start3A_824 = tpu.memref_slice %arg9[%dma_start3A_821, %dma_start3A_822, %dma_start3A_823] : memref<8x128x64xf32, #tpu.memory_space<vmem>> -> memref<1x128x64xf32, #tpu.memory_space<vmem>>
      %dma_start3A_825 = tpu.memref_squeeze %dma_start3A_824 : memref<1x128x64xf32, #tpu.memory_space<vmem>> -> memref<128x64xf32, #tpu.memory_space<vmem>>
      %dma_start3A_826 = arith.constant 0 : i32
      %dma_start3A_827 = tpu.memref_slice %arg7[%add3A_820, %dma_start3A_826] : memref<80x128xi32, #tpu.memory_space<vmem>> -> memref<1x128xi32, #tpu.memory_space<vmem>>
      %dma_start3A_828 = tpu.memref_squeeze %dma_start3A_827 : memref<1x128xi32, #tpu.memory_space<vmem>> -> memref<128xi32, #tpu.memory_space<vmem>>
      %dma_start3A_829 = arith.constant 0 : i32
      %dma_start3A_830 = arith.constant 0 : i32
      %dma_start3A_831 = tpu.memref_slice %arg2[%dma_start3A_829, %dma_start3A_830] : memref<10000x64xf32, #tpu.memory_space<hbm>> -> memref<10000x64xf32, #tpu.memory_space<hbm>>
      tpu.enqueue_indirect_dma source(%dma_start3A_831 : memref<10000x64xf32, #tpu.memory_space<hbm>>) target(%dma_start3A_825 : memref<128x64xf32, #tpu.memory_space<vmem>>) offsets(%dma_start3A_828 : memref<128xi32, #tpu.memory_space<vmem>>) semaphore(%arg18 : memref<!tpu.dma_semaphore, #tpu.memory_space<semaphore_mem>>)
      %scan3A_832 = arith.constant 0 : i32
      scf.yield %scan3A_832 : i32
    }
    %scan3A_103 = arith.constant 9 : i32
    %dma_wait3A = arith.constant 0 : i32
    %dma_wait3A_104 = arith.constant 0 : i32
    %dma_wait3A_105 = arith.constant 0 : i32
    %dma_wait3A_106 = arith.constant 0 : i32
    %dma_wait3A_107 = tpu.memref_slice %arg9[%dma_wait3A_104, %dma_wait3A_105, %dma_wait3A_106] : memref<8x128x64xf32, #tpu.memory_space<vmem>> -> memref<1x128x64xf32, #tpu.memory_space<vmem>>
    %dma_wait3A_108 = tpu.memref_squeeze %dma_wait3A_107 : memref<1x128x64xf32, #tpu.memory_space<vmem>> -> memref<128x64xf32, #tpu.memory_space<vmem>>
    %dma_wait3A_109 = arith.constant 0 : i32
    %dma_wait3A_110 = tpu.memref_slice %arg7[%dma_wait3A, %dma_wait3A_109] : memref<80x128xi32, #tpu.memory_space<vmem>> -> memref<1x128xi32, #tpu.memory_space<vmem>>
    %dma_wait3A_111 = tpu.memref_squeeze %dma_wait3A_110 : memref<1x128xi32, #tpu.memory_space<vmem>> -> memref<128xi32, #tpu.memory_space<vmem>>
    %dma_wait3A_112 = arith.constant 0 : i32
    %dma_wait3A_113 = arith.constant 0 : i32
    %dma_wait3A_114 = tpu.memref_slice %arg2[%dma_wait3A_112, %dma_wait3A_113] : memref<10000x64xf32, #tpu.memory_space<hbm>> -> memref<10000x64xf32, #tpu.memory_space<hbm>>
    tpu.wait_indirect_dma semaphore(%arg11 : memref<!tpu.dma_semaphore, #tpu.memory_space<semaphore_mem>>) src(%dma_wait3A_114 : memref<10000x64xf32, #tpu.memory_space<hbm>>) dst(%dma_wait3A_108 : memref<128x64xf32, #tpu.memory_space<vmem>>)
    %dma_start3A_115 = arith.constant 0 : i32
    %dma_start3A_116 = arith.constant 72 : i32
    %dma_start3A_117 = arith.constant 0 : i32
    %dma_start3A_118 = arith.constant 0 : i32
    %dma_start3A_119 = tpu.memref_slice %arg9[%dma_start3A_115, %dma_start3A_117, %dma_start3A_118] : memref<8x128x64xf32, #tpu.memory_space<vmem>> -> memref<1x128x64xf32, #tpu.memory_space<vmem>>
    %dma_start3A_120 = tpu.memref_squeeze %dma_start3A_119 : memref<1x128x64xf32, #tpu.memory_space<vmem>> -> memref<128x64xf32, #tpu.memory_space<vmem>>
    %dma_start3A_121 = arith.constant 0 : i32
    %dma_start3A_122 = tpu.memref_slice %arg8[%dma_start3A_116, %dma_start3A_121] : memref<80x128xi32, #tpu.memory_space<vmem>> -> memref<1x128xi32, #tpu.memory_space<vmem>>
    %dma_start3A_123 = tpu.memref_squeeze %dma_start3A_122 : memref<1x128xi32, #tpu.memory_space<vmem>> -> memref<128xi32, #tpu.memory_space<vmem>>
    %dma_start3A_124 = arith.constant 0 : i32
    %dma_start3A_125 = arith.constant 0 : i32
    %dma_start3A_126 = tpu.memref_slice %arg10[%dma_start3A_124, %dma_start3A_125] : memref<10240x64xf32, #tpu.memory_space<vmem_shared>> -> memref<10240x64xf32, #tpu.memory_space<vmem_shared>>
    tpu.enqueue_indirect_dma source(%dma_start3A_120 : memref<128x64xf32, #tpu.memory_space<vmem>>) target(%dma_start3A_126 : memref<10240x64xf32, #tpu.memory_space<vmem_shared>>) offsets(%dma_start3A_123 : memref<128xi32, #tpu.memory_space<vmem>>) semaphore(%arg19 : memref<!tpu.dma_semaphore, #tpu.memory_space<semaphore_mem>>) {add = true}
    %dma_wait3A_127 = arith.constant 1 : i32
    %dma_wait3A_128 = arith.constant 1 : i32
    %dma_wait3A_129 = arith.constant 0 : i32
    %dma_wait3A_130 = arith.constant 0 : i32
    %dma_wait3A_131 = tpu.memref_slice %arg9[%dma_wait3A_128, %dma_wait3A_129, %dma_wait3A_130] : memref<8x128x64xf32, #tpu.memory_space<vmem>> -> memref<1x128x64xf32, #tpu.memory_space<vmem>>
    %dma_wait3A_132 = tpu.memref_squeeze %dma_wait3A_131 : memref<1x128x64xf32, #tpu.memory_space<vmem>> -> memref<128x64xf32, #tpu.memory_space<vmem>>
    %dma_wait3A_133 = arith.constant 0 : i32
    %dma_wait3A_134 = tpu.memref_slice %arg7[%dma_wait3A_127, %dma_wait3A_133] : memref<80x128xi32, #tpu.memory_space<vmem>> -> memref<1x128xi32, #tpu.memory_space<vmem>>
    %dma_wait3A_135 = tpu.memref_squeeze %dma_wait3A_134 : memref<1x128xi32, #tpu.memory_space<vmem>> -> memref<128xi32, #tpu.memory_space<vmem>>
    %dma_wait3A_136 = arith.constant 0 : i32
    %dma_wait3A_137 = arith.constant 0 : i32
    %dma_wait3A_138 = tpu.memref_slice %arg2[%dma_wait3A_136, %dma_wait3A_137] : memref<10000x64xf32, #tpu.memory_space<hbm>> -> memref<10000x64xf32, #tpu.memory_space<hbm>>
    tpu.wait_indirect_dma semaphore(%arg12 : memref<!tpu.dma_semaphore, #tpu.memory_space<semaphore_mem>>) src(%dma_wait3A_138 : memref<10000x64xf32, #tpu.memory_space<hbm>>) dst(%dma_wait3A_132 : memref<128x64xf32, #tpu.memory_space<vmem>>)
    %dma_start3A_139 = arith.constant 1 : i32
    %dma_start3A_140 = arith.constant 73 : i32
    %dma_start3A_141 = arith.constant 0 : i32
    %dma_start3A_142 = arith.constant 0 : i32
    %dma_start3A_143 = tpu.memref_slice %arg9[%dma_start3A_139, %dma_start3A_141, %dma_start3A_142] : memref<8x128x64xf32, #tpu.memory_space<vmem>> -> memref<1x128x64xf32, #tpu.memory_space<vmem>>
    %dma_start3A_144 = tpu.memref_squeeze %dma_start3A_143 : memref<1x128x64xf32, #tpu.memory_space<vmem>> -> memref<128x64xf32, #tpu.memory_space<vmem>>
    %dma_start3A_145 = arith.constant 0 : i32
    %dma_start3A_146 = tpu.memref_slice %arg8[%dma_start3A_140, %dma_start3A_145] : memref<80x128xi32, #tpu.memory_space<vmem>> -> memref<1x128xi32, #tpu.memory_space<vmem>>
    %dma_start3A_147 = tpu.memref_squeeze %dma_start3A_146 : memref<1x128xi32, #tpu.memory_space<vmem>> -> memref<128xi32, #tpu.memory_space<vmem>>
    %dma_start3A_148 = arith.constant 0 : i32
    %dma_start3A_149 = arith.constant 0 : i32
    %dma_start3A_150 = tpu.memref_slice %arg10[%dma_start3A_148, %dma_start3A_149] : memref<10240x64xf32, #tpu.memory_space<vmem_shared>> -> memref<10240x64xf32, #tpu.memory_space<vmem_shared>>
    tpu.enqueue_indirect_dma source(%dma_start3A_144 : memref<128x64xf32, #tpu.memory_space<vmem>>) target(%dma_start3A_150 : memref<10240x64xf32, #tpu.memory_space<vmem_shared>>) offsets(%dma_start3A_147 : memref<128xi32, #tpu.memory_space<vmem>>) semaphore(%arg20 : memref<!tpu.dma_semaphore, #tpu.memory_space<semaphore_mem>>) {add = true}
    %dma_wait3A_151 = arith.constant 2 : i32
    %dma_wait3A_152 = arith.constant 2 : i32
    %dma_wait3A_153 = arith.constant 0 : i32
    %dma_wait3A_154 = arith.constant 0 : i32
    %dma_wait3A_155 = tpu.memref_slice %arg9[%dma_wait3A_152, %dma_wait3A_153, %dma_wait3A_154] : memref<8x128x64xf32, #tpu.memory_space<vmem>> -> memref<1x128x64xf32, #tpu.memory_space<vmem>>
    %dma_wait3A_156 = tpu.memref_squeeze %dma_wait3A_155 : memref<1x128x64xf32, #tpu.memory_space<vmem>> -> memref<128x64xf32, #tpu.memory_space<vmem>>
    %dma_wait3A_157 = arith.constant 0 : i32
    %dma_wait3A_158 = tpu.memref_slice %arg7[%dma_wait3A_151, %dma_wait3A_157] : memref<80x128xi32, #tpu.memory_space<vmem>> -> memref<1x128xi32, #tpu.memory_space<vmem>>
    %dma_wait3A_159 = tpu.memref_squeeze %dma_wait3A_158 : memref<1x128xi32, #tpu.memory_space<vmem>> -> memref<128xi32, #tpu.memory_space<vmem>>
    %dma_wait3A_160 = arith.constant 0 : i32
    %dma_wait3A_161 = arith.constant 0 : i32
    %dma_wait3A_162 = tpu.memref_slice %arg2[%dma_wait3A_160, %dma_wait3A_161] : memref<10000x64xf32, #tpu.memory_space<hbm>> -> memref<10000x64xf32, #tpu.memory_space<hbm>>
    tpu.wait_indirect_dma semaphore(%arg13 : memref<!tpu.dma_semaphore, #tpu.memory_space<semaphore_mem>>) src(%dma_wait3A_162 : memref<10000x64xf32, #tpu.memory_space<hbm>>) dst(%dma_wait3A_156 : memref<128x64xf32, #tpu.memory_space<vmem>>)
    %dma_start3A_163 = arith.constant 2 : i32
    %dma_start3A_164 = arith.constant 74 : i32
    %dma_start3A_165 = arith.constant 0 : i32
    %dma_start3A_166 = arith.constant 0 : i32
    %dma_start3A_167 = tpu.memref_slice %arg9[%dma_start3A_163, %dma_start3A_165, %dma_start3A_166] : memref<8x128x64xf32, #tpu.memory_space<vmem>> -> memref<1x128x64xf32, #tpu.memory_space<vmem>>
    %dma_start3A_168 = tpu.memref_squeeze %dma_start3A_167 : memref<1x128x64xf32, #tpu.memory_space<vmem>> -> memref<128x64xf32, #tpu.memory_space<vmem>>
    %dma_start3A_169 = arith.constant 0 : i32
    %dma_start3A_170 = tpu.memref_slice %arg8[%dma_start3A_164, %dma_start3A_169] : memref<80x128xi32, #tpu.memory_space<vmem>> -> memref<1x128xi32, #tpu.memory_space<vmem>>
    %dma_start3A_171 = tpu.memref_squeeze %dma_start3A_170 : memref<1x128xi32, #tpu.memory_space<vmem>> -> memref<128xi32, #tpu.memory_space<vmem>>
    %dma_start3A_172 = arith.constant 0 : i32
    %dma_start3A_173 = arith.constant 0 : i32
    %dma_start3A_174 = tpu.memref_slice %arg10[%dma_start3A_172, %dma_start3A_173] : memref<10240x64xf32, #tpu.memory_space<vmem_shared>> -> memref<10240x64xf32, #tpu.memory_space<vmem_shared>>
    tpu.enqueue_indirect_dma source(%dma_start3A_168 : memref<128x64xf32, #tpu.memory_space<vmem>>) target(%dma_start3A_174 : memref<10240x64xf32, #tpu.memory_space<vmem_shared>>) offsets(%dma_start3A_171 : memref<128xi32, #tpu.memory_space<vmem>>) semaphore(%arg21 : memref<!tpu.dma_semaphore, #tpu.memory_space<semaphore_mem>>) {add = true}
    %dma_wait3A_175 = arith.constant 3 : i32
    %dma_wait3A_176 = arith.constant 3 : i32
    %dma_wait3A_177 = arith.constant 0 : i32
    %dma_wait3A_178 = arith.constant 0 : i32
    %dma_wait3A_179 = tpu.memref_slice %arg9[%dma_wait3A_176, %dma_wait3A_177, %dma_wait3A_178] : memref<8x128x64xf32, #tpu.memory_space<vmem>> -> memref<1x128x64xf32, #tpu.memory_space<vmem>>
    %dma_wait3A_180 = tpu.memref_squeeze %dma_wait3A_179 : memref<1x128x64xf32, #tpu.memory_space<vmem>> -> memref<128x64xf32, #tpu.memory_space<vmem>>
    %dma_wait3A_181 = arith.constant 0 : i32
    %dma_wait3A_182 = tpu.memref_slice %arg7[%dma_wait3A_175, %dma_wait3A_181] : memref<80x128xi32, #tpu.memory_space<vmem>> -> memref<1x128xi32, #tpu.memory_space<vmem>>
    %dma_wait3A_183 = tpu.memref_squeeze %dma_wait3A_182 : memref<1x128xi32, #tpu.memory_space<vmem>> -> memref<128xi32, #tpu.memory_space<vmem>>
    %dma_wait3A_184 = arith.constant 0 : i32
    %dma_wait3A_185 = arith.constant 0 : i32
    %dma_wait3A_186 = tpu.memref_slice %arg2[%dma_wait3A_184, %dma_wait3A_185] : memref<10000x64xf32, #tpu.memory_space<hbm>> -> memref<10000x64xf32, #tpu.memory_space<hbm>>
    tpu.wait_indirect_dma semaphore(%arg14 : memref<!tpu.dma_semaphore, #tpu.memory_space<semaphore_mem>>) src(%dma_wait3A_186 : memref<10000x64xf32, #tpu.memory_space<hbm>>) dst(%dma_wait3A_180 : memref<128x64xf32, #tpu.memory_space<vmem>>)
    %dma_start3A_187 = arith.constant 3 : i32
    %dma_start3A_188 = arith.constant 75 : i32
    %dma_start3A_189 = arith.constant 0 : i32
    %dma_start3A_190 = arith.constant 0 : i32
    %dma_start3A_191 = tpu.memref_slice %arg9[%dma_start3A_187, %dma_start3A_189, %dma_start3A_190] : memref<8x128x64xf32, #tpu.memory_space<vmem>> -> memref<1x128x64xf32, #tpu.memory_space<vmem>>
    %dma_start3A_192 = tpu.memref_squeeze %dma_start3A_191 : memref<1x128x64xf32, #tpu.memory_space<vmem>> -> memref<128x64xf32, #tpu.memory_space<vmem>>
    %dma_start3A_193 = arith.constant 0 : i32
    %dma_start3A_194 = tpu.memref_slice %arg8[%dma_start3A_188, %dma_start3A_193] : memref<80x128xi32, #tpu.memory_space<vmem>> -> memref<1x128xi32, #tpu.memory_space<vmem>>
    %dma_start3A_195 = tpu.memref_squeeze %dma_start3A_194 : memref<1x128xi32, #tpu.memory_space<vmem>> -> memref<128xi32, #tpu.memory_space<vmem>>
    %dma_start3A_196 = arith.constant 0 : i32
    %dma_start3A_197 = arith.constant 0 : i32
    %dma_start3A_198 = tpu.memref_slice %arg10[%dma_start3A_196, %dma_start3A_197] : memref<10240x64xf32, #tpu.memory_space<vmem_shared>> -> memref<10240x64xf32, #tpu.memory_space<vmem_shared>>
    tpu.enqueue_indirect_dma source(%dma_start3A_192 : memref<128x64xf32, #tpu.memory_space<vmem>>) target(%dma_start3A_198 : memref<10240x64xf32, #tpu.memory_space<vmem_shared>>) offsets(%dma_start3A_195 : memref<128xi32, #tpu.memory_space<vmem>>) semaphore(%arg22 : memref<!tpu.dma_semaphore, #tpu.memory_space<semaphore_mem>>) {add = true}
    %dma_wait3A_199 = arith.constant 4 : i32
    %dma_wait3A_200 = arith.constant 4 : i32
    %dma_wait3A_201 = arith.constant 0 : i32
    %dma_wait3A_202 = arith.constant 0 : i32
    %dma_wait3A_203 = tpu.memref_slice %arg9[%dma_wait3A_200, %dma_wait3A_201, %dma_wait3A_202] : memref<8x128x64xf32, #tpu.memory_space<vmem>> -> memref<1x128x64xf32, #tpu.memory_space<vmem>>
    %dma_wait3A_204 = tpu.memref_squeeze %dma_wait3A_203 : memref<1x128x64xf32, #tpu.memory_space<vmem>> -> memref<128x64xf32, #tpu.memory_space<vmem>>
    %dma_wait3A_205 = arith.constant 0 : i32
    %dma_wait3A_206 = tpu.memref_slice %arg7[%dma_wait3A_199, %dma_wait3A_205] : memref<80x128xi32, #tpu.memory_space<vmem>> -> memref<1x128xi32, #tpu.memory_space<vmem>>
    %dma_wait3A_207 = tpu.memref_squeeze %dma_wait3A_206 : memref<1x128xi32, #tpu.memory_space<vmem>> -> memref<128xi32, #tpu.memory_space<vmem>>
    %dma_wait3A_208 = arith.constant 0 : i32
    %dma_wait3A_209 = arith.constant 0 : i32
    %dma_wait3A_210 = tpu.memref_slice %arg2[%dma_wait3A_208, %dma_wait3A_209] : memref<10000x64xf32, #tpu.memory_space<hbm>> -> memref<10000x64xf32, #tpu.memory_space<hbm>>
    tpu.wait_indirect_dma semaphore(%arg15 : memref<!tpu.dma_semaphore, #tpu.memory_space<semaphore_mem>>) src(%dma_wait3A_210 : memref<10000x64xf32, #tpu.memory_space<hbm>>) dst(%dma_wait3A_204 : memref<128x64xf32, #tpu.memory_space<vmem>>)
    %dma_start3A_211 = arith.constant 4 : i32
    %dma_start3A_212 = arith.constant 76 : i32
    %dma_start3A_213 = arith.constant 0 : i32
    %dma_start3A_214 = arith.constant 0 : i32
    %dma_start3A_215 = tpu.memref_slice %arg9[%dma_start3A_211, %dma_start3A_213, %dma_start3A_214] : memref<8x128x64xf32, #tpu.memory_space<vmem>> -> memref<1x128x64xf32, #tpu.memory_space<vmem>>
    %dma_start3A_216 = tpu.memref_squeeze %dma_start3A_215 : memref<1x128x64xf32, #tpu.memory_space<vmem>> -> memref<128x64xf32, #tpu.memory_space<vmem>>
    %dma_start3A_217 = arith.constant 0 : i32
    %dma_start3A_218 = tpu.memref_slice %arg8[%dma_start3A_212, %dma_start3A_217] : memref<80x128xi32, #tpu.memory_space<vmem>> -> memref<1x128xi32, #tpu.memory_space<vmem>>
    %dma_start3A_219 = tpu.memref_squeeze %dma_start3A_218 : memref<1x128xi32, #tpu.memory_space<vmem>> -> memref<128xi32, #tpu.memory_space<vmem>>
    %dma_start3A_220 = arith.constant 0 : i32
    %dma_start3A_221 = arith.constant 0 : i32
    %dma_start3A_222 = tpu.memref_slice %arg10[%dma_start3A_220, %dma_start3A_221] : memref<10240x64xf32, #tpu.memory_space<vmem_shared>> -> memref<10240x64xf32, #tpu.memory_space<vmem_shared>>
    tpu.enqueue_indirect_dma source(%dma_start3A_216 : memref<128x64xf32, #tpu.memory_space<vmem>>) target(%dma_start3A_222 : memref<10240x64xf32, #tpu.memory_space<vmem_shared>>) offsets(%dma_start3A_219 : memref<128xi32, #tpu.memory_space<vmem>>) semaphore(%arg23 : memref<!tpu.dma_semaphore, #tpu.memory_space<semaphore_mem>>) {add = true}
    %dma_wait3A_223 = arith.constant 5 : i32
    %dma_wait3A_224 = arith.constant 5 : i32
    %dma_wait3A_225 = arith.constant 0 : i32
    %dma_wait3A_226 = arith.constant 0 : i32
    %dma_wait3A_227 = tpu.memref_slice %arg9[%dma_wait3A_224, %dma_wait3A_225, %dma_wait3A_226] : memref<8x128x64xf32, #tpu.memory_space<vmem>> -> memref<1x128x64xf32, #tpu.memory_space<vmem>>
    %dma_wait3A_228 = tpu.memref_squeeze %dma_wait3A_227 : memref<1x128x64xf32, #tpu.memory_space<vmem>> -> memref<128x64xf32, #tpu.memory_space<vmem>>
    %dma_wait3A_229 = arith.constant 0 : i32
    %dma_wait3A_230 = tpu.memref_slice %arg7[%dma_wait3A_223, %dma_wait3A_229] : memref<80x128xi32, #tpu.memory_space<vmem>> -> memref<1x128xi32, #tpu.memory_space<vmem>>
    %dma_wait3A_231 = tpu.memref_squeeze %dma_wait3A_230 : memref<1x128xi32, #tpu.memory_space<vmem>> -> memref<128xi32, #tpu.memory_space<vmem>>
    %dma_wait3A_232 = arith.constant 0 : i32
    %dma_wait3A_233 = arith.constant 0 : i32
    %dma_wait3A_234 = tpu.memref_slice %arg2[%dma_wait3A_232, %dma_wait3A_233] : memref<10000x64xf32, #tpu.memory_space<hbm>> -> memref<10000x64xf32, #tpu.memory_space<hbm>>
    tpu.wait_indirect_dma semaphore(%arg16 : memref<!tpu.dma_semaphore, #tpu.memory_space<semaphore_mem>>) src(%dma_wait3A_234 : memref<10000x64xf32, #tpu.memory_space<hbm>>) dst(%dma_wait3A_228 : memref<128x64xf32, #tpu.memory_space<vmem>>)
    %dma_start3A_235 = arith.constant 5 : i32
    %dma_start3A_236 = arith.constant 77 : i32
    %dma_start3A_237 = arith.constant 0 : i32
    %dma_start3A_238 = arith.constant 0 : i32
    %dma_start3A_239 = tpu.memref_slice %arg9[%dma_start3A_235, %dma_start3A_237, %dma_start3A_238] : memref<8x128x64xf32, #tpu.memory_space<vmem>> -> memref<1x128x64xf32, #tpu.memory_space<vmem>>
    %dma_start3A_240 = tpu.memref_squeeze %dma_start3A_239 : memref<1x128x64xf32, #tpu.memory_space<vmem>> -> memref<128x64xf32, #tpu.memory_space<vmem>>
    %dma_start3A_241 = arith.constant 0 : i32
    %dma_start3A_242 = tpu.memref_slice %arg8[%dma_start3A_236, %dma_start3A_241] : memref<80x128xi32, #tpu.memory_space<vmem>> -> memref<1x128xi32, #tpu.memory_space<vmem>>
    %dma_start3A_243 = tpu.memref_squeeze %dma_start3A_242 : memref<1x128xi32, #tpu.memory_space<vmem>> -> memref<128xi32, #tpu.memory_space<vmem>>
    %dma_start3A_244 = arith.constant 0 : i32
    %dma_start3A_245 = arith.constant 0 : i32
    %dma_start3A_246 = tpu.memref_slice %arg10[%dma_start3A_244, %dma_start3A_245] : memref<10240x64xf32, #tpu.memory_space<vmem_shared>> -> memref<10240x64xf32, #tpu.memory_space<vmem_shared>>
    tpu.enqueue_indirect_dma source(%dma_start3A_240 : memref<128x64xf32, #tpu.memory_space<vmem>>) target(%dma_start3A_246 : memref<10240x64xf32, #tpu.memory_space<vmem_shared>>) offsets(%dma_start3A_243 : memref<128xi32, #tpu.memory_space<vmem>>) semaphore(%arg24 : memref<!tpu.dma_semaphore, #tpu.memory_space<semaphore_mem>>) {add = true}
    %dma_wait3A_247 = arith.constant 6 : i32
    %dma_wait3A_248 = arith.constant 6 : i32
    %dma_wait3A_249 = arith.constant 0 : i32
    %dma_wait3A_250 = arith.constant 0 : i32
    %dma_wait3A_251 = tpu.memref_slice %arg9[%dma_wait3A_248, %dma_wait3A_249, %dma_wait3A_250] : memref<8x128x64xf32, #tpu.memory_space<vmem>> -> memref<1x128x64xf32, #tpu.memory_space<vmem>>
    %dma_wait3A_252 = tpu.memref_squeeze %dma_wait3A_251 : memref<1x128x64xf32, #tpu.memory_space<vmem>> -> memref<128x64xf32, #tpu.memory_space<vmem>>
    %dma_wait3A_253 = arith.constant 0 : i32
    %dma_wait3A_254 = tpu.memref_slice %arg7[%dma_wait3A_247, %dma_wait3A_253] : memref<80x128xi32, #tpu.memory_space<vmem>> -> memref<1x128xi32, #tpu.memory_space<vmem>>
    %dma_wait3A_255 = tpu.memref_squeeze %dma_wait3A_254 : memref<1x128xi32, #tpu.memory_space<vmem>> -> memref<128xi32, #tpu.memory_space<vmem>>
    %dma_wait3A_256 = arith.constant 0 : i32
    %dma_wait3A_257 = arith.constant 0 : i32
    %dma_wait3A_258 = tpu.memref_slice %arg2[%dma_wait3A_256, %dma_wait3A_257] : memref<10000x64xf32, #tpu.memory_space<hbm>> -> memref<10000x64xf32, #tpu.memory_space<hbm>>
    tpu.wait_indirect_dma semaphore(%arg17 : memref<!tpu.dma_semaphore, #tpu.memory_space<semaphore_mem>>) src(%dma_wait3A_258 : memref<10000x64xf32, #tpu.memory_space<hbm>>) dst(%dma_wait3A_252 : memref<128x64xf32, #tpu.memory_space<vmem>>)
    %dma_start3A_259 = arith.constant 6 : i32
    %dma_start3A_260 = arith.constant 78 : i32
    %dma_start3A_261 = arith.constant 0 : i32
    %dma_start3A_262 = arith.constant 0 : i32
    %dma_start3A_263 = tpu.memref_slice %arg9[%dma_start3A_259, %dma_start3A_261, %dma_start3A_262] : memref<8x128x64xf32, #tpu.memory_space<vmem>> -> memref<1x128x64xf32, #tpu.memory_space<vmem>>
    %dma_start3A_264 = tpu.memref_squeeze %dma_start3A_263 : memref<1x128x64xf32, #tpu.memory_space<vmem>> -> memref<128x64xf32, #tpu.memory_space<vmem>>
    %dma_start3A_265 = arith.constant 0 : i32
    %dma_start3A_266 = tpu.memref_slice %arg8[%dma_start3A_260, %dma_start3A_265] : memref<80x128xi32, #tpu.memory_space<vmem>> -> memref<1x128xi32, #tpu.memory_space<vmem>>
    %dma_start3A_267 = tpu.memref_squeeze %dma_start3A_266 : memref<1x128xi32, #tpu.memory_space<vmem>> -> memref<128xi32, #tpu.memory_space<vmem>>
    %dma_start3A_268 = arith.constant 0 : i32
    %dma_start3A_269 = arith.constant 0 : i32
    %dma_start3A_270 = tpu.memref_slice %arg10[%dma_start3A_268, %dma_start3A_269] : memref<10240x64xf32, #tpu.memory_space<vmem_shared>> -> memref<10240x64xf32, #tpu.memory_space<vmem_shared>>
    tpu.enqueue_indirect_dma source(%dma_start3A_264 : memref<128x64xf32, #tpu.memory_space<vmem>>) target(%dma_start3A_270 : memref<10240x64xf32, #tpu.memory_space<vmem_shared>>) offsets(%dma_start3A_267 : memref<128xi32, #tpu.memory_space<vmem>>) semaphore(%arg25 : memref<!tpu.dma_semaphore, #tpu.memory_space<semaphore_mem>>) {add = true}
    %dma_wait3A_271 = arith.constant 7 : i32
    %dma_wait3A_272 = arith.constant 7 : i32
    %dma_wait3A_273 = arith.constant 0 : i32
    %dma_wait3A_274 = arith.constant 0 : i32
    %dma_wait3A_275 = tpu.memref_slice %arg9[%dma_wait3A_272, %dma_wait3A_273, %dma_wait3A_274] : memref<8x128x64xf32, #tpu.memory_space<vmem>> -> memref<1x128x64xf32, #tpu.memory_space<vmem>>
    %dma_wait3A_276 = tpu.memref_squeeze %dma_wait3A_275 : memref<1x128x64xf32, #tpu.memory_space<vmem>> -> memref<128x64xf32, #tpu.memory_space<vmem>>
    %dma_wait3A_277 = arith.constant 0 : i32
    %dma_wait3A_278 = tpu.memref_slice %arg7[%dma_wait3A_271, %dma_wait3A_277] : memref<80x128xi32, #tpu.memory_space<vmem>> -> memref<1x128xi32, #tpu.memory_space<vmem>>
    %dma_wait3A_279 = tpu.memref_squeeze %dma_wait3A_278 : memref<1x128xi32, #tpu.memory_space<vmem>> -> memref<128xi32, #tpu.memory_space<vmem>>
    %dma_wait3A_280 = arith.constant 0 : i32
    %dma_wait3A_281 = arith.constant 0 : i32
    %dma_wait3A_282 = tpu.memref_slice %arg2[%dma_wait3A_280, %dma_wait3A_281] : memref<10000x64xf32, #tpu.memory_space<hbm>> -> memref<10000x64xf32, #tpu.memory_space<hbm>>
    tpu.wait_indirect_dma semaphore(%arg18 : memref<!tpu.dma_semaphore, #tpu.memory_space<semaphore_mem>>) src(%dma_wait3A_282 : memref<10000x64xf32, #tpu.memory_space<hbm>>) dst(%dma_wait3A_276 : memref<128x64xf32, #tpu.memory_space<vmem>>)
    %dma_start3A_283 = arith.constant 7 : i32
    %dma_start3A_284 = arith.constant 79 : i32
    %dma_start3A_285 = arith.constant 0 : i32
    %dma_start3A_286 = arith.constant 0 : i32
    %dma_start3A_287 = tpu.memref_slice %arg9[%dma_start3A_283, %dma_start3A_285, %dma_start3A_286] : memref<8x128x64xf32, #tpu.memory_space<vmem>> -> memref<1x128x64xf32, #tpu.memory_space<vmem>>
    %dma_start3A_288 = tpu.memref_squeeze %dma_start3A_287 : memref<1x128x64xf32, #tpu.memory_space<vmem>> -> memref<128x64xf32, #tpu.memory_space<vmem>>
    %dma_start3A_289 = arith.constant 0 : i32
    %dma_start3A_290 = tpu.memref_slice %arg8[%dma_start3A_284, %dma_start3A_289] : memref<80x128xi32, #tpu.memory_space<vmem>> -> memref<1x128xi32, #tpu.memory_space<vmem>>
    %dma_start3A_291 = tpu.memref_squeeze %dma_start3A_290 : memref<1x128xi32, #tpu.memory_space<vmem>> -> memref<128xi32, #tpu.memory_space<vmem>>
    %dma_start3A_292 = arith.constant 0 : i32
    %dma_start3A_293 = arith.constant 0 : i32
    %dma_start3A_294 = tpu.memref_slice %arg10[%dma_start3A_292, %dma_start3A_293] : memref<10240x64xf32, #tpu.memory_space<vmem_shared>> -> memref<10240x64xf32, #tpu.memory_space<vmem_shared>>
    tpu.enqueue_indirect_dma source(%dma_start3A_288 : memref<128x64xf32, #tpu.memory_space<vmem>>) target(%dma_start3A_294 : memref<10240x64xf32, #tpu.memory_space<vmem_shared>>) offsets(%dma_start3A_291 : memref<128xi32, #tpu.memory_space<vmem>>) semaphore(%arg26 : memref<!tpu.dma_semaphore, #tpu.memory_space<semaphore_mem>>) {add = true}
    %dma_wait3A_295 = arith.constant 0 : i32
    %dma_wait3A_296 = arith.constant 0 : i32
    %dma_wait3A_297 = arith.constant 0 : i32
    %dma_wait3A_298 = arith.constant 0 : i32
    %dma_wait3A_299 = tpu.memref_slice %arg9[%dma_wait3A_295, %dma_wait3A_297, %dma_wait3A_298] : memref<8x128x64xf32, #tpu.memory_space<vmem>> -> memref<1x128x64xf32, #tpu.memory_space<vmem>>
    %dma_wait3A_300 = tpu.memref_squeeze %dma_wait3A_299 : memref<1x128x64xf32, #tpu.memory_space<vmem>> -> memref<128x64xf32, #tpu.memory_space<vmem>>
    %dma_wait3A_301 = arith.constant 0 : i32
    %dma_wait3A_302 = tpu.memref_slice %arg8[%dma_wait3A_296, %dma_wait3A_301] : memref<80x128xi32, #tpu.memory_space<vmem>> -> memref<1x128xi32, #tpu.memory_space<vmem>>
    %dma_wait3A_303 = tpu.memref_squeeze %dma_wait3A_302 : memref<1x128xi32, #tpu.memory_space<vmem>> -> memref<128xi32, #tpu.memory_space<vmem>>
    %dma_wait3A_304 = arith.constant 0 : i32
    %dma_wait3A_305 = arith.constant 0 : i32
    %dma_wait3A_306 = tpu.memref_slice %arg10[%dma_wait3A_304, %dma_wait3A_305] : memref<10240x64xf32, #tpu.memory_space<vmem_shared>> -> memref<10240x64xf32, #tpu.memory_space<vmem_shared>>
    tpu.wait_indirect_dma semaphore(%arg19 : memref<!tpu.dma_semaphore, #tpu.memory_space<semaphore_mem>>) src(%dma_wait3A_300 : memref<128x64xf32, #tpu.memory_space<vmem>>) dst(%dma_wait3A_306 : memref<10240x64xf32, #tpu.memory_space<vmem_shared>>)
    %dma_wait3A_307 = arith.constant 1 : i32
    %dma_wait3A_308 = arith.constant 0 : i32
    %dma_wait3A_309 = arith.constant 0 : i32
    %dma_wait3A_310 = arith.constant 0 : i32
    %dma_wait3A_311 = tpu.memref_slice %arg9[%dma_wait3A_307, %dma_wait3A_309, %dma_wait3A_310] : memref<8x128x64xf32, #tpu.memory_space<vmem>> -> memref<1x128x64xf32, #tpu.memory_space<vmem>>
    %dma_wait3A_312 = tpu.memref_squeeze %dma_wait3A_311 : memref<1x128x64xf32, #tpu.memory_space<vmem>> -> memref<128x64xf32, #tpu.memory_space<vmem>>
    %dma_wait3A_313 = arith.constant 0 : i32
    %dma_wait3A_314 = tpu.memref_slice %arg8[%dma_wait3A_308, %dma_wait3A_313] : memref<80x128xi32, #tpu.memory_space<vmem>> -> memref<1x128xi32, #tpu.memory_space<vmem>>
    %dma_wait3A_315 = tpu.memref_squeeze %dma_wait3A_314 : memref<1x128xi32, #tpu.memory_space<vmem>> -> memref<128xi32, #tpu.memory_space<vmem>>
    %dma_wait3A_316 = arith.constant 0 : i32
    %dma_wait3A_317 = arith.constant 0 : i32
    %dma_wait3A_318 = tpu.memref_slice %arg10[%dma_wait3A_316, %dma_wait3A_317] : memref<10240x64xf32, #tpu.memory_space<vmem_shared>> -> memref<10240x64xf32, #tpu.memory_space<vmem_shared>>
    tpu.wait_indirect_dma semaphore(%arg20 : memref<!tpu.dma_semaphore, #tpu.memory_space<semaphore_mem>>) src(%dma_wait3A_312 : memref<128x64xf32, #tpu.memory_space<vmem>>) dst(%dma_wait3A_318 : memref<10240x64xf32, #tpu.memory_space<vmem_shared>>)
    %dma_wait3A_319 = arith.constant 2 : i32
    %dma_wait3A_320 = arith.constant 0 : i32
    %dma_wait3A_321 = arith.constant 0 : i32
    %dma_wait3A_322 = arith.constant 0 : i32
    %dma_wait3A_323 = tpu.memref_slice %arg9[%dma_wait3A_319, %dma_wait3A_321, %dma_wait3A_322] : memref<8x128x64xf32, #tpu.memory_space<vmem>> -> memref<1x128x64xf32, #tpu.memory_space<vmem>>
    %dma_wait3A_324 = tpu.memref_squeeze %dma_wait3A_323 : memref<1x128x64xf32, #tpu.memory_space<vmem>> -> memref<128x64xf32, #tpu.memory_space<vmem>>
    %dma_wait3A_325 = arith.constant 0 : i32
    %dma_wait3A_326 = tpu.memref_slice %arg8[%dma_wait3A_320, %dma_wait3A_325] : memref<80x128xi32, #tpu.memory_space<vmem>> -> memref<1x128xi32, #tpu.memory_space<vmem>>
    %dma_wait3A_327 = tpu.memref_squeeze %dma_wait3A_326 : memref<1x128xi32, #tpu.memory_space<vmem>> -> memref<128xi32, #tpu.memory_space<vmem>>
    %dma_wait3A_328 = arith.constant 0 : i32
    %dma_wait3A_329 = arith.constant 0 : i32
    %dma_wait3A_330 = tpu.memref_slice %arg10[%dma_wait3A_328, %dma_wait3A_329] : memref<10240x64xf32, #tpu.memory_space<vmem_shared>> -> memref<10240x64xf32, #tpu.memory_space<vmem_shared>>
    tpu.wait_indirect_dma semaphore(%arg21 : memref<!tpu.dma_semaphore, #tpu.memory_space<semaphore_mem>>) src(%dma_wait3A_324 : memref<128x64xf32, #tpu.memory_space<vmem>>) dst(%dma_wait3A_330 : memref<10240x64xf32, #tpu.memory_space<vmem_shared>>)
    %dma_wait3A_331 = arith.constant 3 : i32
    %dma_wait3A_332 = arith.constant 0 : i32
    %dma_wait3A_333 = arith.constant 0 : i32
    %dma_wait3A_334 = arith.constant 0 : i32
    %dma_wait3A_335 = tpu.memref_slice %arg9[%dma_wait3A_331, %dma_wait3A_333, %dma_wait3A_334] : memref<8x128x64xf32, #tpu.memory_space<vmem>> -> memref<1x128x64xf32, #tpu.memory_space<vmem>>
    %dma_wait3A_336 = tpu.memref_squeeze %dma_wait3A_335 : memref<1x128x64xf32, #tpu.memory_space<vmem>> -> memref<128x64xf32, #tpu.memory_space<vmem>>
    %dma_wait3A_337 = arith.constant 0 : i32
    %dma_wait3A_338 = tpu.memref_slice %arg8[%dma_wait3A_332, %dma_wait3A_337] : memref<80x128xi32, #tpu.memory_space<vmem>> -> memref<1x128xi32, #tpu.memory_space<vmem>>
    %dma_wait3A_339 = tpu.memref_squeeze %dma_wait3A_338 : memref<1x128xi32, #tpu.memory_space<vmem>> -> memref<128xi32, #tpu.memory_space<vmem>>
    %dma_wait3A_340 = arith.constant 0 : i32
    %dma_wait3A_341 = arith.constant 0 : i32
    %dma_wait3A_342 = tpu.memref_slice %arg10[%dma_wait3A_340, %dma_wait3A_341] : memref<10240x64xf32, #tpu.memory_space<vmem_shared>> -> memref<10240x64xf32, #tpu.memory_space<vmem_shared>>
    tpu.wait_indirect_dma semaphore(%arg22 : memref<!tpu.dma_semaphore, #tpu.memory_space<semaphore_mem>>) src(%dma_wait3A_336 : memref<128x64xf32, #tpu.memory_space<vmem>>) dst(%dma_wait3A_342 : memref<10240x64xf32, #tpu.memory_space<vmem_shared>>)
    %dma_wait3A_343 = arith.constant 4 : i32
    %dma_wait3A_344 = arith.constant 0 : i32
    %dma_wait3A_345 = arith.constant 0 : i32
    %dma_wait3A_346 = arith.constant 0 : i32
    %dma_wait3A_347 = tpu.memref_slice %arg9[%dma_wait3A_343, %dma_wait3A_345, %dma_wait3A_346] : memref<8x128x64xf32, #tpu.memory_space<vmem>> -> memref<1x128x64xf32, #tpu.memory_space<vmem>>
    %dma_wait3A_348 = tpu.memref_squeeze %dma_wait3A_347 : memref<1x128x64xf32, #tpu.memory_space<vmem>> -> memref<128x64xf32, #tpu.memory_space<vmem>>
    %dma_wait3A_349 = arith.constant 0 : i32
    %dma_wait3A_350 = tpu.memref_slice %arg8[%dma_wait3A_344, %dma_wait3A_349] : memref<80x128xi32, #tpu.memory_space<vmem>> -> memref<1x128xi32, #tpu.memory_space<vmem>>
    %dma_wait3A_351 = tpu.memref_squeeze %dma_wait3A_350 : memref<1x128xi32, #tpu.memory_space<vmem>> -> memref<128xi32, #tpu.memory_space<vmem>>
    %dma_wait3A_352 = arith.constant 0 : i32
    %dma_wait3A_353 = arith.constant 0 : i32
    %dma_wait3A_354 = tpu.memref_slice %arg10[%dma_wait3A_352, %dma_wait3A_353] : memref<10240x64xf32, #tpu.memory_space<vmem_shared>> -> memref<10240x64xf32, #tpu.memory_space<vmem_shared>>
    tpu.wait_indirect_dma semaphore(%arg23 : memref<!tpu.dma_semaphore, #tpu.memory_space<semaphore_mem>>) src(%dma_wait3A_348 : memref<128x64xf32, #tpu.memory_space<vmem>>) dst(%dma_wait3A_354 : memref<10240x64xf32, #tpu.memory_space<vmem_shared>>)
    %dma_wait3A_355 = arith.constant 5 : i32
    %dma_wait3A_356 = arith.constant 0 : i32
    %dma_wait3A_357 = arith.constant 0 : i32
    %dma_wait3A_358 = arith.constant 0 : i32
    %dma_wait3A_359 = tpu.memref_slice %arg9[%dma_wait3A_355, %dma_wait3A_357, %dma_wait3A_358] : memref<8x128x64xf32, #tpu.memory_space<vmem>> -> memref<1x128x64xf32, #tpu.memory_space<vmem>>
    %dma_wait3A_360 = tpu.memref_squeeze %dma_wait3A_359 : memref<1x128x64xf32, #tpu.memory_space<vmem>> -> memref<128x64xf32, #tpu.memory_space<vmem>>
    %dma_wait3A_361 = arith.constant 0 : i32
    %dma_wait3A_362 = tpu.memref_slice %arg8[%dma_wait3A_356, %dma_wait3A_361] : memref<80x128xi32, #tpu.memory_space<vmem>> -> memref<1x128xi32, #tpu.memory_space<vmem>>
    %dma_wait3A_363 = tpu.memref_squeeze %dma_wait3A_362 : memref<1x128xi32, #tpu.memory_space<vmem>> -> memref<128xi32, #tpu.memory_space<vmem>>
    %dma_wait3A_364 = arith.constant 0 : i32
    %dma_wait3A_365 = arith.constant 0 : i32
    %dma_wait3A_366 = tpu.memref_slice %arg10[%dma_wait3A_364, %dma_wait3A_365] : memref<10240x64xf32, #tpu.memory_space<vmem_shared>> -> memref<10240x64xf32, #tpu.memory_space<vmem_shared>>
    tpu.wait_indirect_dma semaphore(%arg24 : memref<!tpu.dma_semaphore, #tpu.memory_space<semaphore_mem>>) src(%dma_wait3A_360 : memref<128x64xf32, #tpu.memory_space<vmem>>) dst(%dma_wait3A_366 : memref<10240x64xf32, #tpu.memory_space<vmem_shared>>)
    %dma_wait3A_367 = arith.constant 6 : i32
    %dma_wait3A_368 = arith.constant 0 : i32
    %dma_wait3A_369 = arith.constant 0 : i32
    %dma_wait3A_370 = arith.constant 0 : i32
    %dma_wait3A_371 = tpu.memref_slice %arg9[%dma_wait3A_367, %dma_wait3A_369, %dma_wait3A_370] : memref<8x128x64xf32, #tpu.memory_space<vmem>> -> memref<1x128x64xf32, #tpu.memory_space<vmem>>
    %dma_wait3A_372 = tpu.memref_squeeze %dma_wait3A_371 : memref<1x128x64xf32, #tpu.memory_space<vmem>> -> memref<128x64xf32, #tpu.memory_space<vmem>>
    %dma_wait3A_373 = arith.constant 0 : i32
    %dma_wait3A_374 = tpu.memref_slice %arg8[%dma_wait3A_368, %dma_wait3A_373] : memref<80x128xi32, #tpu.memory_space<vmem>> -> memref<1x128xi32, #tpu.memory_space<vmem>>
    %dma_wait3A_375 = tpu.memref_squeeze %dma_wait3A_374 : memref<1x128xi32, #tpu.memory_space<vmem>> -> memref<128xi32, #tpu.memory_space<vmem>>
    %dma_wait3A_376 = arith.constant 0 : i32
    %dma_wait3A_377 = arith.constant 0 : i32
    %dma_wait3A_378 = tpu.memref_slice %arg10[%dma_wait3A_376, %dma_wait3A_377] : memref<10240x64xf32, #tpu.memory_space<vmem_shared>> -> memref<10240x64xf32, #tpu.memory_space<vmem_shared>>
    tpu.wait_indirect_dma semaphore(%arg25 : memref<!tpu.dma_semaphore, #tpu.memory_space<semaphore_mem>>) src(%dma_wait3A_372 : memref<128x64xf32, #tpu.memory_space<vmem>>) dst(%dma_wait3A_378 : memref<10240x64xf32, #tpu.memory_space<vmem_shared>>)
    %dma_wait3A_379 = arith.constant 7 : i32
    %dma_wait3A_380 = arith.constant 0 : i32
    %dma_wait3A_381 = arith.constant 0 : i32
    %dma_wait3A_382 = arith.constant 0 : i32
    %dma_wait3A_383 = tpu.memref_slice %arg9[%dma_wait3A_379, %dma_wait3A_381, %dma_wait3A_382] : memref<8x128x64xf32, #tpu.memory_space<vmem>> -> memref<1x128x64xf32, #tpu.memory_space<vmem>>
    %dma_wait3A_384 = tpu.memref_squeeze %dma_wait3A_383 : memref<1x128x64xf32, #tpu.memory_space<vmem>> -> memref<128x64xf32, #tpu.memory_space<vmem>>
    %dma_wait3A_385 = arith.constant 0 : i32
    %dma_wait3A_386 = tpu.memref_slice %arg8[%dma_wait3A_380, %dma_wait3A_385] : memref<80x128xi32, #tpu.memory_space<vmem>> -> memref<1x128xi32, #tpu.memory_space<vmem>>
    %dma_wait3A_387 = tpu.memref_squeeze %dma_wait3A_386 : memref<1x128xi32, #tpu.memory_space<vmem>> -> memref<128xi32, #tpu.memory_space<vmem>>
    %dma_wait3A_388 = arith.constant 0 : i32
    %dma_wait3A_389 = arith.constant 0 : i32
    %dma_wait3A_390 = tpu.memref_slice %arg10[%dma_wait3A_388, %dma_wait3A_389] : memref<10240x64xf32, #tpu.memory_space<vmem_shared>> -> memref<10240x64xf32, #tpu.memory_space<vmem_shared>>
    tpu.wait_indirect_dma semaphore(%arg26 : memref<!tpu.dma_semaphore, #tpu.memory_space<semaphore_mem>>) src(%dma_wait3A_384 : memref<128x64xf32, #tpu.memory_space<vmem>>) dst(%dma_wait3A_390 : memref<10240x64xf32, #tpu.memory_space<vmem_shared>>)
    %barrier3A_391 = arith.constant 0 : index
    tpu.barrier barrier_id(%barrier3A_391)
    %mul3A_392 = arith.constant 640 : i32
    %mul3A_393 = arith.muli %arg1, %mul3A_392 : i32
    %mul3A_394 = arith.constant 640 : i32
    %mul3A_395 = arith.muli %arg1, %mul3A_394 : i32
    "tpu.region"() ({
      %run_scoped3A = tpu.sem_alloc : memref<!tpu.dma_semaphore, #tpu.memory_space<semaphore_mem>>
      %dma_start3A_396 = arith.constant 0 : i32
      %dma_start3A_397 = tpu.memref_slice %arg6[%arg0, %mul3A_395, %dma_start3A_396] : memref<2x10240x64xf32, #tpu.memory_space<hbm>> -> memref<1x640x64xf32, #tpu.memory_space<hbm>>
      %dma_start3A_398 = tpu.memref_squeeze %dma_start3A_397 : memref<1x640x64xf32, #tpu.memory_space<hbm>> -> memref<640x64xf32, #tpu.memory_space<hbm>>
      %dma_start3A_399 = arith.constant 0 : i32
      %dma_start3A_400 = tpu.memref_slice %arg10[%mul3A_393, %dma_start3A_399] : memref<10240x64xf32, #tpu.memory_space<vmem_shared>> -> memref<640x64xf32, #tpu.memory_space<vmem_shared>>
      tpu.enqueue_dma source(%dma_start3A_400 : memref<640x64xf32, #tpu.memory_space<vmem_shared>>) target(%dma_start3A_398 : memref<640x64xf32, #tpu.memory_space<hbm>>) target_semaphore(%run_scoped3A : memref<!tpu.dma_semaphore, #tpu.memory_space<semaphore_mem>>)
      %dma_wait3A_401 = arith.constant 0 : i32
      %dma_wait3A_402 = tpu.memref_slice %arg6[%arg0, %mul3A_395, %dma_wait3A_401] : memref<2x10240x64xf32, #tpu.memory_space<hbm>> -> memref<1x640x64xf32, #tpu.memory_space<hbm>>
      %dma_wait3A_403 = tpu.memref_squeeze %dma_wait3A_402 : memref<1x640x64xf32, #tpu.memory_space<hbm>> -> memref<640x64xf32, #tpu.memory_space<hbm>>
      %dma_wait3A_404 = arith.constant 0 : i32
      %dma_wait3A_405 = tpu.memref_slice %arg10[%mul3A_393, %dma_wait3A_404] : memref<10240x64xf32, #tpu.memory_space<vmem_shared>> -> memref<640x64xf32, #tpu.memory_space<vmem_shared>>
      tpu.wait_dma2 semaphore(%run_scoped3A : memref<!tpu.dma_semaphore, #tpu.memory_space<semaphore_mem>>) src(%dma_wait3A_405 : memref<640x64xf32, #tpu.memory_space<vmem_shared>>) dst(%dma_wait3A_403 : memref<640x64xf32, #tpu.memory_space<hbm>>)
      tpu.yield
    }) : () -> ()
    return
  }
}

module attributes {stable_mosaic.version = 14 : i64} {
  func.func @body(%arg0: memref<1250x128xf32, #tpu.memory_space<vmem>>, %arg1: memref<2x1280x128xf32, #tpu.memory_space<vmem>>, %arg2: memref<1250x128xf32, #tpu.memory_space<vmem>>, %arg3: memref<1250x128xf32, #tpu.memory_space<vmem>>) attributes {dimension_semantics = [], scalar_prefetch = 0 : i64, scratch_operands = 0 : i64, tpu.core_type = #tpu.core_type<tc>} {
    %get3A = arith.constant 0 : index
    %get3A_0 = arith.constant 0 : index
    %get3A_1 = arith.constant 0 : index
    %get3A_2 = vector.load %arg1[%get3A, %get3A_0, %get3A_1] : memref<2x1280x128xf32, #tpu.memory_space<vmem>>, vector<1x1250x128xf32>
    %get3A_3 = vector.shape_cast %get3A_2 : vector<1x1250x128xf32> to vector<1250x128xf32>
    %get3A_4 = arith.constant 1 : index
    %get3A_5 = arith.constant 0 : index
    %get3A_6 = arith.constant 0 : index
    %get3A_7 = vector.load %arg1[%get3A_4, %get3A_5, %get3A_6] : memref<2x1280x128xf32, #tpu.memory_space<vmem>>, vector<1x1250x128xf32>
    %get3A_8 = vector.shape_cast %get3A_7 : vector<1x1250x128xf32> to vector<1250x128xf32>
    %add3A = arith.addf %get3A_3, %get3A_8 : vector<1250x128xf32>
    %add3A_9 = arith.constant 1.000000e+00 : f32
    %add3A_10 = vector.broadcast %add3A_9 : f32 to vector<1250x128xf32>
    %add3A_11 = arith.addf %add3A, %add3A_10 : vector<1250x128xf32>
    %rsqrt3A = math.rsqrt %add3A_11 : vector<1250x128xf32>
    %swap3A = arith.constant 0 : index
    %swap3A_12 = arith.constant 0 : index
    %swap3A_13 = vector.load %arg3[%swap3A, %swap3A_12] : memref<1250x128xf32, #tpu.memory_space<vmem>>, vector<1250x128xf32>
    tpu.vector_store %arg3[%swap3A, %swap3A_12], %rsqrt3A {strides = array<i32>} : memref<1250x128xf32, #tpu.memory_space<vmem>>, vector<1250x128xf32>,
    %get3A_14 = arith.constant 0 : index
    %get3A_15 = arith.constant 0 : index
    %get3A_16 = vector.load %arg0[%get3A_14, %get3A_15] : memref<1250x128xf32, #tpu.memory_space<vmem>>, vector<1250x128xf32>
    %mul3A = arith.mulf %get3A_16, %rsqrt3A : vector<1250x128xf32>
    %swap3A_17 = arith.constant 0 : index
    %swap3A_18 = arith.constant 0 : index
    %swap3A_19 = vector.load %arg2[%swap3A_17, %swap3A_18] : memref<1250x128xf32, #tpu.memory_space<vmem>>, vector<1250x128xf32>
    tpu.vector_store %arg2[%swap3A_17, %swap3A_18], %mul3A {strides = array<i32>} : memref<1250x128xf32, #tpu.memory_space<vmem>>, vector<1250x128xf32>,
    return
  }
}

module attributes {stable_mosaic.version = 14 : i64} {
  func.func @body(%arg0: memref<1250x8x128xf32, #tpu.memory_space<vmem>>, %arg1: memref<128x16xf32, #tpu.memory_space<vmem>>, %arg2: memref<1250x128xf32, #tpu.memory_space<vmem>>) attributes {dimension_semantics = [], scalar_prefetch = 0 : i64, scratch_operands = 0 : i64, tpu.core_type = #tpu.core_type<tc>} {
    %get3A = arith.constant 0 : index
    %get3A_0 = arith.constant 0 : index
    %get3A_1 = arith.constant 0 : index
    %get3A_2 = vector.load %arg0[%get3A, %get3A_0, %get3A_1] : memref<1250x8x128xf32, #tpu.memory_space<vmem>>, vector<1250x1x128xf32>
    %get3A_3 = vector.shape_cast %get3A_2 : vector<1250x1x128xf32> to vector<1250x128xf32>
    %get3A_4 = arith.constant 0 : index
    %get3A_5 = arith.constant 0 : index
    %get3A_6 = vector.load %arg1[%get3A_4, %get3A_5] : memref<128x16xf32, #tpu.memory_space<vmem>>, vector<128x16xf32>
    %dot_general3A = arith.constant dense<0.000000e+00> : vector<1250x16xf32>
    %dot_general3A_7 = tpu.matmul %get3A_3, %get3A_6, %dot_general3A {dimension_numbers = #tpu.dot_dimension_numbers<[1], [0], [0], [1], [0, 0, 1, 1], [], []>, transpose_lhs_hint = false} : vector<1250x128xf32>, vector<128x16xf32>, vector<1250x16xf32> -> vector<1250x16xf32>
    %get3A_8 = arith.constant 0 : index
    %get3A_9 = arith.constant 1 : index
    %get3A_10 = arith.constant 0 : index
    %get3A_11 = vector.load %arg0[%get3A_8, %get3A_9, %get3A_10] : memref<1250x8x128xf32, #tpu.memory_space<vmem>>, vector<1250x1x128xf32>
    %get3A_12 = vector.shape_cast %get3A_11 : vector<1250x1x128xf32> to vector<1250x128xf32>
    %get3A_13 = arith.constant 0 : index
    %get3A_14 = arith.constant 0 : index
    %get3A_15 = vector.load %arg1[%get3A_13, %get3A_14] : memref<128x16xf32, #tpu.memory_space<vmem>>, vector<128x16xf32>
    %dot_general3A_16 = arith.constant dense<0.000000e+00> : vector<1250x16xf32>
    %dot_general3A_17 = tpu.matmul %get3A_12, %get3A_15, %dot_general3A_16 {dimension_numbers = #tpu.dot_dimension_numbers<[1], [0], [0], [1], [0, 0, 1, 1], [], []>, transpose_lhs_hint = false} : vector<1250x128xf32>, vector<128x16xf32>, vector<1250x16xf32> -> vector<1250x16xf32>
    %get3A_18 = arith.constant 0 : index
    %get3A_19 = arith.constant 2 : index
    %get3A_20 = arith.constant 0 : index
    %get3A_21 = vector.load %arg0[%get3A_18, %get3A_19, %get3A_20] : memref<1250x8x128xf32, #tpu.memory_space<vmem>>, vector<1250x1x128xf32>
    %get3A_22 = vector.shape_cast %get3A_21 : vector<1250x1x128xf32> to vector<1250x128xf32>
    %get3A_23 = arith.constant 0 : index
    %get3A_24 = arith.constant 0 : index
    %get3A_25 = vector.load %arg1[%get3A_23, %get3A_24] : memref<128x16xf32, #tpu.memory_space<vmem>>, vector<128x16xf32>
    %dot_general3A_26 = arith.constant dense<0.000000e+00> : vector<1250x16xf32>
    %dot_general3A_27 = tpu.matmul %get3A_22, %get3A_25, %dot_general3A_26 {dimension_numbers = #tpu.dot_dimension_numbers<[1], [0], [0], [1], [0, 0, 1, 1], [], []>, transpose_lhs_hint = false} : vector<1250x128xf32>, vector<128x16xf32>, vector<1250x16xf32> -> vector<1250x16xf32>
    %get3A_28 = arith.constant 0 : index
    %get3A_29 = arith.constant 3 : index
    %get3A_30 = arith.constant 0 : index
    %get3A_31 = vector.load %arg0[%get3A_28, %get3A_29, %get3A_30] : memref<1250x8x128xf32, #tpu.memory_space<vmem>>, vector<1250x1x128xf32>
    %get3A_32 = vector.shape_cast %get3A_31 : vector<1250x1x128xf32> to vector<1250x128xf32>
    %get3A_33 = arith.constant 0 : index
    %get3A_34 = arith.constant 0 : index
    %get3A_35 = vector.load %arg1[%get3A_33, %get3A_34] : memref<128x16xf32, #tpu.memory_space<vmem>>, vector<128x16xf32>
    %dot_general3A_36 = arith.constant dense<0.000000e+00> : vector<1250x16xf32>
    %dot_general3A_37 = tpu.matmul %get3A_32, %get3A_35, %dot_general3A_36 {dimension_numbers = #tpu.dot_dimension_numbers<[1], [0], [0], [1], [0, 0, 1, 1], [], []>, transpose_lhs_hint = false} : vector<1250x128xf32>, vector<128x16xf32>, vector<1250x16xf32> -> vector<1250x16xf32>
    %get3A_38 = arith.constant 0 : index
    %get3A_39 = arith.constant 4 : index
    %get3A_40 = arith.constant 0 : index
    %get3A_41 = vector.load %arg0[%get3A_38, %get3A_39, %get3A_40] : memref<1250x8x128xf32, #tpu.memory_space<vmem>>, vector<1250x1x128xf32>
    %get3A_42 = vector.shape_cast %get3A_41 : vector<1250x1x128xf32> to vector<1250x128xf32>
    %get3A_43 = arith.constant 0 : index
    %get3A_44 = arith.constant 0 : index
    %get3A_45 = vector.load %arg1[%get3A_43, %get3A_44] : memref<128x16xf32, #tpu.memory_space<vmem>>, vector<128x16xf32>
    %dot_general3A_46 = arith.constant dense<0.000000e+00> : vector<1250x16xf32>
    %dot_general3A_47 = tpu.matmul %get3A_42, %get3A_45, %dot_general3A_46 {dimension_numbers = #tpu.dot_dimension_numbers<[1], [0], [0], [1], [0, 0, 1, 1], [], []>, transpose_lhs_hint = false} : vector<1250x128xf32>, vector<128x16xf32>, vector<1250x16xf32> -> vector<1250x16xf32>
    %get3A_48 = arith.constant 0 : index
    %get3A_49 = arith.constant 5 : index
    %get3A_50 = arith.constant 0 : index
    %get3A_51 = vector.load %arg0[%get3A_48, %get3A_49, %get3A_50] : memref<1250x8x128xf32, #tpu.memory_space<vmem>>, vector<1250x1x128xf32>
    %get3A_52 = vector.shape_cast %get3A_51 : vector<1250x1x128xf32> to vector<1250x128xf32>
    %get3A_53 = arith.constant 0 : index
    %get3A_54 = arith.constant 0 : index
    %get3A_55 = vector.load %arg1[%get3A_53, %get3A_54] : memref<128x16xf32, #tpu.memory_space<vmem>>, vector<128x16xf32>
    %dot_general3A_56 = arith.constant dense<0.000000e+00> : vector<1250x16xf32>
    %dot_general3A_57 = tpu.matmul %get3A_52, %get3A_55, %dot_general3A_56 {dimension_numbers = #tpu.dot_dimension_numbers<[1], [0], [0], [1], [0, 0, 1, 1], [], []>, transpose_lhs_hint = false} : vector<1250x128xf32>, vector<128x16xf32>, vector<1250x16xf32> -> vector<1250x16xf32>
    %get3A_58 = arith.constant 0 : index
    %get3A_59 = arith.constant 6 : index
    %get3A_60 = arith.constant 0 : index
    %get3A_61 = vector.load %arg0[%get3A_58, %get3A_59, %get3A_60] : memref<1250x8x128xf32, #tpu.memory_space<vmem>>, vector<1250x1x128xf32>
    %get3A_62 = vector.shape_cast %get3A_61 : vector<1250x1x128xf32> to vector<1250x128xf32>
    %get3A_63 = arith.constant 0 : index
    %get3A_64 = arith.constant 0 : index
    %get3A_65 = vector.load %arg1[%get3A_63, %get3A_64] : memref<128x16xf32, #tpu.memory_space<vmem>>, vector<128x16xf32>
    %dot_general3A_66 = arith.constant dense<0.000000e+00> : vector<1250x16xf32>
    %dot_general3A_67 = tpu.matmul %get3A_62, %get3A_65, %dot_general3A_66 {dimension_numbers = #tpu.dot_dimension_numbers<[1], [0], [0], [1], [0, 0, 1, 1], [], []>, transpose_lhs_hint = false} : vector<1250x128xf32>, vector<128x16xf32>, vector<1250x16xf32> -> vector<1250x16xf32>
    %get3A_68 = arith.constant 0 : index
    %get3A_69 = arith.constant 7 : index
    %get3A_70 = arith.constant 0 : index
    %get3A_71 = vector.load %arg0[%get3A_68, %get3A_69, %get3A_70] : memref<1250x8x128xf32, #tpu.memory_space<vmem>>, vector<1250x1x128xf32>
    %get3A_72 = vector.shape_cast %get3A_71 : vector<1250x1x128xf32> to vector<1250x128xf32>
    %get3A_73 = arith.constant 0 : index
    %get3A_74 = arith.constant 0 : index
    %get3A_75 = vector.load %arg1[%get3A_73, %get3A_74] : memref<128x16xf32, #tpu.memory_space<vmem>>, vector<128x16xf32>
    %dot_general3A_76 = arith.constant dense<0.000000e+00> : vector<1250x16xf32>
    %dot_general3A_77 = tpu.matmul %get3A_72, %get3A_75, %dot_general3A_76 {dimension_numbers = #tpu.dot_dimension_numbers<[1], [0], [0], [1], [0, 0, 1, 1], [], []>, transpose_lhs_hint = false} : vector<1250x128xf32>, vector<128x16xf32>, vector<1250x16xf32> -> vector<1250x16xf32>
    %concatenate3A = tpu.concatenate %dot_general3A_7, %dot_general3A_17, %dot_general3A_27, %dot_general3A_37, %dot_general3A_47, %dot_general3A_57, %dot_general3A_67, %dot_general3A_77 in 1 : vector<1250x16xf32>, vector<1250x16xf32>, vector<1250x16xf32>, vector<1250x16xf32>, vector<1250x16xf32>, vector<1250x16xf32>, vector<1250x16xf32>, vector<1250x16xf32> -> vector<1250x128xf32>
    %swap3A = arith.constant 0 : index
    %swap3A_78 = arith.constant 0 : index
    %swap3A_79 = vector.load %arg2[%swap3A, %swap3A_78] : memref<1250x128xf32, #tpu.memory_space<vmem>>, vector<1250x128xf32>
    tpu.vector_store %arg2[%swap3A, %swap3A_78], %concatenate3A {strides = array<i32>} : memref<1250x128xf32, #tpu.memory_space<vmem>>, vector<1250x128xf32>,
    return
  }
}

module attributes {stable_mosaic.version = 14 : i64} {
  func.func @body(%arg0: memref<2x1280x128xf32, #tpu.memory_space<vmem>>, %arg1: memref<1250x128xf32, #tpu.memory_space<vmem>>, %arg2: memref<1250x128xf32, #tpu.memory_space<vmem>>, %arg3: memref<1x128xf32, #tpu.memory_space<vmem>>, %arg4: memref<128x256xf32, #tpu.memory_space<vmem>>, %arg5: memref<128x256xf32, #tpu.memory_space<vmem>>, %arg6: memref<1250x256xf32, #tpu.memory_space<vmem>>, %arg7: memref<1250x256xf32, #tpu.memory_space<vmem>>) attributes {dimension_semantics = [], scalar_prefetch = 0 : i64, scratch_operands = 0 : i64, tpu.core_type = #tpu.core_type<tc>} {
    %get3A = arith.constant 0 : index
    %get3A_0 = arith.constant 0 : index
    %get3A_1 = vector.load %arg2[%get3A, %get3A_0] : memref<1250x128xf32, #tpu.memory_space<vmem>>, vector<1250x128xf32>
    %get3A_2 = arith.constant 0 : index
    %get3A_3 = arith.constant 0 : index
    %get3A_4 = arith.constant 0 : index
    %get3A_5 = vector.load %arg0[%get3A_2, %get3A_3, %get3A_4] : memref<2x1280x128xf32, #tpu.memory_space<vmem>>, vector<1x1250x128xf32>
    %get3A_6 = vector.shape_cast %get3A_5 : vector<1x1250x128xf32> to vector<1250x128xf32>
    %get3A_7 = arith.constant 1 : index
    %get3A_8 = arith.constant 0 : index
    %get3A_9 = arith.constant 0 : index
    %get3A_10 = vector.load %arg0[%get3A_7, %get3A_8, %get3A_9] : memref<2x1280x128xf32, #tpu.memory_space<vmem>>, vector<1x1250x128xf32>
    %get3A_11 = vector.shape_cast %get3A_10 : vector<1x1250x128xf32> to vector<1250x128xf32>
    %add3A = arith.addf %get3A_6, %get3A_11 : vector<1250x128xf32>
    %get3A_12 = arith.constant 0 : index
    %get3A_13 = arith.constant 0 : index
    %get3A_14 = vector.load %arg1[%get3A_12, %get3A_13] : memref<1250x128xf32, #tpu.memory_space<vmem>>, vector<1250x128xf32>
    %add3A_15 = arith.addf %add3A, %get3A_14 : vector<1250x128xf32>
    %mul3A = arith.mulf %get3A_1, %add3A_15 : vector<1250x128xf32>
    %get3A_16 = arith.constant 0 : index
    %get3A_17 = arith.constant 0 : index
    %get3A_18 = vector.load %arg3[%get3A_16, %get3A_17] : memref<1x128xf32, #tpu.memory_space<vmem>>, vector<1x128xf32>
    %add3A_19 = vector.broadcast %get3A_18 : vector<1x128xf32> to vector<1250x128xf32>
    %add3A_20 = arith.addf %mul3A, %add3A_19 : vector<1250x128xf32>
    %max3A = arith.constant 0.000000e+00 : f32
    %max3A_21 = vector.broadcast %max3A : f32 to vector<1250x128xf32>
    %max3A_22 = arith.maximumf %add3A_20, %max3A_21 : vector<1250x128xf32>
    %get3A_23 = arith.constant 0 : index
    %get3A_24 = arith.constant 0 : index
    %get3A_25 = vector.load %arg5[%get3A_23, %get3A_24] : memref<128x256xf32, #tpu.memory_space<vmem>>, vector<128x256xf32>
    %dot_general3A = arith.constant dense<0.000000e+00> : vector<1250x256xf32>
    %dot_general3A_26 = tpu.matmul %get3A_1, %get3A_25, %dot_general3A {dimension_numbers = #tpu.dot_dimension_numbers<[1], [0], [0], [1], [0, 0, 1, 1], [], []>, precision = #tpu.contract_precision<fp32>, transpose_lhs_hint = false} : vector<1250x128xf32>, vector<128x256xf32>, vector<1250x256xf32> -> vector<1250x256xf32>
    %swap3A = arith.constant 0 : index
    %swap3A_27 = arith.constant 0 : index
    %swap3A_28 = vector.load %arg7[%swap3A, %swap3A_27] : memref<1250x256xf32, #tpu.memory_space<vmem>>, vector<1250x256xf32>
    tpu.vector_store %arg7[%swap3A, %swap3A_27], %dot_general3A_26 {strides = array<i32>} : memref<1250x256xf32, #tpu.memory_space<vmem>>, vector<1250x256xf32>,
    %get3A_29 = arith.constant 0 : index
    %get3A_30 = arith.constant 0 : index
    %get3A_31 = vector.load %arg4[%get3A_29, %get3A_30] : memref<128x256xf32, #tpu.memory_space<vmem>>, vector<128x256xf32>
    %dot_general3A_32 = arith.constant dense<0.000000e+00> : vector<1250x256xf32>
    %dot_general3A_33 = tpu.matmul %max3A_22, %get3A_31, %dot_general3A_32 {dimension_numbers = #tpu.dot_dimension_numbers<[1], [0], [0], [1], [0, 0, 1, 1], [], []>, transpose_lhs_hint = false} : vector<1250x128xf32>, vector<128x256xf32>, vector<1250x256xf32> -> vector<1250x256xf32>
    %mul3A_34 = arith.mulf %dot_general3A_33, %dot_general3A_26 : vector<1250x256xf32>
    %swap3A_35 = arith.constant 0 : index
    %swap3A_36 = arith.constant 0 : index
    %swap3A_37 = vector.load %arg6[%swap3A_35, %swap3A_36] : memref<1250x256xf32, #tpu.memory_space<vmem>>, vector<1250x256xf32>
    tpu.vector_store %arg6[%swap3A_35, %swap3A_36], %mul3A_34 {strides = array<i32>} : memref<1250x256xf32, #tpu.memory_space<vmem>>, vector<1250x256xf32>,
    return
  }
}

module attributes {stable_mosaic.version = 14 : i64} {
  func.func @body(%arg0: memref<2x2560x128xf32, #tpu.memory_space<vmem>>, %arg1: memref<2500x128xf32, #tpu.memory_space<vmem>>, %arg2: memref<2500x128xf32, #tpu.memory_space<vmem>>, %arg3: memref<1x128xf32, #tpu.memory_space<vmem>>, %arg4: memref<128x256xf32, #tpu.memory_space<vmem>>, %arg5: memref<128x256xf32, #tpu.memory_space<vmem>>, %arg6: memref<2500x256xf32, #tpu.memory_space<vmem>>, %arg7: memref<2500x256xf32, #tpu.memory_space<vmem>>) attributes {dimension_semantics = [], scalar_prefetch = 0 : i64, scratch_operands = 0 : i64, tpu.core_type = #tpu.core_type<tc>} {
    %get3A = arith.constant 0 : index
    %get3A_0 = arith.constant 0 : index
    %get3A_1 = vector.load %arg2[%get3A, %get3A_0] : memref<2500x128xf32, #tpu.memory_space<vmem>>, vector<2500x128xf32>
    %get3A_2 = arith.constant 0 : index
    %get3A_3 = arith.constant 0 : index
    %get3A_4 = arith.constant 0 : index
    %get3A_5 = vector.load %arg0[%get3A_2, %get3A_3, %get3A_4] : memref<2x2560x128xf32, #tpu.memory_space<vmem>>, vector<1x2500x128xf32>
    %get3A_6 = vector.shape_cast %get3A_5 : vector<1x2500x128xf32> to vector<2500x128xf32>
    %get3A_7 = arith.constant 1 : index
    %get3A_8 = arith.constant 0 : index
    %get3A_9 = arith.constant 0 : index
    %get3A_10 = vector.load %arg0[%get3A_7, %get3A_8, %get3A_9] : memref<2x2560x128xf32, #tpu.memory_space<vmem>>, vector<1x2500x128xf32>
    %get3A_11 = vector.shape_cast %get3A_10 : vector<1x2500x128xf32> to vector<2500x128xf32>
    %add3A = arith.addf %get3A_6, %get3A_11 : vector<2500x128xf32>
    %get3A_12 = arith.constant 0 : index
    %get3A_13 = arith.constant 0 : index
    %get3A_14 = vector.load %arg1[%get3A_12, %get3A_13] : memref<2500x128xf32, #tpu.memory_space<vmem>>, vector<2500x128xf32>
    %add3A_15 = arith.addf %add3A, %get3A_14 : vector<2500x128xf32>
    %mul3A = arith.mulf %get3A_1, %add3A_15 : vector<2500x128xf32>
    %get3A_16 = arith.constant 0 : index
    %get3A_17 = arith.constant 0 : index
    %get3A_18 = vector.load %arg3[%get3A_16, %get3A_17] : memref<1x128xf32, #tpu.memory_space<vmem>>, vector<1x128xf32>
    %add3A_19 = vector.broadcast %get3A_18 : vector<1x128xf32> to vector<2500x128xf32>
    %add3A_20 = arith.addf %mul3A, %add3A_19 : vector<2500x128xf32>
    %max3A = arith.constant 0.000000e+00 : f32
    %max3A_21 = vector.broadcast %max3A : f32 to vector<2500x128xf32>
    %max3A_22 = arith.maximumf %add3A_20, %max3A_21 : vector<2500x128xf32>
    %get3A_23 = arith.constant 0 : index
    %get3A_24 = arith.constant 0 : index
    %get3A_25 = vector.load %arg5[%get3A_23, %get3A_24] : memref<128x256xf32, #tpu.memory_space<vmem>>, vector<128x256xf32>
    %dot_general3A = arith.constant dense<0.000000e+00> : vector<2500x256xf32>
    %dot_general3A_26 = tpu.matmul %get3A_1, %get3A_25, %dot_general3A {dimension_numbers = #tpu.dot_dimension_numbers<[1], [0], [0], [1], [0, 0, 1, 1], [], []>, precision = #tpu.contract_precision<fp32>, transpose_lhs_hint = false} : vector<2500x128xf32>, vector<128x256xf32>, vector<2500x256xf32> -> vector<2500x256xf32>
    %swap3A = arith.constant 0 : index
    %swap3A_27 = arith.constant 0 : index
    %swap3A_28 = vector.load %arg7[%swap3A, %swap3A_27] : memref<2500x256xf32, #tpu.memory_space<vmem>>, vector<2500x256xf32>
    tpu.vector_store %arg7[%swap3A, %swap3A_27], %dot_general3A_26 {strides = array<i32>} : memref<2500x256xf32, #tpu.memory_space<vmem>>, vector<2500x256xf32>,
    %get3A_29 = arith.constant 0 : index
    %get3A_30 = arith.constant 0 : index
    %get3A_31 = vector.load %arg4[%get3A_29, %get3A_30] : memref<128x256xf32, #tpu.memory_space<vmem>>, vector<128x256xf32>
    %dot_general3A_32 = arith.constant dense<0.000000e+00> : vector<2500x256xf32>
    %dot_general3A_33 = tpu.matmul %max3A_22, %get3A_31, %dot_general3A_32 {dimension_numbers = #tpu.dot_dimension_numbers<[1], [0], [0], [1], [0, 0, 1, 1], [], []>, transpose_lhs_hint = false} : vector<2500x128xf32>, vector<128x256xf32>, vector<2500x256xf32> -> vector<2500x256xf32>
    %mul3A_34 = arith.mulf %dot_general3A_33, %dot_general3A_26 : vector<2500x256xf32>
    %swap3A_35 = arith.constant 0 : index
    %swap3A_36 = arith.constant 0 : index
    %swap3A_37 = vector.load %arg6[%swap3A_35, %swap3A_36] : memref<2500x256xf32, #tpu.memory_space<vmem>>, vector<2500x256xf32>
    tpu.vector_store %arg6[%swap3A_35, %swap3A_36], %mul3A_34 {strides = array<i32>} : memref<2500x256xf32, #tpu.memory_space<vmem>>, vector<2500x256xf32>,
    return
  }
}

module attributes {stable_mosaic.version = 14 : i64} {
  func.func @body(%arg0: i32, %arg1: memref<2x1000x128xf32, #tpu.memory_space<vmem>>, %arg2: memref<1000x128xf32, #tpu.memory_space<vmem>>, %arg3: memref<1000x128xf32, #tpu.memory_space<vmem>>, %arg4: memref<1x128xf32, #tpu.memory_space<vmem>>, %arg5: memref<128x64xf32, #tpu.memory_space<vmem>>, %arg6: memref<1x64xf32, #tpu.memory_space<vmem>>, %arg7: memref<64x32xf32, #tpu.memory_space<vmem>>, %arg8: memref<1x32xf32, #tpu.memory_space<vmem>>, %arg9: memref<32x2xf32, #tpu.memory_space<vmem>>, %arg10: memref<1x2xf32, #tpu.memory_space<vmem>>, %arg11: memref<1000x2xf32, #tpu.memory_space<vmem>>) attributes {dimension_semantics = [#tpu.dimension_semantics<arbitrary>], iteration_bounds = array<i64: 5>, scalar_prefetch = 0 : i64, scratch_operands = 0 : i64, tpu.core_type = #tpu.core_type<tc>, window_params = [{transform_indices = @transform_0, window_bounds = array<i64: 2, 1000, 128>}, {transform_indices = @transform_1, window_bounds = array<i64: 1000, 128>}, {transform_indices = @transform_2, window_bounds = array<i64: 1000, 128>}, {pipeline_mode = #tpu.pipeline_mode<synchronous>, transform_indices = @transform_3, window_bounds = array<i64: 1, 128>}, {pipeline_mode = #tpu.pipeline_mode<synchronous>, transform_indices = @transform_4, window_bounds = array<i64: 128, 64>}, {pipeline_mode = #tpu.pipeline_mode<synchronous>, transform_indices = @transform_5, window_bounds = array<i64: 1, 64>}, {pipeline_mode = #tpu.pipeline_mode<synchronous>, transform_indices = @transform_6, window_bounds = array<i64: 64, 32>}, {pipeline_mode = #tpu.pipeline_mode<synchronous>, transform_indices = @transform_7, window_bounds = array<i64: 1, 32>}, {pipeline_mode = #tpu.pipeline_mode<synchronous>, transform_indices = @transform_8, window_bounds = array<i64: 32, 2>}, {pipeline_mode = #tpu.pipeline_mode<synchronous>, transform_indices = @transform_9, window_bounds = array<i64: 1, 2>}, {transform_indices = @transform_10, window_bounds = array<i64: 1000, 2>}]} {
    %get3A = arith.constant 0 : index
    %get3A_0 = arith.constant 0 : index
    %get3A_1 = arith.constant 0 : index
    %get3A_2 = vector.load %arg1[%get3A, %get3A_0, %get3A_1] : memref<2x1000x128xf32, #tpu.memory_space<vmem>>, vector<1x1000x128xf32>
    %get3A_3 = vector.shape_cast %get3A_2 : vector<1x1000x128xf32> to vector<1000x128xf32>
    %get3A_4 = arith.constant 1 : index
    %get3A_5 = arith.constant 0 : index
    %get3A_6 = arith.constant 0 : index
    %get3A_7 = vector.load %arg1[%get3A_4, %get3A_5, %get3A_6] : memref<2x1000x128xf32, #tpu.memory_space<vmem>>, vector<1x1000x128xf32>
    %get3A_8 = vector.shape_cast %get3A_7 : vector<1x1000x128xf32> to vector<1000x128xf32>
    %add3A = arith.addf %get3A_3, %get3A_8 : vector<1000x128xf32>
    %get3A_9 = arith.constant 0 : index
    %get3A_10 = arith.constant 0 : index
    %get3A_11 = vector.load %arg2[%get3A_9, %get3A_10] : memref<1000x128xf32, #tpu.memory_space<vmem>>, vector<1000x128xf32>
    %add3A_12 = arith.addf %add3A, %get3A_11 : vector<1000x128xf32>
    %get3A_13 = arith.constant 0 : index
    %get3A_14 = arith.constant 0 : index
    %get3A_15 = vector.load %arg3[%get3A_13, %get3A_14] : memref<1000x128xf32, #tpu.memory_space<vmem>>, vector<1000x128xf32>
    %mul3A = arith.mulf %get3A_15, %add3A_12 : vector<1000x128xf32>
    %get3A_16 = arith.constant 0 : index
    %get3A_17 = arith.constant 0 : index
    %get3A_18 = vector.load %arg4[%get3A_16, %get3A_17] : memref<1x128xf32, #tpu.memory_space<vmem>>, vector<1x128xf32>
    %add3A_19 = vector.broadcast %get3A_18 : vector<1x128xf32> to vector<1000x128xf32>
    %add3A_20 = arith.addf %mul3A, %add3A_19 : vector<1000x128xf32>
    %max3A = arith.constant 0.000000e+00 : f32
    %max3A_21 = vector.broadcast %max3A : f32 to vector<1000x128xf32>
    %max3A_22 = arith.maximumf %add3A_20, %max3A_21 : vector<1000x128xf32>
    %get3A_23 = arith.constant 0 : index
    %get3A_24 = arith.constant 0 : index
    %get3A_25 = vector.load %arg5[%get3A_23, %get3A_24] : memref<128x64xf32, #tpu.memory_space<vmem>>, vector<128x64xf32>
    %dot_general3A = arith.constant dense<0.000000e+00> : vector<1000x64xf32>
    %dot_general3A_26 = tpu.matmul %max3A_22, %get3A_25, %dot_general3A {dimension_numbers = #tpu.dot_dimension_numbers<[1], [0], [0], [1], [0, 0, 1, 1], [], []>, transpose_lhs_hint = false} : vector<1000x128xf32>, vector<128x64xf32>, vector<1000x64xf32> -> vector<1000x64xf32>
    %get3A_27 = arith.constant 0 : index
    %get3A_28 = arith.constant 0 : index
    %get3A_29 = vector.load %arg6[%get3A_27, %get3A_28] : memref<1x64xf32, #tpu.memory_space<vmem>>, vector<1x64xf32>
    %add3A_30 = vector.broadcast %get3A_29 : vector<1x64xf32> to vector<1000x64xf32>
    %add3A_31 = arith.addf %dot_general3A_26, %add3A_30 : vector<1000x64xf32>
    %max3A_32 = arith.constant 0.000000e+00 : f32
    %max3A_33 = vector.broadcast %max3A_32 : f32 to vector<1000x64xf32>
    %max3A_34 = arith.maximumf %add3A_31, %max3A_33 : vector<1000x64xf32>
    %get3A_35 = arith.constant 0 : index
    %get3A_36 = arith.constant 0 : index
    %get3A_37 = vector.load %arg7[%get3A_35, %get3A_36] : memref<64x32xf32, #tpu.memory_space<vmem>>, vector<64x32xf32>
    %dot_general3A_38 = arith.constant dense<0.000000e+00> : vector<1000x32xf32>
    %dot_general3A_39 = tpu.matmul %max3A_34, %get3A_37, %dot_general3A_38 {dimension_numbers = #tpu.dot_dimension_numbers<[1], [0], [0], [1], [0, 0, 1, 1], [], []>, transpose_lhs_hint = false} : vector<1000x64xf32>, vector<64x32xf32>, vector<1000x32xf32> -> vector<1000x32xf32>
    %get3A_40 = arith.constant 0 : index
    %get3A_41 = arith.constant 0 : index
    %get3A_42 = vector.load %arg8[%get3A_40, %get3A_41] : memref<1x32xf32, #tpu.memory_space<vmem>>, vector<1x32xf32>
    %add3A_43 = vector.broadcast %get3A_42 : vector<1x32xf32> to vector<1000x32xf32>
    %add3A_44 = arith.addf %dot_general3A_39, %add3A_43 : vector<1000x32xf32>
    %max3A_45 = arith.constant 0.000000e+00 : f32
    %max3A_46 = vector.broadcast %max3A_45 : f32 to vector<1000x32xf32>
    %max3A_47 = arith.maximumf %add3A_44, %max3A_46 : vector<1000x32xf32>
    %get3A_48 = arith.constant 0 : index
    %get3A_49 = arith.constant 0 : index
    %get3A_50 = vector.load %arg9[%get3A_48, %get3A_49] : memref<32x2xf32, #tpu.memory_space<vmem>>, vector<32x2xf32>
    %dot_general3A_51 = arith.constant dense<0.000000e+00> : vector<1000x2xf32>
    %dot_general3A_52 = tpu.matmul %max3A_47, %get3A_50, %dot_general3A_51 {dimension_numbers = #tpu.dot_dimension_numbers<[1], [0], [0], [1], [0, 0, 1, 1], [], []>, transpose_lhs_hint = false} : vector<1000x32xf32>, vector<32x2xf32>, vector<1000x2xf32> -> vector<1000x2xf32>
    %get3A_53 = arith.constant 0 : index
    %get3A_54 = arith.constant 0 : index
    %get3A_55 = vector.load %arg10[%get3A_53, %get3A_54] : memref<1x2xf32, #tpu.memory_space<vmem>>, vector<1x2xf32>
    %add3A_56 = vector.broadcast %get3A_55 : vector<1x2xf32> to vector<1000x2xf32>
    %add3A_57 = arith.addf %dot_general3A_52, %add3A_56 : vector<1000x2xf32>
    %swap3A = arith.constant 0 : index
    %swap3A_58 = arith.constant 0 : index
    %swap3A_59 = vector.load %arg11[%swap3A, %swap3A_58] : memref<1000x2xf32, #tpu.memory_space<vmem>>, vector<1000x2xf32>
    tpu.vector_store %arg11[%swap3A, %swap3A_58], %add3A_57 {strides = array<i32>} : memref<1000x2xf32, #tpu.memory_space<vmem>>, vector<1000x2xf32>,
    return
  }
  func.func @transform_0(%arg0: i32) -> (i32, i32, i32) {
    %c0_i32 = arith.constant 0 : i32
    %c0_i32_0 = arith.constant 0 : i32
    %c0_i32_1 = arith.constant 0 : i32
    return %c0_i32, %arg0, %c0_i32_0 : i32, i32, i32
  }
  func.func @transform_1(%arg0: i32) -> (i32, i32) {
    %c0_i32 = arith.constant 0 : i32
    %c0_i32_0 = arith.constant 0 : i32
    return %arg0, %c0_i32 : i32, i32
  }
  func.func @transform_2(%arg0: i32) -> (i32, i32) {
    %c0_i32 = arith.constant 0 : i32
    %c0_i32_0 = arith.constant 0 : i32
    return %arg0, %c0_i32 : i32, i32
  }
  func.func @transform_3(%arg0: i32) -> (i32, i32) {
    %c0_i32 = arith.constant 0 : i32
    %c0_i32_0 = arith.constant 0 : i32
    %c0_i32_1 = arith.constant 0 : i32
    return %c0_i32, %c0_i32_0 : i32, i32
  }
  func.func @transform_4(%arg0: i32) -> (i32, i32) {
    %c0_i32 = arith.constant 0 : i32
    %c0_i32_0 = arith.constant 0 : i32
    %c0_i32_1 = arith.constant 0 : i32
    return %c0_i32, %c0_i32_0 : i32, i32
  }
  func.func @transform_5(%arg0: i32) -> (i32, i32) {
    %c0_i32 = arith.constant 0 : i32
    %c0_i32_0 = arith.constant 0 : i32
    %c0_i32_1 = arith.constant 0 : i32
    return %c0_i32, %c0_i32_0 : i32, i32
  }
  func.func @transform_6(%arg0: i32) -> (i32, i32) {
    %c0_i32 = arith.constant 0 : i32
    %c0_i32_0 = arith.constant 0 : i32
    %c0_i32_1 = arith.constant 0 : i32
    return %c0_i32, %c0_i32_0 : i32, i32
  }
  func.func @transform_7(%arg0: i32) -> (i32, i32) {
    %c0_i32 = arith.constant 0 : i32
    %c0_i32_0 = arith.constant 0 : i32
    %c0_i32_1 = arith.constant 0 : i32
    return %c0_i32, %c0_i32_0 : i32, i32
  }
  func.func @transform_8(%arg0: i32) -> (i32, i32) {
    %c0_i32 = arith.constant 0 : i32
    %c0_i32_0 = arith.constant 0 : i32
    %c0_i32_1 = arith.constant 0 : i32
    return %c0_i32, %c0_i32_0 : i32, i32
  }
  func.func @transform_9(%arg0: i32) -> (i32, i32) {
    %c0_i32 = arith.constant 0 : i32
    %c0_i32_0 = arith.constant 0 : i32
    %c0_i32_1 = arith.constant 0 : i32
    return %c0_i32, %c0_i32_0 : i32, i32
  }
  func.func @transform_10(%arg0: i32) -> (i32, i32) {
    %c0_i32 = arith.constant 0 : i32
    %c0_i32_0 = arith.constant 0 : i32
    return %arg0, %c0_i32 : i32, i32
  }
}

</mosaic_0001>

<sc_bundles>
// kernel: kernel.11.cloned.1.call-start
scs
__scs_entry_jumppad:
0x0: {  	(pc) =	sbr.rel $0x88, $3  }
0x1: {  	(tag) =	ssettag $0x0;
	lr =	simm.s32 $0x1  }
0x2: {  	[smem:$0x3F93] =	sst lr;
	_ =	strace $0xD0000000  }
0x3: {  	_ = 	snop  }
0x4: {  	_ = 	snop  }
0x5: {  	_ = 	snop  }
0x6: {  	_ = 	snop  }
0x7: {  	_ = 	snop  }
__scs_overlays_trampoline_lowered:
0x8: {  	[smem:$0x3FA2] =	sst s0  }
0x9: {  	[smem:$0x3FA3] =	sst s1  }
0xa: {  	[smem:$0x3FA4] =	sst s2  }
0xb: {  	[smem:$0x3FA5] =	sst s3  }
0xc: {  	[smem:$0x3FA6] =	sst s4  }
0xd: {  	[smem:$0x3FA7] =	sst s5  }
0xe: {  	[smem:$0x3FA8] =	sst s6  }
0xf: {  	[smem:$0x3FA9] =	sst s7  }
0x10: {  	[smem:$0x3FAA] =	sst s8  }
0x11: {  	[smem:$0x3FAB] =	sst s9;
	s0 =	simm.s32 @!p0 $0x0  }
0x12: {  	s1 =	sld [smem:$0x3F91];
	s0 =	simm.s32 @p0 $0x1  }
0x13: {  	[smem:$0x3FAC] =	sst s0;
	s0 =	simm.s32 @!p1 $0x0  }
0x14: {  	s2 =	sld [smem:$0x3F90];
	s0 =	simm.s32 @p1 $0x1  }
0x15: {  	[smem:$0x3FAD] =	sst s0;
	s0 =	simm.s32 @!p2 $0x0  }
0x16: {  	s3 =	sld [smem:$0x3FDB];
	s0 =	simm.s32 @p2 $0x1  }
0x17: {  	s4 =	simm.s32 $0x1BF5;
	[smem:$0x3FAF] =	sst s0  }
0x18: {  	s0 =	sld [smem:$0x3F92];
	_ =	swait.ge [sflag:s4], $0x0  }
0x19: {  	s7 =	sld [smem:$0x3F93]  }
0x1a: {  	s8 =	sadd.s32 $0xFFFFE003, lr  }
0x1b: {  	s9 =	sadd.s32 $0xFFFFFEF7, lr;
	s5 =	simm.s32 $0xFFFFFFFF;
	p2 =	slt.u32 s8, $0xFFFFF086  }
0x1c: {  	p1 =	slt.u32 s9, $0xF7A;
	s5 =	simm.s32 @!p2 $0x0  }
0x1d: {  	s5 =	simm.s32 @p1 $0x1;
	p0 =	seq.s32 s7, s2  }
0x1e: {  	s7 =	smul.u32 @!p0 $0xF7A, s2;
	p2 =	seq.s32 @!p0 s5, $0x0  }
0x1f: {  	s9 =	smul.u32 $0xF7A, s1;
	s8 =	simm.s32 @!p0 $0x1BF5;
	p2 =	por !p2, p0  }
0x20: {  	[sflag:s8] =	ssyncset.s32 @!p0 $0xFFFFF086;
	s6 =	sadd.s32 @!p0 s3, s7;
	s7 =	simm.s32 @!p0 $0x108  }
0x21: {  	s3 =	sadd.s32 s3, s9;
	s6 =	sadd.s32 @!p0 $0x88, s6;
	s7 =	simm.s32 @p2 $0x1082  }
0x22: {  	[simem:s7], [sflag:s8] =	dma.local @!p0 [hbm:s6], $0xF7A  }
0x23: {  	s9 =	sor.u32 $0xD0000000, s2;
	s6 =	simm.s32 $0x108;
	_ =	swait.ge @!p0 [sflag:s8], $0x0  }
0x24: {  	s3 =	sadd.s32 $0x88, s3;
	s6 =	simm.s32 @!p1 $0x1082;
	[sflag:s4] =	ssyncset.s32 $0xFFFFF086  }
0x25: {  	[simem:s6], [sflag:s4] =	dma.local [hbm:s3], $0xF7A  }
0x26: {  	[smem:$0x3F93] =	sst s1;
	(tag) =	ssettag s2;
	_ =	strace s9  }
0x27: {  	s1 =	sld [smem:$0x3FA3]  }
0x28: {  	s2 =	sld [smem:$0x3FA4]  }
0x29: {  	s4 =	sld [smem:$0x3FA6]  }
0x2a: {  	p0 =	seq.s32 s5, $0x0;
	s5 =	sld [smem:$0x3FA7]  }
0x2b: {  	s6 =	sld [smem:$0x3FA8]  }
0x2c: {  	s7 =	sld [smem:$0x3FA9]  }
0x2d: {  	s3 =	simm.s32 $0x108;
	s8 =	sld [smem:$0x3FAA]  }
0x2e: {  	s3 =	simm.s32 @!p0 $0x1082;
	s9 =	sld [smem:$0x3FAB]  }
0x2f: {  	lr =	sadd.s32 s0, s3;
	s0 =	sld [smem:$0x3FA2]  }
0x30: {  	s3 =	sld [smem:$0x3FA5]  }
0x31: {  	[smem:$0x3FAE] =	sst s10  }
0x32: {  	s10 =	sld [smem:$0x3FAC];
	_ =	sdelay $0x3  }
0x33: {  	p0 =	seq.s32 s10, $0x1;
	s10 =	sld [smem:$0x3FAE];
	_ =	sdelay $0x3  }
0x34: {  	[smem:$0x3FAE] =	sst s10  }
0x35: {  	s10 =	sld [smem:$0x3FAD];
	_ =	sdelay $0x3  }
0x36: {  	p1 =	seq.s32 s10, $0x1;
	s10 =	sld [smem:$0x3FAE];
	_ =	sdelay $0x3  }
0x37: {  	[smem:$0x3FAE] =	sst s10  }
0x38: {  	s10 =	sld [smem:$0x3FAF]  }
0x39: {  	_ = 	snop;
	(pc) =	sbr.ind lr, $3  }
0x3a: {  	_ = 	snop  }
0x3b: {  	_ = 	snop  }
0x3c: {  	p2 =	seq.s32 s10, $0x1;
	s10 =	sld [smem:$0x3FAE]  }
0x3d: {  	_ =	shalt  }
0x3e: {  	_ =	shalt  }
0x3f: {  	_ =	shalt  }
0x40: {  	_ =	shalt  }
0x41: {  	_ =	shalt  }
0x42: {  	_ =	shalt  }
0x43: {  	_ =	shalt  }
0x44: {  	_ =	shalt  }
0x45: {  	_ =	shalt  }
0x46: {  	_ =	shalt  }
0x47: {  	_ =	shalt  }
0x48: {  	_ =	shalt  }
0x49: {  	_ =	shalt  }
0x4a: {  	_ =	shalt  }
0x4b: {  	_ =	shalt  }
0x4c: {  	_ =	shalt  }
0x4d: {  	_ =	shalt  }
0x4e: {  	_ =	shalt  }
0x4f: {  	_ =	shalt  }
0x50: {  	_ =	shalt  }
0x51: {  	_ =	shalt  }
0x52: {  	_ =	shalt  }
0x53: {  	_ =	shalt  }
0x54: {  	_ =	shalt  }
0x55: {  	_ =	shalt  }
0x56: {  	_ =	shalt  }
0x57: {  	_ =	shalt  }
0x58: {  	_ =	shalt  }
0x59: {  	_ =	shalt  }
0x5a: {  	_ =	shalt  }
0x5b: {  	_ =	shalt  }
0x5c: {  	_ =	shalt  }
0x5d: {  	_ =	shalt  }
0x5e: {  	_ =	shalt  }
0x5f: {  	_ =	shalt  }
0x60: {  	_ =	shalt  }
0x61: {  	_ =	shalt  }
0x62: {  	_ =	shalt  }
0x63: {  	_ =	shalt  }
0x64: {  	_ =	shalt  }
0x65: {  	_ =	shalt  }
0x66: {  	_ =	shalt  }
0x67: {  	_ =	shalt  }
0x68: {  	_ =	shalt  }
0x69: {  	_ =	shalt  }
0x6a: {  	_ =	shalt  }
0x6b: {  	_ =	shalt  }
0x6c: {  	_ =	shalt  }
0x6d: {  	_ =	shalt  }
0x6e: {  	_ =	shalt  }
0x6f: {  	_ =	shalt  }
0x70: {  	_ =	shalt  }
0x71: {  	_ =	shalt  }
0x72: {  	_ =	shalt  }
0x73: {  	_ =	shalt  }
0x74: {  	_ =	shalt  }
0x75: {  	_ =	shalt  }
0x76: {  	_ =	shalt  }
0x77: {  	_ =	shalt  }
0x78: {  	_ =	shalt  }
0x79: {  	_ =	shalt  }
0x7a: {  	_ =	shalt  }
0x7b: {  	_ =	shalt  }
0x7c: {  	_ =	shalt  }
0x7d: {  	_ =	shalt  }
0x7e: {  	_ =	shalt  }
0x7f: {  	_ =	shalt  }
0x80: {  	_ =	shalt  }
0x81: {  	_ =	shalt  }
0x82: {  	_ =	shalt  }
0x83: {  	_ =	shalt  }
0x84: {  	_ =	shalt  }
0x85: {  	_ =	shalt  }
0x86: {  	_ =	shalt  }
0x87: {  	_ =	shalt  }
.Lfunc_end0:
.L_simem_size_0:
called_computation_lowered:
.L_overlay_start_0:
0x88: {  	s2 =	sld [smem:$0x3FD9]  }
0x89: {  	s3 =	sld [smem:$0x3FFE];
	_ =	sdelay $0x1  }
0x8a: {  	s1 =	srdreg.scid  }
0x8b: {  	s0 =	sand.u32 $0x1, s1  }
0x8c: {  	s17 =	sshll.u32 s0, $0xA;
	s2 =	sadd.s32 s3, s2  }
0x8d: {  	s2 =	sadd.s32 s2, s17  }
0x8e: {  	[smem:$0x3FBA] =	sst s2  }
0x8f: {  	_ = 	snop  }
0x90: {  	s2 =	sld [smem:$0x3FD0];
	(tm) =	ssettm $0x1  }
0x91: {  	s18 =	sld [smem:$0x3FFB];
	_ =	sdelay $0x3  }
0x92: {  	_ =	strace s18  }
0x93: {  	s3 =	sld [smem:$0x3FFC];
	_ =	sdelay $0x3  }
0x94: {  	_ =	strace s3  }
0x95: {  	s3 =	sld [smem:$0x3FFD];
	_ =	sdelay $0x3  }
0x96: {  	_ =	strace s3  }
0x97: {  	_ =	strace $0x8FFFFFFF  }
0x98: {  	s19 =	sld [smem:$0x3FDB];
	_ =	sdelay $0x1  }
0x99: {  	s4 =	simm.s32 $_scs_section_size  }
0x9a: {  	s5 =	simm.s32 $_size__tile_overlayer_lowered;
	s6 =	simm.s32 $_tile_overlayer_lowered  }
0x9b: {  	s22 =	simm.s32 $0x1BFF;
	s21 =	sshll.u32 s6, $0x1;
	s3 =	sadd.s32 s4, s19  }
0x9c: {  	s7 =	simm.s32 $0x0;
	s20 =	sshll.u32 s5, $0x1;
	s5 =	sadd.s32 s21, s3  }
0x9d: {  	[timem:s7], [sflag:s22] =	dma.local [hbm:s5], s20  }
0x9e: {  	_ =	swait.ge [sflag:s22], s20  }
0x9f: {  	s4 =	ssub.s32 $0x0, s20;
	[sflag:s22] =	ssyncset.done $0x0  }
0xa0: {  	[sflag:s22] =	ssyncadd.s32 s4;
	_ =	sdelay $0x1  }
0xa1: {  	s23 =	simm.s32 $0x1B8B  }
0xa2: {  	_ =	swait.ge [sflag:s23], $0x1  }
0xa3: {  	[sflag:s23] =	ssyncset.done $0x0  }
0xa4: {  	s25 =	simm.s32 $0x1B8E;
	s24 =	sld [smem:$0x3FFE];
	[sflag:s23] =	ssyncadd.s32 $0xFFFFFFFF  }
0xa5: {  	s26 =	simm.s32 $execute0_lowered;
	[smem:$0x3FD2] =	sst s25  }
0xa6: {  	s5 =	sshll.u32 s26, $0x1;
	_ =	strace $0x80000046;
	[dreg:$0x1] =	wrdreg $0xFFFFFFFF  }
0xa7: {  	s28 =	simm.s32 $_size_execute0_lowered;
	s3 =	sadd.s32 s3, s5;
	[dreg:$0x0] =	wrdreg $0x0  }
0xa8: {  	s5 =	sshll.u32 s28, $0x1;
	[dreg:$0x2] =	wrdreg s3  }
0xa9: {  	[dreg:$0x3] =	wrdreg s5  }
0xaa: {  	[dreg:$0x4] =	wrdreg $0xC0  }
0xab: {  	_ =	task [dreg:s7], $0x5FFFF  }
0xac: {  	[dreg:$0x1] =	wrdreg $0xFFFFFFFF  }
0xad: {  	[dreg:$0x0] =	wrdreg $0x60  }
0xae: {  	[dreg:$0x2] =	wrdreg s24  }
0xaf: {  	[dreg:$0x3] =	wrdreg s2  }
0xb0: {  	[dreg:$0x4] =	wrdreg $0x30000  }
0xb1: {  	[dreg:$0x5] =	wrdreg $0x9  }
0xb2: {  	_ =	task.clear_ibuf [dreg:s7], $0x6FFFF;
	_ =	strace $0x90000046  }
0xb3: {  	s29 =	simm.s32 $0x9;
	_ =	strace $0x80000048  }
0xb4: {  	_ =	swait.ge [sflag:s29], $0x1  }
0xb5: {  	[sflag:s29] =	ssyncadd.s32 $0xFFFFFFFF  }
0xb6: {  	_ =	strace $0x90000048  }
0xb7: {  	_ =	sfence  }
0xb8: {  	s30 =	sld [smem:$0x0];
	_ =	sdelay $0x2  }
0xb9: {  	s31 =	sshll.u32 s1, $0xD;
	s1 =	sshrl.u32 s1, $0x2  }
0xba: {  	s3 =	sand.u32 $0x4000, s31;
	s1 =	sadd.s32 s1, s30  }
0xbb: {  	s0 =	sor.u32 s3, s0;
	s1 =	sshll.u32 s1, $0x11  }
0xbc: {  	s0 =	sor.u32 s1, s0  }
0xbd: {  	s0 =	sadd.s32 $0x8F2B, s0  }
0xbe: {  	[sflag:s0] =	ssyncadd.remote.s32 $0x1  }
0xbf: {  	_ =	sfence.sel $0xFFFF  }
0xc0: {  	[dreg:$0x0] =	wrdreg $0xFFFFFFFF;
	(pc) =	sbr.abs _section_cstart, $3  }
0xc1: {  	[dreg:$0x1] =	wrdreg $0xFFFFFFFF  }
0xc2: {  	_ =	task.clear_ibuf [dreg:s7], $0x2FFFF;
	_ =	strace $0x9FFFFFFF  }
0xc3: {  	(tm) =	ssettm $0x7FFFFFFF  }
tec
execute0_lowered:
.L_overlay_start_1:
0x0: {  	(tag) =	ssettag $0x1  }
0x1: {  	s0 =	rddreg [dreg:$0x0]  }
0x2: {  	s2 =	rddreg [dreg:$0x1];
	s4 =	srdreg.scid  }
0x3: {  	s3 =	rddreg [dreg:$0x2];
	s1 =	stileid.u32;
	s10 =	simm.s32 $0x800  }
0x4: {  	s13 =	simm.s32 $0x80;
	s14 =	simm.s32 $0x880;
	s15 =	simm.s32 $0x900  }
0x5: {  	s16 =	simm.s32 $0x980;
	s17 =	simm.s32 $0xA00;
	s18 =	simm.s32 $0xA80  }
0x6: {  	s19 =	simm.s32 $0xB00;
	s20 =	simm.s32 $0xB80;
	s21 =	simm.s32 $0x1  }
0x7: {  	s22 =	simm.s32 $0x2;
	s23 =	simm.s32 $0x3;
	s24 =	simm.s32 $0x4  }
0x8: {  	s25 =	simm.s32 $0x5;
	s28 =	simm.s32 $0x7;
	s29 =	simm.s32 $0x8  }
0x9: {  	s30 =	simm.s32 $0x0;
	s5 =	sand.u32 $0x1, s4;
	s7 =	smul.u32 $0x2800, s1  }
0xa: {  	s4 =	simm.s32 $0x0;
	s31 =	sshll.u32 s1, $0x6;
	s6 =	sshll.u32 s5, $0x4  }
0xb: {  	s8 =	smul.u32 $0x28000, s5;
	[smem:$0x7FF] =	sst s4;
	s9 =	ssub.s32 $0x2, s5  }
0xc: {  	s5 =	sadd.s32 $0x18400, s0;
	s11 =	sor.u32 $0x1C09, s31;
	s6 =	sor.u32 s1, s6  }
0xd: {  	_ =	strace $0x80000047;
	s6 =	smul.u32 $0x500, s6;
	s8 =	sadd.s32 s7, s8  }
0xe: {  	s26 =	sshrl.u32 s9, $0x1;
	s12 =	sadd.s32 s7, s3;
	s8 =	sshrl.u32 s8, $0x3  }
0xf: {  	s12 =	sshrl.u32 s12, $0x3;
	s6 =	sadd.s32 s6, s0;
	s0 =	sadd.s32 s8, s0  }
0x10: {  	s8 =	ssub.s32 s9, s26;
	s9 =	simm.s32 $0x9;
	s26 =	simm.s32 $0x6  }
0x11: {  	s6 =	sadd.s32 $0x4400, s6;
	s7 =	sadd.s32 $0x18A00, s0;
	s8 =	smax.u32 s8, $0x1  }
.LBB2_1:
0x12: {  	[tilespmem:s4], [sflag:$0x9] =	stream.linear.gather [hbm4b:s2+s4], $0x800, $0x38;
	[tilespmem:$0x5800] =	vst v63  }
0x13: {  	_ =	swait.ge [sflag:s9], $0x800  }
0x14: {  	[sflag:s9] =	ssyncset.done $0x0  }
0x15: {  	[sflag:s9] =	ssyncadd.s32 $0xFFFFF800  }
0x16: {  	[tilespmem:s10], [sflag:$0x9] =	stream.linear.gather [hbm4b:s6+s4], $0x2800, $0x38;
	[tilespmem:$0x5800] =	vst v63  }
0x17: {  	_ =	swait.ge [sflag:s9], $0x2800  }
0x18: {  	[sflag:s9] =	ssyncset.done $0x0  }
0x19: {  	[sflag:s9] =	ssyncadd.s32 $0xFFFFD800  }
0x1a: {  	[spmem:s12], [sflag:s11] =	dma.local [hbm:s5], $0x500  }
0x1b: {  	_ =	swait.ge [sflag:s9], $0x500  }
0x1c: {  	[sflag:s9] =	ssyncset.done $0x0  }
0x1d: {  	[sflag:s9] =	ssyncadd.s32 $0xFFFFFB00  }
0x1e: {  	[bflag:$0x0] =	sbarrier.arrive $0xFFFF  }
0x1f: {  	[spmem:s3] =	stream.indirect.scatter.add.f32 [tilespmem:s4], [sflag:$0x1], $0x10, s10, s13, $0xb8;
	[tilespmem:$0x5800] =	vst v63  }
0x20: {  	_ = 	snop  }
0x21: {  	[spmem:s3] =	stream.indirect.scatter.add.f32 [tilespmem:s4], [sflag:$0x2], $0x10, s14, s13, $0xb8;
	[tilespmem:$0x5800] =	vst v63  }
0x22: {  	_ = 	snop  }
0x23: {  	[spmem:s3] =	stream.indirect.scatter.add.f32 [tilespmem:s4], [sflag:$0x3], $0x10, s15, s13, $0xb8;
	[tilespmem:$0x5800] =	vst v63  }
0x24: {  	_ = 	snop  }
0x25: {  	[spmem:s3] =	stream.indirect.scatter.add.f32 [tilespmem:s4], [sflag:$0x4], $0x10, s16, s13, $0xb8;
	[tilespmem:$0x5800] =	vst v63  }
0x26: {  	_ = 	snop  }
0x27: {  	[spmem:s3] =	stream.indirect.scatter.add.f32 [tilespmem:s4], [sflag:$0x5], $0x10, s17, s13, $0xb8;
	[tilespmem:$0x5800] =	vst v63  }
0x28: {  	_ = 	snop  }
0x29: {  	[spmem:s3] =	stream.indirect.scatter.add.f32 [tilespmem:s4], [sflag:$0x6], $0x10, s18, s13, $0xb8;
	[tilespmem:$0x5800] =	vst v63  }
0x2a: {  	_ = 	snop  }
0x2b: {  	[spmem:s3] =	stream.indirect.scatter.add.f32 [tilespmem:s4], [sflag:$0x7], $0x10, s19, s13, $0xb8;
	[tilespmem:$0x5800] =	vst v63  }
0x2c: {  	_ = 	snop  }
0x2d: {  	[spmem:s3] =	stream.indirect.scatter.add.f32 [tilespmem:s4], [sflag:$0x8], $0x10, s20, s13, $0xb8;
	[tilespmem:$0x5800] =	vst v63  }
0x2e: {  	_ =	swait.ge [sflag:s21], $0x800  }
0x2f: {  	[sflag:s21] =	ssyncset.done $0x0  }
0x30: {  	s0 =	simm.s32 $0xC00;
	[sflag:s21] =	ssyncadd.s32 $0xFFFFF800  }
0x31: {  	[spmem:s3] =	stream.indirect.scatter.add.f32 [tilespmem:s4], [sflag:$0x1], $0x10, s0, s13, $0xb8;
	[tilespmem:$0x5800] =	vst v63  }
0x32: {  	_ =	swait.ge [sflag:s22], $0x800  }
0x33: {  	[sflag:s22] =	ssyncset.done $0x0  }
0x34: {  	s1 =	simm.s32 $0xC80;
	[sflag:s22] =	ssyncadd.s32 $0xFFFFF800  }
0x35: {  	[spmem:s3] =	stream.indirect.scatter.add.f32 [tilespmem:s4], [sflag:$0x2], $0x10, s1, s13, $0xb8;
	[tilespmem:$0x5800] =	vst v63  }
0x36: {  	_ =	swait.ge [sflag:s23], $0x800  }
0x37: {  	[sflag:s23] =	ssyncset.done $0x0  }
0x38: {  	s1 =	simm.s32 $0xD00;
	[sflag:s23] =	ssyncadd.s32 $0xFFFFF800  }
0x39: {  	[spmem:s3] =	stream.indirect.scatter.add.f32 [tilespmem:s4], [sflag:$0x3], $0x10, s1, s13, $0xb8;
	[tilespmem:$0x5800] =	vst v63  }
0x3a: {  	_ =	swait.ge [sflag:s24], $0x800  }
0x3b: {  	[sflag:s24] =	ssyncset.done $0x0  }
0x3c: {  	s1 =	simm.s32 $0xD80;
	[sflag:s24] =	ssyncadd.s32 $0xFFFFF800  }
0x3d: {  	[spmem:s3] =	stream.indirect.scatter.add.f32 [tilespmem:s4], [sflag:$0x4], $0x10, s1, s13, $0xb8;
	[tilespmem:$0x5800] =	vst v63  }
0x3e: {  	_ =	swait.ge [sflag:s25], $0x800  }
0x3f: {  	[sflag:s25] =	ssyncset.done $0x0  }
0x40: {  	s1 =	simm.s32 $0xE00;
	[sflag:s25] =	ssyncadd.s32 $0xFFFFF800  }
0x41: {  	[spmem:s3] =	stream.indirect.scatter.add.f32 [tilespmem:s4], [sflag:$0x5], $0x10, s1, s13, $0xb8;
	[tilespmem:$0x5800] =	vst v63  }
0x42: {  	_ =	swait.ge [sflag:s26], $0x800  }
0x43: {  	[sflag:s26] =	ssyncset.done $0x0  }
0x44: {  	s1 =	simm.s32 $0xE80;
	[sflag:s26] =	ssyncadd.s32 $0xFFFFF800  }
0x45: {  	[spmem:s3] =	stream.indirect.scatter.add.f32 [tilespmem:s4], [sflag:$0x6], $0x10, s1, s13, $0xb8;
	[tilespmem:$0x5800] =	vst v63  }
0x46: {  	_ =	swait.ge [sflag:s28], $0x800  }
0x47: {  	[sflag:s28] =	ssyncset.done $0x0  }
0x48: {  	s1 =	simm.s32 $0xF00;
	[sflag:s28] =	ssyncadd.s32 $0xFFFFF800  }
0x49: {  	[spmem:s3] =	stream.indirect.scatter.add.f32 [tilespmem:s4], [sflag:$0x7], $0x10, s1, s13, $0xb8;
	[tilespmem:$0x5800] =	vst v63  }
0x4a: {  	_ =	swait.ge [sflag:s29], $0x800  }
0x4b: {  	[sflag:s29] =	ssyncset.done $0x0  }
0x4c: {  	s31 =	simm.s32 $0x1000;
	s0 =	simm.s32 $0xF80;
	[sflag:s29] =	ssyncadd.s32 $0xFFFFF800  }
.LBB2_2:
0x4d: {  	[spmem:s3] =	stream.indirect.scatter.add.f32 [tilespmem:s4], [sflag:$0x8], $0x10, s0, s13, $0xb8;
	[tilespmem:$0x5800] =	vst v63  }
0x4e: {  	s0 =	smov.u32 s31  }
0x4f: {  	p0 =	sne.s32 s31, $0x8000;
	s31 =	sadd.s32 $0x1000, s31;
	_ =	swait.ge [sflag:s21], $0x800  }
0x50: {  	s0 =	sshra.s32 s0, $0x2;
	[sflag:s21] =	ssyncset.done $0x0  }
0x51: {  	s1 =	sadd.s32 $0xC00, s0;
	[sflag:s21] =	ssyncadd.s32 $0xFFFFF800  }
0x52: {  	[spmem:s3] =	stream.indirect.scatter.add.f32 [tilespmem:s4], [sflag:$0x1], $0x10, s1, s13, $0xb8;
	[tilespmem:$0x5800] =	vst v63  }
0x53: {  	_ =	swait.ge [sflag:s22], $0x800  }
0x54: {  	[sflag:s22] =	ssyncset.done $0x0  }
0x55: {  	s1 =	sadd.s32 $0xC80, s0;
	[sflag:s22] =	ssyncadd.s32 $0xFFFFF800  }
0x56: {  	[spmem:s3] =	stream.indirect.scatter.add.f32 [tilespmem:s4], [sflag:$0x2], $0x10, s1, s13, $0xb8;
	[tilespmem:$0x5800] =	vst v63  }
0x57: {  	_ =	swait.ge [sflag:s23], $0x800  }
0x58: {  	[sflag:s23] =	ssyncset.done $0x0  }
0x59: {  	s1 =	sadd.s32 $0xD00, s0;
	[sflag:s23] =	ssyncadd.s32 $0xFFFFF800  }
0x5a: {  	[spmem:s3] =	stream.indirect.scatter.add.f32 [tilespmem:s4], [sflag:$0x3], $0x10, s1, s13, $0xb8;
	[tilespmem:$0x5800] =	vst v63  }
0x5b: {  	_ =	swait.ge [sflag:s24], $0x800  }
0x5c: {  	[sflag:s24] =	ssyncset.done $0x0  }
0x5d: {  	s1 =	sadd.s32 $0xD80, s0;
	[sflag:s24] =	ssyncadd.s32 $0xFFFFF800  }
0x5e: {  	[spmem:s3] =	stream.indirect.scatter.add.f32 [tilespmem:s4], [sflag:$0x4], $0x10, s1, s13, $0xb8;
	[tilespmem:$0x5800] =	vst v63  }
0x5f: {  	_ =	swait.ge [sflag:s25], $0x800  }
0x60: {  	[sflag:s25] =	ssyncset.done $0x0  }
0x61: {  	s1 =	sadd.s32 $0xE00, s0;
	[sflag:s25] =	ssyncadd.s32 $0xFFFFF800  }
0x62: {  	[spmem:s3] =	stream.indirect.scatter.add.f32 [tilespmem:s4], [sflag:$0x5], $0x10, s1, s13, $0xb8;
	[tilespmem:$0x5800] =	vst v63  }
0x63: {  	_ =	swait.ge [sflag:s26], $0x800  }
0x64: {  	[sflag:s26] =	ssyncset.done $0x0  }
0x65: {  	s1 =	sadd.s32 $0xE80, s0;
	[sflag:s26] =	ssyncadd.s32 $0xFFFFF800  }
0x66: {  	[spmem:s3] =	stream.indirect.scatter.add.f32 [tilespmem:s4], [sflag:$0x6], $0x10, s1, s13, $0xb8;
	[tilespmem:$0x5800] =	vst v63  }
0x67: {  	_ =	swait.ge [sflag:s28], $0x800  }
0x68: {  	[sflag:s28] =	ssyncset.done $0x0  }
.Ltmp0:
0x69: {  	s1 =	sadd.s32 $0xF00, s0;
	[sflag:s28] =	ssyncadd.s32 $0xFFFFF800;
	(pc) =	sbr.rel @p0 .LBB2_2-.Ltmp0, $4  }
0x6a: {  	[spmem:s3] =	stream.indirect.scatter.add.f32 [tilespmem:s4], [sflag:$0x7], $0x10, s1, s13, $0xb8;
	[tilespmem:$0x5800] =	vst v63  }
0x6b: {  	_ =	swait.ge [sflag:s29], $0x800  }
0x6c: {  	[sflag:s29] =	ssyncset.done $0x0  }
0x6d: {  	s0 =	sadd.s32 $0xF80, s0;
	[sflag:s29] =	ssyncadd.s32 $0xFFFFF800  }
0x6e: {  	[spmem:s3] =	stream.indirect.scatter.add.f32 [tilespmem:s4], [sflag:$0x8], $0x10, s0, s13, $0xb8;
	[tilespmem:$0x5800] =	vst v63  }
0x6f: {  	_ =	swait.ge [sflag:s21], $0x800  }
0x70: {  	[sflag:s21] =	ssyncset.done $0x0  }
0x71: {  	[sflag:s21] =	ssyncadd.s32 $0xFFFFF800  }
0x72: {  	_ =	swait.ge [sflag:s22], $0x800  }
0x73: {  	[sflag:s22] =	ssyncset.done $0x0  }
0x74: {  	[sflag:s22] =	ssyncadd.s32 $0xFFFFF800  }
0x75: {  	_ =	swait.ge [sflag:s23], $0x800  }
0x76: {  	[sflag:s23] =	ssyncset.done $0x0  }
0x77: {  	[sflag:s23] =	ssyncadd.s32 $0xFFFFF800  }
0x78: {  	_ =	swait.ge [sflag:s24], $0x800  }
0x79: {  	[sflag:s24] =	ssyncset.done $0x0  }
0x7a: {  	[sflag:s24] =	ssyncadd.s32 $0xFFFFF800  }
0x7b: {  	_ =	swait.ge [sflag:s25], $0x800  }
0x7c: {  	[sflag:s25] =	ssyncset.done $0x0  }
0x7d: {  	[sflag:s25] =	ssyncadd.s32 $0xFFFFF800  }
0x7e: {  	_ =	swait.ge [sflag:s26], $0x800  }
0x7f: {  	[sflag:s26] =	ssyncset.done $0x0  }
0x80: {  	[sflag:s26] =	ssyncadd.s32 $0xFFFFF800  }
0x81: {  	_ =	swait.ge [sflag:s28], $0x800  }
0x82: {  	[sflag:s28] =	ssyncset.done $0x0  }
0x83: {  	[sflag:s28] =	ssyncadd.s32 $0xFFFFF800  }
0x84: {  	_ =	swait.ge [sflag:s29], $0x800  }
0x85: {  	s30 =	sadd.s32 $0x1, s30;
	[sflag:s29] =	ssyncset.done $0x0  }
0x86: {  	p0 =	sne.s32 s30, s8;
	[sflag:s29] =	ssyncadd.s32 $0xFFFFF800  }
.Ltmp1:
0x87: {  	[bflag:$0x0] =	sbarrier.arrive $0xFFFF;
	(pc) =	sbr.rel @p0 .LBB2_1-.Ltmp1, $4  }
0x88: {  	[hbm:s7], [sflag:s11] =	dma.local [spmem:s12], $0x500  }
0x89: {  	_ =	swait.ge [sflag:s9], $0x500  }
0x8a: {  	[sflag:s9] =	ssyncset.done $0x0  }
0x8b: {  	[sflag:s9] =	ssyncadd.s32 $0xFFFFFB00  }
0x8c: {  	_ =	sfence.sel $0x180000  }
0x8d: {  	[bflag:$0x0] =	sbarrier.arrive $0xFFFF  }
0x8e: {  	_ =	strace $0x90000047  }
0x8f: {  	s0 =	stileid.u32;
	[bflag:$0x2] =	sbarrier.arrive $0xFFFF  }
0x90: {  	p0 =	sne.s32 s0, $0x0;
	s0 =	rddreg [dreg:$0x3]  }
0x91: {  	s0 =	sadd.s32 @!p0 $0x100000, s0  }
0x92: {  	[sflag:s0] =	ssyncadd.tile.s32 @!p0 $0x1;
	_ =	shalt  }
.Lfunc_end2:
_tile_overlayer_lowered:
.L_overlay_start_2:
0x93: {  	(tag) =	ssettag $0x2  }
0x94: {  	s0 =	rddreg [dreg:$0x0];
	s2 =	stileid.u32  }
0x95: {  	s1 =	rddreg [dreg:$0x1];
	p0 =	sne.s32 s2, $0x0  }
0x96: {  	s3 =	rddreg [dreg:$0x2];
	[bflag:$0x3] =	sbarrier.arrive $0xFFFF;
	s2 =	simm.s32 @!p0 $0x1C09  }
0x97: {  	[timem:s3], [sflag:s2] =	dma.local @!p0 [hbm:s0], s1  }
0x98: {  	s0 =	simm.s32 @!p0 $0x9  }
0x99: {  	_ =	swait.ge @!p0 [sflag:s0], s1  }
0x9a: {  	s1 =	ssub.s32 @!p0 $0x0, s1;
	[sflag:s0] =	ssyncset.done @!p0 $0x0  }
0x9b: {  	[sflag:s0] =	ssyncadd.s32 @!p0 s1  }
0x9c: {  	[bflag:$0x3] =	sbarrier.arrive $0xFFFF  }
0x9d: {  	_ =	shalt  }

// kernel: kernel.14.cloned.1.call-start
scs
__scs_entry_jumppad:
0x0: {  	(pc) =	sbr.rel $0x88, $3  }
0x1: {  	(tag) =	ssettag $0x0;
	lr =	simm.s32 $0x1  }
0x2: {  	[smem:$0x3F93] =	sst lr;
	_ =	strace $0xD0000000  }
0x3: {  	_ = 	snop  }
0x4: {  	_ = 	snop  }
0x5: {  	_ = 	snop  }
0x6: {  	_ = 	snop  }
0x7: {  	_ = 	snop  }
__scs_overlays_trampoline_lowered:
0x8: {  	[smem:$0x3FA2] =	sst s0  }
0x9: {  	[smem:$0x3FA3] =	sst s1  }
0xa: {  	[smem:$0x3FA4] =	sst s2  }
0xb: {  	[smem:$0x3FA5] =	sst s3  }
0xc: {  	[smem:$0x3FA6] =	sst s4  }
0xd: {  	[smem:$0x3FA7] =	sst s5  }
0xe: {  	[smem:$0x3FA8] =	sst s6  }
0xf: {  	[smem:$0x3FA9] =	sst s7  }
0x10: {  	[smem:$0x3FAA] =	sst s8  }
0x11: {  	[smem:$0x3FAB] =	sst s9;
	s0 =	simm.s32 @!p0 $0x0  }
0x12: {  	s1 =	sld [smem:$0x3F91];
	s0 =	simm.s32 @p0 $0x1  }
0x13: {  	[smem:$0x3FAC] =	sst s0;
	s0 =	simm.s32 @!p1 $0x0  }
0x14: {  	s2 =	sld [smem:$0x3F90];
	s0 =	simm.s32 @p1 $0x1  }
0x15: {  	[smem:$0x3FAD] =	sst s0;
	s0 =	simm.s32 @!p2 $0x0  }
0x16: {  	s3 =	sld [smem:$0x3FDB];
	s0 =	simm.s32 @p2 $0x1  }
0x17: {  	s4 =	simm.s32 $0x1BF5;
	[smem:$0x3FAF] =	sst s0  }
0x18: {  	s0 =	sld [smem:$0x3F92];
	_ =	swait.ge [sflag:s4], $0x0  }
0x19: {  	s7 =	sld [smem:$0x3F93]  }
0x1a: {  	s8 =	sadd.s32 $0xFFFFE003, lr  }
0x1b: {  	s9 =	sadd.s32 $0xFFFFFEF7, lr;
	s5 =	simm.s32 $0xFFFFFFFF;
	p2 =	slt.u32 s8, $0xFFFFF086  }
0x1c: {  	p1 =	slt.u32 s9, $0xF7A;
	s5 =	simm.s32 @!p2 $0x0  }
0x1d: {  	s5 =	simm.s32 @p1 $0x1;
	p0 =	seq.s32 s7, s2  }
0x1e: {  	s7 =	smul.u32 @!p0 $0xF7A, s2;
	p2 =	seq.s32 @!p0 s5, $0x0  }
0x1f: {  	s9 =	smul.u32 $0xF7A, s1;
	s8 =	simm.s32 @!p0 $0x1BF5;
	p2 =	por !p2, p0  }
0x20: {  	[sflag:s8] =	ssyncset.s32 @!p0 $0xFFFFF086;
	s6 =	sadd.s32 @!p0 s3, s7;
	s7 =	simm.s32 @!p0 $0x108  }
0x21: {  	s3 =	sadd.s32 s3, s9;
	s6 =	sadd.s32 @!p0 $0x88, s6;
	s7 =	simm.s32 @p2 $0x1082  }
0x22: {  	[simem:s7], [sflag:s8] =	dma.local @!p0 [hbm:s6], $0xF7A  }
0x23: {  	s9 =	sor.u32 $0xD0000000, s2;
	s6 =	simm.s32 $0x108;
	_ =	swait.ge @!p0 [sflag:s8], $0x0  }
0x24: {  	s3 =	sadd.s32 $0x88, s3;
	s6 =	simm.s32 @!p1 $0x1082;
	[sflag:s4] =	ssyncset.s32 $0xFFFFF086  }
0x25: {  	[simem:s6], [sflag:s4] =	dma.local [hbm:s3], $0xF7A  }
0x26: {  	[smem:$0x3F93] =	sst s1;
	(tag) =	ssettag s2;
	_ =	strace s9  }
0x27: {  	s1 =	sld [smem:$0x3FA3]  }
0x28: {  	s2 =	sld [smem:$0x3FA4]  }
0x29: {  	s4 =	sld [smem:$0x3FA6]  }
0x2a: {  	p0 =	seq.s32 s5, $0x0;
	s5 =	sld [smem:$0x3FA7]  }
0x2b: {  	s6 =	sld [smem:$0x3FA8]  }
0x2c: {  	s7 =	sld [smem:$0x3FA9]  }
0x2d: {  	s3 =	simm.s32 $0x108;
	s8 =	sld [smem:$0x3FAA]  }
0x2e: {  	s3 =	simm.s32 @!p0 $0x1082;
	s9 =	sld [smem:$0x3FAB]  }
0x2f: {  	lr =	sadd.s32 s0, s3;
	s0 =	sld [smem:$0x3FA2]  }
0x30: {  	s3 =	sld [smem:$0x3FA5]  }
0x31: {  	[smem:$0x3FAE] =	sst s10  }
0x32: {  	s10 =	sld [smem:$0x3FAC];
	_ =	sdelay $0x3  }
0x33: {  	p0 =	seq.s32 s10, $0x1;
	s10 =	sld [smem:$0x3FAE];
	_ =	sdelay $0x3  }
0x34: {  	[smem:$0x3FAE] =	sst s10  }
0x35: {  	s10 =	sld [smem:$0x3FAD];
	_ =	sdelay $0x3  }
0x36: {  	p1 =	seq.s32 s10, $0x1;
	s10 =	sld [smem:$0x3FAE];
	_ =	sdelay $0x3  }
0x37: {  	[smem:$0x3FAE] =	sst s10  }
0x38: {  	s10 =	sld [smem:$0x3FAF]  }
0x39: {  	_ = 	snop;
	(pc) =	sbr.ind lr, $3  }
0x3a: {  	_ = 	snop  }
0x3b: {  	_ = 	snop  }
0x3c: {  	p2 =	seq.s32 s10, $0x1;
	s10 =	sld [smem:$0x3FAE]  }
0x3d: {  	_ =	shalt  }
0x3e: {  	_ =	shalt  }
0x3f: {  	_ =	shalt  }
0x40: {  	_ =	shalt  }
0x41: {  	_ =	shalt  }
0x42: {  	_ =	shalt  }
0x43: {  	_ =	shalt  }
0x44: {  	_ =	shalt  }
0x45: {  	_ =	shalt  }
0x46: {  	_ =	shalt  }
0x47: {  	_ =	shalt  }
0x48: {  	_ =	shalt  }
0x49: {  	_ =	shalt  }
0x4a: {  	_ =	shalt  }
0x4b: {  	_ =	shalt  }
0x4c: {  	_ =	shalt  }
0x4d: {  	_ =	shalt  }
0x4e: {  	_ =	shalt  }
0x4f: {  	_ =	shalt  }
0x50: {  	_ =	shalt  }
0x51: {  	_ =	shalt  }
0x52: {  	_ =	shalt  }
0x53: {  	_ =	shalt  }
0x54: {  	_ =	shalt  }
0x55: {  	_ =	shalt  }
0x56: {  	_ =	shalt  }
0x57: {  	_ =	shalt  }
0x58: {  	_ =	shalt  }
0x59: {  	_ =	shalt  }
0x5a: {  	_ =	shalt  }
0x5b: {  	_ =	shalt  }
0x5c: {  	_ =	shalt  }
0x5d: {  	_ =	shalt  }
0x5e: {  	_ =	shalt  }
0x5f: {  	_ =	shalt  }
0x60: {  	_ =	shalt  }
0x61: {  	_ =	shalt  }
0x62: {  	_ =	shalt  }
0x63: {  	_ =	shalt  }
0x64: {  	_ =	shalt  }
0x65: {  	_ =	shalt  }
0x66: {  	_ =	shalt  }
0x67: {  	_ =	shalt  }
0x68: {  	_ =	shalt  }
0x69: {  	_ =	shalt  }
0x6a: {  	_ =	shalt  }
0x6b: {  	_ =	shalt  }
0x6c: {  	_ =	shalt  }
0x6d: {  	_ =	shalt  }
0x6e: {  	_ =	shalt  }
0x6f: {  	_ =	shalt  }
0x70: {  	_ =	shalt  }
0x71: {  	_ =	shalt  }
0x72: {  	_ =	shalt  }
0x73: {  	_ =	shalt  }
0x74: {  	_ =	shalt  }
0x75: {  	_ =	shalt  }
0x76: {  	_ =	shalt  }
0x77: {  	_ =	shalt  }
0x78: {  	_ =	shalt  }
0x79: {  	_ =	shalt  }
0x7a: {  	_ =	shalt  }
0x7b: {  	_ =	shalt  }
0x7c: {  	_ =	shalt  }
0x7d: {  	_ =	shalt  }
0x7e: {  	_ =	shalt  }
0x7f: {  	_ =	shalt  }
0x80: {  	_ =	shalt  }
0x81: {  	_ =	shalt  }
0x82: {  	_ =	shalt  }
0x83: {  	_ =	shalt  }
0x84: {  	_ =	shalt  }
0x85: {  	_ =	shalt  }
0x86: {  	_ =	shalt  }
0x87: {  	_ =	shalt  }
.Lfunc_end0:
.L_simem_size_0:
called_computation.1_lowered:
.L_overlay_start_0:
0x88: {  	s2 =	sld [smem:$0x3FD9]  }
0x89: {  	s3 =	sld [smem:$0x3FFE];
	_ =	sdelay $0x1  }
0x8a: {  	s1 =	srdreg.scid  }
0x8b: {  	s0 =	sand.u32 $0x1, s1  }
0x8c: {  	s16 =	sshll.u32 s0, $0xA;
	s2 =	sadd.s32 s3, s2  }
0x8d: {  	s2 =	sadd.s32 s2, s16  }
0x8e: {  	[smem:$0x3FBA] =	sst s2  }
0x8f: {  	_ = 	snop  }
0x90: {  	(tm) =	ssettm $0x1  }
0x91: {  	s17 =	sld [smem:$0x3FFB];
	_ =	sdelay $0x3  }
0x92: {  	_ =	strace s17  }
0x93: {  	s2 =	sld [smem:$0x3FFC];
	_ =	sdelay $0x3  }
0x94: {  	_ =	strace s2  }
0x95: {  	s2 =	sld [smem:$0x3FFD];
	_ =	sdelay $0x3  }
0x96: {  	_ =	strace s2  }
0x97: {  	_ =	strace $0x8FFFFFFF  }
0x98: {  	s18 =	sld [smem:$0x3FDB];
	_ =	sdelay $0x1  }
0x99: {  	s19 =	simm.s32 $_scs_section_size  }
0x9a: {  	s4 =	simm.s32 $_size__tile_overlayer_lowered;
	s5 =	simm.s32 $_tile_overlayer_lowered  }
0x9b: {  	s22 =	simm.s32 $0x1BFF;
	s21 =	sshll.u32 s5, $0x1;
	s2 =	sadd.s32 s19, s18  }
0x9c: {  	s6 =	simm.s32 $0x0;
	s20 =	sshll.u32 s4, $0x1;
	s4 =	sadd.s32 s21, s2  }
0x9d: {  	[timem:s6], [sflag:s22] =	dma.local [hbm:s4], s20  }
0x9e: {  	_ =	swait.ge [sflag:s22], s20  }
0x9f: {  	s3 =	ssub.s32 $0x0, s20;
	[sflag:s22] =	ssyncset.done $0x0  }
0xa0: {  	[sflag:s22] =	ssyncadd.s32 s3;
	_ =	sdelay $0x1  }
0xa1: {  	s23 =	simm.s32 $0x1B8B  }
0xa2: {  	_ =	swait.ge [sflag:s23], $0x1  }
0xa3: {  	[sflag:s23] =	ssyncset.done $0x0  }
0xa4: {  	s25 =	simm.s32 $0x1B8E;
	s24 =	sld [smem:$0x3FFE];
	[sflag:s23] =	ssyncadd.s32 $0xFFFFFFFF  }
0xa5: {  	s26 =	simm.s32 $execute0_lowered;
	[smem:$0x3FD2] =	sst s25  }
0xa6: {  	s4 =	sshll.u32 s26, $0x1;
	_ =	strace $0x80000049;
	[dreg:$0x1] =	wrdreg $0xFFFFFFFF  }
0xa7: {  	s28 =	simm.s32 $_size_execute0_lowered;
	s2 =	sadd.s32 s2, s4;
	[dreg:$0x0] =	wrdreg $0x0  }
0xa8: {  	s4 =	sshll.u32 s28, $0x1;
	[dreg:$0x2] =	wrdreg s2  }
0xa9: {  	[dreg:$0x3] =	wrdreg s4  }
0xaa: {  	[dreg:$0x4] =	wrdreg $0xC0  }
0xab: {  	_ =	task [dreg:s6], $0x5FFFF  }
0xac: {  	[dreg:$0x1] =	wrdreg $0xFFFFFFFF  }
0xad: {  	[dreg:$0x0] =	wrdreg $0x60  }
0xae: {  	[dreg:$0x2] =	wrdreg s24  }
0xaf: {  	[dreg:$0x3] =	wrdreg $0x90000  }
0xb0: {  	[dreg:$0x4] =	wrdreg $0x9  }
0xb1: {  	_ =	task.clear_ibuf [dreg:s6], $0x5FFFF;
	_ =	strace $0x90000049  }
0xb2: {  	s29 =	simm.s32 $0x9;
	_ =	strace $0x8000004B  }
0xb3: {  	_ =	swait.ge [sflag:s29], $0x1  }
0xb4: {  	[sflag:s29] =	ssyncadd.s32 $0xFFFFFFFF  }
0xb5: {  	_ =	strace $0x9000004B  }
0xb6: {  	_ =	sfence  }
0xb7: {  	s30 =	sld [smem:$0x0];
	_ =	sdelay $0x2  }
0xb8: {  	s31 =	sshll.u32 s1, $0xD;
	s1 =	sshrl.u32 s1, $0x2  }
0xb9: {  	s3 =	sand.u32 $0x4000, s31;
	s1 =	sadd.s32 s1, s30  }
0xba: {  	s0 =	sor.u32 s3, s0;
	s1 =	sshll.u32 s1, $0x11  }
0xbb: {  	s0 =	sor.u32 s1, s0  }
0xbc: {  	s0 =	sadd.s32 $0x8F2B, s0  }
0xbd: {  	[sflag:s0] =	ssyncadd.remote.s32 $0x1  }
0xbe: {  	_ =	sfence.sel $0xFFFF  }
0xbf: {  	[dreg:$0x0] =	wrdreg $0xFFFFFFFF;
	(pc) =	sbr.abs _section_cstart, $3  }
0xc0: {  	[dreg:$0x1] =	wrdreg $0xFFFFFFFF  }
0xc1: {  	_ =	task.clear_ibuf [dreg:s6], $0x2FFFF;
	_ =	strace $0x9FFFFFFF  }
0xc2: {  	(tm) =	ssettm $0x7FFFFFFF  }
0xc3: {  	_ =	shalt  }
tec
execute0_lowered:
.L_overlay_start_1:
0x0: {  	(tag) =	ssettag $0x1  }
0x1: {  	s0 =	rddreg [dreg:$0x0];
	s1 =	srdreg.scid  }
0x2: {  	s2 =	rddreg [dreg:$0x1];
	s7 =	stileid.u32;
	s4 =	simm.s32 $0x0  }
0x3: {  	s13 =	simm.s32 $0x11;
	s14 =	simm.s32 $0x80;
	s15 =	simm.s32 $0x5000  }
0x4: {  	s16 =	simm.s32 $0x5800;
	s18 =	simm.s32 $0x6000;
	s20 =	simm.s32 $0x6800  }
0x5: {  	s29 =	simm.s32 $0x8800;
	s30 =	simm.s32 $0x1;
	s31 =	simm.s32 $0x9  }
0x6: {  	s11 =	simm.s32 $0x3;
	s17 =	simm.s32 $0xB;
	s19 =	simm.s32 $0x4  }
0x7: {  	s21 =	simm.s32 $0xC;
	s28 =	simm.s32 $0x6;
	s9 =	simm.s32 $0x10  }
0x8: {  	s1 =	sand.u32 $0x1, s1;
	s5 =	smul.u32 $0x2800, s7;
	[smem:$0x7FF] =	sst s4  }
0x9: {  	s4 =	sadd.s32 $0x18A00, s0;
	s8 =	sadd.s32 $0x18400, s0;
	s26 =	sshll.u32 s7, $0x6  }
0xa: {  	s3 =	sshll.u32 s1, $0x4;
	s6 =	smul.u32 $0x28000, s1;
	_ =	strace $0x8000004A  }
0xb: {  	s1 =	ssub.s32 $0x2, s1;
	[dreg:$0x3] =	wrdreg s8;
	s12 =	sor.u32 $0x1C11, s26  }
0xc: {  	s26 =	simm.s32 $0x8000;
	s8 =	simm.s32 $0x8;
	s3 =	sor.u32 s7, s3  }
0xd: {  	s22 =	sshrl.u32 s1, $0x1;
	s24 =	sadd.s32 s5, s2;
	s7 =	simm.s32 $0xF  }
0xe: {  	[dreg:$0xa] =	wrdreg s12;
	s3 =	smul.u32 $0x500, s3;
	s6 =	sadd.s32 s5, s6  }
0xf: {  	s1 =	ssub.s32 s1, s22;
	s10 =	sshrl.u32 s24, $0x3;
	s22 =	simm.s32 $0x7000  }
0x10: {  	s24 =	simm.s32 $0x7800;
	s5 =	simm.s32 $0xE;
	s6 =	sshrl.u32 s6, $0x3  }
0x11: {  	s25 =	smax.u32 s1, $0x1;
	[dreg:$0x8] =	wrdreg s10;
	s3 =	sadd.s32 s3, s0  }
0x12: {  	s1 =	simm.s32 $0xA;
	[dreg:$0x7] =	wrdreg s25;
	s23 =	sadd.s32 $0xE400, s3  }
0x13: {  	s0 =	sadd.s32 s6, s0;
	s3 =	sadd.s32 $0x4400, s3;
	[dreg:$0x4] =	wrdreg s23  }
0x14: {  	s25 =	simm.s32 $0xD;
	s0 =	sadd.s32 $0x1DA00, s0;
	[dreg:$0x5] =	wrdreg s3  }
0x15: {  	s6 =	simm.s32 $0x7;
	[dreg:$0x6] =	wrdreg s0;
	s3 =	simm.s32 $0x0  }
0x16: {  	s0 =	simm.s32 $0x2;
	s23 =	simm.s32 $0x5;
	[dreg:$0x9] =	wrdreg s3  }
.LBB2_1:
0x17: {  	s3 =	simm.s32 $0x0;
	s12 =	rddreg [dreg:$0x4]  }
0x18: {  	[tilespmem:s3], [sflag:$0x11] =	stream.linear.gather [hbm4b:s12+s3], $0x2800, $0x38;
	[tilespmem:$0xB800] =	vst v63  }
0x19: {  	_ =	swait.ge [sflag:s13], $0x2800  }
0x1a: {  	s10 =	simm.s32 $0x0;
	[sflag:s13] =	ssyncset.done $0x0  }
0x1b: {  	s3 =	simm.s32 $0x2800;
	s12 =	rddreg [dreg:$0x5];
	[sflag:s13] =	ssyncadd.s32 $0xFFFFD800  }
0x1c: {  	[tilespmem:s3], [sflag:$0x11] =	stream.linear.gather [hbm4b:s12+s10], $0x2800, $0x38;
	[tilespmem:$0xB800] =	vst v63  }
0x1d: {  	_ =	swait.ge [sflag:s13], $0x2800  }
0x1e: {  	s12 =	rddreg [dreg:$0x3]  }
0x1f: {  	[sflag:s13] =	ssyncset.done $0x0;
	s10 =	rddreg [dreg:$0x8]  }
0x20: {  	s3 =	rddreg [dreg:$0xa];
	[sflag:s13] =	ssyncadd.s32 $0xFFFFD800  }
0x21: {  	[spmem:s10], [sflag:s3] =	dma.local [hbm:s12], $0x500  }
0x22: {  	_ =	swait.ge [sflag:s13], $0x500  }
0x23: {  	[sflag:s13] =	ssyncset.done $0x0  }
0x24: {  	[sflag:s13] =	ssyncadd.s32 $0xFFFFFB00  }
0x25: {  	s13 =	simm.s32 $0x0;
	[bflag:$0x0] =	sbarrier.arrive $0xFFFF  }
0x26: {  	[tilespmem:s15], [sflag:$0x1] =	stream.indirect.gather [hbm4b:s4+s14], $0x10, s13, s14, $0xb8;
	[tilespmem:$0xB800] =	vst v63  }
0x27: {  	_ = 	snop  }
0x28: {  	[tilespmem:s16], [sflag:$0x2] =	stream.indirect.gather [hbm4b:s4+s14], $0x10, s14, s14, $0xb8;
	[tilespmem:$0xB800] =	vst v63  }
0x29: {  	s10 =	simm.s32 $0x100  }
0x2a: {  	[tilespmem:s18], [sflag:$0x3] =	stream.indirect.gather [hbm4b:s4+s14], $0x10, s10, s14, $0xb8;
	[tilespmem:$0xB800] =	vst v63  }
0x2b: {  	s12 =	simm.s32 $0x180  }
0x2c: {  	[tilespmem:s20], [sflag:$0x4] =	stream.indirect.gather [hbm4b:s4+s14], $0x10, s12, s14, $0xb8;
	[tilespmem:$0xB800] =	vst v63  }
0x2d: {  	s13 =	simm.s32 $0x200  }
0x2e: {  	[tilespmem:s22], [sflag:$0x5] =	stream.indirect.gather [hbm4b:s4+s14], $0x10, s13, s14, $0xb8;
	[tilespmem:$0xB800] =	vst v63  }
0x2f: {  	s10 =	simm.s32 $0x280  }
0x30: {  	[tilespmem:s24], [sflag:$0x6] =	stream.indirect.gather [hbm4b:s4+s14], $0x10, s10, s14, $0xb8;
	[tilespmem:$0xB800] =	vst v63  }
0x31: {  	s12 =	simm.s32 $0x300  }
0x32: {  	[tilespmem:s26], [sflag:$0x7] =	stream.indirect.gather [hbm4b:s4+s14], $0x10, s12, s14, $0xb8;
	[tilespmem:$0xB800] =	vst v63  }
0x33: {  	s13 =	simm.s32 $0x380  }
0x34: {  	[tilespmem:s29], [sflag:$0x8] =	stream.indirect.gather [hbm4b:s4+s14], $0x10, s13, s14, $0xb8;
	[tilespmem:$0xB800] =	vst v63  }
0x35: {  	_ =	swait.ge [sflag:s30], $0x800  }
0x36: {  	[sflag:s30] =	ssyncset.done $0x0  }
0x37: {  	s3 =	simm.s32 $0x2800;
	[sflag:s30] =	ssyncadd.s32 $0xFFFFF800  }
0x38: {  	[spmem:s2] =	stream.indirect.scatter.add.f32 [tilespmem:s15], [sflag:$0x9], $0x10, s3, s14, $0xb8;
	[tilespmem:$0xB800] =	vst v63  }
0x39: {  	_ =	swait.ge [sflag:s31], $0x800  }
0x3a: {  	[sflag:s31] =	ssyncset.done $0x0  }
0x3b: {  	s10 =	simm.s32 $0x400;
	[sflag:s31] =	ssyncadd.s32 $0xFFFFF800  }
0x3c: {  	[tilespmem:s15], [sflag:$0x1] =	stream.indirect.gather [hbm4b:s4+s14], $0x10, s10, s14, $0xb8;
	[tilespmem:$0xB800] =	vst v63  }
0x3d: {  	_ =	swait.ge [sflag:s0], $0x800  }
0x3e: {  	[sflag:s0] =	ssyncset.done $0x0  }
0x3f: {  	s13 =	simm.s32 $0x2880;
	[sflag:s0] =	ssyncadd.s32 $0xFFFFF800  }
0x40: {  	[spmem:s2] =	stream.indirect.scatter.add.f32 [tilespmem:s16], [sflag:$0xA], $0x10, s13, s14, $0xb8;
	[tilespmem:$0xB800] =	vst v63  }
0x41: {  	_ =	swait.ge [sflag:s1], $0x800  }
0x42: {  	[sflag:s1] =	ssyncset.done $0x0  }
0x43: {  	s3 =	simm.s32 $0x480;
	[sflag:s1] =	ssyncadd.s32 $0xFFFFF800  }
0x44: {  	[tilespmem:s16], [sflag:$0x2] =	stream.indirect.gather [hbm4b:s4+s14], $0x10, s3, s14, $0xb8;
	[tilespmem:$0xB800] =	vst v63  }
0x45: {  	_ =	swait.ge [sflag:s11], $0x800  }
0x46: {  	[sflag:s11] =	ssyncset.done $0x0  }
0x47: {  	s10 =	simm.s32 $0x2900;
	[sflag:s11] =	ssyncadd.s32 $0xFFFFF800  }
0x48: {  	[spmem:s2] =	stream.indirect.scatter.add.f32 [tilespmem:s18], [sflag:$0xB], $0x10, s10, s14, $0xb8;
	[tilespmem:$0xB800] =	vst v63  }
0x49: {  	_ =	swait.ge [sflag:s17], $0x800  }
0x4a: {  	[sflag:s17] =	ssyncset.done $0x0  }
0x4b: {  	s13 =	simm.s32 $0x500;
	[sflag:s17] =	ssyncadd.s32 $0xFFFFF800  }
0x4c: {  	[tilespmem:s18], [sflag:$0x3] =	stream.indirect.gather [hbm4b:s4+s14], $0x10, s13, s14, $0xb8;
	[tilespmem:$0xB800] =	vst v63  }
0x4d: {  	_ =	swait.ge [sflag:s19], $0x800  }
0x4e: {  	[sflag:s19] =	ssyncset.done $0x0  }
0x4f: {  	s3 =	simm.s32 $0x2980;
	[sflag:s19] =	ssyncadd.s32 $0xFFFFF800  }
0x50: {  	[spmem:s2] =	stream.indirect.scatter.add.f32 [tilespmem:s20], [sflag:$0xC], $0x10, s3, s14, $0xb8;
	[tilespmem:$0xB800] =	vst v63  }
0x51: {  	_ =	swait.ge [sflag:s21], $0x800  }
0x52: {  	[sflag:s21] =	ssyncset.done $0x0  }
0x53: {  	s10 =	simm.s32 $0x580;
	[sflag:s21] =	ssyncadd.s32 $0xFFFFF800  }
0x54: {  	[tilespmem:s20], [sflag:$0x4] =	stream.indirect.gather [hbm4b:s4+s14], $0x10, s10, s14, $0xb8;
	[tilespmem:$0xB800] =	vst v63  }
0x55: {  	_ =	swait.ge [sflag:s23], $0x800  }
0x56: {  	[sflag:s23] =	ssyncset.done $0x0  }
0x57: {  	s13 =	simm.s32 $0x2A00;
	[sflag:s23] =	ssyncadd.s32 $0xFFFFF800  }
0x58: {  	[spmem:s2] =	stream.indirect.scatter.add.f32 [tilespmem:s22], [sflag:$0xD], $0x10, s13, s14, $0xb8;
	[tilespmem:$0xB800] =	vst v63  }
0x59: {  	_ =	swait.ge [sflag:s25], $0x800  }
0x5a: {  	[sflag:s25] =	ssyncset.done $0x0  }
0x5b: {  	s3 =	simm.s32 $0x600;
	[sflag:s25] =	ssyncadd.s32 $0xFFFFF800  }
0x5c: {  	[tilespmem:s22], [sflag:$0x5] =	stream.indirect.gather [hbm4b:s4+s14], $0x10, s3, s14, $0xb8;
	[tilespmem:$0xB800] =	vst v63  }
0x5d: {  	_ =	swait.ge [sflag:s28], $0x800  }
0x5e: {  	[sflag:s28] =	ssyncset.done $0x0  }
0x5f: {  	s10 =	simm.s32 $0x2A80;
	[sflag:s28] =	ssyncadd.s32 $0xFFFFF800  }
0x60: {  	[spmem:s2] =	stream.indirect.scatter.add.f32 [tilespmem:s24], [sflag:$0xE], $0x10, s10, s14, $0xb8;
	[tilespmem:$0xB800] =	vst v63  }
0x61: {  	_ =	swait.ge [sflag:s5], $0x800  }
0x62: {  	[sflag:s5] =	ssyncset.done $0x0  }
0x63: {  	s13 =	simm.s32 $0x680;
	[sflag:s5] =	ssyncadd.s32 $0xFFFFF800  }
0x64: {  	[tilespmem:s24], [sflag:$0x6] =	stream.indirect.gather [hbm4b:s4+s14], $0x10, s13, s14, $0xb8;
	[tilespmem:$0xB800] =	vst v63  }
0x65: {  	_ =	swait.ge [sflag:s6], $0x800  }
0x66: {  	[sflag:s6] =	ssyncset.done $0x0  }
0x67: {  	s3 =	simm.s32 $0x2B00;
	[sflag:s6] =	ssyncadd.s32 $0xFFFFF800  }
0x68: {  	[spmem:s2] =	stream.indirect.scatter.add.f32 [tilespmem:s26], [sflag:$0xF], $0x10, s3, s14, $0xb8;
	[tilespmem:$0xB800] =	vst v63  }
0x69: {  	_ =	swait.ge [sflag:s7], $0x800  }
0x6a: {  	[sflag:s7] =	ssyncset.done $0x0  }
0x6b: {  	s10 =	simm.s32 $0x700;
	[sflag:s7] =	ssyncadd.s32 $0xFFFFF800  }
0x6c: {  	[tilespmem:s26], [sflag:$0x7] =	stream.indirect.gather [hbm4b:s4+s14], $0x10, s10, s14, $0xb8;
	[tilespmem:$0xB800] =	vst v63  }
0x6d: {  	_ =	swait.ge [sflag:s8], $0x800  }
0x6e: {  	[sflag:s8] =	ssyncset.done $0x0  }
0x6f: {  	s13 =	simm.s32 $0x2B80;
	[sflag:s8] =	ssyncadd.s32 $0xFFFFF800  }
0x70: {  	[spmem:s2] =	stream.indirect.scatter.add.f32 [tilespmem:s29], [sflag:$0x10], $0x10, s13, s14, $0xb8;
	[tilespmem:$0xB800] =	vst v63  }
0x71: {  	_ =	swait.ge [sflag:s9], $0x800  }
0x72: {  	s12 =	simm.s32 $0x1000;
	[sflag:s9] =	ssyncset.done $0x0  }
0x73: {  	s13 =	simm.s32 $0x780;
	s3 =	rddreg [dreg:$0xa];
	[sflag:s9] =	ssyncadd.s32 $0xFFFFF800  }
.LBB2_2:
0x74: {  	[tilespmem:s29], [sflag:$0x8] =	stream.indirect.gather [hbm4b:s4+s14], $0x10, s13, s14, $0xb8;
	[tilespmem:$0xB800] =	vst v63  }
0x75: {  	s13 =	smov.u32 s12  }
0x76: {  	p0 =	sne.s32 s12, $0x8000;
	s12 =	sadd.s32 $0x1000, s12;
	_ =	swait.ge [sflag:s30], $0x800  }
0x77: {  	s13 =	sshra.s32 s13, $0x2;
	[sflag:s30] =	ssyncset.done $0x0  }
0x78: {  	s10 =	sadd.s32 $0x2800, s13;
	[sflag:s30] =	ssyncadd.s32 $0xFFFFF800  }
0x79: {  	[spmem:s2] =	stream.indirect.scatter.add.f32 [tilespmem:s15], [sflag:$0x9], $0x10, s10, s14, $0xb8;
	[tilespmem:$0xB800] =	vst v63  }
0x7a: {  	_ =	swait.ge [sflag:s31], $0x800  }
0x7b: {  	[sflag:s31] =	ssyncset.done $0x0  }
0x7c: {  	s10 =	sadd.s32 $0x400, s13;
	[sflag:s31] =	ssyncadd.s32 $0xFFFFF800  }
0x7d: {  	[tilespmem:s15], [sflag:$0x1] =	stream.indirect.gather [hbm4b:s4+s14], $0x10, s10, s14, $0xb8;
	[tilespmem:$0xB800] =	vst v63  }
0x7e: {  	_ =	swait.ge [sflag:s0], $0x800  }
0x7f: {  	[sflag:s0] =	ssyncset.done $0x0  }
0x80: {  	s10 =	sadd.s32 $0x2880, s13;
	[sflag:s0] =	ssyncadd.s32 $0xFFFFF800  }
0x81: {  	[spmem:s2] =	stream.indirect.scatter.add.f32 [tilespmem:s16], [sflag:$0xA], $0x10, s10, s14, $0xb8;
	[tilespmem:$0xB800] =	vst v63  }
0x82: {  	_ =	swait.ge [sflag:s1], $0x800  }
0x83: {  	[sflag:s1] =	ssyncset.done $0x0  }
0x84: {  	s10 =	sadd.s32 $0x480, s13;
	[sflag:s1] =	ssyncadd.s32 $0xFFFFF800  }
0x85: {  	[tilespmem:s16], [sflag:$0x2] =	stream.indirect.gather [hbm4b:s4+s14], $0x10, s10, s14, $0xb8;
	[tilespmem:$0xB800] =	vst v63  }
0x86: {  	_ =	swait.ge [sflag:s11], $0x800  }
0x87: {  	[sflag:s11] =	ssyncset.done $0x0  }
0x88: {  	s10 =	sadd.s32 $0x2900, s13;
	[sflag:s11] =	ssyncadd.s32 $0xFFFFF800  }
0x89: {  	[spmem:s2] =	stream.indirect.scatter.add.f32 [tilespmem:s18], [sflag:$0xB], $0x10, s10, s14, $0xb8;
	[tilespmem:$0xB800] =	vst v63  }
0x8a: {  	_ =	swait.ge [sflag:s17], $0x800  }
0x8b: {  	[sflag:s17] =	ssyncset.done $0x0  }
0x8c: {  	s10 =	sadd.s32 $0x500, s13;
	[sflag:s17] =	ssyncadd.s32 $0xFFFFF800  }
0x8d: {  	[tilespmem:s18], [sflag:$0x3] =	stream.indirect.gather [hbm4b:s4+s14], $0x10, s10, s14, $0xb8;
	[tilespmem:$0xB800] =	vst v63  }
0x8e: {  	_ =	swait.ge [sflag:s19], $0x800  }
0x8f: {  	[sflag:s19] =	ssyncset.done $0x0  }
0x90: {  	s10 =	sadd.s32 $0x2980, s13;
	[sflag:s19] =	ssyncadd.s32 $0xFFFFF800  }
0x91: {  	[spmem:s2] =	stream.indirect.scatter.add.f32 [tilespmem:s20], [sflag:$0xC], $0x10, s10, s14, $0xb8;
	[tilespmem:$0xB800] =	vst v63  }
0x92: {  	_ =	swait.ge [sflag:s21], $0x800  }
0x93: {  	[sflag:s21] =	ssyncset.done $0x0  }
0x94: {  	s10 =	sadd.s32 $0x580, s13;
	[sflag:s21] =	ssyncadd.s32 $0xFFFFF800  }
0x95: {  	[tilespmem:s20], [sflag:$0x4] =	stream.indirect.gather [hbm4b:s4+s14], $0x10, s10, s14, $0xb8;
	[tilespmem:$0xB800] =	vst v63  }
0x96: {  	_ =	swait.ge [sflag:s23], $0x800  }
0x97: {  	[sflag:s23] =	ssyncset.done $0x0  }
0x98: {  	s10 =	sadd.s32 $0x2A00, s13;
	[sflag:s23] =	ssyncadd.s32 $0xFFFFF800  }
0x99: {  	[spmem:s2] =	stream.indirect.scatter.add.f32 [tilespmem:s22], [sflag:$0xD], $0x10, s10, s14, $0xb8;
	[tilespmem:$0xB800] =	vst v63  }
0x9a: {  	_ =	swait.ge [sflag:s25], $0x800  }
0x9b: {  	[sflag:s25] =	ssyncset.done $0x0  }
0x9c: {  	s10 =	sadd.s32 $0x600, s13;
	[sflag:s25] =	ssyncadd.s32 $0xFFFFF800  }
0x9d: {  	[tilespmem:s22], [sflag:$0x5] =	stream.indirect.gather [hbm4b:s4+s14], $0x10, s10, s14, $0xb8;
	[tilespmem:$0xB800] =	vst v63  }
0x9e: {  	_ =	swait.ge [sflag:s28], $0x800  }
0x9f: {  	[sflag:s28] =	ssyncset.done $0x0  }
0xa0: {  	s10 =	sadd.s32 $0x2A80, s13;
	[sflag:s28] =	ssyncadd.s32 $0xFFFFF800  }
0xa1: {  	[spmem:s2] =	stream.indirect.scatter.add.f32 [tilespmem:s24], [sflag:$0xE], $0x10, s10, s14, $0xb8;
	[tilespmem:$0xB800] =	vst v63  }
0xa2: {  	_ =	swait.ge [sflag:s5], $0x800  }
0xa3: {  	[sflag:s5] =	ssyncset.done $0x0  }
0xa4: {  	s10 =	sadd.s32 $0x680, s13;
	[sflag:s5] =	ssyncadd.s32 $0xFFFFF800  }
0xa5: {  	[tilespmem:s24], [sflag:$0x6] =	stream.indirect.gather [hbm4b:s4+s14], $0x10, s10, s14, $0xb8;
	[tilespmem:$0xB800] =	vst v63  }
0xa6: {  	_ =	swait.ge [sflag:s6], $0x800  }
0xa7: {  	[sflag:s6] =	ssyncset.done $0x0  }
0xa8: {  	s10 =	sadd.s32 $0x2B00, s13;
	[sflag:s6] =	ssyncadd.s32 $0xFFFFF800  }
0xa9: {  	[spmem:s2] =	stream.indirect.scatter.add.f32 [tilespmem:s26], [sflag:$0xF], $0x10, s10, s14, $0xb8;
	[tilespmem:$0xB800] =	vst v63  }
0xaa: {  	_ =	swait.ge [sflag:s7], $0x800  }
0xab: {  	[sflag:s7] =	ssyncset.done $0x0  }
0xac: {  	s10 =	sadd.s32 $0x700, s13;
	[sflag:s7] =	ssyncadd.s32 $0xFFFFF800  }
0xad: {  	[tilespmem:s26], [sflag:$0x7] =	stream.indirect.gather [hbm4b:s4+s14], $0x10, s10, s14, $0xb8;
	[tilespmem:$0xB800] =	vst v63  }
0xae: {  	_ =	swait.ge [sflag:s8], $0x800  }
0xaf: {  	[sflag:s8] =	ssyncset.done $0x0  }
.Ltmp0:
0xb0: {  	s10 =	sadd.s32 $0x2B80, s13;
	[sflag:s8] =	ssyncadd.s32 $0xFFFFF800;
	(pc) =	sbr.rel @p0 .LBB2_2-.Ltmp0, $4  }
0xb1: {  	[spmem:s2] =	stream.indirect.scatter.add.f32 [tilespmem:s29], [sflag:$0x10], $0x10, s10, s14, $0xb8;
	[tilespmem:$0xB800] =	vst v63  }
0xb2: {  	_ =	swait.ge [sflag:s9], $0x800  }
0xb3: {  	[sflag:s9] =	ssyncset.done $0x0  }
0xb4: {  	s13 =	sadd.s32 $0x780, s13;
	[sflag:s9] =	ssyncadd.s32 $0xFFFFF800  }
0xb5: {  	[tilespmem:s29], [sflag:$0x8] =	stream.indirect.gather [hbm4b:s4+s14], $0x10, s13, s14, $0xb8;
	[tilespmem:$0xB800] =	vst v63  }
0xb6: {  	_ =	swait.ge [sflag:s30], $0x800  }
0xb7: {  	[sflag:s30] =	ssyncset.done $0x0  }
0xb8: {  	s10 =	simm.s32 $0x4C00;
	[sflag:s30] =	ssyncadd.s32 $0xFFFFF800  }
0xb9: {  	[spmem:s2] =	stream.indirect.scatter.add.f32 [tilespmem:s15], [sflag:$0x9], $0x10, s10, s14, $0xb8;
	[tilespmem:$0xB800] =	vst v63  }
0xba: {  	_ =	swait.ge [sflag:s0], $0x800  }
0xbb: {  	[sflag:s0] =	ssyncset.done $0x0  }
0xbc: {  	s12 =	simm.s32 $0x4C80;
	[sflag:s0] =	ssyncadd.s32 $0xFFFFF800  }
0xbd: {  	[spmem:s2] =	stream.indirect.scatter.add.f32 [tilespmem:s16], [sflag:$0xA], $0x10, s12, s14, $0xb8;
	[tilespmem:$0xB800] =	vst v63  }
0xbe: {  	_ =	swait.ge [sflag:s11], $0x800  }
0xbf: {  	[sflag:s11] =	ssyncset.done $0x0  }
0xc0: {  	s13 =	simm.s32 $0x4D00;
	[sflag:s11] =	ssyncadd.s32 $0xFFFFF800  }
0xc1: {  	[spmem:s2] =	stream.indirect.scatter.add.f32 [tilespmem:s18], [sflag:$0xB], $0x10, s13, s14, $0xb8;
	[tilespmem:$0xB800] =	vst v63  }
0xc2: {  	_ =	swait.ge [sflag:s19], $0x800  }
0xc3: {  	[sflag:s19] =	ssyncset.done $0x0  }
0xc4: {  	s12 =	simm.s32 $0x4D80;
	[sflag:s19] =	ssyncadd.s32 $0xFFFFF800  }
0xc5: {  	[spmem:s2] =	stream.indirect.scatter.add.f32 [tilespmem:s20], [sflag:$0xC], $0x10, s12, s14, $0xb8;
	[tilespmem:$0xB800] =	vst v63  }
0xc6: {  	_ =	swait.ge [sflag:s23], $0x800  }
0xc7: {  	[sflag:s23] =	ssyncset.done $0x0  }
0xc8: {  	s13 =	simm.s32 $0x4E00;
	[sflag:s23] =	ssyncadd.s32 $0xFFFFF800  }
0xc9: {  	[spmem:s2] =	stream.indirect.scatter.add.f32 [tilespmem:s22], [sflag:$0xD], $0x10, s13, s14, $0xb8;
	[tilespmem:$0xB800] =	vst v63  }
0xca: {  	_ =	swait.ge [sflag:s28], $0x800  }
0xcb: {  	[sflag:s28] =	ssyncset.done $0x0  }
0xcc: {  	s12 =	simm.s32 $0x4E80;
	[sflag:s28] =	ssyncadd.s32 $0xFFFFF800  }
0xcd: {  	[spmem:s2] =	stream.indirect.scatter.add.f32 [tilespmem:s24], [sflag:$0xE], $0x10, s12, s14, $0xb8;
	[tilespmem:$0xB800] =	vst v63  }
0xce: {  	_ =	swait.ge [sflag:s6], $0x800  }
0xcf: {  	[sflag:s6] =	ssyncset.done $0x0  }
0xd0: {  	s13 =	simm.s32 $0x4F00;
	[sflag:s6] =	ssyncadd.s32 $0xFFFFF800  }
0xd1: {  	[spmem:s2] =	stream.indirect.scatter.add.f32 [tilespmem:s26], [sflag:$0xF], $0x10, s13, s14, $0xb8;
	[tilespmem:$0xB800] =	vst v63  }
0xd2: {  	_ =	swait.ge [sflag:s8], $0x800  }
0xd3: {  	[sflag:s8] =	ssyncset.done $0x0  }
0xd4: {  	s12 =	simm.s32 $0x4F80;
	[sflag:s8] =	ssyncadd.s32 $0xFFFFF800  }
0xd5: {  	[spmem:s2] =	stream.indirect.scatter.add.f32 [tilespmem:s29], [sflag:$0x10], $0x10, s12, s14, $0xb8;
	[tilespmem:$0xB800] =	vst v63  }
0xd6: {  	_ =	swait.ge [sflag:s31], $0x800  }
0xd7: {  	[sflag:s31] =	ssyncset.done $0x0  }
0xd8: {  	[sflag:s31] =	ssyncadd.s32 $0xFFFFF800  }
0xd9: {  	_ =	swait.ge [sflag:s1], $0x800  }
0xda: {  	[sflag:s1] =	ssyncset.done $0x0  }
0xdb: {  	[sflag:s1] =	ssyncadd.s32 $0xFFFFF800  }
0xdc: {  	_ =	swait.ge [sflag:s17], $0x800  }
0xdd: {  	[sflag:s17] =	ssyncset.done $0x0  }
0xde: {  	[sflag:s17] =	ssyncadd.s32 $0xFFFFF800  }
0xdf: {  	_ =	swait.ge [sflag:s21], $0x800  }
0xe0: {  	[sflag:s21] =	ssyncset.done $0x0  }
0xe1: {  	[sflag:s21] =	ssyncadd.s32 $0xFFFFF800  }
0xe2: {  	_ =	swait.ge [sflag:s25], $0x800  }
0xe3: {  	[sflag:s25] =	ssyncset.done $0x0  }
0xe4: {  	[sflag:s25] =	ssyncadd.s32 $0xFFFFF800  }
0xe5: {  	_ =	swait.ge [sflag:s5], $0x800  }
0xe6: {  	[sflag:s5] =	ssyncset.done $0x0  }
0xe7: {  	[sflag:s5] =	ssyncadd.s32 $0xFFFFF800  }
0xe8: {  	_ =	swait.ge [sflag:s7], $0x800  }
0xe9: {  	[sflag:s7] =	ssyncset.done $0x0  }
0xea: {  	[sflag:s7] =	ssyncadd.s32 $0xFFFFF800  }
0xeb: {  	_ =	swait.ge [sflag:s9], $0x800  }
0xec: {  	[sflag:s9] =	ssyncset.done $0x0  }
0xed: {  	[sflag:s9] =	ssyncadd.s32 $0xFFFFF800  }
0xee: {  	[bflag:$0x0] =	sbarrier.arrive $0xFFFF  }
0xef: {  	s13 =	rddreg [dreg:$0x6]  }
0xf0: {  	s12 =	rddreg [dreg:$0x8]  }
0xf1: {  	[hbm:s13], [sflag:s3] =	dma.local [spmem:s12], $0x500  }
0xf2: {  	s13 =	simm.s32 $0x11  }
0xf3: {  	_ =	swait.ge [sflag:s13], $0x500  }
0xf4: {  	s10 =	rddreg [dreg:$0x9]  }
0xf5: {  	s12 =	rddreg [dreg:$0x7];
	s3 =	sadd.s32 $0x1, s10  }
0xf6: {  	p0 =	sne.s32 s3, s12  }
.Ltmp1:
0xf7: {  	_ = 	snop;
	(pc) =	sbr.rel @p0 .LBB2_1-.Ltmp1, $3  }
0xf8: {  	_ =	sdelay $0x1  }
0xf9: {  	[sflag:s13] =	ssyncset.done $0x0  }
0xfa: {  	[sflag:s13] =	ssyncadd.s32 $0xFFFFFB00;
	[dreg:$0x9] =	wrdreg s3  }
0xfb: {  	_ =	sfence.sel $0x180000  }
0xfc: {  	[bflag:$0x0] =	sbarrier.arrive $0xFFFF  }
0xfd: {  	_ =	strace $0x9000004A  }
0xfe: {  	s0 =	stileid.u32;
	[bflag:$0x2] =	sbarrier.arrive $0xFFFF  }
0xff: {  	p0 =	sne.s32 s0, $0x0;
	s0 =	rddreg [dreg:$0x2]  }
0x100: {  	s0 =	sadd.s32 @!p0 $0x100000, s0  }
0x101: {  	[sflag:s0] =	ssyncadd.tile.s32 @!p0 $0x1;
	_ =	shalt  }
.Lfunc_end2:
_tile_overlayer_lowered:
.L_overlay_start_2:
0x102: {  	(tag) =	ssettag $0x2  }
0x103: {  	s0 =	rddreg [dreg:$0x0];
	s2 =	stileid.u32  }
0x104: {  	s1 =	rddreg [dreg:$0x1];
	p0 =	sne.s32 s2, $0x0  }
0x105: {  	s3 =	rddreg [dreg:$0x2];
	[bflag:$0x3] =	sbarrier.arrive $0xFFFF;
	s2 =	simm.s32 @!p0 $0x1C11  }
0x106: {  	[timem:s3], [sflag:s2] =	dma.local @!p0 [hbm:s0], s1  }
0x107: {  	s0 =	simm.s32 @!p0 $0x11  }
0x108: {  	_ =	swait.ge @!p0 [sflag:s0], s1  }
0x109: {  	s1 =	ssub.s32 @!p0 $0x0, s1;
	[sflag:s0] =	ssyncset.done @!p0 $0x0  }
0x10a: {  	[sflag:s0] =	ssyncadd.s32 @!p0 s1  }
0x10b: {  	[bflag:$0x3] =	sbarrier.arrive $0xFFFF  }
0x10c: {  	_ =	shalt  }

// kernel: kernel.17.cloned.1.call-start
scs
__scs_entry_jumppad:
0x0: {  	(pc) =	sbr.rel $0x88, $3  }
0x1: {  	(tag) =	ssettag $0x0;
	lr =	simm.s32 $0x1  }
0x2: {  	[smem:$0x3F93] =	sst lr;
	_ =	strace $0xD0000000  }
0x3: {  	_ = 	snop  }
0x4: {  	_ = 	snop  }
0x5: {  	_ = 	snop  }
0x6: {  	_ = 	snop  }
0x7: {  	_ = 	snop  }
__scs_overlays_trampoline_lowered:
0x8: {  	[smem:$0x3FA2] =	sst s0  }
0x9: {  	[smem:$0x3FA3] =	sst s1  }
0xa: {  	[smem:$0x3FA4] =	sst s2  }
0xb: {  	[smem:$0x3FA5] =	sst s3  }
0xc: {  	[smem:$0x3FA6] =	sst s4  }
0xd: {  	[smem:$0x3FA7] =	sst s5  }
0xe: {  	[smem:$0x3FA8] =	sst s6  }
0xf: {  	[smem:$0x3FA9] =	sst s7  }
0x10: {  	[smem:$0x3FAA] =	sst s8  }
0x11: {  	[smem:$0x3FAB] =	sst s9;
	s0 =	simm.s32 @!p0 $0x0  }
0x12: {  	s1 =	sld [smem:$0x3F91];
	s0 =	simm.s32 @p0 $0x1  }
0x13: {  	[smem:$0x3FAC] =	sst s0;
	s0 =	simm.s32 @!p1 $0x0  }
0x14: {  	s2 =	sld [smem:$0x3F90];
	s0 =	simm.s32 @p1 $0x1  }
0x15: {  	[smem:$0x3FAD] =	sst s0;
	s0 =	simm.s32 @!p2 $0x0  }
0x16: {  	s3 =	sld [smem:$0x3FDB];
	s0 =	simm.s32 @p2 $0x1  }
0x17: {  	s4 =	simm.s32 $0x1BF5;
	[smem:$0x3FAF] =	sst s0  }
0x18: {  	s0 =	sld [smem:$0x3F92];
	_ =	swait.ge [sflag:s4], $0x0  }
0x19: {  	s7 =	sld [smem:$0x3F93]  }
0x1a: {  	s8 =	sadd.s32 $0xFFFFE003, lr  }
0x1b: {  	s9 =	sadd.s32 $0xFFFFFEF7, lr;
	s5 =	simm.s32 $0xFFFFFFFF;
	p2 =	slt.u32 s8, $0xFFFFF086  }
0x1c: {  	p1 =	slt.u32 s9, $0xF7A;
	s5 =	simm.s32 @!p2 $0x0  }
0x1d: {  	s5 =	simm.s32 @p1 $0x1;
	p0 =	seq.s32 s7, s2  }
0x1e: {  	s7 =	smul.u32 @!p0 $0xF7A, s2;
	p2 =	seq.s32 @!p0 s5, $0x0  }
0x1f: {  	s9 =	smul.u32 $0xF7A, s1;
	s8 =	simm.s32 @!p0 $0x1BF5;
	p2 =	por !p2, p0  }
0x20: {  	[sflag:s8] =	ssyncset.s32 @!p0 $0xFFFFF086;
	s6 =	sadd.s32 @!p0 s3, s7;
	s7 =	simm.s32 @!p0 $0x108  }
0x21: {  	s3 =	sadd.s32 s3, s9;
	s6 =	sadd.s32 @!p0 $0x88, s6;
	s7 =	simm.s32 @p2 $0x1082  }
0x22: {  	[simem:s7], [sflag:s8] =	dma.local @!p0 [hbm:s6], $0xF7A  }
0x23: {  	s9 =	sor.u32 $0xD0000000, s2;
	s6 =	simm.s32 $0x108;
	_ =	swait.ge @!p0 [sflag:s8], $0x0  }
0x24: {  	s3 =	sadd.s32 $0x88, s3;
	s6 =	simm.s32 @!p1 $0x1082;
	[sflag:s4] =	ssyncset.s32 $0xFFFFF086  }
0x25: {  	[simem:s6], [sflag:s4] =	dma.local [hbm:s3], $0xF7A  }
0x26: {  	[smem:$0x3F93] =	sst s1;
	(tag) =	ssettag s2;
	_ =	strace s9  }
0x27: {  	s1 =	sld [smem:$0x3FA3]  }
0x28: {  	s2 =	sld [smem:$0x3FA4]  }
0x29: {  	s4 =	sld [smem:$0x3FA6]  }
0x2a: {  	p0 =	seq.s32 s5, $0x0;
	s5 =	sld [smem:$0x3FA7]  }
0x2b: {  	s6 =	sld [smem:$0x3FA8]  }
0x2c: {  	s7 =	sld [smem:$0x3FA9]  }
0x2d: {  	s3 =	simm.s32 $0x108;
	s8 =	sld [smem:$0x3FAA]  }
0x2e: {  	s3 =	simm.s32 @!p0 $0x1082;
	s9 =	sld [smem:$0x3FAB]  }
0x2f: {  	lr =	sadd.s32 s0, s3;
	s0 =	sld [smem:$0x3FA2]  }
0x30: {  	s3 =	sld [smem:$0x3FA5]  }
0x31: {  	[smem:$0x3FAE] =	sst s10  }
0x32: {  	s10 =	sld [smem:$0x3FAC];
	_ =	sdelay $0x3  }
0x33: {  	p0 =	seq.s32 s10, $0x1;
	s10 =	sld [smem:$0x3FAE];
	_ =	sdelay $0x3  }
0x34: {  	[smem:$0x3FAE] =	sst s10  }
0x35: {  	s10 =	sld [smem:$0x3FAD];
	_ =	sdelay $0x3  }
0x36: {  	p1 =	seq.s32 s10, $0x1;
	s10 =	sld [smem:$0x3FAE];
	_ =	sdelay $0x3  }
0x37: {  	[smem:$0x3FAE] =	sst s10  }
0x38: {  	s10 =	sld [smem:$0x3FAF]  }
0x39: {  	_ = 	snop;
	(pc) =	sbr.ind lr, $3  }
0x3a: {  	_ = 	snop  }
0x3b: {  	_ = 	snop  }
0x3c: {  	p2 =	seq.s32 s10, $0x1;
	s10 =	sld [smem:$0x3FAE]  }
0x3d: {  	_ =	shalt  }
0x3e: {  	_ =	shalt  }
0x3f: {  	_ =	shalt  }
0x40: {  	_ =	shalt  }
0x41: {  	_ =	shalt  }
0x42: {  	_ =	shalt  }
0x43: {  	_ =	shalt  }
0x44: {  	_ =	shalt  }
0x45: {  	_ =	shalt  }
0x46: {  	_ =	shalt  }
0x47: {  	_ =	shalt  }
0x48: {  	_ =	shalt  }
0x49: {  	_ =	shalt  }
0x4a: {  	_ =	shalt  }
0x4b: {  	_ =	shalt  }
0x4c: {  	_ =	shalt  }
0x4d: {  	_ =	shalt  }
0x4e: {  	_ =	shalt  }
0x4f: {  	_ =	shalt  }
0x50: {  	_ =	shalt  }
0x51: {  	_ =	shalt  }
0x52: {  	_ =	shalt  }
0x53: {  	_ =	shalt  }
0x54: {  	_ =	shalt  }
0x55: {  	_ =	shalt  }
0x56: {  	_ =	shalt  }
0x57: {  	_ =	shalt  }
0x58: {  	_ =	shalt  }
0x59: {  	_ =	shalt  }
0x5a: {  	_ =	shalt  }
0x5b: {  	_ =	shalt  }
0x5c: {  	_ =	shalt  }
0x5d: {  	_ =	shalt  }
0x5e: {  	_ =	shalt  }
0x5f: {  	_ =	shalt  }
0x60: {  	_ =	shalt  }
0x61: {  	_ =	shalt  }
0x62: {  	_ =	shalt  }
0x63: {  	_ =	shalt  }
0x64: {  	_ =	shalt  }
0x65: {  	_ =	shalt  }
0x66: {  	_ =	shalt  }
0x67: {  	_ =	shalt  }
0x68: {  	_ =	shalt  }
0x69: {  	_ =	shalt  }
0x6a: {  	_ =	shalt  }
0x6b: {  	_ =	shalt  }
0x6c: {  	_ =	shalt  }
0x6d: {  	_ =	shalt  }
0x6e: {  	_ =	shalt  }
0x6f: {  	_ =	shalt  }
0x70: {  	_ =	shalt  }
0x71: {  	_ =	shalt  }
0x72: {  	_ =	shalt  }
0x73: {  	_ =	shalt  }
0x74: {  	_ =	shalt  }
0x75: {  	_ =	shalt  }
0x76: {  	_ =	shalt  }
0x77: {  	_ =	shalt  }
0x78: {  	_ =	shalt  }
0x79: {  	_ =	shalt  }
0x7a: {  	_ =	shalt  }
0x7b: {  	_ =	shalt  }
0x7c: {  	_ =	shalt  }
0x7d: {  	_ =	shalt  }
0x7e: {  	_ =	shalt  }
0x7f: {  	_ =	shalt  }
0x80: {  	_ =	shalt  }
0x81: {  	_ =	shalt  }
0x82: {  	_ =	shalt  }
0x83: {  	_ =	shalt  }
0x84: {  	_ =	shalt  }
0x85: {  	_ =	shalt  }
0x86: {  	_ =	shalt  }
0x87: {  	_ =	shalt  }
.Lfunc_end0:
.L_simem_size_0:
called_computation.2_lowered:
.L_overlay_start_0:
0x88: {  	s2 =	sld [smem:$0x3FD9]  }
0x89: {  	s3 =	sld [smem:$0x3FFE];
	_ =	sdelay $0x1  }
0x8a: {  	s1 =	srdreg.scid  }
0x8b: {  	s0 =	sand.u32 $0x1, s1  }
0x8c: {  	s16 =	sshll.u32 s0, $0xA;
	s2 =	sadd.s32 s3, s2  }
0x8d: {  	s2 =	sadd.s32 s2, s16  }
0x8e: {  	[smem:$0x3FBA] =	sst s2  }
0x8f: {  	_ = 	snop  }
0x90: {  	(tm) =	ssettm $0x1  }
0x91: {  	s17 =	sld [smem:$0x3FFB];
	_ =	sdelay $0x3  }
0x92: {  	_ =	strace s17  }
0x93: {  	s2 =	sld [smem:$0x3FFC];
	_ =	sdelay $0x3  }
0x94: {  	_ =	strace s2  }
0x95: {  	s2 =	sld [smem:$0x3FFD];
	_ =	sdelay $0x3  }
0x96: {  	_ =	strace s2  }
0x97: {  	_ =	strace $0x8FFFFFFF  }
0x98: {  	s18 =	sld [smem:$0x3FDB];
	_ =	sdelay $0x1  }
0x99: {  	s19 =	simm.s32 $_scs_section_size  }
0x9a: {  	s4 =	simm.s32 $_size__tile_overlayer_lowered;
	s5 =	simm.s32 $_tile_overlayer_lowered  }
0x9b: {  	s22 =	simm.s32 $0x1BFF;
	s21 =	sshll.u32 s5, $0x1;
	s2 =	sadd.s32 s19, s18  }
0x9c: {  	s6 =	simm.s32 $0x0;
	s20 =	sshll.u32 s4, $0x1;
	s4 =	sadd.s32 s21, s2  }
0x9d: {  	[timem:s6], [sflag:s22] =	dma.local [hbm:s4], s20  }
0x9e: {  	_ =	swait.ge [sflag:s22], s20  }
0x9f: {  	s3 =	ssub.s32 $0x0, s20;
	[sflag:s22] =	ssyncset.done $0x0  }
0xa0: {  	[sflag:s22] =	ssyncadd.s32 s3;
	_ =	sdelay $0x1  }
0xa1: {  	s23 =	simm.s32 $0x1B8B  }
0xa2: {  	_ =	swait.ge [sflag:s23], $0x1  }
0xa3: {  	[sflag:s23] =	ssyncset.done $0x0  }
0xa4: {  	s25 =	simm.s32 $0x1B8E;
	s24 =	sld [smem:$0x3FFE];
	[sflag:s23] =	ssyncadd.s32 $0xFFFFFFFF  }
0xa5: {  	s26 =	simm.s32 $execute0_lowered;
	[smem:$0x3FD2] =	sst s25  }
0xa6: {  	s4 =	sshll.u32 s26, $0x1;
	_ =	strace $0x8000004C;
	[dreg:$0x1] =	wrdreg $0xFFFFFFFF  }
0xa7: {  	s28 =	simm.s32 $_size_execute0_lowered;
	s2 =	sadd.s32 s2, s4;
	[dreg:$0x0] =	wrdreg $0x0  }
0xa8: {  	s4 =	sshll.u32 s28, $0x1;
	[dreg:$0x2] =	wrdreg s2  }
0xa9: {  	[dreg:$0x3] =	wrdreg s4  }
0xaa: {  	[dreg:$0x4] =	wrdreg $0xC0  }
0xab: {  	_ =	task [dreg:s6], $0x5FFFF  }
0xac: {  	[dreg:$0x1] =	wrdreg $0xFFFFFFFF  }
0xad: {  	[dreg:$0x0] =	wrdreg $0x60  }
0xae: {  	[dreg:$0x2] =	wrdreg s24  }
0xaf: {  	[dreg:$0x3] =	wrdreg $0xD0000  }
0xb0: {  	[dreg:$0x4] =	wrdreg $0x9  }
0xb1: {  	_ =	task.clear_ibuf [dreg:s6], $0x5FFFF;
	_ =	strace $0x9000004C  }
0xb2: {  	s29 =	simm.s32 $0x9;
	_ =	strace $0x8000004E  }
0xb3: {  	_ =	swait.ge [sflag:s29], $0x1  }
0xb4: {  	[sflag:s29] =	ssyncadd.s32 $0xFFFFFFFF  }
0xb5: {  	_ =	strace $0x9000004E  }
0xb6: {  	_ =	sfence  }
0xb7: {  	s30 =	sld [smem:$0x0];
	_ =	sdelay $0x2  }
0xb8: {  	s31 =	sshll.u32 s1, $0xD;
	s1 =	sshrl.u32 s1, $0x2  }
0xb9: {  	s3 =	sand.u32 $0x4000, s31;
	s1 =	sadd.s32 s1, s30  }
0xba: {  	s0 =	sor.u32 s3, s0;
	s1 =	sshll.u32 s1, $0x11  }
0xbb: {  	s0 =	sor.u32 s1, s0  }
0xbc: {  	s0 =	sadd.s32 $0x8F2B, s0  }
0xbd: {  	[sflag:s0] =	ssyncadd.remote.s32 $0x1  }
0xbe: {  	_ =	sfence.sel $0xFFFF  }
0xbf: {  	[dreg:$0x0] =	wrdreg $0xFFFFFFFF;
	(pc) =	sbr.abs _section_cstart, $3  }
0xc0: {  	[dreg:$0x1] =	wrdreg $0xFFFFFFFF  }
0xc1: {  	_ =	task.clear_ibuf [dreg:s6], $0x2FFFF;
	_ =	strace $0x9FFFFFFF  }
0xc2: {  	(tm) =	ssettm $0x7FFFFFFF  }
0xc3: {  	_ =	shalt  }
tec
execute0_lowered:
.L_overlay_start_1:
0x0: {  	(tag) =	ssettag $0x1  }
0x1: {  	s0 =	rddreg [dreg:$0x0];
	s1 =	srdreg.scid  }
0x2: {  	s2 =	rddreg [dreg:$0x1];
	s7 =	stileid.u32;
	s4 =	simm.s32 $0x0  }
0x3: {  	s13 =	simm.s32 $0x11;
	s14 =	simm.s32 $0x80;
	s15 =	simm.s32 $0x5000  }
0x4: {  	s16 =	simm.s32 $0x6000;
	s18 =	simm.s32 $0x7000;
	s20 =	simm.s32 $0x8000  }
0x5: {  	s29 =	simm.s32 $0xC000;
	s30 =	simm.s32 $0x1;
	s31 =	simm.s32 $0x9  }
0x6: {  	s11 =	simm.s32 $0x3;
	s17 =	simm.s32 $0xB;
	s19 =	simm.s32 $0x4  }
0x7: {  	s21 =	simm.s32 $0xC;
	s28 =	simm.s32 $0x6;
	s9 =	simm.s32 $0x10  }
0x8: {  	s1 =	sand.u32 $0x1, s1;
	s5 =	smul.u32 $0x5000, s7;
	[smem:$0x7FF] =	sst s4  }
0x9: {  	s4 =	sadd.s32 $0x18400, s0;
	s8 =	sadd.s32 $0x22200, s0;
	s26 =	sshll.u32 s7, $0x6  }
0xa: {  	s3 =	sshll.u32 s1, $0x4;
	s6 =	smul.u32 $0x50000, s1;
	_ =	strace $0x8000004D  }
0xb: {  	s1 =	ssub.s32 $0x2, s1;
	[dreg:$0x3] =	wrdreg s8;
	s12 =	sor.u32 $0x1C11, s26  }
0xc: {  	s26 =	simm.s32 $0xB000;
	s8 =	simm.s32 $0x8;
	s3 =	sor.u32 s7, s3  }
0xd: {  	s22 =	sshrl.u32 s1, $0x1;
	s24 =	sadd.s32 s5, s2;
	s7 =	simm.s32 $0xF  }
0xe: {  	[dreg:$0xa] =	wrdreg s12;
	s3 =	smul.u32 $0x500, s3;
	s6 =	sadd.s32 s5, s6  }
0xf: {  	s1 =	ssub.s32 s1, s22;
	s10 =	sshrl.u32 s24, $0x3;
	s22 =	simm.s32 $0x9000  }
0x10: {  	s24 =	simm.s32 $0xA000;
	s5 =	simm.s32 $0xE;
	s6 =	sshrl.u32 s6, $0x3  }
0x11: {  	s25 =	smax.u32 s1, $0x1;
	[dreg:$0x8] =	wrdreg s10;
	s3 =	sadd.s32 s3, s0  }
0x12: {  	s1 =	simm.s32 $0xA;
	[dreg:$0x7] =	wrdreg s25;
	s23 =	sadd.s32 $0xE400, s3  }
0x13: {  	s0 =	sadd.s32 s6, s0;
	s3 =	sadd.s32 $0x4400, s3;
	[dreg:$0x4] =	wrdreg s23  }
0x14: {  	s25 =	simm.s32 $0xD;
	s0 =	sadd.s32 $0x22C00, s0;
	[dreg:$0x5] =	wrdreg s3  }
0x15: {  	s6 =	simm.s32 $0x7;
	[dreg:$0x6] =	wrdreg s0;
	s3 =	simm.s32 $0x0  }
0x16: {  	s0 =	simm.s32 $0x2;
	s23 =	simm.s32 $0x5;
	[dreg:$0x9] =	wrdreg s3  }
.LBB2_1:
0x17: {  	s3 =	simm.s32 $0x0;
	s12 =	rddreg [dreg:$0x4]  }
0x18: {  	[tilespmem:s3], [sflag:$0x11] =	stream.linear.gather [hbm4b:s12+s3], $0x2800, $0x38;
	[tilespmem:$0x12000] =	vst v63  }
0x19: {  	_ =	swait.ge [sflag:s13], $0x2800  }
0x1a: {  	s10 =	simm.s32 $0x0;
	[sflag:s13] =	ssyncset.done $0x0  }
0x1b: {  	s3 =	simm.s32 $0x2800;
	s12 =	rddreg [dreg:$0x5];
	[sflag:s13] =	ssyncadd.s32 $0xFFFFD800  }
0x1c: {  	[tilespmem:s3], [sflag:$0x11] =	stream.linear.gather [hbm4b:s12+s10], $0x2800, $0x38;
	[tilespmem:$0x12000] =	vst v63  }
0x1d: {  	_ =	swait.ge [sflag:s13], $0x2800  }
0x1e: {  	s12 =	rddreg [dreg:$0x3]  }
0x1f: {  	[sflag:s13] =	ssyncset.done $0x0;
	s10 =	rddreg [dreg:$0x8]  }
0x20: {  	s3 =	rddreg [dreg:$0xa];
	[sflag:s13] =	ssyncadd.s32 $0xFFFFD800  }
0x21: {  	[spmem:s10], [sflag:s3] =	dma.local [hbm:s12], $0xA00  }
0x22: {  	_ =	swait.ge [sflag:s13], $0xA00  }
0x23: {  	[sflag:s13] =	ssyncset.done $0x0  }
0x24: {  	[sflag:s13] =	ssyncadd.s32 $0xFFFFF600  }
0x25: {  	s13 =	simm.s32 $0x0;
	[bflag:$0x0] =	sbarrier.arrive $0xFFFF  }
0x26: {  	[tilespmem:s15], [sflag:$0x1] =	stream.indirect.gather [hbm4b:s4+s14], $0x20, s13, s14, $0xb8;
	[tilespmem:$0x12000] =	vst v63  }
0x27: {  	_ = 	snop  }
0x28: {  	[tilespmem:s16], [sflag:$0x2] =	stream.indirect.gather [hbm4b:s4+s14], $0x20, s14, s14, $0xb8;
	[tilespmem:$0x12000] =	vst v63  }
0x29: {  	s10 =	simm.s32 $0x100  }
0x2a: {  	[tilespmem:s18], [sflag:$0x3] =	stream.indirect.gather [hbm4b:s4+s14], $0x20, s10, s14, $0xb8;
	[tilespmem:$0x12000] =	vst v63  }
0x2b: {  	s12 =	simm.s32 $0x180  }
0x2c: {  	[tilespmem:s20], [sflag:$0x4] =	stream.indirect.gather [hbm4b:s4+s14], $0x20, s12, s14, $0xb8;
	[tilespmem:$0x12000] =	vst v63  }
0x2d: {  	s13 =	simm.s32 $0x200  }
0x2e: {  	[tilespmem:s22], [sflag:$0x5] =	stream.indirect.gather [hbm4b:s4+s14], $0x20, s13, s14, $0xb8;
	[tilespmem:$0x12000] =	vst v63  }
0x2f: {  	s10 =	simm.s32 $0x280  }
0x30: {  	[tilespmem:s24], [sflag:$0x6] =	stream.indirect.gather [hbm4b:s4+s14], $0x20, s10, s14, $0xb8;
	[tilespmem:$0x12000] =	vst v63  }
0x31: {  	s12 =	simm.s32 $0x300  }
0x32: {  	[tilespmem:s26], [sflag:$0x7] =	stream.indirect.gather [hbm4b:s4+s14], $0x20, s12, s14, $0xb8;
	[tilespmem:$0x12000] =	vst v63  }
0x33: {  	s13 =	simm.s32 $0x380  }
0x34: {  	[tilespmem:s29], [sflag:$0x8] =	stream.indirect.gather [hbm4b:s4+s14], $0x20, s13, s14, $0xb8;
	[tilespmem:$0x12000] =	vst v63  }
0x35: {  	_ =	swait.ge [sflag:s30], $0x1000  }
0x36: {  	[sflag:s30] =	ssyncset.done $0x0  }
0x37: {  	s3 =	simm.s32 $0x2800;
	[sflag:s30] =	ssyncadd.s32 $0xFFFFF000  }
0x38: {  	[spmem:s2] =	stream.indirect.scatter.add.f32 [tilespmem:s15], [sflag:$0x9], $0x20, s3, s14, $0xb8;
	[tilespmem:$0x12000] =	vst v63  }
0x39: {  	_ =	swait.ge [sflag:s31], $0x1000  }
0x3a: {  	[sflag:s31] =	ssyncset.done $0x0  }
0x3b: {  	s10 =	simm.s32 $0x400;
	[sflag:s31] =	ssyncadd.s32 $0xFFFFF000  }
0x3c: {  	[tilespmem:s15], [sflag:$0x1] =	stream.indirect.gather [hbm4b:s4+s14], $0x20, s10, s14, $0xb8;
	[tilespmem:$0x12000] =	vst v63  }
0x3d: {  	_ =	swait.ge [sflag:s0], $0x1000  }
0x3e: {  	[sflag:s0] =	ssyncset.done $0x0  }
0x3f: {  	s13 =	simm.s32 $0x2880;
	[sflag:s0] =	ssyncadd.s32 $0xFFFFF000  }
0x40: {  	[spmem:s2] =	stream.indirect.scatter.add.f32 [tilespmem:s16], [sflag:$0xA], $0x20, s13, s14, $0xb8;
	[tilespmem:$0x12000] =	vst v63  }
0x41: {  	_ =	swait.ge [sflag:s1], $0x1000  }
0x42: {  	[sflag:s1] =	ssyncset.done $0x0  }
0x43: {  	s3 =	simm.s32 $0x480;
	[sflag:s1] =	ssyncadd.s32 $0xFFFFF000  }
0x44: {  	[tilespmem:s16], [sflag:$0x2] =	stream.indirect.gather [hbm4b:s4+s14], $0x20, s3, s14, $0xb8;
	[tilespmem:$0x12000] =	vst v63  }
0x45: {  	_ =	swait.ge [sflag:s11], $0x1000  }
0x46: {  	[sflag:s11] =	ssyncset.done $0x0  }
0x47: {  	s10 =	simm.s32 $0x2900;
	[sflag:s11] =	ssyncadd.s32 $0xFFFFF000  }
0x48: {  	[spmem:s2] =	stream.indirect.scatter.add.f32 [tilespmem:s18], [sflag:$0xB], $0x20, s10, s14, $0xb8;
	[tilespmem:$0x12000] =	vst v63  }
0x49: {  	_ =	swait.ge [sflag:s17], $0x1000  }
0x4a: {  	[sflag:s17] =	ssyncset.done $0x0  }
0x4b: {  	s13 =	simm.s32 $0x500;
	[sflag:s17] =	ssyncadd.s32 $0xFFFFF000  }
0x4c: {  	[tilespmem:s18], [sflag:$0x3] =	stream.indirect.gather [hbm4b:s4+s14], $0x20, s13, s14, $0xb8;
	[tilespmem:$0x12000] =	vst v63  }
0x4d: {  	_ =	swait.ge [sflag:s19], $0x1000  }
0x4e: {  	[sflag:s19] =	ssyncset.done $0x0  }
0x4f: {  	s3 =	simm.s32 $0x2980;
	[sflag:s19] =	ssyncadd.s32 $0xFFFFF000  }
0x50: {  	[spmem:s2] =	stream.indirect.scatter.add.f32 [tilespmem:s20], [sflag:$0xC], $0x20, s3, s14, $0xb8;
	[tilespmem:$0x12000] =	vst v63  }
0x51: {  	_ =	swait.ge [sflag:s21], $0x1000  }
0x52: {  	[sflag:s21] =	ssyncset.done $0x0  }
0x53: {  	s10 =	simm.s32 $0x580;
	[sflag:s21] =	ssyncadd.s32 $0xFFFFF000  }
0x54: {  	[tilespmem:s20], [sflag:$0x4] =	stream.indirect.gather [hbm4b:s4+s14], $0x20, s10, s14, $0xb8;
	[tilespmem:$0x12000] =	vst v63  }
0x55: {  	_ =	swait.ge [sflag:s23], $0x1000  }
0x56: {  	[sflag:s23] =	ssyncset.done $0x0  }
0x57: {  	s13 =	simm.s32 $0x2A00;
	[sflag:s23] =	ssyncadd.s32 $0xFFFFF000  }
0x58: {  	[spmem:s2] =	stream.indirect.scatter.add.f32 [tilespmem:s22], [sflag:$0xD], $0x20, s13, s14, $0xb8;
	[tilespmem:$0x12000] =	vst v63  }
0x59: {  	_ =	swait.ge [sflag:s25], $0x1000  }
0x5a: {  	[sflag:s25] =	ssyncset.done $0x0  }
0x5b: {  	s3 =	simm.s32 $0x600;
	[sflag:s25] =	ssyncadd.s32 $0xFFFFF000  }
0x5c: {  	[tilespmem:s22], [sflag:$0x5] =	stream.indirect.gather [hbm4b:s4+s14], $0x20, s3, s14, $0xb8;
	[tilespmem:$0x12000] =	vst v63  }
0x5d: {  	_ =	swait.ge [sflag:s28], $0x1000  }
0x5e: {  	[sflag:s28] =	ssyncset.done $0x0  }
0x5f: {  	s10 =	simm.s32 $0x2A80;
	[sflag:s28] =	ssyncadd.s32 $0xFFFFF000  }
0x60: {  	[spmem:s2] =	stream.indirect.scatter.add.f32 [tilespmem:s24], [sflag:$0xE], $0x20, s10, s14, $0xb8;
	[tilespmem:$0x12000] =	vst v63  }
0x61: {  	_ =	swait.ge [sflag:s5], $0x1000  }
0x62: {  	[sflag:s5] =	ssyncset.done $0x0  }
0x63: {  	s13 =	simm.s32 $0x680;
	[sflag:s5] =	ssyncadd.s32 $0xFFFFF000  }
0x64: {  	[tilespmem:s24], [sflag:$0x6] =	stream.indirect.gather [hbm4b:s4+s14], $0x20, s13, s14, $0xb8;
	[tilespmem:$0x12000] =	vst v63  }
0x65: {  	_ =	swait.ge [sflag:s6], $0x1000  }
0x66: {  	[sflag:s6] =	ssyncset.done $0x0  }
0x67: {  	s3 =	simm.s32 $0x2B00;
	[sflag:s6] =	ssyncadd.s32 $0xFFFFF000  }
0x68: {  	[spmem:s2] =	stream.indirect.scatter.add.f32 [tilespmem:s26], [sflag:$0xF], $0x20, s3, s14, $0xb8;
	[tilespmem:$0x12000] =	vst v63  }
0x69: {  	_ =	swait.ge [sflag:s7], $0x1000  }
0x6a: {  	[sflag:s7] =	ssyncset.done $0x0  }
0x6b: {  	s10 =	simm.s32 $0x700;
	[sflag:s7] =	ssyncadd.s32 $0xFFFFF000  }
0x6c: {  	[tilespmem:s26], [sflag:$0x7] =	stream.indirect.gather [hbm4b:s4+s14], $0x20, s10, s14, $0xb8;
	[tilespmem:$0x12000] =	vst v63  }
0x6d: {  	_ =	swait.ge [sflag:s8], $0x1000  }
0x6e: {  	[sflag:s8] =	ssyncset.done $0x0  }
0x6f: {  	s13 =	simm.s32 $0x2B80;
	[sflag:s8] =	ssyncadd.s32 $0xFFFFF000  }
0x70: {  	[spmem:s2] =	stream.indirect.scatter.add.f32 [tilespmem:s29], [sflag:$0x10], $0x20, s13, s14, $0xb8;
	[tilespmem:$0x12000] =	vst v63  }
0x71: {  	_ =	swait.ge [sflag:s9], $0x1000  }
0x72: {  	s12 =	simm.s32 $0x1000;
	[sflag:s9] =	ssyncset.done $0x0  }
0x73: {  	s13 =	simm.s32 $0x780;
	s3 =	rddreg [dreg:$0xa];
	[sflag:s9] =	ssyncadd.s32 $0xFFFFF000  }
.LBB2_2:
0x74: {  	[tilespmem:s29], [sflag:$0x8] =	stream.indirect.gather [hbm4b:s4+s14], $0x20, s13, s14, $0xb8;
	[tilespmem:$0x12000] =	vst v63  }
0x75: {  	s13 =	smov.u32 s12  }
0x76: {  	p0 =	sne.s32 s12, $0x8000;
	s12 =	sadd.s32 $0x1000, s12;
	_ =	swait.ge [sflag:s30], $0x1000  }
0x77: {  	s13 =	sshra.s32 s13, $0x2;
	[sflag:s30] =	ssyncset.done $0x0  }
0x78: {  	s10 =	sadd.s32 $0x2800, s13;
	[sflag:s30] =	ssyncadd.s32 $0xFFFFF000  }
0x79: {  	[spmem:s2] =	stream.indirect.scatter.add.f32 [tilespmem:s15], [sflag:$0x9], $0x20, s10, s14, $0xb8;
	[tilespmem:$0x12000] =	vst v63  }
0x7a: {  	_ =	swait.ge [sflag:s31], $0x1000  }
0x7b: {  	[sflag:s31] =	ssyncset.done $0x0  }
0x7c: {  	s10 =	sadd.s32 $0x400, s13;
	[sflag:s31] =	ssyncadd.s32 $0xFFFFF000  }
0x7d: {  	[tilespmem:s15], [sflag:$0x1] =	stream.indirect.gather [hbm4b:s4+s14], $0x20, s10, s14, $0xb8;
	[tilespmem:$0x12000] =	vst v63  }
0x7e: {  	_ =	swait.ge [sflag:s0], $0x1000  }
0x7f: {  	[sflag:s0] =	ssyncset.done $0x0  }
0x80: {  	s10 =	sadd.s32 $0x2880, s13;
	[sflag:s0] =	ssyncadd.s32 $0xFFFFF000  }
0x81: {  	[spmem:s2] =	stream.indirect.scatter.add.f32 [tilespmem:s16], [sflag:$0xA], $0x20, s10, s14, $0xb8;
	[tilespmem:$0x12000] =	vst v63  }
0x82: {  	_ =	swait.ge [sflag:s1], $0x1000  }
0x83: {  	[sflag:s1] =	ssyncset.done $0x0  }
0x84: {  	s10 =	sadd.s32 $0x480, s13;
	[sflag:s1] =	ssyncadd.s32 $0xFFFFF000  }
0x85: {  	[tilespmem:s16], [sflag:$0x2] =	stream.indirect.gather [hbm4b:s4+s14], $0x20, s10, s14, $0xb8;
	[tilespmem:$0x12000] =	vst v63  }
0x86: {  	_ =	swait.ge [sflag:s11], $0x1000  }
0x87: {  	[sflag:s11] =	ssyncset.done $0x0  }
0x88: {  	s10 =	sadd.s32 $0x2900, s13;
	[sflag:s11] =	ssyncadd.s32 $0xFFFFF000  }
0x89: {  	[spmem:s2] =	stream.indirect.scatter.add.f32 [tilespmem:s18], [sflag:$0xB], $0x20, s10, s14, $0xb8;
	[tilespmem:$0x12000] =	vst v63  }
0x8a: {  	_ =	swait.ge [sflag:s17], $0x1000  }
0x8b: {  	[sflag:s17] =	ssyncset.done $0x0  }
0x8c: {  	s10 =	sadd.s32 $0x500, s13;
	[sflag:s17] =	ssyncadd.s32 $0xFFFFF000  }
0x8d: {  	[tilespmem:s18], [sflag:$0x3] =	stream.indirect.gather [hbm4b:s4+s14], $0x20, s10, s14, $0xb8;
	[tilespmem:$0x12000] =	vst v63  }
0x8e: {  	_ =	swait.ge [sflag:s19], $0x1000  }
0x8f: {  	[sflag:s19] =	ssyncset.done $0x0  }
0x90: {  	s10 =	sadd.s32 $0x2980, s13;
	[sflag:s19] =	ssyncadd.s32 $0xFFFFF000  }
0x91: {  	[spmem:s2] =	stream.indirect.scatter.add.f32 [tilespmem:s20], [sflag:$0xC], $0x20, s10, s14, $0xb8;
	[tilespmem:$0x12000] =	vst v63  }
0x92: {  	_ =	swait.ge [sflag:s21], $0x1000  }
0x93: {  	[sflag:s21] =	ssyncset.done $0x0  }
0x94: {  	s10 =	sadd.s32 $0x580, s13;
	[sflag:s21] =	ssyncadd.s32 $0xFFFFF000  }
0x95: {  	[tilespmem:s20], [sflag:$0x4] =	stream.indirect.gather [hbm4b:s4+s14], $0x20, s10, s14, $0xb8;
	[tilespmem:$0x12000] =	vst v63  }
0x96: {  	_ =	swait.ge [sflag:s23], $0x1000  }
0x97: {  	[sflag:s23] =	ssyncset.done $0x0  }
0x98: {  	s10 =	sadd.s32 $0x2A00, s13;
	[sflag:s23] =	ssyncadd.s32 $0xFFFFF000  }
0x99: {  	[spmem:s2] =	stream.indirect.scatter.add.f32 [tilespmem:s22], [sflag:$0xD], $0x20, s10, s14, $0xb8;
	[tilespmem:$0x12000] =	vst v63  }
0x9a: {  	_ =	swait.ge [sflag:s25], $0x1000  }
0x9b: {  	[sflag:s25] =	ssyncset.done $0x0  }
0x9c: {  	s10 =	sadd.s32 $0x600, s13;
	[sflag:s25] =	ssyncadd.s32 $0xFFFFF000  }
0x9d: {  	[tilespmem:s22], [sflag:$0x5] =	stream.indirect.gather [hbm4b:s4+s14], $0x20, s10, s14, $0xb8;
	[tilespmem:$0x12000] =	vst v63  }
0x9e: {  	_ =	swait.ge [sflag:s28], $0x1000  }
0x9f: {  	[sflag:s28] =	ssyncset.done $0x0  }
0xa0: {  	s10 =	sadd.s32 $0x2A80, s13;
	[sflag:s28] =	ssyncadd.s32 $0xFFFFF000  }
0xa1: {  	[spmem:s2] =	stream.indirect.scatter.add.f32 [tilespmem:s24], [sflag:$0xE], $0x20, s10, s14, $0xb8;
	[tilespmem:$0x12000] =	vst v63  }
0xa2: {  	_ =	swait.ge [sflag:s5], $0x1000  }
0xa3: {  	[sflag:s5] =	ssyncset.done $0x0  }
0xa4: {  	s10 =	sadd.s32 $0x680, s13;
	[sflag:s5] =	ssyncadd.s32 $0xFFFFF000  }
0xa5: {  	[tilespmem:s24], [sflag:$0x6] =	stream.indirect.gather [hbm4b:s4+s14], $0x20, s10, s14, $0xb8;
	[tilespmem:$0x12000] =	vst v63  }
0xa6: {  	_ =	swait.ge [sflag:s6], $0x1000  }
0xa7: {  	[sflag:s6] =	ssyncset.done $0x0  }
0xa8: {  	s10 =	sadd.s32 $0x2B00, s13;
	[sflag:s6] =	ssyncadd.s32 $0xFFFFF000  }
0xa9: {  	[spmem:s2] =	stream.indirect.scatter.add.f32 [tilespmem:s26], [sflag:$0xF], $0x20, s10, s14, $0xb8;
	[tilespmem:$0x12000] =	vst v63  }
0xaa: {  	_ =	swait.ge [sflag:s7], $0x1000  }
0xab: {  	[sflag:s7] =	ssyncset.done $0x0  }
0xac: {  	s10 =	sadd.s32 $0x700, s13;
	[sflag:s7] =	ssyncadd.s32 $0xFFFFF000  }
0xad: {  	[tilespmem:s26], [sflag:$0x7] =	stream.indirect.gather [hbm4b:s4+s14], $0x20, s10, s14, $0xb8;
	[tilespmem:$0x12000] =	vst v63  }
0xae: {  	_ =	swait.ge [sflag:s8], $0x1000  }
0xaf: {  	[sflag:s8] =	ssyncset.done $0x0  }
.Ltmp0:
0xb0: {  	s10 =	sadd.s32 $0x2B80, s13;
	[sflag:s8] =	ssyncadd.s32 $0xFFFFF000;
	(pc) =	sbr.rel @p0 .LBB2_2-.Ltmp0, $4  }
0xb1: {  	[spmem:s2] =	stream.indirect.scatter.add.f32 [tilespmem:s29], [sflag:$0x10], $0x20, s10, s14, $0xb8;
	[tilespmem:$0x12000] =	vst v63  }
0xb2: {  	_ =	swait.ge [sflag:s9], $0x1000  }
0xb3: {  	[sflag:s9] =	ssyncset.done $0x0  }
0xb4: {  	s13 =	sadd.s32 $0x780, s13;
	[sflag:s9] =	ssyncadd.s32 $0xFFFFF000  }
0xb5: {  	[tilespmem:s29], [sflag:$0x8] =	stream.indirect.gather [hbm4b:s4+s14], $0x20, s13, s14, $0xb8;
	[tilespmem:$0x12000] =	vst v63  }
0xb6: {  	_ =	swait.ge [sflag:s30], $0x1000  }
0xb7: {  	[sflag:s30] =	ssyncset.done $0x0  }
0xb8: {  	s10 =	simm.s32 $0x4C00;
	[sflag:s30] =	ssyncadd.s32 $0xFFFFF000  }
0xb9: {  	[spmem:s2] =	stream.indirect.scatter.add.f32 [tilespmem:s15], [sflag:$0x9], $0x20, s10, s14, $0xb8;
	[tilespmem:$0x12000] =	vst v63  }
0xba: {  	_ =	swait.ge [sflag:s0], $0x1000  }
0xbb: {  	[sflag:s0] =	ssyncset.done $0x0  }
0xbc: {  	s12 =	simm.s32 $0x4C80;
	[sflag:s0] =	ssyncadd.s32 $0xFFFFF000  }
0xbd: {  	[spmem:s2] =	stream.indirect.scatter.add.f32 [tilespmem:s16], [sflag:$0xA], $0x20, s12, s14, $0xb8;
	[tilespmem:$0x12000] =	vst v63  }
0xbe: {  	_ =	swait.ge [sflag:s11], $0x1000  }
0xbf: {  	[sflag:s11] =	ssyncset.done $0x0  }
0xc0: {  	s13 =	simm.s32 $0x4D00;
	[sflag:s11] =	ssyncadd.s32 $0xFFFFF000  }
0xc1: {  	[spmem:s2] =	stream.indirect.scatter.add.f32 [tilespmem:s18], [sflag:$0xB], $0x20, s13, s14, $0xb8;
	[tilespmem:$0x12000] =	vst v63  }
0xc2: {  	_ =	swait.ge [sflag:s19], $0x1000  }
0xc3: {  	[sflag:s19] =	ssyncset.done $0x0  }
0xc4: {  	s12 =	simm.s32 $0x4D80;
	[sflag:s19] =	ssyncadd.s32 $0xFFFFF000  }
0xc5: {  	[spmem:s2] =	stream.indirect.scatter.add.f32 [tilespmem:s20], [sflag:$0xC], $0x20, s12, s14, $0xb8;
	[tilespmem:$0x12000] =	vst v63  }
0xc6: {  	_ =	swait.ge [sflag:s23], $0x1000  }
0xc7: {  	[sflag:s23] =	ssyncset.done $0x0  }
0xc8: {  	s13 =	simm.s32 $0x4E00;
	[sflag:s23] =	ssyncadd.s32 $0xFFFFF000  }
0xc9: {  	[spmem:s2] =	stream.indirect.scatter.add.f32 [tilespmem:s22], [sflag:$0xD], $0x20, s13, s14, $0xb8;
	[tilespmem:$0x12000] =	vst v63  }
0xca: {  	_ =	swait.ge [sflag:s28], $0x1000  }
0xcb: {  	[sflag:s28] =	ssyncset.done $0x0  }
0xcc: {  	s12 =	simm.s32 $0x4E80;
	[sflag:s28] =	ssyncadd.s32 $0xFFFFF000  }
0xcd: {  	[spmem:s2] =	stream.indirect.scatter.add.f32 [tilespmem:s24], [sflag:$0xE], $0x20, s12, s14, $0xb8;
	[tilespmem:$0x12000] =	vst v63  }
0xce: {  	_ =	swait.ge [sflag:s6], $0x1000  }
0xcf: {  	[sflag:s6] =	ssyncset.done $0x0  }
0xd0: {  	s13 =	simm.s32 $0x4F00;
	[sflag:s6] =	ssyncadd.s32 $0xFFFFF000  }
0xd1: {  	[spmem:s2] =	stream.indirect.scatter.add.f32 [tilespmem:s26], [sflag:$0xF], $0x20, s13, s14, $0xb8;
	[tilespmem:$0x12000] =	vst v63  }
0xd2: {  	_ =	swait.ge [sflag:s8], $0x1000  }
0xd3: {  	[sflag:s8] =	ssyncset.done $0x0  }
0xd4: {  	s12 =	simm.s32 $0x4F80;
	[sflag:s8] =	ssyncadd.s32 $0xFFFFF000  }
0xd5: {  	[spmem:s2] =	stream.indirect.scatter.add.f32 [tilespmem:s29], [sflag:$0x10], $0x20, s12, s14, $0xb8;
	[tilespmem:$0x12000] =	vst v63  }
0xd6: {  	_ =	swait.ge [sflag:s31], $0x1000  }
0xd7: {  	[sflag:s31] =	ssyncset.done $0x0  }
0xd8: {  	[sflag:s31] =	ssyncadd.s32 $0xFFFFF000  }
0xd9: {  	_ =	swait.ge [sflag:s1], $0x1000  }
0xda: {  	[sflag:s1] =	ssyncset.done $0x0  }
0xdb: {  	[sflag:s1] =	ssyncadd.s32 $0xFFFFF000  }
0xdc: {  	_ =	swait.ge [sflag:s17], $0x1000  }
0xdd: {  	[sflag:s17] =	ssyncset.done $0x0  }
0xde: {  	[sflag:s17] =	ssyncadd.s32 $0xFFFFF000  }
0xdf: {  	_ =	swait.ge [sflag:s21], $0x1000  }
0xe0: {  	[sflag:s21] =	ssyncset.done $0x0  }
0xe1: {  	[sflag:s21] =	ssyncadd.s32 $0xFFFFF000  }
0xe2: {  	_ =	swait.ge [sflag:s25], $0x1000  }
0xe3: {  	[sflag:s25] =	ssyncset.done $0x0  }
0xe4: {  	[sflag:s25] =	ssyncadd.s32 $0xFFFFF000  }
0xe5: {  	_ =	swait.ge [sflag:s5], $0x1000  }
0xe6: {  	[sflag:s5] =	ssyncset.done $0x0  }
0xe7: {  	[sflag:s5] =	ssyncadd.s32 $0xFFFFF000  }
0xe8: {  	_ =	swait.ge [sflag:s7], $0x1000  }
0xe9: {  	[sflag:s7] =	ssyncset.done $0x0  }
0xea: {  	[sflag:s7] =	ssyncadd.s32 $0xFFFFF000  }
0xeb: {  	_ =	swait.ge [sflag:s9], $0x1000  }
0xec: {  	[sflag:s9] =	ssyncset.done $0x0  }
0xed: {  	[sflag:s9] =	ssyncadd.s32 $0xFFFFF000  }
0xee: {  	[bflag:$0x0] =	sbarrier.arrive $0xFFFF  }
0xef: {  	s13 =	rddreg [dreg:$0x6]  }
0xf0: {  	s12 =	rddreg [dreg:$0x8]  }
0xf1: {  	[hbm:s13], [sflag:s3] =	dma.local [spmem:s12], $0xA00  }
0xf2: {  	s13 =	simm.s32 $0x11  }
0xf3: {  	_ =	swait.ge [sflag:s13], $0xA00  }
0xf4: {  	s10 =	rddreg [dreg:$0x9]  }
0xf5: {  	s12 =	rddreg [dreg:$0x7];
	s3 =	sadd.s32 $0x1, s10  }
0xf6: {  	p0 =	sne.s32 s3, s12  }
.Ltmp1:
0xf7: {  	_ = 	snop;
	(pc) =	sbr.rel @p0 .LBB2_1-.Ltmp1, $3  }
0xf8: {  	_ =	sdelay $0x1  }
0xf9: {  	[sflag:s13] =	ssyncset.done $0x0  }
0xfa: {  	[sflag:s13] =	ssyncadd.s32 $0xFFFFF600;
	[dreg:$0x9] =	wrdreg s3  }
0xfb: {  	_ =	sfence.sel $0x180000  }
0xfc: {  	[bflag:$0x0] =	sbarrier.arrive $0xFFFF  }
0xfd: {  	_ =	strace $0x9000004D  }
0xfe: {  	s0 =	stileid.u32;
	[bflag:$0x2] =	sbarrier.arrive $0xFFFF  }
0xff: {  	p0 =	sne.s32 s0, $0x0;
	s0 =	rddreg [dreg:$0x2]  }
0x100: {  	s0 =	sadd.s32 @!p0 $0x100000, s0  }
0x101: {  	[sflag:s0] =	ssyncadd.tile.s32 @!p0 $0x1;
	_ =	shalt  }
.Lfunc_end2:
_tile_overlayer_lowered:
.L_overlay_start_2:
0x102: {  	(tag) =	ssettag $0x2  }
0x103: {  	s0 =	rddreg [dreg:$0x0];
	s2 =	stileid.u32  }
0x104: {  	s1 =	rddreg [dreg:$0x1];
	p0 =	sne.s32 s2, $0x0  }
0x105: {  	s3 =	rddreg [dreg:$0x2];
	[bflag:$0x3] =	sbarrier.arrive $0xFFFF;
	s2 =	simm.s32 @!p0 $0x1C11  }
0x106: {  	[timem:s3], [sflag:s2] =	dma.local @!p0 [hbm:s0], s1  }
0x107: {  	s0 =	simm.s32 @!p0 $0x11  }
0x108: {  	_ =	swait.ge @!p0 [sflag:s0], s1  }
0x109: {  	s1 =	ssub.s32 @!p0 $0x0, s1;
	[sflag:s0] =	ssyncset.done @!p0 $0x0  }
0x10a: {  	[sflag:s0] =	ssyncadd.s32 @!p0 s1  }
0x10b: {  	[bflag:$0x3] =	sbarrier.arrive $0xFFFF  }
0x10c: {  	_ =	shalt  }

// kernel: kernel.20.cloned.1.call-start
scs
__scs_entry_jumppad:
0x0: {  	(pc) =	sbr.rel $0x88, $3  }
0x1: {  	(tag) =	ssettag $0x0;
	lr =	simm.s32 $0x1  }
0x2: {  	[smem:$0x3F93] =	sst lr;
	_ =	strace $0xD0000000  }
0x3: {  	_ = 	snop  }
0x4: {  	_ = 	snop  }
0x5: {  	_ = 	snop  }
0x6: {  	_ = 	snop  }
0x7: {  	_ = 	snop  }
__scs_overlays_trampoline_lowered:
0x8: {  	[smem:$0x3FA2] =	sst s0  }
0x9: {  	[smem:$0x3FA3] =	sst s1  }
0xa: {  	[smem:$0x3FA4] =	sst s2  }
0xb: {  	[smem:$0x3FA5] =	sst s3  }
0xc: {  	[smem:$0x3FA6] =	sst s4  }
0xd: {  	[smem:$0x3FA7] =	sst s5  }
0xe: {  	[smem:$0x3FA8] =	sst s6  }
0xf: {  	[smem:$0x3FA9] =	sst s7  }
0x10: {  	[smem:$0x3FAA] =	sst s8  }
0x11: {  	[smem:$0x3FAB] =	sst s9;
	s0 =	simm.s32 @!p0 $0x0  }
0x12: {  	s1 =	sld [smem:$0x3F91];
	s0 =	simm.s32 @p0 $0x1  }
0x13: {  	[smem:$0x3FAC] =	sst s0;
	s0 =	simm.s32 @!p1 $0x0  }
0x14: {  	s2 =	sld [smem:$0x3F90];
	s0 =	simm.s32 @p1 $0x1  }
0x15: {  	[smem:$0x3FAD] =	sst s0;
	s0 =	simm.s32 @!p2 $0x0  }
0x16: {  	s3 =	sld [smem:$0x3FDB];
	s0 =	simm.s32 @p2 $0x1  }
0x17: {  	s4 =	simm.s32 $0x1BF5;
	[smem:$0x3FAF] =	sst s0  }
0x18: {  	s0 =	sld [smem:$0x3F92];
	_ =	swait.ge [sflag:s4], $0x0  }
0x19: {  	s7 =	sld [smem:$0x3F93]  }
0x1a: {  	s8 =	sadd.s32 $0xFFFFE003, lr  }
0x1b: {  	s9 =	sadd.s32 $0xFFFFFEF7, lr;
	s5 =	simm.s32 $0xFFFFFFFF;
	p2 =	slt.u32 s8, $0xFFFFF086  }
0x1c: {  	p1 =	slt.u32 s9, $0xF7A;
	s5 =	simm.s32 @!p2 $0x0  }
0x1d: {  	s5 =	simm.s32 @p1 $0x1;
	p0 =	seq.s32 s7, s2  }
0x1e: {  	s7 =	smul.u32 @!p0 $0xF7A, s2;
	p2 =	seq.s32 @!p0 s5, $0x0  }
0x1f: {  	s9 =	smul.u32 $0xF7A, s1;
	s8 =	simm.s32 @!p0 $0x1BF5;
	p2 =	por !p2, p0  }
0x20: {  	[sflag:s8] =	ssyncset.s32 @!p0 $0xFFFFF086;
	s6 =	sadd.s32 @!p0 s3, s7;
	s7 =	simm.s32 @!p0 $0x108  }
0x21: {  	s3 =	sadd.s32 s3, s9;
	s6 =	sadd.s32 @!p0 $0x88, s6;
	s7 =	simm.s32 @p2 $0x1082  }
0x22: {  	[simem:s7], [sflag:s8] =	dma.local @!p0 [hbm:s6], $0xF7A  }
0x23: {  	s9 =	sor.u32 $0xD0000000, s2;
	s6 =	simm.s32 $0x108;
	_ =	swait.ge @!p0 [sflag:s8], $0x0  }
0x24: {  	s3 =	sadd.s32 $0x88, s3;
	s6 =	simm.s32 @!p1 $0x1082;
	[sflag:s4] =	ssyncset.s32 $0xFFFFF086  }
0x25: {  	[simem:s6], [sflag:s4] =	dma.local [hbm:s3], $0xF7A  }
0x26: {  	[smem:$0x3F93] =	sst s1;
	(tag) =	ssettag s2;
	_ =	strace s9  }
0x27: {  	s1 =	sld [smem:$0x3FA3]  }
0x28: {  	s2 =	sld [smem:$0x3FA4]  }
0x29: {  	s4 =	sld [smem:$0x3FA6]  }
0x2a: {  	p0 =	seq.s32 s5, $0x0;
	s5 =	sld [smem:$0x3FA7]  }
0x2b: {  	s6 =	sld [smem:$0x3FA8]  }
0x2c: {  	s7 =	sld [smem:$0x3FA9]  }
0x2d: {  	s3 =	simm.s32 $0x108;
	s8 =	sld [smem:$0x3FAA]  }
0x2e: {  	s3 =	simm.s32 @!p0 $0x1082;
	s9 =	sld [smem:$0x3FAB]  }
0x2f: {  	lr =	sadd.s32 s0, s3;
	s0 =	sld [smem:$0x3FA2]  }
0x30: {  	s3 =	sld [smem:$0x3FA5]  }
0x31: {  	[smem:$0x3FAE] =	sst s10  }
0x32: {  	s10 =	sld [smem:$0x3FAC];
	_ =	sdelay $0x3  }
0x33: {  	p0 =	seq.s32 s10, $0x1;
	s10 =	sld [smem:$0x3FAE];
	_ =	sdelay $0x3  }
0x34: {  	[smem:$0x3FAE] =	sst s10  }
0x35: {  	s10 =	sld [smem:$0x3FAD];
	_ =	sdelay $0x3  }
0x36: {  	p1 =	seq.s32 s10, $0x1;
	s10 =	sld [smem:$0x3FAE];
	_ =	sdelay $0x3  }
0x37: {  	[smem:$0x3FAE] =	sst s10  }
0x38: {  	s10 =	sld [smem:$0x3FAF]  }
0x39: {  	_ = 	snop;
	(pc) =	sbr.ind lr, $3  }
0x3a: {  	_ = 	snop  }
0x3b: {  	_ = 	snop  }
0x3c: {  	p2 =	seq.s32 s10, $0x1;
	s10 =	sld [smem:$0x3FAE]  }
0x3d: {  	_ =	shalt  }
0x3e: {  	_ =	shalt  }
0x3f: {  	_ =	shalt  }
0x40: {  	_ =	shalt  }
0x41: {  	_ =	shalt  }
0x42: {  	_ =	shalt  }
0x43: {  	_ =	shalt  }
0x44: {  	_ =	shalt  }
0x45: {  	_ =	shalt  }
0x46: {  	_ =	shalt  }
0x47: {  	_ =	shalt  }
0x48: {  	_ =	shalt  }
0x49: {  	_ =	shalt  }
0x4a: {  	_ =	shalt  }
0x4b: {  	_ =	shalt  }
0x4c: {  	_ =	shalt  }
0x4d: {  	_ =	shalt  }
0x4e: {  	_ =	shalt  }
0x4f: {  	_ =	shalt  }
0x50: {  	_ =	shalt  }
0x51: {  	_ =	shalt  }
0x52: {  	_ =	shalt  }
0x53: {  	_ =	shalt  }
0x54: {  	_ =	shalt  }
0x55: {  	_ =	shalt  }
0x56: {  	_ =	shalt  }
0x57: {  	_ =	shalt  }
0x58: {  	_ =	shalt  }
0x59: {  	_ =	shalt  }
0x5a: {  	_ =	shalt  }
0x5b: {  	_ =	shalt  }
0x5c: {  	_ =	shalt  }
0x5d: {  	_ =	shalt  }
0x5e: {  	_ =	shalt  }
0x5f: {  	_ =	shalt  }
0x60: {  	_ =	shalt  }
0x61: {  	_ =	shalt  }
0x62: {  	_ =	shalt  }
0x63: {  	_ =	shalt  }
0x64: {  	_ =	shalt  }
0x65: {  	_ =	shalt  }
0x66: {  	_ =	shalt  }
0x67: {  	_ =	shalt  }
0x68: {  	_ =	shalt  }
0x69: {  	_ =	shalt  }
0x6a: {  	_ =	shalt  }
0x6b: {  	_ =	shalt  }
0x6c: {  	_ =	shalt  }
0x6d: {  	_ =	shalt  }
0x6e: {  	_ =	shalt  }
0x6f: {  	_ =	shalt  }
0x70: {  	_ =	shalt  }
0x71: {  	_ =	shalt  }
0x72: {  	_ =	shalt  }
0x73: {  	_ =	shalt  }
0x74: {  	_ =	shalt  }
0x75: {  	_ =	shalt  }
0x76: {  	_ =	shalt  }
0x77: {  	_ =	shalt  }
0x78: {  	_ =	shalt  }
0x79: {  	_ =	shalt  }
0x7a: {  	_ =	shalt  }
0x7b: {  	_ =	shalt  }
0x7c: {  	_ =	shalt  }
0x7d: {  	_ =	shalt  }
0x7e: {  	_ =	shalt  }
0x7f: {  	_ =	shalt  }
0x80: {  	_ =	shalt  }
0x81: {  	_ =	shalt  }
0x82: {  	_ =	shalt  }
0x83: {  	_ =	shalt  }
0x84: {  	_ =	shalt  }
0x85: {  	_ =	shalt  }
0x86: {  	_ =	shalt  }
0x87: {  	_ =	shalt  }
.Lfunc_end0:
.L_simem_size_0:
called_computation.3_lowered:
.L_overlay_start_0:
0x88: {  	s2 =	sld [smem:$0x3FD9]  }
0x89: {  	s3 =	sld [smem:$0x3FFE];
	_ =	sdelay $0x1  }
0x8a: {  	s1 =	srdreg.scid  }
0x8b: {  	s0 =	sand.u32 $0x1, s1  }
0x8c: {  	s16 =	sshll.u32 s0, $0xA;
	s2 =	sadd.s32 s3, s2  }
0x8d: {  	s2 =	sadd.s32 s2, s16  }
0x8e: {  	[smem:$0x3FBA] =	sst s2  }
0x8f: {  	_ = 	snop  }
0x90: {  	(tm) =	ssettm $0x1  }
0x91: {  	s17 =	sld [smem:$0x3FFB];
	_ =	sdelay $0x3  }
0x92: {  	_ =	strace s17  }
0x93: {  	s2 =	sld [smem:$0x3FFC];
	_ =	sdelay $0x3  }
0x94: {  	_ =	strace s2  }
0x95: {  	s2 =	sld [smem:$0x3FFD];
	_ =	sdelay $0x3  }
0x96: {  	_ =	strace s2  }
0x97: {  	_ =	strace $0x8FFFFFFF  }
0x98: {  	s18 =	sld [smem:$0x3FDB];
	_ =	sdelay $0x1  }
0x99: {  	s19 =	simm.s32 $_scs_section_size  }
0x9a: {  	s4 =	simm.s32 $_size__tile_overlayer_lowered;
	s5 =	simm.s32 $_tile_overlayer_lowered  }
0x9b: {  	s22 =	simm.s32 $0x1BFF;
	s21 =	sshll.u32 s5, $0x1;
	s2 =	sadd.s32 s19, s18  }
0x9c: {  	s6 =	simm.s32 $0x0;
	s20 =	sshll.u32 s4, $0x1;
	s4 =	sadd.s32 s21, s2  }
0x9d: {  	[timem:s6], [sflag:s22] =	dma.local [hbm:s4], s20  }
0x9e: {  	_ =	swait.ge [sflag:s22], s20  }
0x9f: {  	s3 =	ssub.s32 $0x0, s20;
	[sflag:s22] =	ssyncset.done $0x0  }
0xa0: {  	[sflag:s22] =	ssyncadd.s32 s3;
	_ =	sdelay $0x1  }
0xa1: {  	s23 =	simm.s32 $0x1B8B  }
0xa2: {  	_ =	swait.ge [sflag:s23], $0x1  }
0xa3: {  	[sflag:s23] =	ssyncset.done $0x0  }
0xa4: {  	s25 =	simm.s32 $0x1B8E;
	s24 =	sld [smem:$0x3FFE];
	[sflag:s23] =	ssyncadd.s32 $0xFFFFFFFF  }
0xa5: {  	s26 =	simm.s32 $execute0_lowered;
	[smem:$0x3FD2] =	sst s25  }
0xa6: {  	s4 =	sshll.u32 s26, $0x1;
	_ =	strace $0x8000004F;
	[dreg:$0x1] =	wrdreg $0xFFFFFFFF  }
0xa7: {  	s28 =	simm.s32 $_size_execute0_lowered;
	s2 =	sadd.s32 s2, s4;
	[dreg:$0x0] =	wrdreg $0x0  }
0xa8: {  	s4 =	sshll.u32 s28, $0x1;
	[dreg:$0x2] =	wrdreg s2  }
0xa9: {  	[dreg:$0x3] =	wrdreg s4  }
0xaa: {  	[dreg:$0x4] =	wrdreg $0xC0  }
0xab: {  	_ =	task [dreg:s6], $0x5FFFF  }
0xac: {  	[dreg:$0x1] =	wrdreg $0xFFFFFFFF  }
0xad: {  	[dreg:$0x0] =	wrdreg $0x60  }
0xae: {  	[dreg:$0x2] =	wrdreg s24  }
0xaf: {  	[dreg:$0x3] =	wrdreg $0x150000  }
0xb0: {  	[dreg:$0x4] =	wrdreg $0x9  }
0xb1: {  	_ =	task.clear_ibuf [dreg:s6], $0x5FFFF;
	_ =	strace $0x9000004F  }
0xb2: {  	s29 =	simm.s32 $0x9;
	_ =	strace $0x80000051  }
0xb3: {  	_ =	swait.ge [sflag:s29], $0x1  }
0xb4: {  	[sflag:s29] =	ssyncadd.s32 $0xFFFFFFFF  }
0xb5: {  	_ =	strace $0x90000051  }
0xb6: {  	_ =	sfence  }
0xb7: {  	s30 =	sld [smem:$0x0];
	_ =	sdelay $0x2  }
0xb8: {  	s31 =	sshll.u32 s1, $0xD;
	s1 =	sshrl.u32 s1, $0x2  }
0xb9: {  	s3 =	sand.u32 $0x4000, s31;
	s1 =	sadd.s32 s1, s30  }
0xba: {  	s0 =	sor.u32 s3, s0;
	s1 =	sshll.u32 s1, $0x11  }
0xbb: {  	s0 =	sor.u32 s1, s0  }
0xbc: {  	s0 =	sadd.s32 $0x8F2B, s0  }
0xbd: {  	[sflag:s0] =	ssyncadd.remote.s32 $0x1  }
0xbe: {  	_ =	sfence.sel $0xFFFF  }
0xbf: {  	[dreg:$0x0] =	wrdreg $0xFFFFFFFF;
	(pc) =	sbr.abs _section_cstart, $3  }
0xc0: {  	[dreg:$0x1] =	wrdreg $0xFFFFFFFF  }
0xc1: {  	_ =	task.clear_ibuf [dreg:s6], $0x2FFFF;
	_ =	strace $0x9FFFFFFF  }
0xc2: {  	(tm) =	ssettm $0x7FFFFFFF  }
0xc3: {  	_ =	shalt  }
tec
execute0_lowered:
.L_overlay_start_1:
0x0: {  	(tag) =	ssettag $0x1  }
0x1: {  	s0 =	rddreg [dreg:$0x0];
	s1 =	srdreg.scid  }
0x2: {  	s2 =	rddreg [dreg:$0x1];
	s7 =	stileid.u32;
	s4 =	simm.s32 $0x0  }
0x3: {  	s13 =	simm.s32 $0x11;
	s14 =	simm.s32 $0x80;
	s15 =	simm.s32 $0x5000  }
0x4: {  	s16 =	simm.s32 $0x7000;
	s18 =	simm.s32 $0x9000;
	s20 =	simm.s32 $0xB000  }
0x5: {  	s29 =	simm.s32 $0x13000;
	s30 =	simm.s32 $0x1;
	s31 =	simm.s32 $0x9  }
0x6: {  	s11 =	simm.s32 $0x3;
	s17 =	simm.s32 $0xB;
	s19 =	simm.s32 $0x4  }
0x7: {  	s21 =	simm.s32 $0xC;
	s28 =	simm.s32 $0x6;
	s9 =	simm.s32 $0x10  }
0x8: {  	s1 =	sand.u32 $0x1, s1;
	s5 =	smul.u32 $0xA000, s7;
	[smem:$0x7FF] =	sst s4  }
0x9: {  	s4 =	sadd.s32 $0x18400, s0;
	s8 =	sadd.s32 $0x2BE00, s0;
	s26 =	sshll.u32 s7, $0x6  }
0xa: {  	s3 =	sshll.u32 s1, $0x4;
	s6 =	smul.u32 $0xA0000, s1;
	_ =	strace $0x80000050  }
0xb: {  	s1 =	ssub.s32 $0x2, s1;
	[dreg:$0x3] =	wrdreg s8;
	s12 =	sor.u32 $0x1C11, s26  }
0xc: {  	s26 =	simm.s32 $0x11000;
	s8 =	simm.s32 $0x8;
	s3 =	sor.u32 s7, s3  }
0xd: {  	s22 =	sshrl.u32 s1, $0x1;
	s24 =	sadd.s32 s5, s2;
	s7 =	simm.s32 $0xF  }
0xe: {  	[dreg:$0xa] =	wrdreg s12;
	s3 =	smul.u32 $0x500, s3;
	s6 =	sadd.s32 s5, s6  }
0xf: {  	s1 =	ssub.s32 s1, s22;
	s10 =	sshrl.u32 s24, $0x3;
	s22 =	simm.s32 $0xD000  }
0x10: {  	s24 =	simm.s32 $0xF000;
	s5 =	simm.s32 $0xE;
	s6 =	sshrl.u32 s6, $0x3  }
0x11: {  	s25 =	smax.u32 s1, $0x1;
	[dreg:$0x8] =	wrdreg s10;
	s3 =	sadd.s32 s3, s0  }
0x12: {  	s1 =	simm.s32 $0xA;
	[dreg:$0x7] =	wrdreg s25;
	s23 =	sadd.s32 $0xE400, s3  }
0x13: {  	s0 =	sadd.s32 s6, s0;
	s3 =	sadd.s32 $0x4400, s3;
	[dreg:$0x4] =	wrdreg s23  }
0x14: {  	s25 =	simm.s32 $0xD;
	s0 =	sadd.s32 $0x2D200, s0;
	[dreg:$0x5] =	wrdreg s3  }
0x15: {  	s6 =	simm.s32 $0x7;
	[dreg:$0x6] =	wrdreg s0;
	s3 =	simm.s32 $0x0  }
0x16: {  	s0 =	simm.s32 $0x2;
	s23 =	simm.s32 $0x5;
	[dreg:$0x9] =	wrdreg s3  }
.LBB2_1:
0x17: {  	s3 =	simm.s32 $0x0;
	s12 =	rddreg [dreg:$0x4]  }
0x18: {  	[tilespmem:s3], [sflag:$0x11] =	stream.linear.gather [hbm4b:s12+s3], $0x2800, $0x38;
	[tilespmem:$0x1F000] =	vst v63  }
0x19: {  	_ =	swait.ge [sflag:s13], $0x2800  }
0x1a: {  	s10 =	simm.s32 $0x0;
	[sflag:s13] =	ssyncset.done $0x0  }
0x1b: {  	s3 =	simm.s32 $0x2800;
	s12 =	rddreg [dreg:$0x5];
	[sflag:s13] =	ssyncadd.s32 $0xFFFFD800  }
0x1c: {  	[tilespmem:s3], [sflag:$0x11] =	stream.linear.gather [hbm4b:s12+s10], $0x2800, $0x38;
	[tilespmem:$0x1F000] =	vst v63  }
0x1d: {  	_ =	swait.ge [sflag:s13], $0x2800  }
0x1e: {  	s12 =	rddreg [dreg:$0x3]  }
0x1f: {  	[sflag:s13] =	ssyncset.done $0x0;
	s10 =	rddreg [dreg:$0x8]  }
0x20: {  	s3 =	rddreg [dreg:$0xa];
	[sflag:s13] =	ssyncadd.s32 $0xFFFFD800  }
0x21: {  	[spmem:s10], [sflag:s3] =	dma.local [hbm:s12], $0x1400  }
0x22: {  	_ =	swait.ge [sflag:s13], $0x1400  }
0x23: {  	[sflag:s13] =	ssyncset.done $0x0  }
0x24: {  	[sflag:s13] =	ssyncadd.s32 $0xFFFFEC00  }
0x25: {  	s13 =	simm.s32 $0x0;
	[bflag:$0x0] =	sbarrier.arrive $0xFFFF  }
0x26: {  	[tilespmem:s15], [sflag:$0x1] =	stream.indirect.gather [hbm4b:s4+s14], $0x40, s13, s14, $0xb8;
	[tilespmem:$0x1F000] =	vst v63  }
0x27: {  	_ = 	snop  }
0x28: {  	[tilespmem:s16], [sflag:$0x2] =	stream.indirect.gather [hbm4b:s4+s14], $0x40, s14, s14, $0xb8;
	[tilespmem:$0x1F000] =	vst v63  }
0x29: {  	s10 =	simm.s32 $0x100  }
0x2a: {  	[tilespmem:s18], [sflag:$0x3] =	stream.indirect.gather [hbm4b:s4+s14], $0x40, s10, s14, $0xb8;
	[tilespmem:$0x1F000] =	vst v63  }
0x2b: {  	s12 =	simm.s32 $0x180  }
0x2c: {  	[tilespmem:s20], [sflag:$0x4] =	stream.indirect.gather [hbm4b:s4+s14], $0x40, s12, s14, $0xb8;
	[tilespmem:$0x1F000] =	vst v63  }
0x2d: {  	s13 =	simm.s32 $0x200  }
0x2e: {  	[tilespmem:s22], [sflag:$0x5] =	stream.indirect.gather [hbm4b:s4+s14], $0x40, s13, s14, $0xb8;
	[tilespmem:$0x1F000] =	vst v63  }
0x2f: {  	s10 =	simm.s32 $0x280  }
0x30: {  	[tilespmem:s24], [sflag:$0x6] =	stream.indirect.gather [hbm4b:s4+s14], $0x40, s10, s14, $0xb8;
	[tilespmem:$0x1F000] =	vst v63  }
0x31: {  	s12 =	simm.s32 $0x300  }
0x32: {  	[tilespmem:s26], [sflag:$0x7] =	stream.indirect.gather [hbm4b:s4+s14], $0x40, s12, s14, $0xb8;
	[tilespmem:$0x1F000] =	vst v63  }
0x33: {  	s13 =	simm.s32 $0x380  }
0x34: {  	[tilespmem:s29], [sflag:$0x8] =	stream.indirect.gather [hbm4b:s4+s14], $0x40, s13, s14, $0xb8;
	[tilespmem:$0x1F000] =	vst v63  }
0x35: {  	_ =	swait.ge [sflag:s30], $0x2000  }
0x36: {  	[sflag:s30] =	ssyncset.done $0x0  }
0x37: {  	s3 =	simm.s32 $0x2800;
	[sflag:s30] =	ssyncadd.s32 $0xFFFFE000  }
0x38: {  	[spmem:s2] =	stream.indirect.scatter.add.f32 [tilespmem:s15], [sflag:$0x9], $0x40, s3, s14, $0xb8;
	[tilespmem:$0x1F000] =	vst v63  }
0x39: {  	_ =	swait.ge [sflag:s31], $0x2000  }
0x3a: {  	[sflag:s31] =	ssyncset.done $0x0  }
0x3b: {  	s10 =	simm.s32 $0x400;
	[sflag:s31] =	ssyncadd.s32 $0xFFFFE000  }
0x3c: {  	[tilespmem:s15], [sflag:$0x1] =	stream.indirect.gather [hbm4b:s4+s14], $0x40, s10, s14, $0xb8;
	[tilespmem:$0x1F000] =	vst v63  }
0x3d: {  	_ =	swait.ge [sflag:s0], $0x2000  }
0x3e: {  	[sflag:s0] =	ssyncset.done $0x0  }
0x3f: {  	s13 =	simm.s32 $0x2880;
	[sflag:s0] =	ssyncadd.s32 $0xFFFFE000  }
0x40: {  	[spmem:s2] =	stream.indirect.scatter.add.f32 [tilespmem:s16], [sflag:$0xA], $0x40, s13, s14, $0xb8;
	[tilespmem:$0x1F000] =	vst v63  }
0x41: {  	_ =	swait.ge [sflag:s1], $0x2000  }
0x42: {  	[sflag:s1] =	ssyncset.done $0x0  }
0x43: {  	s3 =	simm.s32 $0x480;
	[sflag:s1] =	ssyncadd.s32 $0xFFFFE000  }
0x44: {  	[tilespmem:s16], [sflag:$0x2] =	stream.indirect.gather [hbm4b:s4+s14], $0x40, s3, s14, $0xb8;
	[tilespmem:$0x1F000] =	vst v63  }
0x45: {  	_ =	swait.ge [sflag:s11], $0x2000  }
0x46: {  	[sflag:s11] =	ssyncset.done $0x0  }
0x47: {  	s10 =	simm.s32 $0x2900;
	[sflag:s11] =	ssyncadd.s32 $0xFFFFE000  }
0x48: {  	[spmem:s2] =	stream.indirect.scatter.add.f32 [tilespmem:s18], [sflag:$0xB], $0x40, s10, s14, $0xb8;
	[tilespmem:$0x1F000] =	vst v63  }
0x49: {  	_ =	swait.ge [sflag:s17], $0x2000  }
0x4a: {  	[sflag:s17] =	ssyncset.done $0x0  }
0x4b: {  	s13 =	simm.s32 $0x500;
	[sflag:s17] =	ssyncadd.s32 $0xFFFFE000  }
0x4c: {  	[tilespmem:s18], [sflag:$0x3] =	stream.indirect.gather [hbm4b:s4+s14], $0x40, s13, s14, $0xb8;
	[tilespmem:$0x1F000] =	vst v63  }
0x4d: {  	_ =	swait.ge [sflag:s19], $0x2000  }
0x4e: {  	[sflag:s19] =	ssyncset.done $0x0  }
0x4f: {  	s3 =	simm.s32 $0x2980;
	[sflag:s19] =	ssyncadd.s32 $0xFFFFE000  }
0x50: {  	[spmem:s2] =	stream.indirect.scatter.add.f32 [tilespmem:s20], [sflag:$0xC], $0x40, s3, s14, $0xb8;
	[tilespmem:$0x1F000] =	vst v63  }
0x51: {  	_ =	swait.ge [sflag:s21], $0x2000  }
0x52: {  	[sflag:s21] =	ssyncset.done $0x0  }
0x53: {  	s10 =	simm.s32 $0x580;
	[sflag:s21] =	ssyncadd.s32 $0xFFFFE000  }
0x54: {  	[tilespmem:s20], [sflag:$0x4] =	stream.indirect.gather [hbm4b:s4+s14], $0x40, s10, s14, $0xb8;
	[tilespmem:$0x1F000] =	vst v63  }
0x55: {  	_ =	swait.ge [sflag:s23], $0x2000  }
0x56: {  	[sflag:s23] =	ssyncset.done $0x0  }
0x57: {  	s13 =	simm.s32 $0x2A00;
	[sflag:s23] =	ssyncadd.s32 $0xFFFFE000  }
0x58: {  	[spmem:s2] =	stream.indirect.scatter.add.f32 [tilespmem:s22], [sflag:$0xD], $0x40, s13, s14, $0xb8;
	[tilespmem:$0x1F000] =	vst v63  }
0x59: {  	_ =	swait.ge [sflag:s25], $0x2000  }
0x5a: {  	[sflag:s25] =	ssyncset.done $0x0  }
0x5b: {  	s3 =	simm.s32 $0x600;
	[sflag:s25] =	ssyncadd.s32 $0xFFFFE000  }
0x5c: {  	[tilespmem:s22], [sflag:$0x5] =	stream.indirect.gather [hbm4b:s4+s14], $0x40, s3, s14, $0xb8;
	[tilespmem:$0x1F000] =	vst v63  }
0x5d: {  	_ =	swait.ge [sflag:s28], $0x2000  }
0x5e: {  	[sflag:s28] =	ssyncset.done $0x0  }
0x5f: {  	s10 =	simm.s32 $0x2A80;
	[sflag:s28] =	ssyncadd.s32 $0xFFFFE000  }
0x60: {  	[spmem:s2] =	stream.indirect.scatter.add.f32 [tilespmem:s24], [sflag:$0xE], $0x40, s10, s14, $0xb8;
	[tilespmem:$0x1F000] =	vst v63  }
0x61: {  	_ =	swait.ge [sflag:s5], $0x2000  }
0x62: {  	[sflag:s5] =	ssyncset.done $0x0  }
0x63: {  	s13 =	simm.s32 $0x680;
	[sflag:s5] =	ssyncadd.s32 $0xFFFFE000  }
0x64: {  	[tilespmem:s24], [sflag:$0x6] =	stream.indirect.gather [hbm4b:s4+s14], $0x40, s13, s14, $0xb8;
	[tilespmem:$0x1F000] =	vst v63  }
0x65: {  	_ =	swait.ge [sflag:s6], $0x2000  }
0x66: {  	[sflag:s6] =	ssyncset.done $0x0  }
0x67: {  	s3 =	simm.s32 $0x2B00;
	[sflag:s6] =	ssyncadd.s32 $0xFFFFE000  }
0x68: {  	[spmem:s2] =	stream.indirect.scatter.add.f32 [tilespmem:s26], [sflag:$0xF], $0x40, s3, s14, $0xb8;
	[tilespmem:$0x1F000] =	vst v63  }
0x69: {  	_ =	swait.ge [sflag:s7], $0x2000  }
0x6a: {  	[sflag:s7] =	ssyncset.done $0x0  }
0x6b: {  	s10 =	simm.s32 $0x700;
	[sflag:s7] =	ssyncadd.s32 $0xFFFFE000  }
0x6c: {  	[tilespmem:s26], [sflag:$0x7] =	stream.indirect.gather [hbm4b:s4+s14], $0x40, s10, s14, $0xb8;
	[tilespmem:$0x1F000] =	vst v63  }
0x6d: {  	_ =	swait.ge [sflag:s8], $0x2000  }
0x6e: {  	[sflag:s8] =	ssyncset.done $0x0  }
0x6f: {  	s13 =	simm.s32 $0x2B80;
	[sflag:s8] =	ssyncadd.s32 $0xFFFFE000  }
0x70: {  	[spmem:s2] =	stream.indirect.scatter.add.f32 [tilespmem:s29], [sflag:$0x10], $0x40, s13, s14, $0xb8;
	[tilespmem:$0x1F000] =	vst v63  }
0x71: {  	_ =	swait.ge [sflag:s9], $0x2000  }
0x72: {  	s12 =	simm.s32 $0x1000;
	[sflag:s9] =	ssyncset.done $0x0  }
0x73: {  	s13 =	simm.s32 $0x780;
	s3 =	rddreg [dreg:$0xa];
	[sflag:s9] =	ssyncadd.s32 $0xFFFFE000  }
.LBB2_2:
0x74: {  	[tilespmem:s29], [sflag:$0x8] =	stream.indirect.gather [hbm4b:s4+s14], $0x40, s13, s14, $0xb8;
	[tilespmem:$0x1F000] =	vst v63  }
0x75: {  	s13 =	smov.u32 s12  }
0x76: {  	p0 =	sne.s32 s12, $0x8000;
	s12 =	sadd.s32 $0x1000, s12;
	_ =	swait.ge [sflag:s30], $0x2000  }
0x77: {  	s13 =	sshra.s32 s13, $0x2;
	[sflag:s30] =	ssyncset.done $0x0  }
0x78: {  	s10 =	sadd.s32 $0x2800, s13;
	[sflag:s30] =	ssyncadd.s32 $0xFFFFE000  }
0x79: {  	[spmem:s2] =	stream.indirect.scatter.add.f32 [tilespmem:s15], [sflag:$0x9], $0x40, s10, s14, $0xb8;
	[tilespmem:$0x1F000] =	vst v63  }
0x7a: {  	_ =	swait.ge [sflag:s31], $0x2000  }
0x7b: {  	[sflag:s31] =	ssyncset.done $0x0  }
0x7c: {  	s10 =	sadd.s32 $0x400, s13;
	[sflag:s31] =	ssyncadd.s32 $0xFFFFE000  }
0x7d: {  	[tilespmem:s15], [sflag:$0x1] =	stream.indirect.gather [hbm4b:s4+s14], $0x40, s10, s14, $0xb8;
	[tilespmem:$0x1F000] =	vst v63  }
0x7e: {  	_ =	swait.ge [sflag:s0], $0x2000  }
0x7f: {  	[sflag:s0] =	ssyncset.done $0x0  }
0x80: {  	s10 =	sadd.s32 $0x2880, s13;
	[sflag:s0] =	ssyncadd.s32 $0xFFFFE000  }
0x81: {  	[spmem:s2] =	stream.indirect.scatter.add.f32 [tilespmem:s16], [sflag:$0xA], $0x40, s10, s14, $0xb8;
	[tilespmem:$0x1F000] =	vst v63  }
0x82: {  	_ =	swait.ge [sflag:s1], $0x2000  }
0x83: {  	[sflag:s1] =	ssyncset.done $0x0  }
0x84: {  	s10 =	sadd.s32 $0x480, s13;
	[sflag:s1] =	ssyncadd.s32 $0xFFFFE000  }
0x85: {  	[tilespmem:s16], [sflag:$0x2] =	stream.indirect.gather [hbm4b:s4+s14], $0x40, s10, s14, $0xb8;
	[tilespmem:$0x1F000] =	vst v63  }
0x86: {  	_ =	swait.ge [sflag:s11], $0x2000  }
0x87: {  	[sflag:s11] =	ssyncset.done $0x0  }
0x88: {  	s10 =	sadd.s32 $0x2900, s13;
	[sflag:s11] =	ssyncadd.s32 $0xFFFFE000  }
0x89: {  	[spmem:s2] =	stream.indirect.scatter.add.f32 [tilespmem:s18], [sflag:$0xB], $0x40, s10, s14, $0xb8;
	[tilespmem:$0x1F000] =	vst v63  }
0x8a: {  	_ =	swait.ge [sflag:s17], $0x2000  }
0x8b: {  	[sflag:s17] =	ssyncset.done $0x0  }
0x8c: {  	s10 =	sadd.s32 $0x500, s13;
	[sflag:s17] =	ssyncadd.s32 $0xFFFFE000  }
0x8d: {  	[tilespmem:s18], [sflag:$0x3] =	stream.indirect.gather [hbm4b:s4+s14], $0x40, s10, s14, $0xb8;
	[tilespmem:$0x1F000] =	vst v63  }
0x8e: {  	_ =	swait.ge [sflag:s19], $0x2000  }
0x8f: {  	[sflag:s19] =	ssyncset.done $0x0  }
0x90: {  	s10 =	sadd.s32 $0x2980, s13;
	[sflag:s19] =	ssyncadd.s32 $0xFFFFE000  }
0x91: {  	[spmem:s2] =	stream.indirect.scatter.add.f32 [tilespmem:s20], [sflag:$0xC], $0x40, s10, s14, $0xb8;
	[tilespmem:$0x1F000] =	vst v63  }
0x92: {  	_ =	swait.ge [sflag:s21], $0x2000  }
0x93: {  	[sflag:s21] =	ssyncset.done $0x0  }
0x94: {  	s10 =	sadd.s32 $0x580, s13;
	[sflag:s21] =	ssyncadd.s32 $0xFFFFE000  }
0x95: {  	[tilespmem:s20], [sflag:$0x4] =	stream.indirect.gather [hbm4b:s4+s14], $0x40, s10, s14, $0xb8;
	[tilespmem:$0x1F000] =	vst v63  }
0x96: {  	_ =	swait.ge [sflag:s23], $0x2000  }
0x97: {  	[sflag:s23] =	ssyncset.done $0x0  }
0x98: {  	s10 =	sadd.s32 $0x2A00, s13;
	[sflag:s23] =	ssyncadd.s32 $0xFFFFE000  }
0x99: {  	[spmem:s2] =	stream.indirect.scatter.add.f32 [tilespmem:s22], [sflag:$0xD], $0x40, s10, s14, $0xb8;
	[tilespmem:$0x1F000] =	vst v63  }
0x9a: {  	_ =	swait.ge [sflag:s25], $0x2000  }
0x9b: {  	[sflag:s25] =	ssyncset.done $0x0  }
0x9c: {  	s10 =	sadd.s32 $0x600, s13;
	[sflag:s25] =	ssyncadd.s32 $0xFFFFE000  }
0x9d: {  	[tilespmem:s22], [sflag:$0x5] =	stream.indirect.gather [hbm4b:s4+s14], $0x40, s10, s14, $0xb8;
	[tilespmem:$0x1F000] =	vst v63  }
0x9e: {  	_ =	swait.ge [sflag:s28], $0x2000  }
0x9f: {  	[sflag:s28] =	ssyncset.done $0x0  }
0xa0: {  	s10 =	sadd.s32 $0x2A80, s13;
	[sflag:s28] =	ssyncadd.s32 $0xFFFFE000  }
0xa1: {  	[spmem:s2] =	stream.indirect.scatter.add.f32 [tilespmem:s24], [sflag:$0xE], $0x40, s10, s14, $0xb8;
	[tilespmem:$0x1F000] =	vst v63  }
0xa2: {  	_ =	swait.ge [sflag:s5], $0x2000  }
0xa3: {  	[sflag:s5] =	ssyncset.done $0x0  }
0xa4: {  	s10 =	sadd.s32 $0x680, s13;
	[sflag:s5] =	ssyncadd.s32 $0xFFFFE000  }
0xa5: {  	[tilespmem:s24], [sflag:$0x6] =	stream.indirect.gather [hbm4b:s4+s14], $0x40, s10, s14, $0xb8;
	[tilespmem:$0x1F000] =	vst v63  }
0xa6: {  	_ =	swait.ge [sflag:s6], $0x2000  }
0xa7: {  	[sflag:s6] =	ssyncset.done $0x0  }
0xa8: {  	s10 =	sadd.s32 $0x2B00, s13;
	[sflag:s6] =	ssyncadd.s32 $0xFFFFE000  }
0xa9: {  	[spmem:s2] =	stream.indirect.scatter.add.f32 [tilespmem:s26], [sflag:$0xF], $0x40, s10, s14, $0xb8;
	[tilespmem:$0x1F000] =	vst v63  }
0xaa: {  	_ =	swait.ge [sflag:s7], $0x2000  }
0xab: {  	[sflag:s7] =	ssyncset.done $0x0  }
0xac: {  	s10 =	sadd.s32 $0x700, s13;
	[sflag:s7] =	ssyncadd.s32 $0xFFFFE000  }
0xad: {  	[tilespmem:s26], [sflag:$0x7] =	stream.indirect.gather [hbm4b:s4+s14], $0x40, s10, s14, $0xb8;
	[tilespmem:$0x1F000] =	vst v63  }
0xae: {  	_ =	swait.ge [sflag:s8], $0x2000  }
0xaf: {  	[sflag:s8] =	ssyncset.done $0x0  }
.Ltmp0:
0xb0: {  	s10 =	sadd.s32 $0x2B80, s13;
	[sflag:s8] =	ssyncadd.s32 $0xFFFFE000;
	(pc) =	sbr.rel @p0 .LBB2_2-.Ltmp0, $4  }
0xb1: {  	[spmem:s2] =	stream.indirect.scatter.add.f32 [tilespmem:s29], [sflag:$0x10], $0x40, s10, s14, $0xb8;
	[tilespmem:$0x1F000] =	vst v63  }
0xb2: {  	_ =	swait.ge [sflag:s9], $0x2000  }
0xb3: {  	[sflag:s9] =	ssyncset.done $0x0  }
0xb4: {  	s13 =	sadd.s32 $0x780, s13;
	[sflag:s9] =	ssyncadd.s32 $0xFFFFE000  }
0xb5: {  	[tilespmem:s29], [sflag:$0x8] =	stream.indirect.gather [hbm4b:s4+s14], $0x40, s13, s14, $0xb8;
	[tilespmem:$0x1F000] =	vst v63  }
0xb6: {  	_ =	swait.ge [sflag:s30], $0x2000  }
0xb7: {  	[sflag:s30] =	ssyncset.done $0x0  }
0xb8: {  	s10 =	simm.s32 $0x4C00;
	[sflag:s30] =	ssyncadd.s32 $0xFFFFE000  }
0xb9: {  	[spmem:s2] =	stream.indirect.scatter.add.f32 [tilespmem:s15], [sflag:$0x9], $0x40, s10, s14, $0xb8;
	[tilespmem:$0x1F000] =	vst v63  }
0xba: {  	_ =	swait.ge [sflag:s0], $0x2000  }
0xbb: {  	[sflag:s0] =	ssyncset.done $0x0  }
0xbc: {  	s12 =	simm.s32 $0x4C80;
	[sflag:s0] =	ssyncadd.s32 $0xFFFFE000  }
0xbd: {  	[spmem:s2] =	stream.indirect.scatter.add.f32 [tilespmem:s16], [sflag:$0xA], $0x40, s12, s14, $0xb8;
	[tilespmem:$0x1F000] =	vst v63  }
0xbe: {  	_ =	swait.ge [sflag:s11], $0x2000  }
0xbf: {  	[sflag:s11] =	ssyncset.done $0x0  }
0xc0: {  	s13 =	simm.s32 $0x4D00;
	[sflag:s11] =	ssyncadd.s32 $0xFFFFE000  }
0xc1: {  	[spmem:s2] =	stream.indirect.scatter.add.f32 [tilespmem:s18], [sflag:$0xB], $0x40, s13, s14, $0xb8;
	[tilespmem:$0x1F000] =	vst v63  }
0xc2: {  	_ =	swait.ge [sflag:s19], $0x2000  }
0xc3: {  	[sflag:s19] =	ssyncset.done $0x0  }
0xc4: {  	s12 =	simm.s32 $0x4D80;
	[sflag:s19] =	ssyncadd.s32 $0xFFFFE000  }
0xc5: {  	[spmem:s2] =	stream.indirect.scatter.add.f32 [tilespmem:s20], [sflag:$0xC], $0x40, s12, s14, $0xb8;
	[tilespmem:$0x1F000] =	vst v63  }
0xc6: {  	_ =	swait.ge [sflag:s23], $0x2000  }
0xc7: {  	[sflag:s23] =	ssyncset.done $0x0  }
0xc8: {  	s13 =	simm.s32 $0x4E00;
	[sflag:s23] =	ssyncadd.s32 $0xFFFFE000  }
0xc9: {  	[spmem:s2] =	stream.indirect.scatter.add.f32 [tilespmem:s22], [sflag:$0xD], $0x40, s13, s14, $0xb8;
	[tilespmem:$0x1F000] =	vst v63  }
0xca: {  	_ =	swait.ge [sflag:s28], $0x2000  }
0xcb: {  	[sflag:s28] =	ssyncset.done $0x0  }
0xcc: {  	s12 =	simm.s32 $0x4E80;
	[sflag:s28] =	ssyncadd.s32 $0xFFFFE000  }
0xcd: {  	[spmem:s2] =	stream.indirect.scatter.add.f32 [tilespmem:s24], [sflag:$0xE], $0x40, s12, s14, $0xb8;
	[tilespmem:$0x1F000] =	vst v63  }
0xce: {  	_ =	swait.ge [sflag:s6], $0x2000  }
0xcf: {  	[sflag:s6] =	ssyncset.done $0x0  }
0xd0: {  	s13 =	simm.s32 $0x4F00;
	[sflag:s6] =	ssyncadd.s32 $0xFFFFE000  }
0xd1: {  	[spmem:s2] =	stream.indirect.scatter.add.f32 [tilespmem:s26], [sflag:$0xF], $0x40, s13, s14, $0xb8;
	[tilespmem:$0x1F000] =	vst v63  }
0xd2: {  	_ =	swait.ge [sflag:s8], $0x2000  }
0xd3: {  	[sflag:s8] =	ssyncset.done $0x0  }
0xd4: {  	s12 =	simm.s32 $0x4F80;
	[sflag:s8] =	ssyncadd.s32 $0xFFFFE000  }
0xd5: {  	[spmem:s2] =	stream.indirect.scatter.add.f32 [tilespmem:s29], [sflag:$0x10], $0x40, s12, s14, $0xb8;
	[tilespmem:$0x1F000] =	vst v63  }
0xd6: {  	_ =	swait.ge [sflag:s31], $0x2000  }
0xd7: {  	[sflag:s31] =	ssyncset.done $0x0  }
0xd8: {  	[sflag:s31] =	ssyncadd.s32 $0xFFFFE000  }
0xd9: {  	_ =	swait.ge [sflag:s1], $0x2000  }
0xda: {  	[sflag:s1] =	ssyncset.done $0x0  }
0xdb: {  	[sflag:s1] =	ssyncadd.s32 $0xFFFFE000  }
0xdc: {  	_ =	swait.ge [sflag:s17], $0x2000  }
0xdd: {  	[sflag:s17] =	ssyncset.done $0x0  }
0xde: {  	[sflag:s17] =	ssyncadd.s32 $0xFFFFE000  }
0xdf: {  	_ =	swait.ge [sflag:s21], $0x2000  }
0xe0: {  	[sflag:s21] =	ssyncset.done $0x0  }
0xe1: {  	[sflag:s21] =	ssyncadd.s32 $0xFFFFE000  }
0xe2: {  	_ =	swait.ge [sflag:s25], $0x2000  }
0xe3: {  	[sflag:s25] =	ssyncset.done $0x0  }
0xe4: {  	[sflag:s25] =	ssyncadd.s32 $0xFFFFE000  }
0xe5: {  	_ =	swait.ge [sflag:s5], $0x2000  }
0xe6: {  	[sflag:s5] =	ssyncset.done $0x0  }
0xe7: {  	[sflag:s5] =	ssyncadd.s32 $0xFFFFE000  }
0xe8: {  	_ =	swait.ge [sflag:s7], $0x2000  }
0xe9: {  	[sflag:s7] =	ssyncset.done $0x0  }
0xea: {  	[sflag:s7] =	ssyncadd.s32 $0xFFFFE000  }
0xeb: {  	_ =	swait.ge [sflag:s9], $0x2000  }
0xec: {  	[sflag:s9] =	ssyncset.done $0x0  }
0xed: {  	[sflag:s9] =	ssyncadd.s32 $0xFFFFE000  }
0xee: {  	[bflag:$0x0] =	sbarrier.arrive $0xFFFF  }
0xef: {  	s13 =	rddreg [dreg:$0x6]  }
0xf0: {  	s12 =	rddreg [dreg:$0x8]  }
0xf1: {  	[hbm:s13], [sflag:s3] =	dma.local [spmem:s12], $0x1400  }
0xf2: {  	s13 =	simm.s32 $0x11  }
0xf3: {  	_ =	swait.ge [sflag:s13], $0x1400  }
0xf4: {  	s10 =	rddreg [dreg:$0x9]  }
0xf5: {  	s12 =	rddreg [dreg:$0x7];
	s3 =	sadd.s32 $0x1, s10  }
0xf6: {  	p0 =	sne.s32 s3, s12  }
.Ltmp1:
0xf7: {  	_ = 	snop;
	(pc) =	sbr.rel @p0 .LBB2_1-.Ltmp1, $3  }
0xf8: {  	_ =	sdelay $0x1  }
0xf9: {  	[sflag:s13] =	ssyncset.done $0x0  }
0xfa: {  	[sflag:s13] =	ssyncadd.s32 $0xFFFFEC00;
	[dreg:$0x9] =	wrdreg s3  }
0xfb: {  	_ =	sfence.sel $0x180000  }
0xfc: {  	[bflag:$0x0] =	sbarrier.arrive $0xFFFF  }
0xfd: {  	_ =	strace $0x90000050  }
0xfe: {  	s0 =	stileid.u32;
	[bflag:$0x2] =	sbarrier.arrive $0xFFFF  }
0xff: {  	p0 =	sne.s32 s0, $0x0;
	s0 =	rddreg [dreg:$0x2]  }
0x100: {  	s0 =	sadd.s32 @!p0 $0x100000, s0  }
0x101: {  	[sflag:s0] =	ssyncadd.tile.s32 @!p0 $0x1;
	_ =	shalt  }
.Lfunc_end2:
_tile_overlayer_lowered:
.L_overlay_start_2:
0x102: {  	(tag) =	ssettag $0x2  }
0x103: {  	s0 =	rddreg [dreg:$0x0];
	s2 =	stileid.u32  }
0x104: {  	s1 =	rddreg [dreg:$0x1];
	p0 =	sne.s32 s2, $0x0  }
0x105: {  	s3 =	rddreg [dreg:$0x2];
	[bflag:$0x3] =	sbarrier.arrive $0xFFFF;
	s2 =	simm.s32 @!p0 $0x1C11  }
0x106: {  	[timem:s3], [sflag:s2] =	dma.local @!p0 [hbm:s0], s1  }
0x107: {  	s0 =	simm.s32 @!p0 $0x11  }
0x108: {  	_ =	swait.ge @!p0 [sflag:s0], s1  }
0x109: {  	s1 =	ssub.s32 @!p0 $0x0, s1;
	[sflag:s0] =	ssyncset.done @!p0 $0x0  }
0x10a: {  	[sflag:s0] =	ssyncadd.s32 @!p0 s1  }
0x10b: {  	[bflag:$0x3] =	sbarrier.arrive $0xFFFF  }
0x10c: {  	_ =	shalt  }

</sc_bundles>
